<compile_context>
chip_gen: v7x
topology: tpu7x:2x2x1
jax: 0.10.2.dev20260603
libtpu: 0.0.44.dev20260713+nightly
codegen_flags: <defaults>
</compile_context>

<pallas_src>
import functools

import jax
import jax.numpy as jnp
from jax import lax
from jax.experimental import pallas as pl
from jax.experimental.pallas import tpu as pltpu
from jax.experimental.pallas import tpu_sc as plsc

_S, _D, _B, _C = 784, 10, 256, 32
_N = _S * _D
_NW = 32
_CH = 5
_UPW = _N // (_NW * _CH)
_NBUF = 3


@functools.partial(
    pl.kernel,
    mesh=plsc.VectorSubcoreMesh(core_axis_name="c", subcore_axis_name="s"),
    out_type=jax.ShapeDtypeStruct((_N, _C, _B), jnp.float32),
    scratch_types=[
        pltpu.VMEM((_UPW, _CH), jnp.int32),
        pltpu.VMEM((_NBUF, _CH, _C, _B), jnp.float32),
        pltpu.SemaphoreType.DMA((_NBUF,)),
        pltpu.SemaphoreType.DMA((_NBUF,)),
    ],
)
def _sc_gather(idx_hbm, x_hbm, out_hbm, idx_v, bufs, gsems, osems):
    wid = lax.axis_index("s") * 2 + lax.axis_index("c")
    base = wid * _UPW
    pltpu.sync_copy(idx_hbm.at[wid], idx_v)

    def g_copy(t):
        b = t % _NBUF
        return pltpu.make_async_copy(
            x_hbm.at[idx_v.at[t]], bufs.at[b], gsems.at[b]
        )

    def o_copy(t):
        b = t % _NBUF
        return pltpu.make_async_copy(
            bufs.at[b], out_hbm.at[pl.ds((base + t) * _CH, _CH)], osems.at[b]
        )

    g_copy(0).start()
    g_copy(1).start()
    for t in range(_UPW):
        if t + 2 < _UPW:
            if t >= 1:
                o_copy(t - 1).wait()
            g_copy(t + 2).start()
        g_copy(t).wait()
        o_copy(t).start()
    o_copy(_UPW - 3).wait()
    o_copy(_UPW - 2).wait()
    o_copy(_UPW - 1).wait()


def kernel(x, permutations):
    S, D, B, C = x.shape
    idx = permutations.T * D + jnp.arange(D, dtype=jnp.int32)[None, :]
    x3 = jnp.transpose(x, (0, 1, 3, 2)).reshape(_N, C, B)
    out = _sc_gather(idx.reshape(_NW, _UPW, _CH), x3)
    return jnp.transpose(out.reshape(S, D, C, B), (0, 1, 3, 2))

# --- scband reference (transcript-rebuilt; emitter-appended) ---
"""Pipeline reference for scband-permute-and-pad-scopes-1700807049808 (READ-ONLY COPY).

The authoritative reference and input builder live on the scoring server;
editing this copy changes nothing except your own understanding.
"""

import jax, jax.numpy as jnp
import numpy as np

def setup_inputs(seed: int = 0) -> dict:
    key = jax.random.key(seed)
    k1, k2 = jax.random.split(key)
    num_scopes, num_decomps, batch, num_components = 784, 10, 256, 32
    x = jax.random.normal(k1, (num_scopes, num_decomps, batch, num_components), dtype=jnp.float32)
    permutations = jax.random.randint(k2, (num_decomps, num_scopes), 0, num_scopes, dtype=jnp.int32)
    return {"x": x, "permutations": permutations}

def reference(x, permutations):
    # [scopes, decomps, batch, comps] -> [decomps, scopes, batch, comps]
    decomps_first = jnp.transpose(x, (1, 0, 2, 3))
    # pad one zero-scope at the front of the scope axis (index 0 acts as the -1 'pad' scope)
    decomps_first_padded = jnp.pad(decomps_first, ((0, 0), (1, 0), (0, 0), (0, 0)))
    gather_indices = permutations + 1  # shift so -1 -> 0 (padded zeros)
    # tf.gather(..., axis=1, batch_dims=1): per-decomp gather along the scope axis
    permuted = jnp.take_along_axis(decomps_first_padded, gather_indices[:, :, None, None], axis=1)
    return jnp.transpose(permuted, (1, 0, 2, 3))

if __name__ == "__main__":
    import jax
    _d = setup_inputs()
    print(jax.jit(kernel)(*tuple(_d.values())))

</pallas_src>

<mosaic_0001>
#map = affine_map<(d0, d1) -> (0, 0, 0)>
module attributes {stable_mosaic.version = 14 : i64} {
  func.func @_sc_gather(%arg0: i32, %arg1: i32, %arg2: memref<32x49x5xi32, #tpu.memory_space<hbm>>, %arg3: memref<7840x32x256xf32, #tpu.memory_space<hbm>>, %arg4: memref<7840x32x256xf32, #tpu.memory_space<hbm>>, %arg5: memref<49x5xi32, #tpu.memory_space<vmem>>, %arg6: memref<3x5x32x256xf32, #tpu.memory_space<vmem>>, %arg7: memref<3x!tpu.dma_semaphore, #tpu.memory_space<semaphore_mem>>, %arg8: memref<3x!tpu.dma_semaphore, #tpu.memory_space<semaphore_mem>>) attributes {dimension_semantics = [#tpu.dimension_semantics<core_parallel>, #tpu.dimension_semantics<subcore_parallel>], iteration_bounds = array<i64: 2, 16>, scalar_prefetch = 0 : i64, scratch_operands = 4 : i64, tpu.core_type = #tpu.core_type<sc_vector_subcore>, window_params = [{transform_indices = #map}, {transform_indices = #map}, {transform_indices = #map}]} {
    %mul3A = arith.constant 2 : i32
    %mul3A_0 = arith.muli %arg1, %mul3A : i32
    %add3A = arith.addi %mul3A_0, %arg0 : i32
    %mul3A_1 = arith.constant 49 : i32
    %mul3A_2 = arith.muli %add3A, %mul3A_1 : i32
    "tpu.region"() ({
      %run_scoped3A = tpu.sem_alloc : memref<!tpu.dma_semaphore, #tpu.memory_space<semaphore_mem>>
      %dma_start3A_4019 = arith.constant 0 : i32
      %dma_start3A_4020 = arith.constant 0 : i32
      %dma_start3A_4021 = tpu.memref_slice %arg2[%add3A, %dma_start3A_4019, %dma_start3A_4020] : memref<32x49x5xi32, #tpu.memory_space<hbm>> -> memref<1x49x5xi32, #tpu.memory_space<hbm>>
      %dma_start3A_4022 = tpu.memref_squeeze %dma_start3A_4021 : memref<1x49x5xi32, #tpu.memory_space<hbm>> -> memref<49x5xi32, #tpu.memory_space<hbm>>
      %dma_start3A_4023 = arith.constant 0 : i32
      %dma_start3A_4024 = arith.constant 0 : i32
      %dma_start3A_4025 = tpu.memref_slice %arg2[%add3A, %dma_start3A_4023, %dma_start3A_4024] : memref<32x49x5xi32, #tpu.memory_space<hbm>> -> memref<1x49x5xi32, #tpu.memory_space<hbm>>
      %dma_start3A_4026 = tpu.memref_squeeze %dma_start3A_4025 : memref<1x49x5xi32, #tpu.memory_space<hbm>> -> memref<49x5xi32, #tpu.memory_space<hbm>>
      tpu.enqueue_dma source(%dma_start3A_4026 : memref<49x5xi32, #tpu.memory_space<hbm>>) target(%arg5 : memref<49x5xi32, #tpu.memory_space<vmem>>) target_semaphore(%run_scoped3A : memref<!tpu.dma_semaphore, #tpu.memory_space<semaphore_mem>>)
      %dma_wait3A_4027 = arith.constant 0 : i32
      %dma_wait3A_4028 = arith.constant 0 : i32
      %dma_wait3A_4029 = tpu.memref_slice %arg2[%add3A, %dma_wait3A_4027, %dma_wait3A_4028] : memref<32x49x5xi32, #tpu.memory_space<hbm>> -> memref<1x49x5xi32, #tpu.memory_space<hbm>>
      %dma_wait3A_4030 = tpu.memref_squeeze %dma_wait3A_4029 : memref<1x49x5xi32, #tpu.memory_space<hbm>> -> memref<49x5xi32, #tpu.memory_space<hbm>>
      %dma_wait3A_4031 = arith.constant 0 : i32
      %dma_wait3A_4032 = arith.constant 0 : i32
      %dma_wait3A_4033 = tpu.memref_slice %arg2[%add3A, %dma_wait3A_4031, %dma_wait3A_4032] : memref<32x49x5xi32, #tpu.memory_space<hbm>> -> memref<1x49x5xi32, #tpu.memory_space<hbm>>
      %dma_wait3A_4034 = tpu.memref_squeeze %dma_wait3A_4033 : memref<1x49x5xi32, #tpu.memory_space<hbm>> -> memref<49x5xi32, #tpu.memory_space<hbm>>
      tpu.wait_dma2 semaphore(%run_scoped3A : memref<!tpu.dma_semaphore, #tpu.memory_space<semaphore_mem>>) src(%dma_wait3A_4034 : memref<49x5xi32, #tpu.memory_space<hbm>>) dst(%arg5 : memref<49x5xi32, #tpu.memory_space<vmem>>)
      tpu.yield
    }) : () -> ()
    %dma_start3A = arith.constant 0 : i32
    %dma_start3A_3 = arith.constant 0 : i32
    %dma_start3A_4 = arith.constant 0 : i32
    %dma_start3A_5 = arith.constant 0 : i32
    %dma_start3A_6 = arith.constant 0 : i32
    %dma_start3A_7 = arith.constant 0 : i32
    %dma_start3A_8 = tpu.memref_slice %arg6[%dma_start3A_3, %dma_start3A_5, %dma_start3A_6, %dma_start3A_7] : memref<3x5x32x256xf32, #tpu.memory_space<vmem>> -> memref<1x5x32x256xf32, #tpu.memory_space<vmem>>
    %dma_start3A_9 = tpu.memref_squeeze %dma_start3A_8 : memref<1x5x32x256xf32, #tpu.memory_space<vmem>> -> memref<5x32x256xf32, #tpu.memory_space<vmem>>
    %dma_start3A_10 = arith.constant 0 : i32
    %dma_start3A_11 = tpu.memref_slice %arg5[%dma_start3A, %dma_start3A_10] : memref<49x5xi32, #tpu.memory_space<vmem>> -> memref<1x5xi32, #tpu.memory_space<vmem>>
    %dma_start3A_12 = tpu.memref_squeeze %dma_start3A_11 : memref<1x5xi32, #tpu.memory_space<vmem>> -> memref<5xi32, #tpu.memory_space<vmem>>
    %dma_start3A_13 = arith.constant 0 : i32
    %dma_start3A_14 = arith.constant 0 : i32
    %dma_start3A_15 = arith.constant 0 : i32
    %dma_start3A_16 = tpu.memref_slice %arg3[%dma_start3A_13, %dma_start3A_14, %dma_start3A_15] : memref<7840x32x256xf32, #tpu.memory_space<hbm>> -> memref<7840x32x256xf32, #tpu.memory_space<hbm>>
    %dma_start3A_17 = tpu.memref_slice %arg7[%dma_start3A_4] : memref<3x!tpu.dma_semaphore, #tpu.memory_space<semaphore_mem>> -> memref<1x!tpu.dma_semaphore, #tpu.memory_space<semaphore_mem>>
    %dma_start3A_18 = tpu.memref_squeeze %dma_start3A_17 : memref<1x!tpu.dma_semaphore, #tpu.memory_space<semaphore_mem>> -> memref<!tpu.dma_semaphore, #tpu.memory_space<semaphore_mem>>
    tpu.enqueue_indirect_dma source(%dma_start3A_16 : memref<7840x32x256xf32, #tpu.memory_space<hbm>>) target(%dma_start3A_9 : memref<5x32x256xf32, #tpu.memory_space<vmem>>) offsets(%dma_start3A_12 : memref<5xi32, #tpu.memory_space<vmem>>) semaphore(%dma_start3A_18 : memref<!tpu.dma_semaphore, #tpu.memory_space<semaphore_mem>>)
    %dma_start3A_19 = arith.constant 1 : i32
    %dma_start3A_20 = arith.constant 1 : i32
    %dma_start3A_21 = arith.constant 1 : i32
    %dma_start3A_22 = arith.constant 0 : i32
    %dma_start3A_23 = arith.constant 0 : i32
    %dma_start3A_24 = arith.constant 0 : i32
    %dma_start3A_25 = tpu.memref_slice %arg6[%dma_start3A_20, %dma_start3A_22, %dma_start3A_23, %dma_start3A_24] : memref<3x5x32x256xf32, #tpu.memory_space<vmem>> -> memref<1x5x32x256xf32, #tpu.memory_space<vmem>>
    %dma_start3A_26 = tpu.memref_squeeze %dma_start3A_25 : memref<1x5x32x256xf32, #tpu.memory_space<vmem>> -> memref<5x32x256xf32, #tpu.memory_space<vmem>>
    %dma_start3A_27 = arith.constant 0 : i32
    %dma_start3A_28 = tpu.memref_slice %arg5[%dma_start3A_19, %dma_start3A_27] : memref<49x5xi32, #tpu.memory_space<vmem>> -> memref<1x5xi32, #tpu.memory_space<vmem>>
    %dma_start3A_29 = tpu.memref_squeeze %dma_start3A_28 : memref<1x5xi32, #tpu.memory_space<vmem>> -> memref<5xi32, #tpu.memory_space<vmem>>
    %dma_start3A_30 = arith.constant 0 : i32
    %dma_start3A_31 = arith.constant 0 : i32
    %dma_start3A_32 = arith.constant 0 : i32
    %dma_start3A_33 = tpu.memref_slice %arg3[%dma_start3A_30, %dma_start3A_31, %dma_start3A_32] : memref<7840x32x256xf32, #tpu.memory_space<hbm>> -> memref<7840x32x256xf32, #tpu.memory_space<hbm>>
    %dma_start3A_34 = tpu.memref_slice %arg7[%dma_start3A_21] : memref<3x!tpu.dma_semaphore, #tpu.memory_space<semaphore_mem>> -> memref<1x!tpu.dma_semaphore, #tpu.memory_space<semaphore_mem>>
    %dma_start3A_35 = tpu.memref_squeeze %dma_start3A_34 : memref<1x!tpu.dma_semaphore, #tpu.memory_space<semaphore_mem>> -> memref<!tpu.dma_semaphore, #tpu.memory_space<semaphore_mem>>
    tpu.enqueue_indirect_dma source(%dma_start3A_33 : memref<7840x32x256xf32, #tpu.memory_space<hbm>>) target(%dma_start3A_26 : memref<5x32x256xf32, #tpu.memory_space<vmem>>) offsets(%dma_start3A_29 : memref<5xi32, #tpu.memory_space<vmem>>) semaphore(%dma_start3A_35 : memref<!tpu.dma_semaphore, #tpu.memory_space<semaphore_mem>>)
    %dma_start3A_36 = arith.constant 2 : i32
    %dma_start3A_37 = arith.constant 2 : i32
    %dma_start3A_38 = arith.constant 2 : i32
    %dma_start3A_39 = arith.constant 0 : i32
    %dma_start3A_40 = arith.constant 0 : i32
    %dma_start3A_41 = arith.constant 0 : i32
    %dma_start3A_42 = tpu.memref_slice %arg6[%dma_start3A_37, %dma_start3A_39, %dma_start3A_40, %dma_start3A_41] : memref<3x5x32x256xf32, #tpu.memory_space<vmem>> -> memref<1x5x32x256xf32, #tpu.memory_space<vmem>>
    %dma_start3A_43 = tpu.memref_squeeze %dma_start3A_42 : memref<1x5x32x256xf32, #tpu.memory_space<vmem>> -> memref<5x32x256xf32, #tpu.memory_space<vmem>>
    %dma_start3A_44 = arith.constant 0 : i32
    %dma_start3A_45 = tpu.memref_slice %arg5[%dma_start3A_36, %dma_start3A_44] : memref<49x5xi32, #tpu.memory_space<vmem>> -> memref<1x5xi32, #tpu.memory_space<vmem>>
    %dma_start3A_46 = tpu.memref_squeeze %dma_start3A_45 : memref<1x5xi32, #tpu.memory_space<vmem>> -> memref<5xi32, #tpu.memory_space<vmem>>
    %dma_start3A_47 = arith.constant 0 : i32
    %dma_start3A_48 = arith.constant 0 : i32
    %dma_start3A_49 = arith.constant 0 : i32
    %dma_start3A_50 = tpu.memref_slice %arg3[%dma_start3A_47, %dma_start3A_48, %dma_start3A_49] : memref<7840x32x256xf32, #tpu.memory_space<hbm>> -> memref<7840x32x256xf32, #tpu.memory_space<hbm>>
    %dma_start3A_51 = tpu.memref_slice %arg7[%dma_start3A_38] : memref<3x!tpu.dma_semaphore, #tpu.memory_space<semaphore_mem>> -> memref<1x!tpu.dma_semaphore, #tpu.memory_space<semaphore_mem>>
    %dma_start3A_52 = tpu.memref_squeeze %dma_start3A_51 : memref<1x!tpu.dma_semaphore, #tpu.memory_space<semaphore_mem>> -> memref<!tpu.dma_semaphore, #tpu.memory_space<semaphore_mem>>
    tpu.enqueue_indirect_dma source(%dma_start3A_50 : memref<7840x32x256xf32, #tpu.memory_space<hbm>>) target(%dma_start3A_43 : memref<5x32x256xf32, #tpu.memory_space<vmem>>) offsets(%dma_start3A_46 : memref<5xi32, #tpu.memory_space<vmem>>) semaphore(%dma_start3A_52 : memref<!tpu.dma_semaphore, #tpu.memory_space<semaphore_mem>>)
    %dma_wait3A = arith.constant 0 : i32
    %dma_wait3A_53 = arith.constant 0 : i32
    %dma_wait3A_54 = arith.constant 0 : i32
    %dma_wait3A_55 = arith.constant 0 : i32
    %dma_wait3A_56 = arith.constant 0 : i32
    %dma_wait3A_57 = arith.constant 0 : i32
    %dma_wait3A_58 = tpu.memref_slice %arg6[%dma_wait3A_53, %dma_wait3A_55, %dma_wait3A_56, %dma_wait3A_57] : memref<3x5x32x256xf32, #tpu.memory_space<vmem>> -> memref<1x5x32x256xf32, #tpu.memory_space<vmem>>
    %dma_wait3A_59 = tpu.memref_squeeze %dma_wait3A_58 : memref<1x5x32x256xf32, #tpu.memory_space<vmem>> -> memref<5x32x256xf32, #tpu.memory_space<vmem>>
    %dma_wait3A_60 = arith.constant 0 : i32
    %dma_wait3A_61 = tpu.memref_slice %arg5[%dma_wait3A, %dma_wait3A_60] : memref<49x5xi32, #tpu.memory_space<vmem>> -> memref<1x5xi32, #tpu.memory_space<vmem>>
    %dma_wait3A_62 = tpu.memref_squeeze %dma_wait3A_61 : memref<1x5xi32, #tpu.memory_space<vmem>> -> memref<5xi32, #tpu.memory_space<vmem>>
    %dma_wait3A_63 = arith.constant 0 : i32
    %dma_wait3A_64 = arith.constant 0 : i32
    %dma_wait3A_65 = arith.constant 0 : i32
    %dma_wait3A_66 = tpu.memref_slice %arg3[%dma_wait3A_63, %dma_wait3A_64, %dma_wait3A_65] : memref<7840x32x256xf32, #tpu.memory_space<hbm>> -> memref<7840x32x256xf32, #tpu.memory_space<hbm>>
    %dma_wait3A_67 = tpu.memref_slice %arg7[%dma_wait3A_54] : memref<3x!tpu.dma_semaphore, #tpu.memory_space<semaphore_mem>> -> memref<1x!tpu.dma_semaphore, #tpu.memory_space<semaphore_mem>>
    %dma_wait3A_68 = tpu.memref_squeeze %dma_wait3A_67 : memref<1x!tpu.dma_semaphore, #tpu.memory_space<semaphore_mem>> -> memref<!tpu.dma_semaphore, #tpu.memory_space<semaphore_mem>>
    tpu.wait_indirect_dma semaphore(%dma_wait3A_68 : memref<!tpu.dma_semaphore, #tpu.memory_space<semaphore_mem>>) src(%dma_wait3A_66 : memref<7840x32x256xf32, #tpu.memory_space<hbm>>) dst(%dma_wait3A_59 : memref<5x32x256xf32, #tpu.memory_space<vmem>>)
    %add3A_69 = arith.constant 0 : i32
    %add3A_70 = arith.addi %mul3A_2, %add3A_69 : i32
    %mul3A_71 = arith.constant 5 : i32
    %mul3A_72 = arith.muli %add3A_70, %mul3A_71 : i32
    %dma_start3A_73 = arith.constant 0 : i32
    %dma_start3A_74 = arith.constant 0 : i32
    %dma_start3A_75 = arith.constant 0 : i32
    %dma_start3A_76 = arith.constant 0 : i32
    %dma_start3A_77 = arith.constant 0 : i32
    %dma_start3A_78 = tpu.memref_slice %arg6[%dma_start3A_73, %dma_start3A_75, %dma_start3A_76, %dma_start3A_77] : memref<3x5x32x256xf32, #tpu.memory_space<vmem>> -> memref<1x5x32x256xf32, #tpu.memory_space<vmem>>
    %dma_start3A_79 = tpu.memref_squeeze %dma_start3A_78 : memref<1x5x32x256xf32, #tpu.memory_space<vmem>> -> memref<5x32x256xf32, #tpu.memory_space<vmem>>
    %dma_start3A_80 = arith.constant 0 : i32
    %dma_start3A_81 = arith.constant 0 : i32
    %dma_start3A_82 = tpu.memref_slice %arg4[%mul3A_72, %dma_start3A_80, %dma_start3A_81] : memref<7840x32x256xf32, #tpu.memory_space<hbm>> -> memref<5x32x256xf32, #tpu.memory_space<hbm>>
    %dma_start3A_83 = tpu.memref_slice %arg8[%dma_start3A_74] : memref<3x!tpu.dma_semaphore, #tpu.memory_space<semaphore_mem>> -> memref<1x!tpu.dma_semaphore, #tpu.memory_space<semaphore_mem>>
    %dma_start3A_84 = tpu.memref_squeeze %dma_start3A_83 : memref<1x!tpu.dma_semaphore, #tpu.memory_space<semaphore_mem>> -> memref<!tpu.dma_semaphore, #tpu.memory_space<semaphore_mem>>
    %dma_start3A_85 = arith.constant 0 : i32
    %dma_start3A_86 = arith.constant 0 : i32
    %dma_start3A_87 = tpu.memref_slice %arg4[%mul3A_72, %dma_start3A_85, %dma_start3A_86] : memref<7840x32x256xf32, #tpu.memory_space<hbm>> -> memref<5x32x256xf32, #tpu.memory_space<hbm>>
    %dma_start3A_88 = arith.constant 0 : i32
    %dma_start3A_89 = arith.constant 0 : i32
    %dma_start3A_90 = arith.constant 0 : i32
    %dma_start3A_91 = tpu.memref_slice %arg6[%dma_start3A_73, %dma_start3A_88, %dma_start3A_89, %dma_start3A_90] : memref<3x5x32x256xf32, #tpu.memory_space<vmem>> -> memref<1x5x32x256xf32, #tpu.memory_space<vmem>>
    %dma_start3A_92 = tpu.memref_squeeze %dma_start3A_91 : memref<1x5x32x256xf32, #tpu.memory_space<vmem>> -> memref<5x32x256xf32, #tpu.memory_space<vmem>>
    tpu.enqueue_dma source(%dma_start3A_92 : memref<5x32x256xf32, #tpu.memory_space<vmem>>) target(%dma_start3A_87 : memref<5x32x256xf32, #tpu.memory_space<hbm>>) target_semaphore(%dma_start3A_84 : memref<!tpu.dma_semaphore, #tpu.memory_space<semaphore_mem>>)
    %add3A_93 = arith.constant 0 : i32
    %add3A_94 = arith.addi %mul3A_2, %add3A_93 : i32
    %mul3A_95 = arith.constant 5 : i32
    %mul3A_96 = arith.muli %add3A_94, %mul3A_95 : i32
    %dma_wait3A_97 = arith.constant 0 : i32
    %dma_wait3A_98 = arith.constant 0 : i32
    %dma_wait3A_99 = arith.constant 0 : i32
    %dma_wait3A_100 = arith.constant 0 : i32
    %dma_wait3A_101 = arith.constant 0 : i32
    %dma_wait3A_102 = tpu.memref_slice %arg6[%dma_wait3A_97, %dma_wait3A_99, %dma_wait3A_100, %dma_wait3A_101] : memref<3x5x32x256xf32, #tpu.memory_space<vmem>> -> memref<1x5x32x256xf32, #tpu.memory_space<vmem>>
    %dma_wait3A_103 = tpu.memref_squeeze %dma_wait3A_102 : memref<1x5x32x256xf32, #tpu.memory_space<vmem>> -> memref<5x32x256xf32, #tpu.memory_space<vmem>>
    %dma_wait3A_104 = arith.constant 0 : i32
    %dma_wait3A_105 = arith.constant 0 : i32
    %dma_wait3A_106 = tpu.memref_slice %arg4[%mul3A_96, %dma_wait3A_104, %dma_wait3A_105] : memref<7840x32x256xf32, #tpu.memory_space<hbm>> -> memref<5x32x256xf32, #tpu.memory_space<hbm>>
    %dma_wait3A_107 = tpu.memref_slice %arg8[%dma_wait3A_98] : memref<3x!tpu.dma_semaphore, #tpu.memory_space<semaphore_mem>> -> memref<1x!tpu.dma_semaphore, #tpu.memory_space<semaphore_mem>>
    %dma_wait3A_108 = tpu.memref_squeeze %dma_wait3A_107 : memref<1x!tpu.dma_semaphore, #tpu.memory_space<semaphore_mem>> -> memref<!tpu.dma_semaphore, #tpu.memory_space<semaphore_mem>>
    %dma_wait3A_109 = arith.constant 0 : i32
    %dma_wait3A_110 = arith.constant 0 : i32
    %dma_wait3A_111 = tpu.memref_slice %arg4[%mul3A_96, %dma_wait3A_109, %dma_wait3A_110] : memref<7840x32x256xf32, #tpu.memory_space<hbm>> -> memref<5x32x256xf32, #tpu.memory_space<hbm>>
    %dma_wait3A_112 = arith.constant 0 : i32
    %dma_wait3A_113 = arith.constant 0 : i32
    %dma_wait3A_114 = arith.constant 0 : i32
    %dma_wait3A_115 = tpu.memref_slice %arg6[%dma_wait3A_97, %dma_wait3A_112, %dma_wait3A_113, %dma_wait3A_114] : memref<3x5x32x256xf32, #tpu.memory_space<vmem>> -> memref<1x5x32x256xf32, #tpu.memory_space<vmem>>
    %dma_wait3A_116 = tpu.memref_squeeze %dma_wait3A_115 : memref<1x5x32x256xf32, #tpu.memory_space<vmem>> -> memref<5x32x256xf32, #tpu.memory_space<vmem>>
    tpu.wait_dma2 semaphore(%dma_wait3A_108 : memref<!tpu.dma_semaphore, #tpu.memory_space<semaphore_mem>>) src(%dma_wait3A_116 : memref<5x32x256xf32, #tpu.memory_space<vmem>>) dst(%dma_wait3A_111 : memref<5x32x256xf32, #tpu.memory_space<hbm>>)
    %dma_start3A_117 = arith.constant 3 : i32
    %dma_start3A_118 = arith.constant 0 : i32
    %dma_start3A_119 = arith.constant 0 : i32
    %dma_start3A_120 = arith.constant 0 : i32
    %dma_start3A_121 = arith.constant 0 : i32
    %dma_start3A_122 = arith.constant 0 : i32
    %dma_start3A_123 = tpu.memref_slice %arg6[%dma_start3A_118, %dma_start3A_120, %dma_start3A_121, %dma_start3A_122] : memref<3x5x32x256xf32, #tpu.memory_space<vmem>> -> memref<1x5x32x256xf32, #tpu.memory_space<vmem>>
    %dma_start3A_124 = tpu.memref_squeeze %dma_start3A_123 : memref<1x5x32x256xf32, #tpu.memory_space<vmem>> -> memref<5x32x256xf32, #tpu.memory_space<vmem>>
    %dma_start3A_125 = arith.constant 0 : i32
    %dma_start3A_126 = tpu.memref_slice %arg5[%dma_start3A_117, %dma_start3A_125] : memref<49x5xi32, #tpu.memory_space<vmem>> -> memref<1x5xi32, #tpu.memory_space<vmem>>
    %dma_start3A_127 = tpu.memref_squeeze %dma_start3A_126 : memref<1x5xi32, #tpu.memory_space<vmem>> -> memref<5xi32, #tpu.memory_space<vmem>>
    %dma_start3A_128 = arith.constant 0 : i32
    %dma_start3A_129 = arith.constant 0 : i32
    %dma_start3A_130 = arith.constant 0 : i32
    %dma_start3A_131 = tpu.memref_slice %arg3[%dma_start3A_128, %dma_start3A_129, %dma_start3A_130] : memref<7840x32x256xf32, #tpu.memory_space<hbm>> -> memref<7840x32x256xf32, #tpu.memory_space<hbm>>
    %dma_start3A_132 = tpu.memref_slice %arg7[%dma_start3A_119] : memref<3x!tpu.dma_semaphore, #tpu.memory_space<semaphore_mem>> -> memref<1x!tpu.dma_semaphore, #tpu.memory_space<semaphore_mem>>
    %dma_start3A_133 = tpu.memref_squeeze %dma_start3A_132 : memref<1x!tpu.dma_semaphore, #tpu.memory_space<semaphore_mem>> -> memref<!tpu.dma_semaphore, #tpu.memory_space<semaphore_mem>>
    tpu.enqueue_indirect_dma source(%dma_start3A_131 : memref<7840x32x256xf32, #tpu.memory_space<hbm>>) target(%dma_start3A_124 : memref<5x32x256xf32, #tpu.memory_space<vmem>>) offsets(%dma_start3A_127 : memref<5xi32, #tpu.memory_space<vmem>>) semaphore(%dma_start3A_133 : memref<!tpu.dma_semaphore, #tpu.memory_space<semaphore_mem>>)
    %dma_wait3A_134 = arith.constant 1 : i32
    %dma_wait3A_135 = arith.constant 1 : i32
    %dma_wait3A_136 = arith.constant 1 : i32
    %dma_wait3A_137 = arith.constant 0 : i32
    %dma_wait3A_138 = arith.constant 0 : i32
    %dma_wait3A_139 = arith.constant 0 : i32
    %dma_wait3A_140 = tpu.memref_slice %arg6[%dma_wait3A_135, %dma_wait3A_137, %dma_wait3A_138, %dma_wait3A_139] : memref<3x5x32x256xf32, #tpu.memory_space<vmem>> -> memref<1x5x32x256xf32, #tpu.memory_space<vmem>>
    %dma_wait3A_141 = tpu.memref_squeeze %dma_wait3A_140 : memref<1x5x32x256xf32, #tpu.memory_space<vmem>> -> memref<5x32x256xf32, #tpu.memory_space<vmem>>
    %dma_wait3A_142 = arith.constant 0 : i32
    %dma_wait3A_143 = tpu.memref_slice %arg5[%dma_wait3A_134, %dma_wait3A_142] : memref<49x5xi32, #tpu.memory_space<vmem>> -> memref<1x5xi32, #tpu.memory_space<vmem>>
    %dma_wait3A_144 = tpu.memref_squeeze %dma_wait3A_143 : memref<1x5xi32, #tpu.memory_space<vmem>> -> memref<5xi32, #tpu.memory_space<vmem>>
    %dma_wait3A_145 = arith.constant 0 : i32
    %dma_wait3A_146 = arith.constant 0 : i32
    %dma_wait3A_147 = arith.constant 0 : i32
    %dma_wait3A_148 = tpu.memref_slice %arg3[%dma_wait3A_145, %dma_wait3A_146, %dma_wait3A_147] : memref<7840x32x256xf32, #tpu.memory_space<hbm>> -> memref<7840x32x256xf32, #tpu.memory_space<hbm>>
    %dma_wait3A_149 = tpu.memref_slice %arg7[%dma_wait3A_136] : memref<3x!tpu.dma_semaphore, #tpu.memory_space<semaphore_mem>> -> memref<1x!tpu.dma_semaphore, #tpu.memory_space<semaphore_mem>>
    %dma_wait3A_150 = tpu.memref_squeeze %dma_wait3A_149 : memref<1x!tpu.dma_semaphore, #tpu.memory_space<semaphore_mem>> -> memref<!tpu.dma_semaphore, #tpu.memory_space<semaphore_mem>>
    tpu.wait_indirect_dma semaphore(%dma_wait3A_150 : memref<!tpu.dma_semaphore, #tpu.memory_space<semaphore_mem>>) src(%dma_wait3A_148 : memref<7840x32x256xf32, #tpu.memory_space<hbm>>) dst(%dma_wait3A_141 : memref<5x32x256xf32, #tpu.memory_space<vmem>>)
    %add3A_151 = arith.constant 1 : i32
    %add3A_152 = arith.addi %mul3A_2, %add3A_151 : i32
    %mul3A_153 = arith.constant 5 : i32
    %mul3A_154 = arith.muli %add3A_152, %mul3A_153 : i32
    %dma_start3A_155 = arith.constant 1 : i32
    %dma_start3A_156 = arith.constant 1 : i32
    %dma_start3A_157 = arith.constant 0 : i32
    %dma_start3A_158 = arith.constant 0 : i32
    %dma_start3A_159 = arith.constant 0 : i32
    %dma_start3A_160 = tpu.memref_slice %arg6[%dma_start3A_155, %dma_start3A_157, %dma_start3A_158, %dma_start3A_159] : memref<3x5x32x256xf32, #tpu.memory_space<vmem>> -> memref<1x5x32x256xf32, #tpu.memory_space<vmem>>
    %dma_start3A_161 = tpu.memref_squeeze %dma_start3A_160 : memref<1x5x32x256xf32, #tpu.memory_space<vmem>> -> memref<5x32x256xf32, #tpu.memory_space<vmem>>
    %dma_start3A_162 = arith.constant 0 : i32
    %dma_start3A_163 = arith.constant 0 : i32
    %dma_start3A_164 = tpu.memref_slice %arg4[%mul3A_154, %dma_start3A_162, %dma_start3A_163] : memref<7840x32x256xf32, #tpu.memory_space<hbm>> -> memref<5x32x256xf32, #tpu.memory_space<hbm>>
    %dma_start3A_165 = tpu.memref_slice %arg8[%dma_start3A_156] : memref<3x!tpu.dma_semaphore, #tpu.memory_space<semaphore_mem>> -> memref<1x!tpu.dma_semaphore, #tpu.memory_space<semaphore_mem>>
    %dma_start3A_166 = tpu.memref_squeeze %dma_start3A_165 : memref<1x!tpu.dma_semaphore, #tpu.memory_space<semaphore_mem>> -> memref<!tpu.dma_semaphore, #tpu.memory_space<semaphore_mem>>
    %dma_start3A_167 = arith.constant 0 : i32
    %dma_start3A_168 = arith.constant 0 : i32
    %dma_start3A_169 = tpu.memref_slice %arg4[%mul3A_154, %dma_start3A_167, %dma_start3A_168] : memref<7840x32x256xf32, #tpu.memory_space<hbm>> -> memref<5x32x256xf32, #tpu.memory_space<hbm>>
    %dma_start3A_170 = arith.constant 0 : i32
    %dma_start3A_171 = arith.constant 0 : i32
    %dma_start3A_172 = arith.constant 0 : i32
    %dma_start3A_173 = tpu.memref_slice %arg6[%dma_start3A_155, %dma_start3A_170, %dma_start3A_171, %dma_start3A_172] : memref<3x5x32x256xf32, #tpu.memory_space<vmem>> -> memref<1x5x32x256xf32, #tpu.memory_space<vmem>>
    %dma_start3A_174 = tpu.memref_squeeze %dma_start3A_173 : memref<1x5x32x256xf32, #tpu.memory_space<vmem>> -> memref<5x32x256xf32, #tpu.memory_space<vmem>>
    tpu.enqueue_dma source(%dma_start3A_174 : memref<5x32x256xf32, #tpu.memory_space<vmem>>) target(%dma_start3A_169 : memref<5x32x256xf32, #tpu.memory_space<hbm>>) target_semaphore(%dma_start3A_166 : memref<!tpu.dma_semaphore, #tpu.memory_space<semaphore_mem>>)
    %add3A_175 = arith.constant 1 : i32
    %add3A_176 = arith.addi %mul3A_2, %add3A_175 : i32
    %mul3A_177 = arith.constant 5 : i32
    %mul3A_178 = arith.muli %add3A_176, %mul3A_177 : i32
    %dma_wait3A_179 = arith.constant 1 : i32
    %dma_wait3A_180 = arith.constant 1 : i32
    %dma_wait3A_181 = arith.constant 0 : i32
    %dma_wait3A_182 = arith.constant 0 : i32
    %dma_wait3A_183 = arith.constant 0 : i32
    %dma_wait3A_184 = tpu.memref_slice %arg6[%dma_wait3A_179, %dma_wait3A_181, %dma_wait3A_182, %dma_wait3A_183] : memref<3x5x32x256xf32, #tpu.memory_space<vmem>> -> memref<1x5x32x256xf32, #tpu.memory_space<vmem>>
    %dma_wait3A_185 = tpu.memref_squeeze %dma_wait3A_184 : memref<1x5x32x256xf32, #tpu.memory_space<vmem>> -> memref<5x32x256xf32, #tpu.memory_space<vmem>>
    %dma_wait3A_186 = arith.constant 0 : i32
    %dma_wait3A_187 = arith.constant 0 : i32
    %dma_wait3A_188 = tpu.memref_slice %arg4[%mul3A_178, %dma_wait3A_186, %dma_wait3A_187] : memref<7840x32x256xf32, #tpu.memory_space<hbm>> -> memref<5x32x256xf32, #tpu.memory_space<hbm>>
    %dma_wait3A_189 = tpu.memref_slice %arg8[%dma_wait3A_180] : memref<3x!tpu.dma_semaphore, #tpu.memory_space<semaphore_mem>> -> memref<1x!tpu.dma_semaphore, #tpu.memory_space<semaphore_mem>>
    %dma_wait3A_190 = tpu.memref_squeeze %dma_wait3A_189 : memref<1x!tpu.dma_semaphore, #tpu.memory_space<semaphore_mem>> -> memref<!tpu.dma_semaphore, #tpu.memory_space<semaphore_mem>>
    %dma_wait3A_191 = arith.constant 0 : i32
    %dma_wait3A_192 = arith.constant 0 : i32
    %dma_wait3A_193 = tpu.memref_slice %arg4[%mul3A_178, %dma_wait3A_191, %dma_wait3A_192] : memref<7840x32x256xf32, #tpu.memory_space<hbm>> -> memref<5x32x256xf32, #tpu.memory_space<hbm>>
    %dma_wait3A_194 = arith.constant 0 : i32
    %dma_wait3A_195 = arith.constant 0 : i32
    %dma_wait3A_196 = arith.constant 0 : i32
    %dma_wait3A_197 = tpu.memref_slice %arg6[%dma_wait3A_179, %dma_wait3A_194, %dma_wait3A_195, %dma_wait3A_196] : memref<3x5x32x256xf32, #tpu.memory_space<vmem>> -> memref<1x5x32x256xf32, #tpu.memory_space<vmem>>
    %dma_wait3A_198 = tpu.memref_squeeze %dma_wait3A_197 : memref<1x5x32x256xf32, #tpu.memory_space<vmem>> -> memref<5x32x256xf32, #tpu.memory_space<vmem>>
    tpu.wait_dma2 semaphore(%dma_wait3A_190 : memref<!tpu.dma_semaphore, #tpu.memory_space<semaphore_mem>>) src(%dma_wait3A_198 : memref<5x32x256xf32, #tpu.memory_space<vmem>>) dst(%dma_wait3A_193 : memref<5x32x256xf32, #tpu.memory_space<hbm>>)
    %dma_start3A_199 = arith.constant 4 : i32
    %dma_start3A_200 = arith.constant 1 : i32
    %dma_start3A_201 = arith.constant 1 : i32
    %dma_start3A_202 = arith.constant 0 : i32
    %dma_start3A_203 = arith.constant 0 : i32
    %dma_start3A_204 = arith.constant 0 : i32
    %dma_start3A_205 = tpu.memref_slice %arg6[%dma_start3A_200, %dma_start3A_202, %dma_start3A_203, %dma_start3A_204] : memref<3x5x32x256xf32, #tpu.memory_space<vmem>> -> memref<1x5x32x256xf32, #tpu.memory_space<vmem>>
    %dma_start3A_206 = tpu.memref_squeeze %dma_start3A_205 : memref<1x5x32x256xf32, #tpu.memory_space<vmem>> -> memref<5x32x256xf32, #tpu.memory_space<vmem>>
    %dma_start3A_207 = arith.constant 0 : i32
    %dma_start3A_208 = tpu.memref_slice %arg5[%dma_start3A_199, %dma_start3A_207] : memref<49x5xi32, #tpu.memory_space<vmem>> -> memref<1x5xi32, #tpu.memory_space<vmem>>
    %dma_start3A_209 = tpu.memref_squeeze %dma_start3A_208 : memref<1x5xi32, #tpu.memory_space<vmem>> -> memref<5xi32, #tpu.memory_space<vmem>>
    %dma_start3A_210 = arith.constant 0 : i32
    %dma_start3A_211 = arith.constant 0 : i32
    %dma_start3A_212 = arith.constant 0 : i32
    %dma_start3A_213 = tpu.memref_slice %arg3[%dma_start3A_210, %dma_start3A_211, %dma_start3A_212] : memref<7840x32x256xf32, #tpu.memory_space<hbm>> -> memref<7840x32x256xf32, #tpu.memory_space<hbm>>
    %dma_start3A_214 = tpu.memref_slice %arg7[%dma_start3A_201] : memref<3x!tpu.dma_semaphore, #tpu.memory_space<semaphore_mem>> -> memref<1x!tpu.dma_semaphore, #tpu.memory_space<semaphore_mem>>
    %dma_start3A_215 = tpu.memref_squeeze %dma_start3A_214 : memref<1x!tpu.dma_semaphore, #tpu.memory_space<semaphore_mem>> -> memref<!tpu.dma_semaphore, #tpu.memory_space<semaphore_mem>>
    tpu.enqueue_indirect_dma source(%dma_start3A_213 : memref<7840x32x256xf32, #tpu.memory_space<hbm>>) target(%dma_start3A_206 : memref<5x32x256xf32, #tpu.memory_space<vmem>>) offsets(%dma_start3A_209 : memref<5xi32, #tpu.memory_space<vmem>>) semaphore(%dma_start3A_215 : memref<!tpu.dma_semaphore, #tpu.memory_space<semaphore_mem>>)
    %dma_wait3A_216 = arith.constant 2 : i32
    %dma_wait3A_217 = arith.constant 2 : i32
    %dma_wait3A_218 = arith.constant 2 : i32
    %dma_wait3A_219 = arith.constant 0 : i32
    %dma_wait3A_220 = arith.constant 0 : i32
    %dma_wait3A_221 = arith.constant 0 : i32
    %dma_wait3A_222 = tpu.memref_slice %arg6[%dma_wait3A_217, %dma_wait3A_219, %dma_wait3A_220, %dma_wait3A_221] : memref<3x5x32x256xf32, #tpu.memory_space<vmem>> -> memref<1x5x32x256xf32, #tpu.memory_space<vmem>>
    %dma_wait3A_223 = tpu.memref_squeeze %dma_wait3A_222 : memref<1x5x32x256xf32, #tpu.memory_space<vmem>> -> memref<5x32x256xf32, #tpu.memory_space<vmem>>
    %dma_wait3A_224 = arith.constant 0 : i32
    %dma_wait3A_225 = tpu.memref_slice %arg5[%dma_wait3A_216, %dma_wait3A_224] : memref<49x5xi32, #tpu.memory_space<vmem>> -> memref<1x5xi32, #tpu.memory_space<vmem>>
    %dma_wait3A_226 = tpu.memref_squeeze %dma_wait3A_225 : memref<1x5xi32, #tpu.memory_space<vmem>> -> memref<5xi32, #tpu.memory_space<vmem>>
    %dma_wait3A_227 = arith.constant 0 : i32
    %dma_wait3A_228 = arith.constant 0 : i32
    %dma_wait3A_229 = arith.constant 0 : i32
    %dma_wait3A_230 = tpu.memref_slice %arg3[%dma_wait3A_227, %dma_wait3A_228, %dma_wait3A_229] : memref<7840x32x256xf32, #tpu.memory_space<hbm>> -> memref<7840x32x256xf32, #tpu.memory_space<hbm>>
    %dma_wait3A_231 = tpu.memref_slice %arg7[%dma_wait3A_218] : memref<3x!tpu.dma_semaphore, #tpu.memory_space<semaphore_mem>> -> memref<1x!tpu.dma_semaphore, #tpu.memory_space<semaphore_mem>>
    %dma_wait3A_232 = tpu.memref_squeeze %dma_wait3A_231 : memref<1x!tpu.dma_semaphore, #tpu.memory_space<semaphore_mem>> -> memref<!tpu.dma_semaphore, #tpu.memory_space<semaphore_mem>>
    tpu.wait_indirect_dma semaphore(%dma_wait3A_232 : memref<!tpu.dma_semaphore, #tpu.memory_space<semaphore_mem>>) src(%dma_wait3A_230 : memref<7840x32x256xf32, #tpu.memory_space<hbm>>) dst(%dma_wait3A_223 : memref<5x32x256xf32, #tpu.memory_space<vmem>>)
    %add3A_233 = arith.constant 2 : i32
    %add3A_234 = arith.addi %mul3A_2, %add3A_233 : i32
    %mul3A_235 = arith.constant 5 : i32
    %mul3A_236 = arith.muli %add3A_234, %mul3A_235 : i32
    %dma_start3A_237 = arith.constant 2 : i32
    %dma_start3A_238 = arith.constant 2 : i32
    %dma_start3A_239 = arith.constant 0 : i32
    %dma_start3A_240 = arith.constant 0 : i32
    %dma_start3A_241 = arith.constant 0 : i32
    %dma_start3A_242 = tpu.memref_slice %arg6[%dma_start3A_237, %dma_start3A_239, %dma_start3A_240, %dma_start3A_241] : memref<3x5x32x256xf32, #tpu.memory_space<vmem>> -> memref<1x5x32x256xf32, #tpu.memory_space<vmem>>
    %dma_start3A_243 = tpu.memref_squeeze %dma_start3A_242 : memref<1x5x32x256xf32, #tpu.memory_space<vmem>> -> memref<5x32x256xf32, #tpu.memory_space<vmem>>
    %dma_start3A_244 = arith.constant 0 : i32
    %dma_start3A_245 = arith.constant 0 : i32
    %dma_start3A_246 = tpu.memref_slice %arg4[%mul3A_236, %dma_start3A_244, %dma_start3A_245] : memref<7840x32x256xf32, #tpu.memory_space<hbm>> -> memref<5x32x256xf32, #tpu.memory_space<hbm>>
    %dma_start3A_247 = tpu.memref_slice %arg8[%dma_start3A_238] : memref<3x!tpu.dma_semaphore, #tpu.memory_space<semaphore_mem>> -> memref<1x!tpu.dma_semaphore, #tpu.memory_space<semaphore_mem>>
    %dma_start3A_248 = tpu.memref_squeeze %dma_start3A_247 : memref<1x!tpu.dma_semaphore, #tpu.memory_space<semaphore_mem>> -> memref<!tpu.dma_semaphore, #tpu.memory_space<semaphore_mem>>
    %dma_start3A_249 = arith.constant 0 : i32
    %dma_start3A_250 = arith.constant 0 : i32
    %dma_start3A_251 = tpu.memref_slice %arg4[%mul3A_236, %dma_start3A_249, %dma_start3A_250] : memref<7840x32x256xf32, #tpu.memory_space<hbm>> -> memref<5x32x256xf32, #tpu.memory_space<hbm>>
    %dma_start3A_252 = arith.constant 0 : i32
    %dma_start3A_253 = arith.constant 0 : i32
    %dma_start3A_254 = arith.constant 0 : i32
    %dma_start3A_255 = tpu.memref_slice %arg6[%dma_start3A_237, %dma_start3A_252, %dma_start3A_253, %dma_start3A_254] : memref<3x5x32x256xf32, #tpu.memory_space<vmem>> -> memref<1x5x32x256xf32, #tpu.memory_space<vmem>>
    %dma_start3A_256 = tpu.memref_squeeze %dma_start3A_255 : memref<1x5x32x256xf32, #tpu.memory_space<vmem>> -> memref<5x32x256xf32, #tpu.memory_space<vmem>>
    tpu.enqueue_dma source(%dma_start3A_256 : memref<5x32x256xf32, #tpu.memory_space<vmem>>) target(%dma_start3A_251 : memref<5x32x256xf32, #tpu.memory_space<hbm>>) target_semaphore(%dma_start3A_248 : memref<!tpu.dma_semaphore, #tpu.memory_space<semaphore_mem>>)
    %add3A_257 = arith.constant 2 : i32
    %add3A_258 = arith.addi %mul3A_2, %add3A_257 : i32
    %mul3A_259 = arith.constant 5 : i32
    %mul3A_260 = arith.muli %add3A_258, %mul3A_259 : i32
    %dma_wait3A_261 = arith.constant 2 : i32
    %dma_wait3A_262 = arith.constant 2 : i32
    %dma_wait3A_263 = arith.constant 0 : i32
    %dma_wait3A_264 = arith.constant 0 : i32
    %dma_wait3A_265 = arith.constant 0 : i32
    %dma_wait3A_266 = tpu.memref_slice %arg6[%dma_wait3A_261, %dma_wait3A_263, %dma_wait3A_264, %dma_wait3A_265] : memref<3x5x32x256xf32, #tpu.memory_space<vmem>> -> memref<1x5x32x256xf32, #tpu.memory_space<vmem>>
    %dma_wait3A_267 = tpu.memref_squeeze %dma_wait3A_266 : memref<1x5x32x256xf32, #tpu.memory_space<vmem>> -> memref<5x32x256xf32, #tpu.memory_space<vmem>>
    %dma_wait3A_268 = arith.constant 0 : i32
    %dma_wait3A_269 = arith.constant 0 : i32
    %dma_wait3A_270 = tpu.memref_slice %arg4[%mul3A_260, %dma_wait3A_268, %dma_wait3A_269] : memref<7840x32x256xf32, #tpu.memory_space<hbm>> -> memref<5x32x256xf32, #tpu.memory_space<hbm>>
    %dma_wait3A_271 = tpu.memref_slice %arg8[%dma_wait3A_262] : memref<3x!tpu.dma_semaphore, #tpu.memory_space<semaphore_mem>> -> memref<1x!tpu.dma_semaphore, #tpu.memory_space<semaphore_mem>>
    %dma_wait3A_272 = tpu.memref_squeeze %dma_wait3A_271 : memref<1x!tpu.dma_semaphore, #tpu.memory_space<semaphore_mem>> -> memref<!tpu.dma_semaphore, #tpu.memory_space<semaphore_mem>>
    %dma_wait3A_273 = arith.constant 0 : i32
    %dma_wait3A_274 = arith.constant 0 : i32
    %dma_wait3A_275 = tpu.memref_slice %arg4[%mul3A_260, %dma_wait3A_273, %dma_wait3A_274] : memref<7840x32x256xf32, #tpu.memory_space<hbm>> -> memref<5x32x256xf32, #tpu.memory_space<hbm>>
    %dma_wait3A_276 = arith.constant 0 : i32
    %dma_wait3A_277 = arith.constant 0 : i32
    %dma_wait3A_278 = arith.constant 0 : i32
    %dma_wait3A_279 = tpu.memref_slice %arg6[%dma_wait3A_261, %dma_wait3A_276, %dma_wait3A_277, %dma_wait3A_278] : memref<3x5x32x256xf32, #tpu.memory_space<vmem>> -> memref<1x5x32x256xf32, #tpu.memory_space<vmem>>
    %dma_wait3A_280 = tpu.memref_squeeze %dma_wait3A_279 : memref<1x5x32x256xf32, #tpu.memory_space<vmem>> -> memref<5x32x256xf32, #tpu.memory_space<vmem>>
    tpu.wait_dma2 semaphore(%dma_wait3A_272 : memref<!tpu.dma_semaphore, #tpu.memory_space<semaphore_mem>>) src(%dma_wait3A_280 : memref<5x32x256xf32, #tpu.memory_space<vmem>>) dst(%dma_wait3A_275 : memref<5x32x256xf32, #tpu.memory_space<hbm>>)
    %dma_start3A_281 = arith.constant 5 : i32
    %dma_start3A_282 = arith.constant 2 : i32
    %dma_start3A_283 = arith.constant 2 : i32
    %dma_start3A_284 = arith.constant 0 : i32
    %dma_start3A_285 = arith.constant 0 : i32
    %dma_start3A_286 = arith.constant 0 : i32
    %dma_start3A_287 = tpu.memref_slice %arg6[%dma_start3A_282, %dma_start3A_284, %dma_start3A_285, %dma_start3A_286] : memref<3x5x32x256xf32, #tpu.memory_space<vmem>> -> memref<1x5x32x256xf32, #tpu.memory_space<vmem>>
    %dma_start3A_288 = tpu.memref_squeeze %dma_start3A_287 : memref<1x5x32x256xf32, #tpu.memory_space<vmem>> -> memref<5x32x256xf32, #tpu.memory_space<vmem>>
    %dma_start3A_289 = arith.constant 0 : i32
    %dma_start3A_290 = tpu.memref_slice %arg5[%dma_start3A_281, %dma_start3A_289] : memref<49x5xi32, #tpu.memory_space<vmem>> -> memref<1x5xi32, #tpu.memory_space<vmem>>
    %dma_start3A_291 = tpu.memref_squeeze %dma_start3A_290 : memref<1x5xi32, #tpu.memory_space<vmem>> -> memref<5xi32, #tpu.memory_space<vmem>>
    %dma_start3A_292 = arith.constant 0 : i32
    %dma_start3A_293 = arith.constant 0 : i32
    %dma_start3A_294 = arith.constant 0 : i32
    %dma_start3A_295 = tpu.memref_slice %arg3[%dma_start3A_292, %dma_start3A_293, %dma_start3A_294] : memref<7840x32x256xf32, #tpu.memory_space<hbm>> -> memref<7840x32x256xf32, #tpu.memory_space<hbm>>
    %dma_start3A_296 = tpu.memref_slice %arg7[%dma_start3A_283] : memref<3x!tpu.dma_semaphore, #tpu.memory_space<semaphore_mem>> -> memref<1x!tpu.dma_semaphore, #tpu.memory_space<semaphore_mem>>
    %dma_start3A_297 = tpu.memref_squeeze %dma_start3A_296 : memref<1x!tpu.dma_semaphore, #tpu.memory_space<semaphore_mem>> -> memref<!tpu.dma_semaphore, #tpu.memory_space<semaphore_mem>>
    tpu.enqueue_indirect_dma source(%dma_start3A_295 : memref<7840x32x256xf32, #tpu.memory_space<hbm>>) target(%dma_start3A_288 : memref<5x32x256xf32, #tpu.memory_space<vmem>>) offsets(%dma_start3A_291 : memref<5xi32, #tpu.memory_space<vmem>>) semaphore(%dma_start3A_297 : memref<!tpu.dma_semaphore, #tpu.memory_space<semaphore_mem>>)
    %dma_wait3A_298 = arith.constant 3 : i32
    %dma_wait3A_299 = arith.constant 0 : i32
    %dma_wait3A_300 = arith.constant 0 : i32
    %dma_wait3A_301 = arith.constant 0 : i32
    %dma_wait3A_302 = arith.constant 0 : i32
    %dma_wait3A_303 = arith.constant 0 : i32
    %dma_wait3A_304 = tpu.memref_slice %arg6[%dma_wait3A_299, %dma_wait3A_301, %dma_wait3A_302, %dma_wait3A_303] : memref<3x5x32x256xf32, #tpu.memory_space<vmem>> -> memref<1x5x32x256xf32, #tpu.memory_space<vmem>>
    %dma_wait3A_305 = tpu.memref_squeeze %dma_wait3A_304 : memref<1x5x32x256xf32, #tpu.memory_space<vmem>> -> memref<5x32x256xf32, #tpu.memory_space<vmem>>
    %dma_wait3A_306 = arith.constant 0 : i32
    %dma_wait3A_307 = tpu.memref_slice %arg5[%dma_wait3A_298, %dma_wait3A_306] : memref<49x5xi32, #tpu.memory_space<vmem>> -> memref<1x5xi32, #tpu.memory_space<vmem>>
    %dma_wait3A_308 = tpu.memref_squeeze %dma_wait3A_307 : memref<1x5xi32, #tpu.memory_space<vmem>> -> memref<5xi32, #tpu.memory_space<vmem>>
    %dma_wait3A_309 = arith.constant 0 : i32
    %dma_wait3A_310 = arith.constant 0 : i32
    %dma_wait3A_311 = arith.constant 0 : i32
    %dma_wait3A_312 = tpu.memref_slice %arg3[%dma_wait3A_309, %dma_wait3A_310, %dma_wait3A_311] : memref<7840x32x256xf32, #tpu.memory_space<hbm>> -> memref<7840x32x256xf32, #tpu.memory_space<hbm>>
    %dma_wait3A_313 = tpu.memref_slice %arg7[%dma_wait3A_300] : memref<3x!tpu.dma_semaphore, #tpu.memory_space<semaphore_mem>> -> memref<1x!tpu.dma_semaphore, #tpu.memory_space<semaphore_mem>>
    %dma_wait3A_314 = tpu.memref_squeeze %dma_wait3A_313 : memref<1x!tpu.dma_semaphore, #tpu.memory_space<semaphore_mem>> -> memref<!tpu.dma_semaphore, #tpu.memory_space<semaphore_mem>>
    tpu.wait_indirect_dma semaphore(%dma_wait3A_314 : memref<!tpu.dma_semaphore, #tpu.memory_space<semaphore_mem>>) src(%dma_wait3A_312 : memref<7840x32x256xf32, #tpu.memory_space<hbm>>) dst(%dma_wait3A_305 : memref<5x32x256xf32, #tpu.memory_space<vmem>>)
    %add3A_315 = arith.constant 3 : i32
    %add3A_316 = arith.addi %mul3A_2, %add3A_315 : i32
    %mul3A_317 = arith.constant 5 : i32
    %mul3A_318 = arith.muli %add3A_316, %mul3A_317 : i32
    %dma_start3A_319 = arith.constant 0 : i32
    %dma_start3A_320 = arith.constant 0 : i32
    %dma_start3A_321 = arith.constant 0 : i32
    %dma_start3A_322 = arith.constant 0 : i32
    %dma_start3A_323 = arith.constant 0 : i32
    %dma_start3A_324 = tpu.memref_slice %arg6[%dma_start3A_319, %dma_start3A_321, %dma_start3A_322, %dma_start3A_323] : memref<3x5x32x256xf32, #tpu.memory_space<vmem>> -> memref<1x5x32x256xf32, #tpu.memory_space<vmem>>
    %dma_start3A_325 = tpu.memref_squeeze %dma_start3A_324 : memref<1x5x32x256xf32, #tpu.memory_space<vmem>> -> memref<5x32x256xf32, #tpu.memory_space<vmem>>
    %dma_start3A_326 = arith.constant 0 : i32
    %dma_start3A_327 = arith.constant 0 : i32
    %dma_start3A_328 = tpu.memref_slice %arg4[%mul3A_318, %dma_start3A_326, %dma_start3A_327] : memref<7840x32x256xf32, #tpu.memory_space<hbm>> -> memref<5x32x256xf32, #tpu.memory_space<hbm>>
    %dma_start3A_329 = tpu.memref_slice %arg8[%dma_start3A_320] : memref<3x!tpu.dma_semaphore, #tpu.memory_space<semaphore_mem>> -> memref<1x!tpu.dma_semaphore, #tpu.memory_space<semaphore_mem>>
    %dma_start3A_330 = tpu.memref_squeeze %dma_start3A_329 : memref<1x!tpu.dma_semaphore, #tpu.memory_space<semaphore_mem>> -> memref<!tpu.dma_semaphore, #tpu.memory_space<semaphore_mem>>
    %dma_start3A_331 = arith.constant 0 : i32
    %dma_start3A_332 = arith.constant 0 : i32
    %dma_start3A_333 = tpu.memref_slice %arg4[%mul3A_318, %dma_start3A_331, %dma_start3A_332] : memref<7840x32x256xf32, #tpu.memory_space<hbm>> -> memref<5x32x256xf32, #tpu.memory_space<hbm>>
    %dma_start3A_334 = arith.constant 0 : i32
    %dma_start3A_335 = arith.constant 0 : i32
    %dma_start3A_336 = arith.constant 0 : i32
    %dma_start3A_337 = tpu.memref_slice %arg6[%dma_start3A_319, %dma_start3A_334, %dma_start3A_335, %dma_start3A_336] : memref<3x5x32x256xf32, #tpu.memory_space<vmem>> -> memref<1x5x32x256xf32, #tpu.memory_space<vmem>>
    %dma_start3A_338 = tpu.memref_squeeze %dma_start3A_337 : memref<1x5x32x256xf32, #tpu.memory_space<vmem>> -> memref<5x32x256xf32, #tpu.memory_space<vmem>>
    tpu.enqueue_dma source(%dma_start3A_338 : memref<5x32x256xf32, #tpu.memory_space<vmem>>) target(%dma_start3A_333 : memref<5x32x256xf32, #tpu.memory_space<hbm>>) target_semaphore(%dma_start3A_330 : memref<!tpu.dma_semaphore, #tpu.memory_space<semaphore_mem>>)
    %add3A_339 = arith.constant 3 : i32
    %add3A_340 = arith.addi %mul3A_2, %add3A_339 : i32
    %mul3A_341 = arith.constant 5 : i32
    %mul3A_342 = arith.muli %add3A_340, %mul3A_341 : i32
    %dma_wait3A_343 = arith.constant 0 : i32
    %dma_wait3A_344 = arith.constant 0 : i32
    %dma_wait3A_345 = arith.constant 0 : i32
    %dma_wait3A_346 = arith.constant 0 : i32
    %dma_wait3A_347 = arith.constant 0 : i32
    %dma_wait3A_348 = tpu.memref_slice %arg6[%dma_wait3A_343, %dma_wait3A_345, %dma_wait3A_346, %dma_wait3A_347] : memref<3x5x32x256xf32, #tpu.memory_space<vmem>> -> memref<1x5x32x256xf32, #tpu.memory_space<vmem>>
    %dma_wait3A_349 = tpu.memref_squeeze %dma_wait3A_348 : memref<1x5x32x256xf32, #tpu.memory_space<vmem>> -> memref<5x32x256xf32, #tpu.memory_space<vmem>>
    %dma_wait3A_350 = arith.constant 0 : i32
    %dma_wait3A_351 = arith.constant 0 : i32
    %dma_wait3A_352 = tpu.memref_slice %arg4[%mul3A_342, %dma_wait3A_350, %dma_wait3A_351] : memref<7840x32x256xf32, #tpu.memory_space<hbm>> -> memref<5x32x256xf32, #tpu.memory_space<hbm>>
    %dma_wait3A_353 = tpu.memref_slice %arg8[%dma_wait3A_344] : memref<3x!tpu.dma_semaphore, #tpu.memory_space<semaphore_mem>> -> memref<1x!tpu.dma_semaphore, #tpu.memory_space<semaphore_mem>>
    %dma_wait3A_354 = tpu.memref_squeeze %dma_wait3A_353 : memref<1x!tpu.dma_semaphore, #tpu.memory_space<semaphore_mem>> -> memref<!tpu.dma_semaphore, #tpu.memory_space<semaphore_mem>>
    %dma_wait3A_355 = arith.constant 0 : i32
    %dma_wait3A_356 = arith.constant 0 : i32
    %dma_wait3A_357 = tpu.memref_slice %arg4[%mul3A_342, %dma_wait3A_355, %dma_wait3A_356] : memref<7840x32x256xf32, #tpu.memory_space<hbm>> -> memref<5x32x256xf32, #tpu.memory_space<hbm>>
    %dma_wait3A_358 = arith.constant 0 : i32
    %dma_wait3A_359 = arith.constant 0 : i32
    %dma_wait3A_360 = arith.constant 0 : i32
    %dma_wait3A_361 = tpu.memref_slice %arg6[%dma_wait3A_343, %dma_wait3A_358, %dma_wait3A_359, %dma_wait3A_360] : memref<3x5x32x256xf32, #tpu.memory_space<vmem>> -> memref<1x5x32x256xf32, #tpu.memory_space<vmem>>
    %dma_wait3A_362 = tpu.memref_squeeze %dma_wait3A_361 : memref<1x5x32x256xf32, #tpu.memory_space<vmem>> -> memref<5x32x256xf32, #tpu.memory_space<vmem>>
    tpu.wait_dma2 semaphore(%dma_wait3A_354 : memref<!tpu.dma_semaphore, #tpu.memory_space<semaphore_mem>>) src(%dma_wait3A_362 : memref<5x32x256xf32, #tpu.memory_space<vmem>>) dst(%dma_wait3A_357 : memref<5x32x256xf32, #tpu.memory_space<hbm>>)
    %dma_start3A_363 = arith.constant 6 : i32
    %dma_start3A_364 = arith.constant 0 : i32
    %dma_start3A_365 = arith.constant 0 : i32
    %dma_start3A_366 = arith.constant 0 : i32
    %dma_start3A_367 = arith.constant 0 : i32
    %dma_start3A_368 = arith.constant 0 : i32
    %dma_start3A_369 = tpu.memref_slice %arg6[%dma_start3A_364, %dma_start3A_366, %dma_start3A_367, %dma_start3A_368] : memref<3x5x32x256xf32, #tpu.memory_space<vmem>> -> memref<1x5x32x256xf32, #tpu.memory_space<vmem>>
    %dma_start3A_370 = tpu.memref_squeeze %dma_start3A_369 : memref<1x5x32x256xf32, #tpu.memory_space<vmem>> -> memref<5x32x256xf32, #tpu.memory_space<vmem>>
    %dma_start3A_371 = arith.constant 0 : i32
    %dma_start3A_372 = tpu.memref_slice %arg5[%dma_start3A_363, %dma_start3A_371] : memref<49x5xi32, #tpu.memory_space<vmem>> -> memref<1x5xi32, #tpu.memory_space<vmem>>
    %dma_start3A_373 = tpu.memref_squeeze %dma_start3A_372 : memref<1x5xi32, #tpu.memory_space<vmem>> -> memref<5xi32, #tpu.memory_space<vmem>>
    %dma_start3A_374 = arith.constant 0 : i32
    %dma_start3A_375 = arith.constant 0 : i32
    %dma_start3A_376 = arith.constant 0 : i32
    %dma_start3A_377 = tpu.memref_slice %arg3[%dma_start3A_374, %dma_start3A_375, %dma_start3A_376] : memref<7840x32x256xf32, #tpu.memory_space<hbm>> -> memref<7840x32x256xf32, #tpu.memory_space<hbm>>
    %dma_start3A_378 = tpu.memref_slice %arg7[%dma_start3A_365] : memref<3x!tpu.dma_semaphore, #tpu.memory_space<semaphore_mem>> -> memref<1x!tpu.dma_semaphore, #tpu.memory_space<semaphore_mem>>
    %dma_start3A_379 = tpu.memref_squeeze %dma_start3A_378 : memref<1x!tpu.dma_semaphore, #tpu.memory_space<semaphore_mem>> -> memref<!tpu.dma_semaphore, #tpu.memory_space<semaphore_mem>>
    tpu.enqueue_indirect_dma source(%dma_start3A_377 : memref<7840x32x256xf32, #tpu.memory_space<hbm>>) target(%dma_start3A_370 : memref<5x32x256xf32, #tpu.memory_space<vmem>>) offsets(%dma_start3A_373 : memref<5xi32, #tpu.memory_space<vmem>>) semaphore(%dma_start3A_379 : memref<!tpu.dma_semaphore, #tpu.memory_space<semaphore_mem>>)
    %dma_wait3A_380 = arith.constant 4 : i32
    %dma_wait3A_381 = arith.constant 1 : i32
    %dma_wait3A_382 = arith.constant 1 : i32
    %dma_wait3A_383 = arith.constant 0 : i32
    %dma_wait3A_384 = arith.constant 0 : i32
    %dma_wait3A_385 = arith.constant 0 : i32
    %dma_wait3A_386 = tpu.memref_slice %arg6[%dma_wait3A_381, %dma_wait3A_383, %dma_wait3A_384, %dma_wait3A_385] : memref<3x5x32x256xf32, #tpu.memory_space<vmem>> -> memref<1x5x32x256xf32, #tpu.memory_space<vmem>>
    %dma_wait3A_387 = tpu.memref_squeeze %dma_wait3A_386 : memref<1x5x32x256xf32, #tpu.memory_space<vmem>> -> memref<5x32x256xf32, #tpu.memory_space<vmem>>
    %dma_wait3A_388 = arith.constant 0 : i32
    %dma_wait3A_389 = tpu.memref_slice %arg5[%dma_wait3A_380, %dma_wait3A_388] : memref<49x5xi32, #tpu.memory_space<vmem>> -> memref<1x5xi32, #tpu.memory_space<vmem>>
    %dma_wait3A_390 = tpu.memref_squeeze %dma_wait3A_389 : memref<1x5xi32, #tpu.memory_space<vmem>> -> memref<5xi32, #tpu.memory_space<vmem>>
    %dma_wait3A_391 = arith.constant 0 : i32
    %dma_wait3A_392 = arith.constant 0 : i32
    %dma_wait3A_393 = arith.constant 0 : i32
    %dma_wait3A_394 = tpu.memref_slice %arg3[%dma_wait3A_391, %dma_wait3A_392, %dma_wait3A_393] : memref<7840x32x256xf32, #tpu.memory_space<hbm>> -> memref<7840x32x256xf32, #tpu.memory_space<hbm>>
    %dma_wait3A_395 = tpu.memref_slice %arg7[%dma_wait3A_382] : memref<3x!tpu.dma_semaphore, #tpu.memory_space<semaphore_mem>> -> memref<1x!tpu.dma_semaphore, #tpu.memory_space<semaphore_mem>>
    %dma_wait3A_396 = tpu.memref_squeeze %dma_wait3A_395 : memref<1x!tpu.dma_semaphore, #tpu.memory_space<semaphore_mem>> -> memref<!tpu.dma_semaphore, #tpu.memory_space<semaphore_mem>>
    tpu.wait_indirect_dma semaphore(%dma_wait3A_396 : memref<!tpu.dma_semaphore, #tpu.memory_space<semaphore_mem>>) src(%dma_wait3A_394 : memref<7840x32x256xf32, #tpu.memory_space<hbm>>) dst(%dma_wait3A_387 : memref<5x32x256xf32, #tpu.memory_space<vmem>>)
    %add3A_397 = arith.constant 4 : i32
    %add3A_398 = arith.addi %mul3A_2, %add3A_397 : i32
    %mul3A_399 = arith.constant 5 : i32
    %mul3A_400 = arith.muli %add3A_398, %mul3A_399 : i32
    %dma_start3A_401 = arith.constant 1 : i32
    %dma_start3A_402 = arith.constant 1 : i32
    %dma_start3A_403 = arith.constant 0 : i32
    %dma_start3A_404 = arith.constant 0 : i32
    %dma_start3A_405 = arith.constant 0 : i32
    %dma_start3A_406 = tpu.memref_slice %arg6[%dma_start3A_401, %dma_start3A_403, %dma_start3A_404, %dma_start3A_405] : memref<3x5x32x256xf32, #tpu.memory_space<vmem>> -> memref<1x5x32x256xf32, #tpu.memory_space<vmem>>
    %dma_start3A_407 = tpu.memref_squeeze %dma_start3A_406 : memref<1x5x32x256xf32, #tpu.memory_space<vmem>> -> memref<5x32x256xf32, #tpu.memory_space<vmem>>
    %dma_start3A_408 = arith.constant 0 : i32
    %dma_start3A_409 = arith.constant 0 : i32
    %dma_start3A_410 = tpu.memref_slice %arg4[%mul3A_400, %dma_start3A_408, %dma_start3A_409] : memref<7840x32x256xf32, #tpu.memory_space<hbm>> -> memref<5x32x256xf32, #tpu.memory_space<hbm>>
    %dma_start3A_411 = tpu.memref_slice %arg8[%dma_start3A_402] : memref<3x!tpu.dma_semaphore, #tpu.memory_space<semaphore_mem>> -> memref<1x!tpu.dma_semaphore, #tpu.memory_space<semaphore_mem>>
    %dma_start3A_412 = tpu.memref_squeeze %dma_start3A_411 : memref<1x!tpu.dma_semaphore, #tpu.memory_space<semaphore_mem>> -> memref<!tpu.dma_semaphore, #tpu.memory_space<semaphore_mem>>
    %dma_start3A_413 = arith.constant 0 : i32
    %dma_start3A_414 = arith.constant 0 : i32
    %dma_start3A_415 = tpu.memref_slice %arg4[%mul3A_400, %dma_start3A_413, %dma_start3A_414] : memref<7840x32x256xf32, #tpu.memory_space<hbm>> -> memref<5x32x256xf32, #tpu.memory_space<hbm>>
    %dma_start3A_416 = arith.constant 0 : i32
    %dma_start3A_417 = arith.constant 0 : i32
    %dma_start3A_418 = arith.constant 0 : i32
    %dma_start3A_419 = tpu.memref_slice %arg6[%dma_start3A_401, %dma_start3A_416, %dma_start3A_417, %dma_start3A_418] : memref<3x5x32x256xf32, #tpu.memory_space<vmem>> -> memref<1x5x32x256xf32, #tpu.memory_space<vmem>>
    %dma_start3A_420 = tpu.memref_squeeze %dma_start3A_419 : memref<1x5x32x256xf32, #tpu.memory_space<vmem>> -> memref<5x32x256xf32, #tpu.memory_space<vmem>>
    tpu.enqueue_dma source(%dma_start3A_420 : memref<5x32x256xf32, #tpu.memory_space<vmem>>) target(%dma_start3A_415 : memref<5x32x256xf32, #tpu.memory_space<hbm>>) target_semaphore(%dma_start3A_412 : memref<!tpu.dma_semaphore, #tpu.memory_space<semaphore_mem>>)
    %add3A_421 = arith.constant 4 : i32
    %add3A_422 = arith.addi %mul3A_2, %add3A_421 : i32
    %mul3A_423 = arith.constant 5 : i32
    %mul3A_424 = arith.muli %add3A_422, %mul3A_423 : i32
    %dma_wait3A_425 = arith.constant 1 : i32
    %dma_wait3A_426 = arith.constant 1 : i32
    %dma_wait3A_427 = arith.constant 0 : i32
    %dma_wait3A_428 = arith.constant 0 : i32
    %dma_wait3A_429 = arith.constant 0 : i32
    %dma_wait3A_430 = tpu.memref_slice %arg6[%dma_wait3A_425, %dma_wait3A_427, %dma_wait3A_428, %dma_wait3A_429] : memref<3x5x32x256xf32, #tpu.memory_space<vmem>> -> memref<1x5x32x256xf32, #tpu.memory_space<vmem>>
    %dma_wait3A_431 = tpu.memref_squeeze %dma_wait3A_430 : memref<1x5x32x256xf32, #tpu.memory_space<vmem>> -> memref<5x32x256xf32, #tpu.memory_space<vmem>>
    %dma_wait3A_432 = arith.constant 0 : i32
    %dma_wait3A_433 = arith.constant 0 : i32
    %dma_wait3A_434 = tpu.memref_slice %arg4[%mul3A_424, %dma_wait3A_432, %dma_wait3A_433] : memref<7840x32x256xf32, #tpu.memory_space<hbm>> -> memref<5x32x256xf32, #tpu.memory_space<hbm>>
    %dma_wait3A_435 = tpu.memref_slice %arg8[%dma_wait3A_426] : memref<3x!tpu.dma_semaphore, #tpu.memory_space<semaphore_mem>> -> memref<1x!tpu.dma_semaphore, #tpu.memory_space<semaphore_mem>>
    %dma_wait3A_436 = tpu.memref_squeeze %dma_wait3A_435 : memref<1x!tpu.dma_semaphore, #tpu.memory_space<semaphore_mem>> -> memref<!tpu.dma_semaphore, #tpu.memory_space<semaphore_mem>>
    %dma_wait3A_437 = arith.constant 0 : i32
    %dma_wait3A_438 = arith.constant 0 : i32
    %dma_wait3A_439 = tpu.memref_slice %arg4[%mul3A_424, %dma_wait3A_437, %dma_wait3A_438] : memref<7840x32x256xf32, #tpu.memory_space<hbm>> -> memref<5x32x256xf32, #tpu.memory_space<hbm>>
    %dma_wait3A_440 = arith.constant 0 : i32
    %dma_wait3A_441 = arith.constant 0 : i32
    %dma_wait3A_442 = arith.constant 0 : i32
    %dma_wait3A_443 = tpu.memref_slice %arg6[%dma_wait3A_425, %dma_wait3A_440, %dma_wait3A_441, %dma_wait3A_442] : memref<3x5x32x256xf32, #tpu.memory_space<vmem>> -> memref<1x5x32x256xf32, #tpu.memory_space<vmem>>
    %dma_wait3A_444 = tpu.memref_squeeze %dma_wait3A_443 : memref<1x5x32x256xf32, #tpu.memory_space<vmem>> -> memref<5x32x256xf32, #tpu.memory_space<vmem>>
    tpu.wait_dma2 semaphore(%dma_wait3A_436 : memref<!tpu.dma_semaphore, #tpu.memory_space<semaphore_mem>>) src(%dma_wait3A_444 : memref<5x32x256xf32, #tpu.memory_space<vmem>>) dst(%dma_wait3A_439 : memref<5x32x256xf32, #tpu.memory_space<hbm>>)
    %dma_start3A_445 = arith.constant 7 : i32
    %dma_start3A_446 = arith.constant 1 : i32
    %dma_start3A_447 = arith.constant 1 : i32
    %dma_start3A_448 = arith.constant 0 : i32
    %dma_start3A_449 = arith.constant 0 : i32
    %dma_start3A_450 = arith.constant 0 : i32
    %dma_start3A_451 = tpu.memref_slice %arg6[%dma_start3A_446, %dma_start3A_448, %dma_start3A_449, %dma_start3A_450] : memref<3x5x32x256xf32, #tpu.memory_space<vmem>> -> memref<1x5x32x256xf32, #tpu.memory_space<vmem>>
    %dma_start3A_452 = tpu.memref_squeeze %dma_start3A_451 : memref<1x5x32x256xf32, #tpu.memory_space<vmem>> -> memref<5x32x256xf32, #tpu.memory_space<vmem>>
    %dma_start3A_453 = arith.constant 0 : i32
    %dma_start3A_454 = tpu.memref_slice %arg5[%dma_start3A_445, %dma_start3A_453] : memref<49x5xi32, #tpu.memory_space<vmem>> -> memref<1x5xi32, #tpu.memory_space<vmem>>
    %dma_start3A_455 = tpu.memref_squeeze %dma_start3A_454 : memref<1x5xi32, #tpu.memory_space<vmem>> -> memref<5xi32, #tpu.memory_space<vmem>>
    %dma_start3A_456 = arith.constant 0 : i32
    %dma_start3A_457 = arith.constant 0 : i32
    %dma_start3A_458 = arith.constant 0 : i32
    %dma_start3A_459 = tpu.memref_slice %arg3[%dma_start3A_456, %dma_start3A_457, %dma_start3A_458] : memref<7840x32x256xf32, #tpu.memory_space<hbm>> -> memref<7840x32x256xf32, #tpu.memory_space<hbm>>
    %dma_start3A_460 = tpu.memref_slice %arg7[%dma_start3A_447] : memref<3x!tpu.dma_semaphore, #tpu.memory_space<semaphore_mem>> -> memref<1x!tpu.dma_semaphore, #tpu.memory_space<semaphore_mem>>
    %dma_start3A_461 = tpu.memref_squeeze %dma_start3A_460 : memref<1x!tpu.dma_semaphore, #tpu.memory_space<semaphore_mem>> -> memref<!tpu.dma_semaphore, #tpu.memory_space<semaphore_mem>>
    tpu.enqueue_indirect_dma source(%dma_start3A_459 : memref<7840x32x256xf32, #tpu.memory_space<hbm>>) target(%dma_start3A_452 : memref<5x32x256xf32, #tpu.memory_space<vmem>>) offsets(%dma_start3A_455 : memref<5xi32, #tpu.memory_space<vmem>>) semaphore(%dma_start3A_461 : memref<!tpu.dma_semaphore, #tpu.memory_space<semaphore_mem>>)
    %dma_wait3A_462 = arith.constant 5 : i32
    %dma_wait3A_463 = arith.constant 2 : i32
    %dma_wait3A_464 = arith.constant 2 : i32
    %dma_wait3A_465 = arith.constant 0 : i32
    %dma_wait3A_466 = arith.constant 0 : i32
    %dma_wait3A_467 = arith.constant 0 : i32
    %dma_wait3A_468 = tpu.memref_slice %arg6[%dma_wait3A_463, %dma_wait3A_465, %dma_wait3A_466, %dma_wait3A_467] : memref<3x5x32x256xf32, #tpu.memory_space<vmem>> -> memref<1x5x32x256xf32, #tpu.memory_space<vmem>>
    %dma_wait3A_469 = tpu.memref_squeeze %dma_wait3A_468 : memref<1x5x32x256xf32, #tpu.memory_space<vmem>> -> memref<5x32x256xf32, #tpu.memory_space<vmem>>
    %dma_wait3A_470 = arith.constant 0 : i32
    %dma_wait3A_471 = tpu.memref_slice %arg5[%dma_wait3A_462, %dma_wait3A_470] : memref<49x5xi32, #tpu.memory_space<vmem>> -> memref<1x5xi32, #tpu.memory_space<vmem>>
    %dma_wait3A_472 = tpu.memref_squeeze %dma_wait3A_471 : memref<1x5xi32, #tpu.memory_space<vmem>> -> memref<5xi32, #tpu.memory_space<vmem>>
    %dma_wait3A_473 = arith.constant 0 : i32
    %dma_wait3A_474 = arith.constant 0 : i32
    %dma_wait3A_475 = arith.constant 0 : i32
    %dma_wait3A_476 = tpu.memref_slice %arg3[%dma_wait3A_473, %dma_wait3A_474, %dma_wait3A_475] : memref<7840x32x256xf32, #tpu.memory_space<hbm>> -> memref<7840x32x256xf32, #tpu.memory_space<hbm>>
    %dma_wait3A_477 = tpu.memref_slice %arg7[%dma_wait3A_464] : memref<3x!tpu.dma_semaphore, #tpu.memory_space<semaphore_mem>> -> memref<1x!tpu.dma_semaphore, #tpu.memory_space<semaphore_mem>>
    %dma_wait3A_478 = tpu.memref_squeeze %dma_wait3A_477 : memref<1x!tpu.dma_semaphore, #tpu.memory_space<semaphore_mem>> -> memref<!tpu.dma_semaphore, #tpu.memory_space<semaphore_mem>>
    tpu.wait_indirect_dma semaphore(%dma_wait3A_478 : memref<!tpu.dma_semaphore, #tpu.memory_space<semaphore_mem>>) src(%dma_wait3A_476 : memref<7840x32x256xf32, #tpu.memory_space<hbm>>) dst(%dma_wait3A_469 : memref<5x32x256xf32, #tpu.memory_space<vmem>>)
    %add3A_479 = arith.constant 5 : i32
    %add3A_480 = arith.addi %mul3A_2, %add3A_479 : i32
    %mul3A_481 = arith.constant 5 : i32
    %mul3A_482 = arith.muli %add3A_480, %mul3A_481 : i32
    %dma_start3A_483 = arith.constant 2 : i32
    %dma_start3A_484 = arith.constant 2 : i32
    %dma_start3A_485 = arith.constant 0 : i32
    %dma_start3A_486 = arith.constant 0 : i32
    %dma_start3A_487 = arith.constant 0 : i32
    %dma_start3A_488 = tpu.memref_slice %arg6[%dma_start3A_483, %dma_start3A_485, %dma_start3A_486, %dma_start3A_487] : memref<3x5x32x256xf32, #tpu.memory_space<vmem>> -> memref<1x5x32x256xf32, #tpu.memory_space<vmem>>
    %dma_start3A_489 = tpu.memref_squeeze %dma_start3A_488 : memref<1x5x32x256xf32, #tpu.memory_space<vmem>> -> memref<5x32x256xf32, #tpu.memory_space<vmem>>
    %dma_start3A_490 = arith.constant 0 : i32
    %dma_start3A_491 = arith.constant 0 : i32
    %dma_start3A_492 = tpu.memref_slice %arg4[%mul3A_482, %dma_start3A_490, %dma_start3A_491] : memref<7840x32x256xf32, #tpu.memory_space<hbm>> -> memref<5x32x256xf32, #tpu.memory_space<hbm>>
    %dma_start3A_493 = tpu.memref_slice %arg8[%dma_start3A_484] : memref<3x!tpu.dma_semaphore, #tpu.memory_space<semaphore_mem>> -> memref<1x!tpu.dma_semaphore, #tpu.memory_space<semaphore_mem>>
    %dma_start3A_494 = tpu.memref_squeeze %dma_start3A_493 : memref<1x!tpu.dma_semaphore, #tpu.memory_space<semaphore_mem>> -> memref<!tpu.dma_semaphore, #tpu.memory_space<semaphore_mem>>
    %dma_start3A_495 = arith.constant 0 : i32
    %dma_start3A_496 = arith.constant 0 : i32
    %dma_start3A_497 = tpu.memref_slice %arg4[%mul3A_482, %dma_start3A_495, %dma_start3A_496] : memref<7840x32x256xf32, #tpu.memory_space<hbm>> -> memref<5x32x256xf32, #tpu.memory_space<hbm>>
    %dma_start3A_498 = arith.constant 0 : i32
    %dma_start3A_499 = arith.constant 0 : i32
    %dma_start3A_500 = arith.constant 0 : i32
    %dma_start3A_501 = tpu.memref_slice %arg6[%dma_start3A_483, %dma_start3A_498, %dma_start3A_499, %dma_start3A_500] : memref<3x5x32x256xf32, #tpu.memory_space<vmem>> -> memref<1x5x32x256xf32, #tpu.memory_space<vmem>>
    %dma_start3A_502 = tpu.memref_squeeze %dma_start3A_501 : memref<1x5x32x256xf32, #tpu.memory_space<vmem>> -> memref<5x32x256xf32, #tpu.memory_space<vmem>>
    tpu.enqueue_dma source(%dma_start3A_502 : memref<5x32x256xf32, #tpu.memory_space<vmem>>) target(%dma_start3A_497 : memref<5x32x256xf32, #tpu.memory_space<hbm>>) target_semaphore(%dma_start3A_494 : memref<!tpu.dma_semaphore, #tpu.memory_space<semaphore_mem>>)
    %add3A_503 = arith.constant 5 : i32
    %add3A_504 = arith.addi %mul3A_2, %add3A_503 : i32
    %mul3A_505 = arith.constant 5 : i32
    %mul3A_506 = arith.muli %add3A_504, %mul3A_505 : i32
    %dma_wait3A_507 = arith.constant 2 : i32
    %dma_wait3A_508 = arith.constant 2 : i32
    %dma_wait3A_509 = arith.constant 0 : i32
    %dma_wait3A_510 = arith.constant 0 : i32
    %dma_wait3A_511 = arith.constant 0 : i32
    %dma_wait3A_512 = tpu.memref_slice %arg6[%dma_wait3A_507, %dma_wait3A_509, %dma_wait3A_510, %dma_wait3A_511] : memref<3x5x32x256xf32, #tpu.memory_space<vmem>> -> memref<1x5x32x256xf32, #tpu.memory_space<vmem>>
    %dma_wait3A_513 = tpu.memref_squeeze %dma_wait3A_512 : memref<1x5x32x256xf32, #tpu.memory_space<vmem>> -> memref<5x32x256xf32, #tpu.memory_space<vmem>>
    %dma_wait3A_514 = arith.constant 0 : i32
    %dma_wait3A_515 = arith.constant 0 : i32
    %dma_wait3A_516 = tpu.memref_slice %arg4[%mul3A_506, %dma_wait3A_514, %dma_wait3A_515] : memref<7840x32x256xf32, #tpu.memory_space<hbm>> -> memref<5x32x256xf32, #tpu.memory_space<hbm>>
    %dma_wait3A_517 = tpu.memref_slice %arg8[%dma_wait3A_508] : memref<3x!tpu.dma_semaphore, #tpu.memory_space<semaphore_mem>> -> memref<1x!tpu.dma_semaphore, #tpu.memory_space<semaphore_mem>>
    %dma_wait3A_518 = tpu.memref_squeeze %dma_wait3A_517 : memref<1x!tpu.dma_semaphore, #tpu.memory_space<semaphore_mem>> -> memref<!tpu.dma_semaphore, #tpu.memory_space<semaphore_mem>>
    %dma_wait3A_519 = arith.constant 0 : i32
    %dma_wait3A_520 = arith.constant 0 : i32
    %dma_wait3A_521 = tpu.memref_slice %arg4[%mul3A_506, %dma_wait3A_519, %dma_wait3A_520] : memref<7840x32x256xf32, #tpu.memory_space<hbm>> -> memref<5x32x256xf32, #tpu.memory_space<hbm>>
    %dma_wait3A_522 = arith.constant 0 : i32
    %dma_wait3A_523 = arith.constant 0 : i32
    %dma_wait3A_524 = arith.constant 0 : i32
    %dma_wait3A_525 = tpu.memref_slice %arg6[%dma_wait3A_507, %dma_wait3A_522, %dma_wait3A_523, %dma_wait3A_524] : memref<3x5x32x256xf32, #tpu.memory_space<vmem>> -> memref<1x5x32x256xf32, #tpu.memory_space<vmem>>
    %dma_wait3A_526 = tpu.memref_squeeze %dma_wait3A_525 : memref<1x5x32x256xf32, #tpu.memory_space<vmem>> -> memref<5x32x256xf32, #tpu.memory_space<vmem>>
    tpu.wait_dma2 semaphore(%dma_wait3A_518 : memref<!tpu.dma_semaphore, #tpu.memory_space<semaphore_mem>>) src(%dma_wait3A_526 : memref<5x32x256xf32, #tpu.memory_space<vmem>>) dst(%dma_wait3A_521 : memref<5x32x256xf32, #tpu.memory_space<hbm>>)
    %dma_start3A_527 = arith.constant 8 : i32
    %dma_start3A_528 = arith.constant 2 : i32
    %dma_start3A_529 = arith.constant 2 : i32
    %dma_start3A_530 = arith.constant 0 : i32
    %dma_start3A_531 = arith.constant 0 : i32
    %dma_start3A_532 = arith.constant 0 : i32
    %dma_start3A_533 = tpu.memref_slice %arg6[%dma_start3A_528, %dma_start3A_530, %dma_start3A_531, %dma_start3A_532] : memref<3x5x32x256xf32, #tpu.memory_space<vmem>> -> memref<1x5x32x256xf32, #tpu.memory_space<vmem>>
    %dma_start3A_534 = tpu.memref_squeeze %dma_start3A_533 : memref<1x5x32x256xf32, #tpu.memory_space<vmem>> -> memref<5x32x256xf32, #tpu.memory_space<vmem>>
    %dma_start3A_535 = arith.constant 0 : i32
    %dma_start3A_536 = tpu.memref_slice %arg5[%dma_start3A_527, %dma_start3A_535] : memref<49x5xi32, #tpu.memory_space<vmem>> -> memref<1x5xi32, #tpu.memory_space<vmem>>
    %dma_start3A_537 = tpu.memref_squeeze %dma_start3A_536 : memref<1x5xi32, #tpu.memory_space<vmem>> -> memref<5xi32, #tpu.memory_space<vmem>>
    %dma_start3A_538 = arith.constant 0 : i32
    %dma_start3A_539 = arith.constant 0 : i32
    %dma_start3A_540 = arith.constant 0 : i32
    %dma_start3A_541 = tpu.memref_slice %arg3[%dma_start3A_538, %dma_start3A_539, %dma_start3A_540] : memref<7840x32x256xf32, #tpu.memory_space<hbm>> -> memref<7840x32x256xf32, #tpu.memory_space<hbm>>
    %dma_start3A_542 = tpu.memref_slice %arg7[%dma_start3A_529] : memref<3x!tpu.dma_semaphore, #tpu.memory_space<semaphore_mem>> -> memref<1x!tpu.dma_semaphore, #tpu.memory_space<semaphore_mem>>
    %dma_start3A_543 = tpu.memref_squeeze %dma_start3A_542 : memref<1x!tpu.dma_semaphore, #tpu.memory_space<semaphore_mem>> -> memref<!tpu.dma_semaphore, #tpu.memory_space<semaphore_mem>>
    tpu.enqueue_indirect_dma source(%dma_start3A_541 : memref<7840x32x256xf32, #tpu.memory_space<hbm>>) target(%dma_start3A_534 : memref<5x32x256xf32, #tpu.memory_space<vmem>>) offsets(%dma_start3A_537 : memref<5xi32, #tpu.memory_space<vmem>>) semaphore(%dma_start3A_543 : memref<!tpu.dma_semaphore, #tpu.memory_space<semaphore_mem>>)
    %dma_wait3A_544 = arith.constant 6 : i32
    %dma_wait3A_545 = arith.constant 0 : i32
    %dma_wait3A_546 = arith.constant 0 : i32
    %dma_wait3A_547 = arith.constant 0 : i32
    %dma_wait3A_548 = arith.constant 0 : i32
    %dma_wait3A_549 = arith.constant 0 : i32
    %dma_wait3A_550 = tpu.memref_slice %arg6[%dma_wait3A_545, %dma_wait3A_547, %dma_wait3A_548, %dma_wait3A_549] : memref<3x5x32x256xf32, #tpu.memory_space<vmem>> -> memref<1x5x32x256xf32, #tpu.memory_space<vmem>>
    %dma_wait3A_551 = tpu.memref_squeeze %dma_wait3A_550 : memref<1x5x32x256xf32, #tpu.memory_space<vmem>> -> memref<5x32x256xf32, #tpu.memory_space<vmem>>
    %dma_wait3A_552 = arith.constant 0 : i32
    %dma_wait3A_553 = tpu.memref_slice %arg5[%dma_wait3A_544, %dma_wait3A_552] : memref<49x5xi32, #tpu.memory_space<vmem>> -> memref<1x5xi32, #tpu.memory_space<vmem>>
    %dma_wait3A_554 = tpu.memref_squeeze %dma_wait3A_553 : memref<1x5xi32, #tpu.memory_space<vmem>> -> memref<5xi32, #tpu.memory_space<vmem>>
    %dma_wait3A_555 = arith.constant 0 : i32
    %dma_wait3A_556 = arith.constant 0 : i32
    %dma_wait3A_557 = arith.constant 0 : i32
    %dma_wait3A_558 = tpu.memref_slice %arg3[%dma_wait3A_555, %dma_wait3A_556, %dma_wait3A_557] : memref<7840x32x256xf32, #tpu.memory_space<hbm>> -> memref<7840x32x256xf32, #tpu.memory_space<hbm>>
    %dma_wait3A_559 = tpu.memref_slice %arg7[%dma_wait3A_546] : memref<3x!tpu.dma_semaphore, #tpu.memory_space<semaphore_mem>> -> memref<1x!tpu.dma_semaphore, #tpu.memory_space<semaphore_mem>>
    %dma_wait3A_560 = tpu.memref_squeeze %dma_wait3A_559 : memref<1x!tpu.dma_semaphore, #tpu.memory_space<semaphore_mem>> -> memref<!tpu.dma_semaphore, #tpu.memory_space<semaphore_mem>>
    tpu.wait_indirect_dma semaphore(%dma_wait3A_560 : memref<!tpu.dma_semaphore, #tpu.memory_space<semaphore_mem>>) src(%dma_wait3A_558 : memref<7840x32x256xf32, #tpu.memory_space<hbm>>) dst(%dma_wait3A_551 : memref<5x32x256xf32, #tpu.memory_space<vmem>>)
    %add3A_561 = arith.constant 6 : i32
    %add3A_562 = arith.addi %mul3A_2, %add3A_561 : i32
    %mul3A_563 = arith.constant 5 : i32
    %mul3A_564 = arith.muli %add3A_562, %mul3A_563 : i32
    %dma_start3A_565 = arith.constant 0 : i32
    %dma_start3A_566 = arith.constant 0 : i32
    %dma_start3A_567 = arith.constant 0 : i32
    %dma_start3A_568 = arith.constant 0 : i32
    %dma_start3A_569 = arith.constant 0 : i32
    %dma_start3A_570 = tpu.memref_slice %arg6[%dma_start3A_565, %dma_start3A_567, %dma_start3A_568, %dma_start3A_569] : memref<3x5x32x256xf32, #tpu.memory_space<vmem>> -> memref<1x5x32x256xf32, #tpu.memory_space<vmem>>
    %dma_start3A_571 = tpu.memref_squeeze %dma_start3A_570 : memref<1x5x32x256xf32, #tpu.memory_space<vmem>> -> memref<5x32x256xf32, #tpu.memory_space<vmem>>
    %dma_start3A_572 = arith.constant 0 : i32
    %dma_start3A_573 = arith.constant 0 : i32
    %dma_start3A_574 = tpu.memref_slice %arg4[%mul3A_564, %dma_start3A_572, %dma_start3A_573] : memref<7840x32x256xf32, #tpu.memory_space<hbm>> -> memref<5x32x256xf32, #tpu.memory_space<hbm>>
    %dma_start3A_575 = tpu.memref_slice %arg8[%dma_start3A_566] : memref<3x!tpu.dma_semaphore, #tpu.memory_space<semaphore_mem>> -> memref<1x!tpu.dma_semaphore, #tpu.memory_space<semaphore_mem>>
    %dma_start3A_576 = tpu.memref_squeeze %dma_start3A_575 : memref<1x!tpu.dma_semaphore, #tpu.memory_space<semaphore_mem>> -> memref<!tpu.dma_semaphore, #tpu.memory_space<semaphore_mem>>
    %dma_start3A_577 = arith.constant 0 : i32
    %dma_start3A_578 = arith.constant 0 : i32
    %dma_start3A_579 = tpu.memref_slice %arg4[%mul3A_564, %dma_start3A_577, %dma_start3A_578] : memref<7840x32x256xf32, #tpu.memory_space<hbm>> -> memref<5x32x256xf32, #tpu.memory_space<hbm>>
    %dma_start3A_580 = arith.constant 0 : i32
    %dma_start3A_581 = arith.constant 0 : i32
    %dma_start3A_582 = arith.constant 0 : i32
    %dma_start3A_583 = tpu.memref_slice %arg6[%dma_start3A_565, %dma_start3A_580, %dma_start3A_581, %dma_start3A_582] : memref<3x5x32x256xf32, #tpu.memory_space<vmem>> -> memref<1x5x32x256xf32, #tpu.memory_space<vmem>>
    %dma_start3A_584 = tpu.memref_squeeze %dma_start3A_583 : memref<1x5x32x256xf32, #tpu.memory_space<vmem>> -> memref<5x32x256xf32, #tpu.memory_space<vmem>>
    tpu.enqueue_dma source(%dma_start3A_584 : memref<5x32x256xf32, #tpu.memory_space<vmem>>) target(%dma_start3A_579 : memref<5x32x256xf32, #tpu.memory_space<hbm>>) target_semaphore(%dma_start3A_576 : memref<!tpu.dma_semaphore, #tpu.memory_space<semaphore_mem>>)
    %add3A_585 = arith.constant 6 : i32
    %add3A_586 = arith.addi %mul3A_2, %add3A_585 : i32
    %mul3A_587 = arith.constant 5 : i32
    %mul3A_588 = arith.muli %add3A_586, %mul3A_587 : i32
    %dma_wait3A_589 = arith.constant 0 : i32
    %dma_wait3A_590 = arith.constant 0 : i32
    %dma_wait3A_591 = arith.constant 0 : i32
    %dma_wait3A_592 = arith.constant 0 : i32
    %dma_wait3A_593 = arith.constant 0 : i32
    %dma_wait3A_594 = tpu.memref_slice %arg6[%dma_wait3A_589, %dma_wait3A_591, %dma_wait3A_592, %dma_wait3A_593] : memref<3x5x32x256xf32, #tpu.memory_space<vmem>> -> memref<1x5x32x256xf32, #tpu.memory_space<vmem>>
    %dma_wait3A_595 = tpu.memref_squeeze %dma_wait3A_594 : memref<1x5x32x256xf32, #tpu.memory_space<vmem>> -> memref<5x32x256xf32, #tpu.memory_space<vmem>>
    %dma_wait3A_596 = arith.constant 0 : i32
    %dma_wait3A_597 = arith.constant 0 : i32
    %dma_wait3A_598 = tpu.memref_slice %arg4[%mul3A_588, %dma_wait3A_596, %dma_wait3A_597] : memref<7840x32x256xf32, #tpu.memory_space<hbm>> -> memref<5x32x256xf32, #tpu.memory_space<hbm>>
    %dma_wait3A_599 = tpu.memref_slice %arg8[%dma_wait3A_590] : memref<3x!tpu.dma_semaphore, #tpu.memory_space<semaphore_mem>> -> memref<1x!tpu.dma_semaphore, #tpu.memory_space<semaphore_mem>>
    %dma_wait3A_600 = tpu.memref_squeeze %dma_wait3A_599 : memref<1x!tpu.dma_semaphore, #tpu.memory_space<semaphore_mem>> -> memref<!tpu.dma_semaphore, #tpu.memory_space<semaphore_mem>>
    %dma_wait3A_601 = arith.constant 0 : i32
    %dma_wait3A_602 = arith.constant 0 : i32
    %dma_wait3A_603 = tpu.memref_slice %arg4[%mul3A_588, %dma_wait3A_601, %dma_wait3A_602] : memref<7840x32x256xf32, #tpu.memory_space<hbm>> -> memref<5x32x256xf32, #tpu.memory_space<hbm>>
    %dma_wait3A_604 = arith.constant 0 : i32
    %dma_wait3A_605 = arith.constant 0 : i32
    %dma_wait3A_606 = arith.constant 0 : i32
    %dma_wait3A_607 = tpu.memref_slice %arg6[%dma_wait3A_589, %dma_wait3A_604, %dma_wait3A_605, %dma_wait3A_606] : memref<3x5x32x256xf32, #tpu.memory_space<vmem>> -> memref<1x5x32x256xf32, #tpu.memory_space<vmem>>
    %dma_wait3A_608 = tpu.memref_squeeze %dma_wait3A_607 : memref<1x5x32x256xf32, #tpu.memory_space<vmem>> -> memref<5x32x256xf32, #tpu.memory_space<vmem>>
    tpu.wait_dma2 semaphore(%dma_wait3A_600 : memref<!tpu.dma_semaphore, #tpu.memory_space<semaphore_mem>>) src(%dma_wait3A_608 : memref<5x32x256xf32, #tpu.memory_space<vmem>>) dst(%dma_wait3A_603 : memref<5x32x256xf32, #tpu.memory_space<hbm>>)
    %dma_start3A_609 = arith.constant 9 : i32
    %dma_start3A_610 = arith.constant 0 : i32
    %dma_start3A_611 = arith.constant 0 : i32
    %dma_start3A_612 = arith.constant 0 : i32
    %dma_start3A_613 = arith.constant 0 : i32
    %dma_start3A_614 = arith.constant 0 : i32
    %dma_start3A_615 = tpu.memref_slice %arg6[%dma_start3A_610, %dma_start3A_612, %dma_start3A_613, %dma_start3A_614] : memref<3x5x32x256xf32, #tpu.memory_space<vmem>> -> memref<1x5x32x256xf32, #tpu.memory_space<vmem>>
    %dma_start3A_616 = tpu.memref_squeeze %dma_start3A_615 : memref<1x5x32x256xf32, #tpu.memory_space<vmem>> -> memref<5x32x256xf32, #tpu.memory_space<vmem>>
    %dma_start3A_617 = arith.constant 0 : i32
    %dma_start3A_618 = tpu.memref_slice %arg5[%dma_start3A_609, %dma_start3A_617] : memref<49x5xi32, #tpu.memory_space<vmem>> -> memref<1x5xi32, #tpu.memory_space<vmem>>
    %dma_start3A_619 = tpu.memref_squeeze %dma_start3A_618 : memref<1x5xi32, #tpu.memory_space<vmem>> -> memref<5xi32, #tpu.memory_space<vmem>>
    %dma_start3A_620 = arith.constant 0 : i32
    %dma_start3A_621 = arith.constant 0 : i32
    %dma_start3A_622 = arith.constant 0 : i32
    %dma_start3A_623 = tpu.memref_slice %arg3[%dma_start3A_620, %dma_start3A_621, %dma_start3A_622] : memref<7840x32x256xf32, #tpu.memory_space<hbm>> -> memref<7840x32x256xf32, #tpu.memory_space<hbm>>
    %dma_start3A_624 = tpu.memref_slice %arg7[%dma_start3A_611] : memref<3x!tpu.dma_semaphore, #tpu.memory_space<semaphore_mem>> -> memref<1x!tpu.dma_semaphore, #tpu.memory_space<semaphore_mem>>
    %dma_start3A_625 = tpu.memref_squeeze %dma_start3A_624 : memref<1x!tpu.dma_semaphore, #tpu.memory_space<semaphore_mem>> -> memref<!tpu.dma_semaphore, #tpu.memory_space<semaphore_mem>>
    tpu.enqueue_indirect_dma source(%dma_start3A_623 : memref<7840x32x256xf32, #tpu.memory_space<hbm>>) target(%dma_start3A_616 : memref<5x32x256xf32, #tpu.memory_space<vmem>>) offsets(%dma_start3A_619 : memref<5xi32, #tpu.memory_space<vmem>>) semaphore(%dma_start3A_625 : memref<!tpu.dma_semaphore, #tpu.memory_space<semaphore_mem>>)
    %dma_wait3A_626 = arith.constant 7 : i32
    %dma_wait3A_627 = arith.constant 1 : i32
    %dma_wait3A_628 = arith.constant 1 : i32
    %dma_wait3A_629 = arith.constant 0 : i32
    %dma_wait3A_630 = arith.constant 0 : i32
    %dma_wait3A_631 = arith.constant 0 : i32
    %dma_wait3A_632 = tpu.memref_slice %arg6[%dma_wait3A_627, %dma_wait3A_629, %dma_wait3A_630, %dma_wait3A_631] : memref<3x5x32x256xf32, #tpu.memory_space<vmem>> -> memref<1x5x32x256xf32, #tpu.memory_space<vmem>>
    %dma_wait3A_633 = tpu.memref_squeeze %dma_wait3A_632 : memref<1x5x32x256xf32, #tpu.memory_space<vmem>> -> memref<5x32x256xf32, #tpu.memory_space<vmem>>
    %dma_wait3A_634 = arith.constant 0 : i32
    %dma_wait3A_635 = tpu.memref_slice %arg5[%dma_wait3A_626, %dma_wait3A_634] : memref<49x5xi32, #tpu.memory_space<vmem>> -> memref<1x5xi32, #tpu.memory_space<vmem>>
    %dma_wait3A_636 = tpu.memref_squeeze %dma_wait3A_635 : memref<1x5xi32, #tpu.memory_space<vmem>> -> memref<5xi32, #tpu.memory_space<vmem>>
    %dma_wait3A_637 = arith.constant 0 : i32
    %dma_wait3A_638 = arith.constant 0 : i32
    %dma_wait3A_639 = arith.constant 0 : i32
    %dma_wait3A_640 = tpu.memref_slice %arg3[%dma_wait3A_637, %dma_wait3A_638, %dma_wait3A_639] : memref<7840x32x256xf32, #tpu.memory_space<hbm>> -> memref<7840x32x256xf32, #tpu.memory_space<hbm>>
    %dma_wait3A_641 = tpu.memref_slice %arg7[%dma_wait3A_628] : memref<3x!tpu.dma_semaphore, #tpu.memory_space<semaphore_mem>> -> memref<1x!tpu.dma_semaphore, #tpu.memory_space<semaphore_mem>>
    %dma_wait3A_642 = tpu.memref_squeeze %dma_wait3A_641 : memref<1x!tpu.dma_semaphore, #tpu.memory_space<semaphore_mem>> -> memref<!tpu.dma_semaphore, #tpu.memory_space<semaphore_mem>>
    tpu.wait_indirect_dma semaphore(%dma_wait3A_642 : memref<!tpu.dma_semaphore, #tpu.memory_space<semaphore_mem>>) src(%dma_wait3A_640 : memref<7840x32x256xf32, #tpu.memory_space<hbm>>) dst(%dma_wait3A_633 : memref<5x32x256xf32, #tpu.memory_space<vmem>>)
    %add3A_643 = arith.constant 7 : i32
    %add3A_644 = arith.addi %mul3A_2, %add3A_643 : i32
    %mul3A_645 = arith.constant 5 : i32
    %mul3A_646 = arith.muli %add3A_644, %mul3A_645 : i32
    %dma_start3A_647 = arith.constant 1 : i32
    %dma_start3A_648 = arith.constant 1 : i32
    %dma_start3A_649 = arith.constant 0 : i32
    %dma_start3A_650 = arith.constant 0 : i32
    %dma_start3A_651 = arith.constant 0 : i32
    %dma_start3A_652 = tpu.memref_slice %arg6[%dma_start3A_647, %dma_start3A_649, %dma_start3A_650, %dma_start3A_651] : memref<3x5x32x256xf32, #tpu.memory_space<vmem>> -> memref<1x5x32x256xf32, #tpu.memory_space<vmem>>
    %dma_start3A_653 = tpu.memref_squeeze %dma_start3A_652 : memref<1x5x32x256xf32, #tpu.memory_space<vmem>> -> memref<5x32x256xf32, #tpu.memory_space<vmem>>
    %dma_start3A_654 = arith.constant 0 : i32
    %dma_start3A_655 = arith.constant 0 : i32
    %dma_start3A_656 = tpu.memref_slice %arg4[%mul3A_646, %dma_start3A_654, %dma_start3A_655] : memref<7840x32x256xf32, #tpu.memory_space<hbm>> -> memref<5x32x256xf32, #tpu.memory_space<hbm>>
    %dma_start3A_657 = tpu.memref_slice %arg8[%dma_start3A_648] : memref<3x!tpu.dma_semaphore, #tpu.memory_space<semaphore_mem>> -> memref<1x!tpu.dma_semaphore, #tpu.memory_space<semaphore_mem>>
    %dma_start3A_658 = tpu.memref_squeeze %dma_start3A_657 : memref<1x!tpu.dma_semaphore, #tpu.memory_space<semaphore_mem>> -> memref<!tpu.dma_semaphore, #tpu.memory_space<semaphore_mem>>
    %dma_start3A_659 = arith.constant 0 : i32
    %dma_start3A_660 = arith.constant 0 : i32
    %dma_start3A_661 = tpu.memref_slice %arg4[%mul3A_646, %dma_start3A_659, %dma_start3A_660] : memref<7840x32x256xf32, #tpu.memory_space<hbm>> -> memref<5x32x256xf32, #tpu.memory_space<hbm>>
    %dma_start3A_662 = arith.constant 0 : i32
    %dma_start3A_663 = arith.constant 0 : i32
    %dma_start3A_664 = arith.constant 0 : i32
    %dma_start3A_665 = tpu.memref_slice %arg6[%dma_start3A_647, %dma_start3A_662, %dma_start3A_663, %dma_start3A_664] : memref<3x5x32x256xf32, #tpu.memory_space<vmem>> -> memref<1x5x32x256xf32, #tpu.memory_space<vmem>>
    %dma_start3A_666 = tpu.memref_squeeze %dma_start3A_665 : memref<1x5x32x256xf32, #tpu.memory_space<vmem>> -> memref<5x32x256xf32, #tpu.memory_space<vmem>>
    tpu.enqueue_dma source(%dma_start3A_666 : memref<5x32x256xf32, #tpu.memory_space<vmem>>) target(%dma_start3A_661 : memref<5x32x256xf32, #tpu.memory_space<hbm>>) target_semaphore(%dma_start3A_658 : memref<!tpu.dma_semaphore, #tpu.memory_space<semaphore_mem>>)
    %add3A_667 = arith.constant 7 : i32
    %add3A_668 = arith.addi %mul3A_2, %add3A_667 : i32
    %mul3A_669 = arith.constant 5 : i32
    %mul3A_670 = arith.muli %add3A_668, %mul3A_669 : i32
    %dma_wait3A_671 = arith.constant 1 : i32
    %dma_wait3A_672 = arith.constant 1 : i32
    %dma_wait3A_673 = arith.constant 0 : i32
    %dma_wait3A_674 = arith.constant 0 : i32
    %dma_wait3A_675 = arith.constant 0 : i32
    %dma_wait3A_676 = tpu.memref_slice %arg6[%dma_wait3A_671, %dma_wait3A_673, %dma_wait3A_674, %dma_wait3A_675] : memref<3x5x32x256xf32, #tpu.memory_space<vmem>> -> memref<1x5x32x256xf32, #tpu.memory_space<vmem>>
    %dma_wait3A_677 = tpu.memref_squeeze %dma_wait3A_676 : memref<1x5x32x256xf32, #tpu.memory_space<vmem>> -> memref<5x32x256xf32, #tpu.memory_space<vmem>>
    %dma_wait3A_678 = arith.constant 0 : i32
    %dma_wait3A_679 = arith.constant 0 : i32
    %dma_wait3A_680 = tpu.memref_slice %arg4[%mul3A_670, %dma_wait3A_678, %dma_wait3A_679] : memref<7840x32x256xf32, #tpu.memory_space<hbm>> -> memref<5x32x256xf32, #tpu.memory_space<hbm>>
    %dma_wait3A_681 = tpu.memref_slice %arg8[%dma_wait3A_672] : memref<3x!tpu.dma_semaphore, #tpu.memory_space<semaphore_mem>> -> memref<1x!tpu.dma_semaphore, #tpu.memory_space<semaphore_mem>>
    %dma_wait3A_682 = tpu.memref_squeeze %dma_wait3A_681 : memref<1x!tpu.dma_semaphore, #tpu.memory_space<semaphore_mem>> -> memref<!tpu.dma_semaphore, #tpu.memory_space<semaphore_mem>>
    %dma_wait3A_683 = arith.constant 0 : i32
    %dma_wait3A_684 = arith.constant 0 : i32
    %dma_wait3A_685 = tpu.memref_slice %arg4[%mul3A_670, %dma_wait3A_683, %dma_wait3A_684] : memref<7840x32x256xf32, #tpu.memory_space<hbm>> -> memref<5x32x256xf32, #tpu.memory_space<hbm>>
    %dma_wait3A_686 = arith.constant 0 : i32
    %dma_wait3A_687 = arith.constant 0 : i32
    %dma_wait3A_688 = arith.constant 0 : i32
    %dma_wait3A_689 = tpu.memref_slice %arg6[%dma_wait3A_671, %dma_wait3A_686, %dma_wait3A_687, %dma_wait3A_688] : memref<3x5x32x256xf32, #tpu.memory_space<vmem>> -> memref<1x5x32x256xf32, #tpu.memory_space<vmem>>
    %dma_wait3A_690 = tpu.memref_squeeze %dma_wait3A_689 : memref<1x5x32x256xf32, #tpu.memory_space<vmem>> -> memref<5x32x256xf32, #tpu.memory_space<vmem>>
    tpu.wait_dma2 semaphore(%dma_wait3A_682 : memref<!tpu.dma_semaphore, #tpu.memory_space<semaphore_mem>>) src(%dma_wait3A_690 : memref<5x32x256xf32, #tpu.memory_space<vmem>>) dst(%dma_wait3A_685 : memref<5x32x256xf32, #tpu.memory_space<hbm>>)
    %dma_start3A_691 = arith.constant 10 : i32
    %dma_start3A_692 = arith.constant 1 : i32
    %dma_start3A_693 = arith.constant 1 : i32
    %dma_start3A_694 = arith.constant 0 : i32
    %dma_start3A_695 = arith.constant 0 : i32
    %dma_start3A_696 = arith.constant 0 : i32
    %dma_start3A_697 = tpu.memref_slice %arg6[%dma_start3A_692, %dma_start3A_694, %dma_start3A_695, %dma_start3A_696] : memref<3x5x32x256xf32, #tpu.memory_space<vmem>> -> memref<1x5x32x256xf32, #tpu.memory_space<vmem>>
    %dma_start3A_698 = tpu.memref_squeeze %dma_start3A_697 : memref<1x5x32x256xf32, #tpu.memory_space<vmem>> -> memref<5x32x256xf32, #tpu.memory_space<vmem>>
    %dma_start3A_699 = arith.constant 0 : i32
    %dma_start3A_700 = tpu.memref_slice %arg5[%dma_start3A_691, %dma_start3A_699] : memref<49x5xi32, #tpu.memory_space<vmem>> -> memref<1x5xi32, #tpu.memory_space<vmem>>
    %dma_start3A_701 = tpu.memref_squeeze %dma_start3A_700 : memref<1x5xi32, #tpu.memory_space<vmem>> -> memref<5xi32, #tpu.memory_space<vmem>>
    %dma_start3A_702 = arith.constant 0 : i32
    %dma_start3A_703 = arith.constant 0 : i32
    %dma_start3A_704 = arith.constant 0 : i32
    %dma_start3A_705 = tpu.memref_slice %arg3[%dma_start3A_702, %dma_start3A_703, %dma_start3A_704] : memref<7840x32x256xf32, #tpu.memory_space<hbm>> -> memref<7840x32x256xf32, #tpu.memory_space<hbm>>
    %dma_start3A_706 = tpu.memref_slice %arg7[%dma_start3A_693] : memref<3x!tpu.dma_semaphore, #tpu.memory_space<semaphore_mem>> -> memref<1x!tpu.dma_semaphore, #tpu.memory_space<semaphore_mem>>
    %dma_start3A_707 = tpu.memref_squeeze %dma_start3A_706 : memref<1x!tpu.dma_semaphore, #tpu.memory_space<semaphore_mem>> -> memref<!tpu.dma_semaphore, #tpu.memory_space<semaphore_mem>>
    tpu.enqueue_indirect_dma source(%dma_start3A_705 : memref<7840x32x256xf32, #tpu.memory_space<hbm>>) target(%dma_start3A_698 : memref<5x32x256xf32, #tpu.memory_space<vmem>>) offsets(%dma_start3A_701 : memref<5xi32, #tpu.memory_space<vmem>>) semaphore(%dma_start3A_707 : memref<!tpu.dma_semaphore, #tpu.memory_space<semaphore_mem>>)
    %dma_wait3A_708 = arith.constant 8 : i32
    %dma_wait3A_709 = arith.constant 2 : i32
    %dma_wait3A_710 = arith.constant 2 : i32
    %dma_wait3A_711 = arith.constant 0 : i32
    %dma_wait3A_712 = arith.constant 0 : i32
    %dma_wait3A_713 = arith.constant 0 : i32
    %dma_wait3A_714 = tpu.memref_slice %arg6[%dma_wait3A_709, %dma_wait3A_711, %dma_wait3A_712, %dma_wait3A_713] : memref<3x5x32x256xf32, #tpu.memory_space<vmem>> -> memref<1x5x32x256xf32, #tpu.memory_space<vmem>>
    %dma_wait3A_715 = tpu.memref_squeeze %dma_wait3A_714 : memref<1x5x32x256xf32, #tpu.memory_space<vmem>> -> memref<5x32x256xf32, #tpu.memory_space<vmem>>
    %dma_wait3A_716 = arith.constant 0 : i32
    %dma_wait3A_717 = tpu.memref_slice %arg5[%dma_wait3A_708, %dma_wait3A_716] : memref<49x5xi32, #tpu.memory_space<vmem>> -> memref<1x5xi32, #tpu.memory_space<vmem>>
    %dma_wait3A_718 = tpu.memref_squeeze %dma_wait3A_717 : memref<1x5xi32, #tpu.memory_space<vmem>> -> memref<5xi32, #tpu.memory_space<vmem>>
    %dma_wait3A_719 = arith.constant 0 : i32
    %dma_wait3A_720 = arith.constant 0 : i32
    %dma_wait3A_721 = arith.constant 0 : i32
    %dma_wait3A_722 = tpu.memref_slice %arg3[%dma_wait3A_719, %dma_wait3A_720, %dma_wait3A_721] : memref<7840x32x256xf32, #tpu.memory_space<hbm>> -> memref<7840x32x256xf32, #tpu.memory_space<hbm>>
    %dma_wait3A_723 = tpu.memref_slice %arg7[%dma_wait3A_710] : memref<3x!tpu.dma_semaphore, #tpu.memory_space<semaphore_mem>> -> memref<1x!tpu.dma_semaphore, #tpu.memory_space<semaphore_mem>>
    %dma_wait3A_724 = tpu.memref_squeeze %dma_wait3A_723 : memref<1x!tpu.dma_semaphore, #tpu.memory_space<semaphore_mem>> -> memref<!tpu.dma_semaphore, #tpu.memory_space<semaphore_mem>>
    tpu.wait_indirect_dma semaphore(%dma_wait3A_724 : memref<!tpu.dma_semaphore, #tpu.memory_space<semaphore_mem>>) src(%dma_wait3A_722 : memref<7840x32x256xf32, #tpu.memory_space<hbm>>) dst(%dma_wait3A_715 : memref<5x32x256xf32, #tpu.memory_space<vmem>>)
    %add3A_725 = arith.constant 8 : i32
    %add3A_726 = arith.addi %mul3A_2, %add3A_725 : i32
    %mul3A_727 = arith.constant 5 : i32
    %mul3A_728 = arith.muli %add3A_726, %mul3A_727 : i32
    %dma_start3A_729 = arith.constant 2 : i32
    %dma_start3A_730 = arith.constant 2 : i32
    %dma_start3A_731 = arith.constant 0 : i32
    %dma_start3A_732 = arith.constant 0 : i32
    %dma_start3A_733 = arith.constant 0 : i32
    %dma_start3A_734 = tpu.memref_slice %arg6[%dma_start3A_729, %dma_start3A_731, %dma_start3A_732, %dma_start3A_733] : memref<3x5x32x256xf32, #tpu.memory_space<vmem>> -> memref<1x5x32x256xf32, #tpu.memory_space<vmem>>
    %dma_start3A_735 = tpu.memref_squeeze %dma_start3A_734 : memref<1x5x32x256xf32, #tpu.memory_space<vmem>> -> memref<5x32x256xf32, #tpu.memory_space<vmem>>
    %dma_start3A_736 = arith.constant 0 : i32
    %dma_start3A_737 = arith.constant 0 : i32
    %dma_start3A_738 = tpu.memref_slice %arg4[%mul3A_728, %dma_start3A_736, %dma_start3A_737] : memref<7840x32x256xf32, #tpu.memory_space<hbm>> -> memref<5x32x256xf32, #tpu.memory_space<hbm>>
    %dma_start3A_739 = tpu.memref_slice %arg8[%dma_start3A_730] : memref<3x!tpu.dma_semaphore, #tpu.memory_space<semaphore_mem>> -> memref<1x!tpu.dma_semaphore, #tpu.memory_space<semaphore_mem>>
    %dma_start3A_740 = tpu.memref_squeeze %dma_start3A_739 : memref<1x!tpu.dma_semaphore, #tpu.memory_space<semaphore_mem>> -> memref<!tpu.dma_semaphore, #tpu.memory_space<semaphore_mem>>
    %dma_start3A_741 = arith.constant 0 : i32
    %dma_start3A_742 = arith.constant 0 : i32
    %dma_start3A_743 = tpu.memref_slice %arg4[%mul3A_728, %dma_start3A_741, %dma_start3A_742] : memref<7840x32x256xf32, #tpu.memory_space<hbm>> -> memref<5x32x256xf32, #tpu.memory_space<hbm>>
    %dma_start3A_744 = arith.constant 0 : i32
    %dma_start3A_745 = arith.constant 0 : i32
    %dma_start3A_746 = arith.constant 0 : i32
    %dma_start3A_747 = tpu.memref_slice %arg6[%dma_start3A_729, %dma_start3A_744, %dma_start3A_745, %dma_start3A_746] : memref<3x5x32x256xf32, #tpu.memory_space<vmem>> -> memref<1x5x32x256xf32, #tpu.memory_space<vmem>>
    %dma_start3A_748 = tpu.memref_squeeze %dma_start3A_747 : memref<1x5x32x256xf32, #tpu.memory_space<vmem>> -> memref<5x32x256xf32, #tpu.memory_space<vmem>>
    tpu.enqueue_dma source(%dma_start3A_748 : memref<5x32x256xf32, #tpu.memory_space<vmem>>) target(%dma_start3A_743 : memref<5x32x256xf32, #tpu.memory_space<hbm>>) target_semaphore(%dma_start3A_740 : memref<!tpu.dma_semaphore, #tpu.memory_space<semaphore_mem>>)
    %add3A_749 = arith.constant 8 : i32
    %add3A_750 = arith.addi %mul3A_2, %add3A_749 : i32
    %mul3A_751 = arith.constant 5 : i32
    %mul3A_752 = arith.muli %add3A_750, %mul3A_751 : i32
    %dma_wait3A_753 = arith.constant 2 : i32
    %dma_wait3A_754 = arith.constant 2 : i32
    %dma_wait3A_755 = arith.constant 0 : i32
    %dma_wait3A_756 = arith.constant 0 : i32
    %dma_wait3A_757 = arith.constant 0 : i32
    %dma_wait3A_758 = tpu.memref_slice %arg6[%dma_wait3A_753, %dma_wait3A_755, %dma_wait3A_756, %dma_wait3A_757] : memref<3x5x32x256xf32, #tpu.memory_space<vmem>> -> memref<1x5x32x256xf32, #tpu.memory_space<vmem>>
    %dma_wait3A_759 = tpu.memref_squeeze %dma_wait3A_758 : memref<1x5x32x256xf32, #tpu.memory_space<vmem>> -> memref<5x32x256xf32, #tpu.memory_space<vmem>>
    %dma_wait3A_760 = arith.constant 0 : i32
    %dma_wait3A_761 = arith.constant 0 : i32
    %dma_wait3A_762 = tpu.memref_slice %arg4[%mul3A_752, %dma_wait3A_760, %dma_wait3A_761] : memref<7840x32x256xf32, #tpu.memory_space<hbm>> -> memref<5x32x256xf32, #tpu.memory_space<hbm>>
    %dma_wait3A_763 = tpu.memref_slice %arg8[%dma_wait3A_754] : memref<3x!tpu.dma_semaphore, #tpu.memory_space<semaphore_mem>> -> memref<1x!tpu.dma_semaphore, #tpu.memory_space<semaphore_mem>>
    %dma_wait3A_764 = tpu.memref_squeeze %dma_wait3A_763 : memref<1x!tpu.dma_semaphore, #tpu.memory_space<semaphore_mem>> -> memref<!tpu.dma_semaphore, #tpu.memory_space<semaphore_mem>>
    %dma_wait3A_765 = arith.constant 0 : i32
    %dma_wait3A_766 = arith.constant 0 : i32
    %dma_wait3A_767 = tpu.memref_slice %arg4[%mul3A_752, %dma_wait3A_765, %dma_wait3A_766] : memref<7840x32x256xf32, #tpu.memory_space<hbm>> -> memref<5x32x256xf32, #tpu.memory_space<hbm>>
    %dma_wait3A_768 = arith.constant 0 : i32
    %dma_wait3A_769 = arith.constant 0 : i32
    %dma_wait3A_770 = arith.constant 0 : i32
    %dma_wait3A_771 = tpu.memref_slice %arg6[%dma_wait3A_753, %dma_wait3A_768, %dma_wait3A_769, %dma_wait3A_770] : memref<3x5x32x256xf32, #tpu.memory_space<vmem>> -> memref<1x5x32x256xf32, #tpu.memory_space<vmem>>
    %dma_wait3A_772 = tpu.memref_squeeze %dma_wait3A_771 : memref<1x5x32x256xf32, #tpu.memory_space<vmem>> -> memref<5x32x256xf32, #tpu.memory_space<vmem>>
    tpu.wait_dma2 semaphore(%dma_wait3A_764 : memref<!tpu.dma_semaphore, #tpu.memory_space<semaphore_mem>>) src(%dma_wait3A_772 : memref<5x32x256xf32, #tpu.memory_space<vmem>>) dst(%dma_wait3A_767 : memref<5x32x256xf32, #tpu.memory_space<hbm>>)
    %dma_start3A_773 = arith.constant 11 : i32
    %dma_start3A_774 = arith.constant 2 : i32
    %dma_start3A_775 = arith.constant 2 : i32
    %dma_start3A_776 = arith.constant 0 : i32
    %dma_start3A_777 = arith.constant 0 : i32
    %dma_start3A_778 = arith.constant 0 : i32
    %dma_start3A_779 = tpu.memref_slice %arg6[%dma_start3A_774, %dma_start3A_776, %dma_start3A_777, %dma_start3A_778] : memref<3x5x32x256xf32, #tpu.memory_space<vmem>> -> memref<1x5x32x256xf32, #tpu.memory_space<vmem>>
    %dma_start3A_780 = tpu.memref_squeeze %dma_start3A_779 : memref<1x5x32x256xf32, #tpu.memory_space<vmem>> -> memref<5x32x256xf32, #tpu.memory_space<vmem>>
    %dma_start3A_781 = arith.constant 0 : i32
    %dma_start3A_782 = tpu.memref_slice %arg5[%dma_start3A_773, %dma_start3A_781] : memref<49x5xi32, #tpu.memory_space<vmem>> -> memref<1x5xi32, #tpu.memory_space<vmem>>
    %dma_start3A_783 = tpu.memref_squeeze %dma_start3A_782 : memref<1x5xi32, #tpu.memory_space<vmem>> -> memref<5xi32, #tpu.memory_space<vmem>>
    %dma_start3A_784 = arith.constant 0 : i32
    %dma_start3A_785 = arith.constant 0 : i32
    %dma_start3A_786 = arith.constant 0 : i32
    %dma_start3A_787 = tpu.memref_slice %arg3[%dma_start3A_784, %dma_start3A_785, %dma_start3A_786] : memref<7840x32x256xf32, #tpu.memory_space<hbm>> -> memref<7840x32x256xf32, #tpu.memory_space<hbm>>
    %dma_start3A_788 = tpu.memref_slice %arg7[%dma_start3A_775] : memref<3x!tpu.dma_semaphore, #tpu.memory_space<semaphore_mem>> -> memref<1x!tpu.dma_semaphore, #tpu.memory_space<semaphore_mem>>
    %dma_start3A_789 = tpu.memref_squeeze %dma_start3A_788 : memref<1x!tpu.dma_semaphore, #tpu.memory_space<semaphore_mem>> -> memref<!tpu.dma_semaphore, #tpu.memory_space<semaphore_mem>>
    tpu.enqueue_indirect_dma source(%dma_start3A_787 : memref<7840x32x256xf32, #tpu.memory_space<hbm>>) target(%dma_start3A_780 : memref<5x32x256xf32, #tpu.memory_space<vmem>>) offsets(%dma_start3A_783 : memref<5xi32, #tpu.memory_space<vmem>>) semaphore(%dma_start3A_789 : memref<!tpu.dma_semaphore, #tpu.memory_space<semaphore_mem>>)
    %dma_wait3A_790 = arith.constant 9 : i32
    %dma_wait3A_791 = arith.constant 0 : i32
    %dma_wait3A_792 = arith.constant 0 : i32
    %dma_wait3A_793 = arith.constant 0 : i32
    %dma_wait3A_794 = arith.constant 0 : i32
    %dma_wait3A_795 = arith.constant 0 : i32
    %dma_wait3A_796 = tpu.memref_slice %arg6[%dma_wait3A_791, %dma_wait3A_793, %dma_wait3A_794, %dma_wait3A_795] : memref<3x5x32x256xf32, #tpu.memory_space<vmem>> -> memref<1x5x32x256xf32, #tpu.memory_space<vmem>>
    %dma_wait3A_797 = tpu.memref_squeeze %dma_wait3A_796 : memref<1x5x32x256xf32, #tpu.memory_space<vmem>> -> memref<5x32x256xf32, #tpu.memory_space<vmem>>
    %dma_wait3A_798 = arith.constant 0 : i32
    %dma_wait3A_799 = tpu.memref_slice %arg5[%dma_wait3A_790, %dma_wait3A_798] : memref<49x5xi32, #tpu.memory_space<vmem>> -> memref<1x5xi32, #tpu.memory_space<vmem>>
    %dma_wait3A_800 = tpu.memref_squeeze %dma_wait3A_799 : memref<1x5xi32, #tpu.memory_space<vmem>> -> memref<5xi32, #tpu.memory_space<vmem>>
    %dma_wait3A_801 = arith.constant 0 : i32
    %dma_wait3A_802 = arith.constant 0 : i32
    %dma_wait3A_803 = arith.constant 0 : i32
    %dma_wait3A_804 = tpu.memref_slice %arg3[%dma_wait3A_801, %dma_wait3A_802, %dma_wait3A_803] : memref<7840x32x256xf32, #tpu.memory_space<hbm>> -> memref<7840x32x256xf32, #tpu.memory_space<hbm>>
    %dma_wait3A_805 = tpu.memref_slice %arg7[%dma_wait3A_792] : memref<3x!tpu.dma_semaphore, #tpu.memory_space<semaphore_mem>> -> memref<1x!tpu.dma_semaphore, #tpu.memory_space<semaphore_mem>>
    %dma_wait3A_806 = tpu.memref_squeeze %dma_wait3A_805 : memref<1x!tpu.dma_semaphore, #tpu.memory_space<semaphore_mem>> -> memref<!tpu.dma_semaphore, #tpu.memory_space<semaphore_mem>>
    tpu.wait_indirect_dma semaphore(%dma_wait3A_806 : memref<!tpu.dma_semaphore, #tpu.memory_space<semaphore_mem>>) src(%dma_wait3A_804 : memref<7840x32x256xf32, #tpu.memory_space<hbm>>) dst(%dma_wait3A_797 : memref<5x32x256xf32, #tpu.memory_space<vmem>>)
    %add3A_807 = arith.constant 9 : i32
    %add3A_808 = arith.addi %mul3A_2, %add3A_807 : i32
    %mul3A_809 = arith.constant 5 : i32
    %mul3A_810 = arith.muli %add3A_808, %mul3A_809 : i32
    %dma_start3A_811 = arith.constant 0 : i32
    %dma_start3A_812 = arith.constant 0 : i32
    %dma_start3A_813 = arith.constant 0 : i32
    %dma_start3A_814 = arith.constant 0 : i32
    %dma_start3A_815 = arith.constant 0 : i32
    %dma_start3A_816 = tpu.memref_slice %arg6[%dma_start3A_811, %dma_start3A_813, %dma_start3A_814, %dma_start3A_815] : memref<3x5x32x256xf32, #tpu.memory_space<vmem>> -> memref<1x5x32x256xf32, #tpu.memory_space<vmem>>
    %dma_start3A_817 = tpu.memref_squeeze %dma_start3A_816 : memref<1x5x32x256xf32, #tpu.memory_space<vmem>> -> memref<5x32x256xf32, #tpu.memory_space<vmem>>
    %dma_start3A_818 = arith.constant 0 : i32
    %dma_start3A_819 = arith.constant 0 : i32
    %dma_start3A_820 = tpu.memref_slice %arg4[%mul3A_810, %dma_start3A_818, %dma_start3A_819] : memref<7840x32x256xf32, #tpu.memory_space<hbm>> -> memref<5x32x256xf32, #tpu.memory_space<hbm>>
    %dma_start3A_821 = tpu.memref_slice %arg8[%dma_start3A_812] : memref<3x!tpu.dma_semaphore, #tpu.memory_space<semaphore_mem>> -> memref<1x!tpu.dma_semaphore, #tpu.memory_space<semaphore_mem>>
    %dma_start3A_822 = tpu.memref_squeeze %dma_start3A_821 : memref<1x!tpu.dma_semaphore, #tpu.memory_space<semaphore_mem>> -> memref<!tpu.dma_semaphore, #tpu.memory_space<semaphore_mem>>
    %dma_start3A_823 = arith.constant 0 : i32
    %dma_start3A_824 = arith.constant 0 : i32
    %dma_start3A_825 = tpu.memref_slice %arg4[%mul3A_810, %dma_start3A_823, %dma_start3A_824] : memref<7840x32x256xf32, #tpu.memory_space<hbm>> -> memref<5x32x256xf32, #tpu.memory_space<hbm>>
    %dma_start3A_826 = arith.constant 0 : i32
    %dma_start3A_827 = arith.constant 0 : i32
    %dma_start3A_828 = arith.constant 0 : i32
    %dma_start3A_829 = tpu.memref_slice %arg6[%dma_start3A_811, %dma_start3A_826, %dma_start3A_827, %dma_start3A_828] : memref<3x5x32x256xf32, #tpu.memory_space<vmem>> -> memref<1x5x32x256xf32, #tpu.memory_space<vmem>>
    %dma_start3A_830 = tpu.memref_squeeze %dma_start3A_829 : memref<1x5x32x256xf32, #tpu.memory_space<vmem>> -> memref<5x32x256xf32, #tpu.memory_space<vmem>>
    tpu.enqueue_dma source(%dma_start3A_830 : memref<5x32x256xf32, #tpu.memory_space<vmem>>) target(%dma_start3A_825 : memref<5x32x256xf32, #tpu.memory_space<hbm>>) target_semaphore(%dma_start3A_822 : memref<!tpu.dma_semaphore, #tpu.memory_space<semaphore_mem>>)
    %add3A_831 = arith.constant 9 : i32
    %add3A_832 = arith.addi %mul3A_2, %add3A_831 : i32
    %mul3A_833 = arith.constant 5 : i32
    %mul3A_834 = arith.muli %add3A_832, %mul3A_833 : i32
    %dma_wait3A_835 = arith.constant 0 : i32
    %dma_wait3A_836 = arith.constant 0 : i32
    %dma_wait3A_837 = arith.constant 0 : i32
    %dma_wait3A_838 = arith.constant 0 : i32
    %dma_wait3A_839 = arith.constant 0 : i32
    %dma_wait3A_840 = tpu.memref_slice %arg6[%dma_wait3A_835, %dma_wait3A_837, %dma_wait3A_838, %dma_wait3A_839] : memref<3x5x32x256xf32, #tpu.memory_space<vmem>> -> memref<1x5x32x256xf32, #tpu.memory_space<vmem>>
    %dma_wait3A_841 = tpu.memref_squeeze %dma_wait3A_840 : memref<1x5x32x256xf32, #tpu.memory_space<vmem>> -> memref<5x32x256xf32, #tpu.memory_space<vmem>>
    %dma_wait3A_842 = arith.constant 0 : i32
    %dma_wait3A_843 = arith.constant 0 : i32
    %dma_wait3A_844 = tpu.memref_slice %arg4[%mul3A_834, %dma_wait3A_842, %dma_wait3A_843] : memref<7840x32x256xf32, #tpu.memory_space<hbm>> -> memref<5x32x256xf32, #tpu.memory_space<hbm>>
    %dma_wait3A_845 = tpu.memref_slice %arg8[%dma_wait3A_836] : memref<3x!tpu.dma_semaphore, #tpu.memory_space<semaphore_mem>> -> memref<1x!tpu.dma_semaphore, #tpu.memory_space<semaphore_mem>>
    %dma_wait3A_846 = tpu.memref_squeeze %dma_wait3A_845 : memref<1x!tpu.dma_semaphore, #tpu.memory_space<semaphore_mem>> -> memref<!tpu.dma_semaphore, #tpu.memory_space<semaphore_mem>>
    %dma_wait3A_847 = arith.constant 0 : i32
    %dma_wait3A_848 = arith.constant 0 : i32
    %dma_wait3A_849 = tpu.memref_slice %arg4[%mul3A_834, %dma_wait3A_847, %dma_wait3A_848] : memref<7840x32x256xf32, #tpu.memory_space<hbm>> -> memref<5x32x256xf32, #tpu.memory_space<hbm>>
    %dma_wait3A_850 = arith.constant 0 : i32
    %dma_wait3A_851 = arith.constant 0 : i32
    %dma_wait3A_852 = arith.constant 0 : i32
    %dma_wait3A_853 = tpu.memref_slice %arg6[%dma_wait3A_835, %dma_wait3A_850, %dma_wait3A_851, %dma_wait3A_852] : memref<3x5x32x256xf32, #tpu.memory_space<vmem>> -> memref<1x5x32x256xf32, #tpu.memory_space<vmem>>
    %dma_wait3A_854 = tpu.memref_squeeze %dma_wait3A_853 : memref<1x5x32x256xf32, #tpu.memory_space<vmem>> -> memref<5x32x256xf32, #tpu.memory_space<vmem>>
    tpu.wait_dma2 semaphore(%dma_wait3A_846 : memref<!tpu.dma_semaphore, #tpu.memory_space<semaphore_mem>>) src(%dma_wait3A_854 : memref<5x32x256xf32, #tpu.memory_space<vmem>>) dst(%dma_wait3A_849 : memref<5x32x256xf32, #tpu.memory_space<hbm>>)
    %dma_start3A_855 = arith.constant 12 : i32
    %dma_start3A_856 = arith.constant 0 : i32
    %dma_start3A_857 = arith.constant 0 : i32
    %dma_start3A_858 = arith.constant 0 : i32
    %dma_start3A_859 = arith.constant 0 : i32
    %dma_start3A_860 = arith.constant 0 : i32
    %dma_start3A_861 = tpu.memref_slice %arg6[%dma_start3A_856, %dma_start3A_858, %dma_start3A_859, %dma_start3A_860] : memref<3x5x32x256xf32, #tpu.memory_space<vmem>> -> memref<1x5x32x256xf32, #tpu.memory_space<vmem>>
    %dma_start3A_862 = tpu.memref_squeeze %dma_start3A_861 : memref<1x5x32x256xf32, #tpu.memory_space<vmem>> -> memref<5x32x256xf32, #tpu.memory_space<vmem>>
    %dma_start3A_863 = arith.constant 0 : i32
    %dma_start3A_864 = tpu.memref_slice %arg5[%dma_start3A_855, %dma_start3A_863] : memref<49x5xi32, #tpu.memory_space<vmem>> -> memref<1x5xi32, #tpu.memory_space<vmem>>
    %dma_start3A_865 = tpu.memref_squeeze %dma_start3A_864 : memref<1x5xi32, #tpu.memory_space<vmem>> -> memref<5xi32, #tpu.memory_space<vmem>>
    %dma_start3A_866 = arith.constant 0 : i32
    %dma_start3A_867 = arith.constant 0 : i32
    %dma_start3A_868 = arith.constant 0 : i32
    %dma_start3A_869 = tpu.memref_slice %arg3[%dma_start3A_866, %dma_start3A_867, %dma_start3A_868] : memref<7840x32x256xf32, #tpu.memory_space<hbm>> -> memref<7840x32x256xf32, #tpu.memory_space<hbm>>
    %dma_start3A_870 = tpu.memref_slice %arg7[%dma_start3A_857] : memref<3x!tpu.dma_semaphore, #tpu.memory_space<semaphore_mem>> -> memref<1x!tpu.dma_semaphore, #tpu.memory_space<semaphore_mem>>
    %dma_start3A_871 = tpu.memref_squeeze %dma_start3A_870 : memref<1x!tpu.dma_semaphore, #tpu.memory_space<semaphore_mem>> -> memref<!tpu.dma_semaphore, #tpu.memory_space<semaphore_mem>>
    tpu.enqueue_indirect_dma source(%dma_start3A_869 : memref<7840x32x256xf32, #tpu.memory_space<hbm>>) target(%dma_start3A_862 : memref<5x32x256xf32, #tpu.memory_space<vmem>>) offsets(%dma_start3A_865 : memref<5xi32, #tpu.memory_space<vmem>>) semaphore(%dma_start3A_871 : memref<!tpu.dma_semaphore, #tpu.memory_space<semaphore_mem>>)
    %dma_wait3A_872 = arith.constant 10 : i32
    %dma_wait3A_873 = arith.constant 1 : i32
    %dma_wait3A_874 = arith.constant 1 : i32
    %dma_wait3A_875 = arith.constant 0 : i32
    %dma_wait3A_876 = arith.constant 0 : i32
    %dma_wait3A_877 = arith.constant 0 : i32
    %dma_wait3A_878 = tpu.memref_slice %arg6[%dma_wait3A_873, %dma_wait3A_875, %dma_wait3A_876, %dma_wait3A_877] : memref<3x5x32x256xf32, #tpu.memory_space<vmem>> -> memref<1x5x32x256xf32, #tpu.memory_space<vmem>>
    %dma_wait3A_879 = tpu.memref_squeeze %dma_wait3A_878 : memref<1x5x32x256xf32, #tpu.memory_space<vmem>> -> memref<5x32x256xf32, #tpu.memory_space<vmem>>
    %dma_wait3A_880 = arith.constant 0 : i32
    %dma_wait3A_881 = tpu.memref_slice %arg5[%dma_wait3A_872, %dma_wait3A_880] : memref<49x5xi32, #tpu.memory_space<vmem>> -> memref<1x5xi32, #tpu.memory_space<vmem>>
    %dma_wait3A_882 = tpu.memref_squeeze %dma_wait3A_881 : memref<1x5xi32, #tpu.memory_space<vmem>> -> memref<5xi32, #tpu.memory_space<vmem>>
    %dma_wait3A_883 = arith.constant 0 : i32
    %dma_wait3A_884 = arith.constant 0 : i32
    %dma_wait3A_885 = arith.constant 0 : i32
    %dma_wait3A_886 = tpu.memref_slice %arg3[%dma_wait3A_883, %dma_wait3A_884, %dma_wait3A_885] : memref<7840x32x256xf32, #tpu.memory_space<hbm>> -> memref<7840x32x256xf32, #tpu.memory_space<hbm>>
    %dma_wait3A_887 = tpu.memref_slice %arg7[%dma_wait3A_874] : memref<3x!tpu.dma_semaphore, #tpu.memory_space<semaphore_mem>> -> memref<1x!tpu.dma_semaphore, #tpu.memory_space<semaphore_mem>>
    %dma_wait3A_888 = tpu.memref_squeeze %dma_wait3A_887 : memref<1x!tpu.dma_semaphore, #tpu.memory_space<semaphore_mem>> -> memref<!tpu.dma_semaphore, #tpu.memory_space<semaphore_mem>>
    tpu.wait_indirect_dma semaphore(%dma_wait3A_888 : memref<!tpu.dma_semaphore, #tpu.memory_space<semaphore_mem>>) src(%dma_wait3A_886 : memref<7840x32x256xf32, #tpu.memory_space<hbm>>) dst(%dma_wait3A_879 : memref<5x32x256xf32, #tpu.memory_space<vmem>>)
    %add3A_889 = arith.constant 10 : i32
    %add3A_890 = arith.addi %mul3A_2, %add3A_889 : i32
    %mul3A_891 = arith.constant 5 : i32
    %mul3A_892 = arith.muli %add3A_890, %mul3A_891 : i32
    %dma_start3A_893 = arith.constant 1 : i32
    %dma_start3A_894 = arith.constant 1 : i32
    %dma_start3A_895 = arith.constant 0 : i32
    %dma_start3A_896 = arith.constant 0 : i32
    %dma_start3A_897 = arith.constant 0 : i32
    %dma_start3A_898 = tpu.memref_slice %arg6[%dma_start3A_893, %dma_start3A_895, %dma_start3A_896, %dma_start3A_897] : memref<3x5x32x256xf32, #tpu.memory_space<vmem>> -> memref<1x5x32x256xf32, #tpu.memory_space<vmem>>
    %dma_start3A_899 = tpu.memref_squeeze %dma_start3A_898 : memref<1x5x32x256xf32, #tpu.memory_space<vmem>> -> memref<5x32x256xf32, #tpu.memory_space<vmem>>
    %dma_start3A_900 = arith.constant 0 : i32
    %dma_start3A_901 = arith.constant 0 : i32
    %dma_start3A_902 = tpu.memref_slice %arg4[%mul3A_892, %dma_start3A_900, %dma_start3A_901] : memref<7840x32x256xf32, #tpu.memory_space<hbm>> -> memref<5x32x256xf32, #tpu.memory_space<hbm>>
    %dma_start3A_903 = tpu.memref_slice %arg8[%dma_start3A_894] : memref<3x!tpu.dma_semaphore, #tpu.memory_space<semaphore_mem>> -> memref<1x!tpu.dma_semaphore, #tpu.memory_space<semaphore_mem>>
    %dma_start3A_904 = tpu.memref_squeeze %dma_start3A_903 : memref<1x!tpu.dma_semaphore, #tpu.memory_space<semaphore_mem>> -> memref<!tpu.dma_semaphore, #tpu.memory_space<semaphore_mem>>
    %dma_start3A_905 = arith.constant 0 : i32
    %dma_start3A_906 = arith.constant 0 : i32
    %dma_start3A_907 = tpu.memref_slice %arg4[%mul3A_892, %dma_start3A_905, %dma_start3A_906] : memref<7840x32x256xf32, #tpu.memory_space<hbm>> -> memref<5x32x256xf32, #tpu.memory_space<hbm>>
    %dma_start3A_908 = arith.constant 0 : i32
    %dma_start3A_909 = arith.constant 0 : i32
    %dma_start3A_910 = arith.constant 0 : i32
    %dma_start3A_911 = tpu.memref_slice %arg6[%dma_start3A_893, %dma_start3A_908, %dma_start3A_909, %dma_start3A_910] : memref<3x5x32x256xf32, #tpu.memory_space<vmem>> -> memref<1x5x32x256xf32, #tpu.memory_space<vmem>>
    %dma_start3A_912 = tpu.memref_squeeze %dma_start3A_911 : memref<1x5x32x256xf32, #tpu.memory_space<vmem>> -> memref<5x32x256xf32, #tpu.memory_space<vmem>>
    tpu.enqueue_dma source(%dma_start3A_912 : memref<5x32x256xf32, #tpu.memory_space<vmem>>) target(%dma_start3A_907 : memref<5x32x256xf32, #tpu.memory_space<hbm>>) target_semaphore(%dma_start3A_904 : memref<!tpu.dma_semaphore, #tpu.memory_space<semaphore_mem>>)
    %add3A_913 = arith.constant 10 : i32
    %add3A_914 = arith.addi %mul3A_2, %add3A_913 : i32
    %mul3A_915 = arith.constant 5 : i32
    %mul3A_916 = arith.muli %add3A_914, %mul3A_915 : i32
    %dma_wait3A_917 = arith.constant 1 : i32
    %dma_wait3A_918 = arith.constant 1 : i32
    %dma_wait3A_919 = arith.constant 0 : i32
    %dma_wait3A_920 = arith.constant 0 : i32
    %dma_wait3A_921 = arith.constant 0 : i32
    %dma_wait3A_922 = tpu.memref_slice %arg6[%dma_wait3A_917, %dma_wait3A_919, %dma_wait3A_920, %dma_wait3A_921] : memref<3x5x32x256xf32, #tpu.memory_space<vmem>> -> memref<1x5x32x256xf32, #tpu.memory_space<vmem>>
    %dma_wait3A_923 = tpu.memref_squeeze %dma_wait3A_922 : memref<1x5x32x256xf32, #tpu.memory_space<vmem>> -> memref<5x32x256xf32, #tpu.memory_space<vmem>>
    %dma_wait3A_924 = arith.constant 0 : i32
    %dma_wait3A_925 = arith.constant 0 : i32
    %dma_wait3A_926 = tpu.memref_slice %arg4[%mul3A_916, %dma_wait3A_924, %dma_wait3A_925] : memref<7840x32x256xf32, #tpu.memory_space<hbm>> -> memref<5x32x256xf32, #tpu.memory_space<hbm>>
    %dma_wait3A_927 = tpu.memref_slice %arg8[%dma_wait3A_918] : memref<3x!tpu.dma_semaphore, #tpu.memory_space<semaphore_mem>> -> memref<1x!tpu.dma_semaphore, #tpu.memory_space<semaphore_mem>>
    %dma_wait3A_928 = tpu.memref_squeeze %dma_wait3A_927 : memref<1x!tpu.dma_semaphore, #tpu.memory_space<semaphore_mem>> -> memref<!tpu.dma_semaphore, #tpu.memory_space<semaphore_mem>>
    %dma_wait3A_929 = arith.constant 0 : i32
    %dma_wait3A_930 = arith.constant 0 : i32
    %dma_wait3A_931 = tpu.memref_slice %arg4[%mul3A_916, %dma_wait3A_929, %dma_wait3A_930] : memref<7840x32x256xf32, #tpu.memory_space<hbm>> -> memref<5x32x256xf32, #tpu.memory_space<hbm>>
    %dma_wait3A_932 = arith.constant 0 : i32
    %dma_wait3A_933 = arith.constant 0 : i32
    %dma_wait3A_934 = arith.constant 0 : i32
    %dma_wait3A_935 = tpu.memref_slice %arg6[%dma_wait3A_917, %dma_wait3A_932, %dma_wait3A_933, %dma_wait3A_934] : memref<3x5x32x256xf32, #tpu.memory_space<vmem>> -> memref<1x5x32x256xf32, #tpu.memory_space<vmem>>
    %dma_wait3A_936 = tpu.memref_squeeze %dma_wait3A_935 : memref<1x5x32x256xf32, #tpu.memory_space<vmem>> -> memref<5x32x256xf32, #tpu.memory_space<vmem>>
    tpu.wait_dma2 semaphore(%dma_wait3A_928 : memref<!tpu.dma_semaphore, #tpu.memory_space<semaphore_mem>>) src(%dma_wait3A_936 : memref<5x32x256xf32, #tpu.memory_space<vmem>>) dst(%dma_wait3A_931 : memref<5x32x256xf32, #tpu.memory_space<hbm>>)
    %dma_start3A_937 = arith.constant 13 : i32
    %dma_start3A_938 = arith.constant 1 : i32
    %dma_start3A_939 = arith.constant 1 : i32
    %dma_start3A_940 = arith.constant 0 : i32
    %dma_start3A_941 = arith.constant 0 : i32
    %dma_start3A_942 = arith.constant 0 : i32
    %dma_start3A_943 = tpu.memref_slice %arg6[%dma_start3A_938, %dma_start3A_940, %dma_start3A_941, %dma_start3A_942] : memref<3x5x32x256xf32, #tpu.memory_space<vmem>> -> memref<1x5x32x256xf32, #tpu.memory_space<vmem>>
    %dma_start3A_944 = tpu.memref_squeeze %dma_start3A_943 : memref<1x5x32x256xf32, #tpu.memory_space<vmem>> -> memref<5x32x256xf32, #tpu.memory_space<vmem>>
    %dma_start3A_945 = arith.constant 0 : i32
    %dma_start3A_946 = tpu.memref_slice %arg5[%dma_start3A_937, %dma_start3A_945] : memref<49x5xi32, #tpu.memory_space<vmem>> -> memref<1x5xi32, #tpu.memory_space<vmem>>
    %dma_start3A_947 = tpu.memref_squeeze %dma_start3A_946 : memref<1x5xi32, #tpu.memory_space<vmem>> -> memref<5xi32, #tpu.memory_space<vmem>>
    %dma_start3A_948 = arith.constant 0 : i32
    %dma_start3A_949 = arith.constant 0 : i32
    %dma_start3A_950 = arith.constant 0 : i32
    %dma_start3A_951 = tpu.memref_slice %arg3[%dma_start3A_948, %dma_start3A_949, %dma_start3A_950] : memref<7840x32x256xf32, #tpu.memory_space<hbm>> -> memref<7840x32x256xf32, #tpu.memory_space<hbm>>
    %dma_start3A_952 = tpu.memref_slice %arg7[%dma_start3A_939] : memref<3x!tpu.dma_semaphore, #tpu.memory_space<semaphore_mem>> -> memref<1x!tpu.dma_semaphore, #tpu.memory_space<semaphore_mem>>
    %dma_start3A_953 = tpu.memref_squeeze %dma_start3A_952 : memref<1x!tpu.dma_semaphore, #tpu.memory_space<semaphore_mem>> -> memref<!tpu.dma_semaphore, #tpu.memory_space<semaphore_mem>>
    tpu.enqueue_indirect_dma source(%dma_start3A_951 : memref<7840x32x256xf32, #tpu.memory_space<hbm>>) target(%dma_start3A_944 : memref<5x32x256xf32, #tpu.memory_space<vmem>>) offsets(%dma_start3A_947 : memref<5xi32, #tpu.memory_space<vmem>>) semaphore(%dma_start3A_953 : memref<!tpu.dma_semaphore, #tpu.memory_space<semaphore_mem>>)
    %dma_wait3A_954 = arith.constant 11 : i32
    %dma_wait3A_955 = arith.constant 2 : i32
    %dma_wait3A_956 = arith.constant 2 : i32
    %dma_wait3A_957 = arith.constant 0 : i32
    %dma_wait3A_958 = arith.constant 0 : i32
    %dma_wait3A_959 = arith.constant 0 : i32
    %dma_wait3A_960 = tpu.memref_slice %arg6[%dma_wait3A_955, %dma_wait3A_957, %dma_wait3A_958, %dma_wait3A_959] : memref<3x5x32x256xf32, #tpu.memory_space<vmem>> -> memref<1x5x32x256xf32, #tpu.memory_space<vmem>>
    %dma_wait3A_961 = tpu.memref_squeeze %dma_wait3A_960 : memref<1x5x32x256xf32, #tpu.memory_space<vmem>> -> memref<5x32x256xf32, #tpu.memory_space<vmem>>
    %dma_wait3A_962 = arith.constant 0 : i32
    %dma_wait3A_963 = tpu.memref_slice %arg5[%dma_wait3A_954, %dma_wait3A_962] : memref<49x5xi32, #tpu.memory_space<vmem>> -> memref<1x5xi32, #tpu.memory_space<vmem>>
    %dma_wait3A_964 = tpu.memref_squeeze %dma_wait3A_963 : memref<1x5xi32, #tpu.memory_space<vmem>> -> memref<5xi32, #tpu.memory_space<vmem>>
    %dma_wait3A_965 = arith.constant 0 : i32
    %dma_wait3A_966 = arith.constant 0 : i32
    %dma_wait3A_967 = arith.constant 0 : i32
    %dma_wait3A_968 = tpu.memref_slice %arg3[%dma_wait3A_965, %dma_wait3A_966, %dma_wait3A_967] : memref<7840x32x256xf32, #tpu.memory_space<hbm>> -> memref<7840x32x256xf32, #tpu.memory_space<hbm>>
    %dma_wait3A_969 = tpu.memref_slice %arg7[%dma_wait3A_956] : memref<3x!tpu.dma_semaphore, #tpu.memory_space<semaphore_mem>> -> memref<1x!tpu.dma_semaphore, #tpu.memory_space<semaphore_mem>>
    %dma_wait3A_970 = tpu.memref_squeeze %dma_wait3A_969 : memref<1x!tpu.dma_semaphore, #tpu.memory_space<semaphore_mem>> -> memref<!tpu.dma_semaphore, #tpu.memory_space<semaphore_mem>>
    tpu.wait_indirect_dma semaphore(%dma_wait3A_970 : memref<!tpu.dma_semaphore, #tpu.memory_space<semaphore_mem>>) src(%dma_wait3A_968 : memref<7840x32x256xf32, #tpu.memory_space<hbm>>) dst(%dma_wait3A_961 : memref<5x32x256xf32, #tpu.memory_space<vmem>>)
    %add3A_971 = arith.constant 11 : i32
    %add3A_972 = arith.addi %mul3A_2, %add3A_971 : i32
    %mul3A_973 = arith.constant 5 : i32
    %mul3A_974 = arith.muli %add3A_972, %mul3A_973 : i32
    %dma_start3A_975 = arith.constant 2 : i32
    %dma_start3A_976 = arith.constant 2 : i32
    %dma_start3A_977 = arith.constant 0 : i32
    %dma_start3A_978 = arith.constant 0 : i32
    %dma_start3A_979 = arith.constant 0 : i32
    %dma_start3A_980 = tpu.memref_slice %arg6[%dma_start3A_975, %dma_start3A_977, %dma_start3A_978, %dma_start3A_979] : memref<3x5x32x256xf32, #tpu.memory_space<vmem>> -> memref<1x5x32x256xf32, #tpu.memory_space<vmem>>
    %dma_start3A_981 = tpu.memref_squeeze %dma_start3A_980 : memref<1x5x32x256xf32, #tpu.memory_space<vmem>> -> memref<5x32x256xf32, #tpu.memory_space<vmem>>
    %dma_start3A_982 = arith.constant 0 : i32
    %dma_start3A_983 = arith.constant 0 : i32
    %dma_start3A_984 = tpu.memref_slice %arg4[%mul3A_974, %dma_start3A_982, %dma_start3A_983] : memref<7840x32x256xf32, #tpu.memory_space<hbm>> -> memref<5x32x256xf32, #tpu.memory_space<hbm>>
    %dma_start3A_985 = tpu.memref_slice %arg8[%dma_start3A_976] : memref<3x!tpu.dma_semaphore, #tpu.memory_space<semaphore_mem>> -> memref<1x!tpu.dma_semaphore, #tpu.memory_space<semaphore_mem>>
    %dma_start3A_986 = tpu.memref_squeeze %dma_start3A_985 : memref<1x!tpu.dma_semaphore, #tpu.memory_space<semaphore_mem>> -> memref<!tpu.dma_semaphore, #tpu.memory_space<semaphore_mem>>
    %dma_start3A_987 = arith.constant 0 : i32
    %dma_start3A_988 = arith.constant 0 : i32
    %dma_start3A_989 = tpu.memref_slice %arg4[%mul3A_974, %dma_start3A_987, %dma_start3A_988] : memref<7840x32x256xf32, #tpu.memory_space<hbm>> -> memref<5x32x256xf32, #tpu.memory_space<hbm>>
    %dma_start3A_990 = arith.constant 0 : i32
    %dma_start3A_991 = arith.constant 0 : i32
    %dma_start3A_992 = arith.constant 0 : i32
    %dma_start3A_993 = tpu.memref_slice %arg6[%dma_start3A_975, %dma_start3A_990, %dma_start3A_991, %dma_start3A_992] : memref<3x5x32x256xf32, #tpu.memory_space<vmem>> -> memref<1x5x32x256xf32, #tpu.memory_space<vmem>>
    %dma_start3A_994 = tpu.memref_squeeze %dma_start3A_993 : memref<1x5x32x256xf32, #tpu.memory_space<vmem>> -> memref<5x32x256xf32, #tpu.memory_space<vmem>>
    tpu.enqueue_dma source(%dma_start3A_994 : memref<5x32x256xf32, #tpu.memory_space<vmem>>) target(%dma_start3A_989 : memref<5x32x256xf32, #tpu.memory_space<hbm>>) target_semaphore(%dma_start3A_986 : memref<!tpu.dma_semaphore, #tpu.memory_space<semaphore_mem>>)
    %add3A_995 = arith.constant 11 : i32
    %add3A_996 = arith.addi %mul3A_2, %add3A_995 : i32
    %mul3A_997 = arith.constant 5 : i32
    %mul3A_998 = arith.muli %add3A_996, %mul3A_997 : i32
    %dma_wait3A_999 = arith.constant 2 : i32
    %dma_wait3A_1000 = arith.constant 2 : i32
    %dma_wait3A_1001 = arith.constant 0 : i32
    %dma_wait3A_1002 = arith.constant 0 : i32
    %dma_wait3A_1003 = arith.constant 0 : i32
    %dma_wait3A_1004 = tpu.memref_slice %arg6[%dma_wait3A_999, %dma_wait3A_1001, %dma_wait3A_1002, %dma_wait3A_1003] : memref<3x5x32x256xf32, #tpu.memory_space<vmem>> -> memref<1x5x32x256xf32, #tpu.memory_space<vmem>>
    %dma_wait3A_1005 = tpu.memref_squeeze %dma_wait3A_1004 : memref<1x5x32x256xf32, #tpu.memory_space<vmem>> -> memref<5x32x256xf32, #tpu.memory_space<vmem>>
    %dma_wait3A_1006 = arith.constant 0 : i32
    %dma_wait3A_1007 = arith.constant 0 : i32
    %dma_wait3A_1008 = tpu.memref_slice %arg4[%mul3A_998, %dma_wait3A_1006, %dma_wait3A_1007] : memref<7840x32x256xf32, #tpu.memory_space<hbm>> -> memref<5x32x256xf32, #tpu.memory_space<hbm>>
    %dma_wait3A_1009 = tpu.memref_slice %arg8[%dma_wait3A_1000] : memref<3x!tpu.dma_semaphore, #tpu.memory_space<semaphore_mem>> -> memref<1x!tpu.dma_semaphore, #tpu.memory_space<semaphore_mem>>
    %dma_wait3A_1010 = tpu.memref_squeeze %dma_wait3A_1009 : memref<1x!tpu.dma_semaphore, #tpu.memory_space<semaphore_mem>> -> memref<!tpu.dma_semaphore, #tpu.memory_space<semaphore_mem>>
    %dma_wait3A_1011 = arith.constant 0 : i32
    %dma_wait3A_1012 = arith.constant 0 : i32
    %dma_wait3A_1013 = tpu.memref_slice %arg4[%mul3A_998, %dma_wait3A_1011, %dma_wait3A_1012] : memref<7840x32x256xf32, #tpu.memory_space<hbm>> -> memref<5x32x256xf32, #tpu.memory_space<hbm>>
    %dma_wait3A_1014 = arith.constant 0 : i32
    %dma_wait3A_1015 = arith.constant 0 : i32
    %dma_wait3A_1016 = arith.constant 0 : i32
    %dma_wait3A_1017 = tpu.memref_slice %arg6[%dma_wait3A_999, %dma_wait3A_1014, %dma_wait3A_1015, %dma_wait3A_1016] : memref<3x5x32x256xf32, #tpu.memory_space<vmem>> -> memref<1x5x32x256xf32, #tpu.memory_space<vmem>>
    %dma_wait3A_1018 = tpu.memref_squeeze %dma_wait3A_1017 : memref<1x5x32x256xf32, #tpu.memory_space<vmem>> -> memref<5x32x256xf32, #tpu.memory_space<vmem>>
    tpu.wait_dma2 semaphore(%dma_wait3A_1010 : memref<!tpu.dma_semaphore, #tpu.memory_space<semaphore_mem>>) src(%dma_wait3A_1018 : memref<5x32x256xf32, #tpu.memory_space<vmem>>) dst(%dma_wait3A_1013 : memref<5x32x256xf32, #tpu.memory_space<hbm>>)
    %dma_start3A_1019 = arith.constant 14 : i32
    %dma_start3A_1020 = arith.constant 2 : i32
    %dma_start3A_1021 = arith.constant 2 : i32
    %dma_start3A_1022 = arith.constant 0 : i32
    %dma_start3A_1023 = arith.constant 0 : i32
    %dma_start3A_1024 = arith.constant 0 : i32
    %dma_start3A_1025 = tpu.memref_slice %arg6[%dma_start3A_1020, %dma_start3A_1022, %dma_start3A_1023, %dma_start3A_1024] : memref<3x5x32x256xf32, #tpu.memory_space<vmem>> -> memref<1x5x32x256xf32, #tpu.memory_space<vmem>>
    %dma_start3A_1026 = tpu.memref_squeeze %dma_start3A_1025 : memref<1x5x32x256xf32, #tpu.memory_space<vmem>> -> memref<5x32x256xf32, #tpu.memory_space<vmem>>
    %dma_start3A_1027 = arith.constant 0 : i32
    %dma_start3A_1028 = tpu.memref_slice %arg5[%dma_start3A_1019, %dma_start3A_1027] : memref<49x5xi32, #tpu.memory_space<vmem>> -> memref<1x5xi32, #tpu.memory_space<vmem>>
    %dma_start3A_1029 = tpu.memref_squeeze %dma_start3A_1028 : memref<1x5xi32, #tpu.memory_space<vmem>> -> memref<5xi32, #tpu.memory_space<vmem>>
    %dma_start3A_1030 = arith.constant 0 : i32
    %dma_start3A_1031 = arith.constant 0 : i32
    %dma_start3A_1032 = arith.constant 0 : i32
    %dma_start3A_1033 = tpu.memref_slice %arg3[%dma_start3A_1030, %dma_start3A_1031, %dma_start3A_1032] : memref<7840x32x256xf32, #tpu.memory_space<hbm>> -> memref<7840x32x256xf32, #tpu.memory_space<hbm>>
    %dma_start3A_1034 = tpu.memref_slice %arg7[%dma_start3A_1021] : memref<3x!tpu.dma_semaphore, #tpu.memory_space<semaphore_mem>> -> memref<1x!tpu.dma_semaphore, #tpu.memory_space<semaphore_mem>>
    %dma_start3A_1035 = tpu.memref_squeeze %dma_start3A_1034 : memref<1x!tpu.dma_semaphore, #tpu.memory_space<semaphore_mem>> -> memref<!tpu.dma_semaphore, #tpu.memory_space<semaphore_mem>>
    tpu.enqueue_indirect_dma source(%dma_start3A_1033 : memref<7840x32x256xf32, #tpu.memory_space<hbm>>) target(%dma_start3A_1026 : memref<5x32x256xf32, #tpu.memory_space<vmem>>) offsets(%dma_start3A_1029 : memref<5xi32, #tpu.memory_space<vmem>>) semaphore(%dma_start3A_1035 : memref<!tpu.dma_semaphore, #tpu.memory_space<semaphore_mem>>)
    %dma_wait3A_1036 = arith.constant 12 : i32
    %dma_wait3A_1037 = arith.constant 0 : i32
    %dma_wait3A_1038 = arith.constant 0 : i32
    %dma_wait3A_1039 = arith.constant 0 : i32
    %dma_wait3A_1040 = arith.constant 0 : i32
    %dma_wait3A_1041 = arith.constant 0 : i32
    %dma_wait3A_1042 = tpu.memref_slice %arg6[%dma_wait3A_1037, %dma_wait3A_1039, %dma_wait3A_1040, %dma_wait3A_1041] : memref<3x5x32x256xf32, #tpu.memory_space<vmem>> -> memref<1x5x32x256xf32, #tpu.memory_space<vmem>>
    %dma_wait3A_1043 = tpu.memref_squeeze %dma_wait3A_1042 : memref<1x5x32x256xf32, #tpu.memory_space<vmem>> -> memref<5x32x256xf32, #tpu.memory_space<vmem>>
    %dma_wait3A_1044 = arith.constant 0 : i32
    %dma_wait3A_1045 = tpu.memref_slice %arg5[%dma_wait3A_1036, %dma_wait3A_1044] : memref<49x5xi32, #tpu.memory_space<vmem>> -> memref<1x5xi32, #tpu.memory_space<vmem>>
    %dma_wait3A_1046 = tpu.memref_squeeze %dma_wait3A_1045 : memref<1x5xi32, #tpu.memory_space<vmem>> -> memref<5xi32, #tpu.memory_space<vmem>>
    %dma_wait3A_1047 = arith.constant 0 : i32
    %dma_wait3A_1048 = arith.constant 0 : i32
    %dma_wait3A_1049 = arith.constant 0 : i32
    %dma_wait3A_1050 = tpu.memref_slice %arg3[%dma_wait3A_1047, %dma_wait3A_1048, %dma_wait3A_1049] : memref<7840x32x256xf32, #tpu.memory_space<hbm>> -> memref<7840x32x256xf32, #tpu.memory_space<hbm>>
    %dma_wait3A_1051 = tpu.memref_slice %arg7[%dma_wait3A_1038] : memref<3x!tpu.dma_semaphore, #tpu.memory_space<semaphore_mem>> -> memref<1x!tpu.dma_semaphore, #tpu.memory_space<semaphore_mem>>
    %dma_wait3A_1052 = tpu.memref_squeeze %dma_wait3A_1051 : memref<1x!tpu.dma_semaphore, #tpu.memory_space<semaphore_mem>> -> memref<!tpu.dma_semaphore, #tpu.memory_space<semaphore_mem>>
    tpu.wait_indirect_dma semaphore(%dma_wait3A_1052 : memref<!tpu.dma_semaphore, #tpu.memory_space<semaphore_mem>>) src(%dma_wait3A_1050 : memref<7840x32x256xf32, #tpu.memory_space<hbm>>) dst(%dma_wait3A_1043 : memref<5x32x256xf32, #tpu.memory_space<vmem>>)
    %add3A_1053 = arith.constant 12 : i32
    %add3A_1054 = arith.addi %mul3A_2, %add3A_1053 : i32
    %mul3A_1055 = arith.constant 5 : i32
    %mul3A_1056 = arith.muli %add3A_1054, %mul3A_1055 : i32
    %dma_start3A_1057 = arith.constant 0 : i32
    %dma_start3A_1058 = arith.constant 0 : i32
    %dma_start3A_1059 = arith.constant 0 : i32
    %dma_start3A_1060 = arith.constant 0 : i32
    %dma_start3A_1061 = arith.constant 0 : i32
    %dma_start3A_1062 = tpu.memref_slice %arg6[%dma_start3A_1057, %dma_start3A_1059, %dma_start3A_1060, %dma_start3A_1061] : memref<3x5x32x256xf32, #tpu.memory_space<vmem>> -> memref<1x5x32x256xf32, #tpu.memory_space<vmem>>
    %dma_start3A_1063 = tpu.memref_squeeze %dma_start3A_1062 : memref<1x5x32x256xf32, #tpu.memory_space<vmem>> -> memref<5x32x256xf32, #tpu.memory_space<vmem>>
    %dma_start3A_1064 = arith.constant 0 : i32
    %dma_start3A_1065 = arith.constant 0 : i32
    %dma_start3A_1066 = tpu.memref_slice %arg4[%mul3A_1056, %dma_start3A_1064, %dma_start3A_1065] : memref<7840x32x256xf32, #tpu.memory_space<hbm>> -> memref<5x32x256xf32, #tpu.memory_space<hbm>>
    %dma_start3A_1067 = tpu.memref_slice %arg8[%dma_start3A_1058] : memref<3x!tpu.dma_semaphore, #tpu.memory_space<semaphore_mem>> -> memref<1x!tpu.dma_semaphore, #tpu.memory_space<semaphore_mem>>
    %dma_start3A_1068 = tpu.memref_squeeze %dma_start3A_1067 : memref<1x!tpu.dma_semaphore, #tpu.memory_space<semaphore_mem>> -> memref<!tpu.dma_semaphore, #tpu.memory_space<semaphore_mem>>
    %dma_start3A_1069 = arith.constant 0 : i32
    %dma_start3A_1070 = arith.constant 0 : i32
    %dma_start3A_1071 = tpu.memref_slice %arg4[%mul3A_1056, %dma_start3A_1069, %dma_start3A_1070] : memref<7840x32x256xf32, #tpu.memory_space<hbm>> -> memref<5x32x256xf32, #tpu.memory_space<hbm>>
    %dma_start3A_1072 = arith.constant 0 : i32
    %dma_start3A_1073 = arith.constant 0 : i32
    %dma_start3A_1074 = arith.constant 0 : i32
    %dma_start3A_1075 = tpu.memref_slice %arg6[%dma_start3A_1057, %dma_start3A_1072, %dma_start3A_1073, %dma_start3A_1074] : memref<3x5x32x256xf32, #tpu.memory_space<vmem>> -> memref<1x5x32x256xf32, #tpu.memory_space<vmem>>
    %dma_start3A_1076 = tpu.memref_squeeze %dma_start3A_1075 : memref<1x5x32x256xf32, #tpu.memory_space<vmem>> -> memref<5x32x256xf32, #tpu.memory_space<vmem>>
    tpu.enqueue_dma source(%dma_start3A_1076 : memref<5x32x256xf32, #tpu.memory_space<vmem>>) target(%dma_start3A_1071 : memref<5x32x256xf32, #tpu.memory_space<hbm>>) target_semaphore(%dma_start3A_1068 : memref<!tpu.dma_semaphore, #tpu.memory_space<semaphore_mem>>)
    %add3A_1077 = arith.constant 12 : i32
    %add3A_1078 = arith.addi %mul3A_2, %add3A_1077 : i32
    %mul3A_1079 = arith.constant 5 : i32
    %mul3A_1080 = arith.muli %add3A_1078, %mul3A_1079 : i32
    %dma_wait3A_1081 = arith.constant 0 : i32
    %dma_wait3A_1082 = arith.constant 0 : i32
    %dma_wait3A_1083 = arith.constant 0 : i32
    %dma_wait3A_1084 = arith.constant 0 : i32
    %dma_wait3A_1085 = arith.constant 0 : i32
    %dma_wait3A_1086 = tpu.memref_slice %arg6[%dma_wait3A_1081, %dma_wait3A_1083, %dma_wait3A_1084, %dma_wait3A_1085] : memref<3x5x32x256xf32, #tpu.memory_space<vmem>> -> memref<1x5x32x256xf32, #tpu.memory_space<vmem>>
    %dma_wait3A_1087 = tpu.memref_squeeze %dma_wait3A_1086 : memref<1x5x32x256xf32, #tpu.memory_space<vmem>> -> memref<5x32x256xf32, #tpu.memory_space<vmem>>
    %dma_wait3A_1088 = arith.constant 0 : i32
    %dma_wait3A_1089 = arith.constant 0 : i32
    %dma_wait3A_1090 = tpu.memref_slice %arg4[%mul3A_1080, %dma_wait3A_1088, %dma_wait3A_1089] : memref<7840x32x256xf32, #tpu.memory_space<hbm>> -> memref<5x32x256xf32, #tpu.memory_space<hbm>>
    %dma_wait3A_1091 = tpu.memref_slice %arg8[%dma_wait3A_1082] : memref<3x!tpu.dma_semaphore, #tpu.memory_space<semaphore_mem>> -> memref<1x!tpu.dma_semaphore, #tpu.memory_space<semaphore_mem>>
    %dma_wait3A_1092 = tpu.memref_squeeze %dma_wait3A_1091 : memref<1x!tpu.dma_semaphore, #tpu.memory_space<semaphore_mem>> -> memref<!tpu.dma_semaphore, #tpu.memory_space<semaphore_mem>>
    %dma_wait3A_1093 = arith.constant 0 : i32
    %dma_wait3A_1094 = arith.constant 0 : i32
    %dma_wait3A_1095 = tpu.memref_slice %arg4[%mul3A_1080, %dma_wait3A_1093, %dma_wait3A_1094] : memref<7840x32x256xf32, #tpu.memory_space<hbm>> -> memref<5x32x256xf32, #tpu.memory_space<hbm>>
    %dma_wait3A_1096 = arith.constant 0 : i32
    %dma_wait3A_1097 = arith.constant 0 : i32
    %dma_wait3A_1098 = arith.constant 0 : i32
    %dma_wait3A_1099 = tpu.memref_slice %arg6[%dma_wait3A_1081, %dma_wait3A_1096, %dma_wait3A_1097, %dma_wait3A_1098] : memref<3x5x32x256xf32, #tpu.memory_space<vmem>> -> memref<1x5x32x256xf32, #tpu.memory_space<vmem>>
    %dma_wait3A_1100 = tpu.memref_squeeze %dma_wait3A_1099 : memref<1x5x32x256xf32, #tpu.memory_space<vmem>> -> memref<5x32x256xf32, #tpu.memory_space<vmem>>
    tpu.wait_dma2 semaphore(%dma_wait3A_1092 : memref<!tpu.dma_semaphore, #tpu.memory_space<semaphore_mem>>) src(%dma_wait3A_1100 : memref<5x32x256xf32, #tpu.memory_space<vmem>>) dst(%dma_wait3A_1095 : memref<5x32x256xf32, #tpu.memory_space<hbm>>)
    %dma_start3A_1101 = arith.constant 15 : i32
    %dma_start3A_1102 = arith.constant 0 : i32
    %dma_start3A_1103 = arith.constant 0 : i32
    %dma_start3A_1104 = arith.constant 0 : i32
    %dma_start3A_1105 = arith.constant 0 : i32
    %dma_start3A_1106 = arith.constant 0 : i32
    %dma_start3A_1107 = tpu.memref_slice %arg6[%dma_start3A_1102, %dma_start3A_1104, %dma_start3A_1105, %dma_start3A_1106] : memref<3x5x32x256xf32, #tpu.memory_space<vmem>> -> memref<1x5x32x256xf32, #tpu.memory_space<vmem>>
    %dma_start3A_1108 = tpu.memref_squeeze %dma_start3A_1107 : memref<1x5x32x256xf32, #tpu.memory_space<vmem>> -> memref<5x32x256xf32, #tpu.memory_space<vmem>>
    %dma_start3A_1109 = arith.constant 0 : i32
    %dma_start3A_1110 = tpu.memref_slice %arg5[%dma_start3A_1101, %dma_start3A_1109] : memref<49x5xi32, #tpu.memory_space<vmem>> -> memref<1x5xi32, #tpu.memory_space<vmem>>
    %dma_start3A_1111 = tpu.memref_squeeze %dma_start3A_1110 : memref<1x5xi32, #tpu.memory_space<vmem>> -> memref<5xi32, #tpu.memory_space<vmem>>
    %dma_start3A_1112 = arith.constant 0 : i32
    %dma_start3A_1113 = arith.constant 0 : i32
    %dma_start3A_1114 = arith.constant 0 : i32
    %dma_start3A_1115 = tpu.memref_slice %arg3[%dma_start3A_1112, %dma_start3A_1113, %dma_start3A_1114] : memref<7840x32x256xf32, #tpu.memory_space<hbm>> -> memref<7840x32x256xf32, #tpu.memory_space<hbm>>
    %dma_start3A_1116 = tpu.memref_slice %arg7[%dma_start3A_1103] : memref<3x!tpu.dma_semaphore, #tpu.memory_space<semaphore_mem>> -> memref<1x!tpu.dma_semaphore, #tpu.memory_space<semaphore_mem>>
    %dma_start3A_1117 = tpu.memref_squeeze %dma_start3A_1116 : memref<1x!tpu.dma_semaphore, #tpu.memory_space<semaphore_mem>> -> memref<!tpu.dma_semaphore, #tpu.memory_space<semaphore_mem>>
    tpu.enqueue_indirect_dma source(%dma_start3A_1115 : memref<7840x32x256xf32, #tpu.memory_space<hbm>>) target(%dma_start3A_1108 : memref<5x32x256xf32, #tpu.memory_space<vmem>>) offsets(%dma_start3A_1111 : memref<5xi32, #tpu.memory_space<vmem>>) semaphore(%dma_start3A_1117 : memref<!tpu.dma_semaphore, #tpu.memory_space<semaphore_mem>>)
    %dma_wait3A_1118 = arith.constant 13 : i32
    %dma_wait3A_1119 = arith.constant 1 : i32
    %dma_wait3A_1120 = arith.constant 1 : i32
    %dma_wait3A_1121 = arith.constant 0 : i32
    %dma_wait3A_1122 = arith.constant 0 : i32
    %dma_wait3A_1123 = arith.constant 0 : i32
    %dma_wait3A_1124 = tpu.memref_slice %arg6[%dma_wait3A_1119, %dma_wait3A_1121, %dma_wait3A_1122, %dma_wait3A_1123] : memref<3x5x32x256xf32, #tpu.memory_space<vmem>> -> memref<1x5x32x256xf32, #tpu.memory_space<vmem>>
    %dma_wait3A_1125 = tpu.memref_squeeze %dma_wait3A_1124 : memref<1x5x32x256xf32, #tpu.memory_space<vmem>> -> memref<5x32x256xf32, #tpu.memory_space<vmem>>
    %dma_wait3A_1126 = arith.constant 0 : i32
    %dma_wait3A_1127 = tpu.memref_slice %arg5[%dma_wait3A_1118, %dma_wait3A_1126] : memref<49x5xi32, #tpu.memory_space<vmem>> -> memref<1x5xi32, #tpu.memory_space<vmem>>
    %dma_wait3A_1128 = tpu.memref_squeeze %dma_wait3A_1127 : memref<1x5xi32, #tpu.memory_space<vmem>> -> memref<5xi32, #tpu.memory_space<vmem>>
    %dma_wait3A_1129 = arith.constant 0 : i32
    %dma_wait3A_1130 = arith.constant 0 : i32
    %dma_wait3A_1131 = arith.constant 0 : i32
    %dma_wait3A_1132 = tpu.memref_slice %arg3[%dma_wait3A_1129, %dma_wait3A_1130, %dma_wait3A_1131] : memref<7840x32x256xf32, #tpu.memory_space<hbm>> -> memref<7840x32x256xf32, #tpu.memory_space<hbm>>
    %dma_wait3A_1133 = tpu.memref_slice %arg7[%dma_wait3A_1120] : memref<3x!tpu.dma_semaphore, #tpu.memory_space<semaphore_mem>> -> memref<1x!tpu.dma_semaphore, #tpu.memory_space<semaphore_mem>>
    %dma_wait3A_1134 = tpu.memref_squeeze %dma_wait3A_1133 : memref<1x!tpu.dma_semaphore, #tpu.memory_space<semaphore_mem>> -> memref<!tpu.dma_semaphore, #tpu.memory_space<semaphore_mem>>
    tpu.wait_indirect_dma semaphore(%dma_wait3A_1134 : memref<!tpu.dma_semaphore, #tpu.memory_space<semaphore_mem>>) src(%dma_wait3A_1132 : memref<7840x32x256xf32, #tpu.memory_space<hbm>>) dst(%dma_wait3A_1125 : memref<5x32x256xf32, #tpu.memory_space<vmem>>)
    %add3A_1135 = arith.constant 13 : i32
    %add3A_1136 = arith.addi %mul3A_2, %add3A_1135 : i32
    %mul3A_1137 = arith.constant 5 : i32
    %mul3A_1138 = arith.muli %add3A_1136, %mul3A_1137 : i32
    %dma_start3A_1139 = arith.constant 1 : i32
    %dma_start3A_1140 = arith.constant 1 : i32
    %dma_start3A_1141 = arith.constant 0 : i32
    %dma_start3A_1142 = arith.constant 0 : i32
    %dma_start3A_1143 = arith.constant 0 : i32
    %dma_start3A_1144 = tpu.memref_slice %arg6[%dma_start3A_1139, %dma_start3A_1141, %dma_start3A_1142, %dma_start3A_1143] : memref<3x5x32x256xf32, #tpu.memory_space<vmem>> -> memref<1x5x32x256xf32, #tpu.memory_space<vmem>>
    %dma_start3A_1145 = tpu.memref_squeeze %dma_start3A_1144 : memref<1x5x32x256xf32, #tpu.memory_space<vmem>> -> memref<5x32x256xf32, #tpu.memory_space<vmem>>
    %dma_start3A_1146 = arith.constant 0 : i32
    %dma_start3A_1147 = arith.constant 0 : i32
    %dma_start3A_1148 = tpu.memref_slice %arg4[%mul3A_1138, %dma_start3A_1146, %dma_start3A_1147] : memref<7840x32x256xf32, #tpu.memory_space<hbm>> -> memref<5x32x256xf32, #tpu.memory_space<hbm>>
    %dma_start3A_1149 = tpu.memref_slice %arg8[%dma_start3A_1140] : memref<3x!tpu.dma_semaphore, #tpu.memory_space<semaphore_mem>> -> memref<1x!tpu.dma_semaphore, #tpu.memory_space<semaphore_mem>>
    %dma_start3A_1150 = tpu.memref_squeeze %dma_start3A_1149 : memref<1x!tpu.dma_semaphore, #tpu.memory_space<semaphore_mem>> -> memref<!tpu.dma_semaphore, #tpu.memory_space<semaphore_mem>>
    %dma_start3A_1151 = arith.constant 0 : i32
    %dma_start3A_1152 = arith.constant 0 : i32
    %dma_start3A_1153 = tpu.memref_slice %arg4[%mul3A_1138, %dma_start3A_1151, %dma_start3A_1152] : memref<7840x32x256xf32, #tpu.memory_space<hbm>> -> memref<5x32x256xf32, #tpu.memory_space<hbm>>
    %dma_start3A_1154 = arith.constant 0 : i32
    %dma_start3A_1155 = arith.constant 0 : i32
    %dma_start3A_1156 = arith.constant 0 : i32
    %dma_start3A_1157 = tpu.memref_slice %arg6[%dma_start3A_1139, %dma_start3A_1154, %dma_start3A_1155, %dma_start3A_1156] : memref<3x5x32x256xf32, #tpu.memory_space<vmem>> -> memref<1x5x32x256xf32, #tpu.memory_space<vmem>>
    %dma_start3A_1158 = tpu.memref_squeeze %dma_start3A_1157 : memref<1x5x32x256xf32, #tpu.memory_space<vmem>> -> memref<5x32x256xf32, #tpu.memory_space<vmem>>
    tpu.enqueue_dma source(%dma_start3A_1158 : memref<5x32x256xf32, #tpu.memory_space<vmem>>) target(%dma_start3A_1153 : memref<5x32x256xf32, #tpu.memory_space<hbm>>) target_semaphore(%dma_start3A_1150 : memref<!tpu.dma_semaphore, #tpu.memory_space<semaphore_mem>>)
    %add3A_1159 = arith.constant 13 : i32
    %add3A_1160 = arith.addi %mul3A_2, %add3A_1159 : i32
    %mul3A_1161 = arith.constant 5 : i32
    %mul3A_1162 = arith.muli %add3A_1160, %mul3A_1161 : i32
    %dma_wait3A_1163 = arith.constant 1 : i32
    %dma_wait3A_1164 = arith.constant 1 : i32
    %dma_wait3A_1165 = arith.constant 0 : i32
    %dma_wait3A_1166 = arith.constant 0 : i32
    %dma_wait3A_1167 = arith.constant 0 : i32
    %dma_wait3A_1168 = tpu.memref_slice %arg6[%dma_wait3A_1163, %dma_wait3A_1165, %dma_wait3A_1166, %dma_wait3A_1167] : memref<3x5x32x256xf32, #tpu.memory_space<vmem>> -> memref<1x5x32x256xf32, #tpu.memory_space<vmem>>
    %dma_wait3A_1169 = tpu.memref_squeeze %dma_wait3A_1168 : memref<1x5x32x256xf32, #tpu.memory_space<vmem>> -> memref<5x32x256xf32, #tpu.memory_space<vmem>>
    %dma_wait3A_1170 = arith.constant 0 : i32
    %dma_wait3A_1171 = arith.constant 0 : i32
    %dma_wait3A_1172 = tpu.memref_slice %arg4[%mul3A_1162, %dma_wait3A_1170, %dma_wait3A_1171] : memref<7840x32x256xf32, #tpu.memory_space<hbm>> -> memref<5x32x256xf32, #tpu.memory_space<hbm>>
    %dma_wait3A_1173 = tpu.memref_slice %arg8[%dma_wait3A_1164] : memref<3x!tpu.dma_semaphore, #tpu.memory_space<semaphore_mem>> -> memref<1x!tpu.dma_semaphore, #tpu.memory_space<semaphore_mem>>
    %dma_wait3A_1174 = tpu.memref_squeeze %dma_wait3A_1173 : memref<1x!tpu.dma_semaphore, #tpu.memory_space<semaphore_mem>> -> memref<!tpu.dma_semaphore, #tpu.memory_space<semaphore_mem>>
    %dma_wait3A_1175 = arith.constant 0 : i32
    %dma_wait3A_1176 = arith.constant 0 : i32
    %dma_wait3A_1177 = tpu.memref_slice %arg4[%mul3A_1162, %dma_wait3A_1175, %dma_wait3A_1176] : memref<7840x32x256xf32, #tpu.memory_space<hbm>> -> memref<5x32x256xf32, #tpu.memory_space<hbm>>
    %dma_wait3A_1178 = arith.constant 0 : i32
    %dma_wait3A_1179 = arith.constant 0 : i32
    %dma_wait3A_1180 = arith.constant 0 : i32
    %dma_wait3A_1181 = tpu.memref_slice %arg6[%dma_wait3A_1163, %dma_wait3A_1178, %dma_wait3A_1179, %dma_wait3A_1180] : memref<3x5x32x256xf32, #tpu.memory_space<vmem>> -> memref<1x5x32x256xf32, #tpu.memory_space<vmem>>
    %dma_wait3A_1182 = tpu.memref_squeeze %dma_wait3A_1181 : memref<1x5x32x256xf32, #tpu.memory_space<vmem>> -> memref<5x32x256xf32, #tpu.memory_space<vmem>>
    tpu.wait_dma2 semaphore(%dma_wait3A_1174 : memref<!tpu.dma_semaphore, #tpu.memory_space<semaphore_mem>>) src(%dma_wait3A_1182 : memref<5x32x256xf32, #tpu.memory_space<vmem>>) dst(%dma_wait3A_1177 : memref<5x32x256xf32, #tpu.memory_space<hbm>>)
    %dma_start3A_1183 = arith.constant 16 : i32
    %dma_start3A_1184 = arith.constant 1 : i32
    %dma_start3A_1185 = arith.constant 1 : i32
    %dma_start3A_1186 = arith.constant 0 : i32
    %dma_start3A_1187 = arith.constant 0 : i32
    %dma_start3A_1188 = arith.constant 0 : i32
    %dma_start3A_1189 = tpu.memref_slice %arg6[%dma_start3A_1184, %dma_start3A_1186, %dma_start3A_1187, %dma_start3A_1188] : memref<3x5x32x256xf32, #tpu.memory_space<vmem>> -> memref<1x5x32x256xf32, #tpu.memory_space<vmem>>
    %dma_start3A_1190 = tpu.memref_squeeze %dma_start3A_1189 : memref<1x5x32x256xf32, #tpu.memory_space<vmem>> -> memref<5x32x256xf32, #tpu.memory_space<vmem>>
    %dma_start3A_1191 = arith.constant 0 : i32
    %dma_start3A_1192 = tpu.memref_slice %arg5[%dma_start3A_1183, %dma_start3A_1191] : memref<49x5xi32, #tpu.memory_space<vmem>> -> memref<1x5xi32, #tpu.memory_space<vmem>>
    %dma_start3A_1193 = tpu.memref_squeeze %dma_start3A_1192 : memref<1x5xi32, #tpu.memory_space<vmem>> -> memref<5xi32, #tpu.memory_space<vmem>>
    %dma_start3A_1194 = arith.constant 0 : i32
    %dma_start3A_1195 = arith.constant 0 : i32
    %dma_start3A_1196 = arith.constant 0 : i32
    %dma_start3A_1197 = tpu.memref_slice %arg3[%dma_start3A_1194, %dma_start3A_1195, %dma_start3A_1196] : memref<7840x32x256xf32, #tpu.memory_space<hbm>> -> memref<7840x32x256xf32, #tpu.memory_space<hbm>>
    %dma_start3A_1198 = tpu.memref_slice %arg7[%dma_start3A_1185] : memref<3x!tpu.dma_semaphore, #tpu.memory_space<semaphore_mem>> -> memref<1x!tpu.dma_semaphore, #tpu.memory_space<semaphore_mem>>
    %dma_start3A_1199 = tpu.memref_squeeze %dma_start3A_1198 : memref<1x!tpu.dma_semaphore, #tpu.memory_space<semaphore_mem>> -> memref<!tpu.dma_semaphore, #tpu.memory_space<semaphore_mem>>
    tpu.enqueue_indirect_dma source(%dma_start3A_1197 : memref<7840x32x256xf32, #tpu.memory_space<hbm>>) target(%dma_start3A_1190 : memref<5x32x256xf32, #tpu.memory_space<vmem>>) offsets(%dma_start3A_1193 : memref<5xi32, #tpu.memory_space<vmem>>) semaphore(%dma_start3A_1199 : memref<!tpu.dma_semaphore, #tpu.memory_space<semaphore_mem>>)
    %dma_wait3A_1200 = arith.constant 14 : i32
    %dma_wait3A_1201 = arith.constant 2 : i32
    %dma_wait3A_1202 = arith.constant 2 : i32
    %dma_wait3A_1203 = arith.constant 0 : i32
    %dma_wait3A_1204 = arith.constant 0 : i32
    %dma_wait3A_1205 = arith.constant 0 : i32
    %dma_wait3A_1206 = tpu.memref_slice %arg6[%dma_wait3A_1201, %dma_wait3A_1203, %dma_wait3A_1204, %dma_wait3A_1205] : memref<3x5x32x256xf32, #tpu.memory_space<vmem>> -> memref<1x5x32x256xf32, #tpu.memory_space<vmem>>
    %dma_wait3A_1207 = tpu.memref_squeeze %dma_wait3A_1206 : memref<1x5x32x256xf32, #tpu.memory_space<vmem>> -> memref<5x32x256xf32, #tpu.memory_space<vmem>>
    %dma_wait3A_1208 = arith.constant 0 : i32
    %dma_wait3A_1209 = tpu.memref_slice %arg5[%dma_wait3A_1200, %dma_wait3A_1208] : memref<49x5xi32, #tpu.memory_space<vmem>> -> memref<1x5xi32, #tpu.memory_space<vmem>>
    %dma_wait3A_1210 = tpu.memref_squeeze %dma_wait3A_1209 : memref<1x5xi32, #tpu.memory_space<vmem>> -> memref<5xi32, #tpu.memory_space<vmem>>
    %dma_wait3A_1211 = arith.constant 0 : i32
    %dma_wait3A_1212 = arith.constant 0 : i32
    %dma_wait3A_1213 = arith.constant 0 : i32
    %dma_wait3A_1214 = tpu.memref_slice %arg3[%dma_wait3A_1211, %dma_wait3A_1212, %dma_wait3A_1213] : memref<7840x32x256xf32, #tpu.memory_space<hbm>> -> memref<7840x32x256xf32, #tpu.memory_space<hbm>>
    %dma_wait3A_1215 = tpu.memref_slice %arg7[%dma_wait3A_1202] : memref<3x!tpu.dma_semaphore, #tpu.memory_space<semaphore_mem>> -> memref<1x!tpu.dma_semaphore, #tpu.memory_space<semaphore_mem>>
    %dma_wait3A_1216 = tpu.memref_squeeze %dma_wait3A_1215 : memref<1x!tpu.dma_semaphore, #tpu.memory_space<semaphore_mem>> -> memref<!tpu.dma_semaphore, #tpu.memory_space<semaphore_mem>>
    tpu.wait_indirect_dma semaphore(%dma_wait3A_1216 : memref<!tpu.dma_semaphore, #tpu.memory_space<semaphore_mem>>) src(%dma_wait3A_1214 : memref<7840x32x256xf32, #tpu.memory_space<hbm>>) dst(%dma_wait3A_1207 : memref<5x32x256xf32, #tpu.memory_space<vmem>>)
    %add3A_1217 = arith.constant 14 : i32
    %add3A_1218 = arith.addi %mul3A_2, %add3A_1217 : i32
    %mul3A_1219 = arith.constant 5 : i32
    %mul3A_1220 = arith.muli %add3A_1218, %mul3A_1219 : i32
    %dma_start3A_1221 = arith.constant 2 : i32
    %dma_start3A_1222 = arith.constant 2 : i32
    %dma_start3A_1223 = arith.constant 0 : i32
    %dma_start3A_1224 = arith.constant 0 : i32
    %dma_start3A_1225 = arith.constant 0 : i32
    %dma_start3A_1226 = tpu.memref_slice %arg6[%dma_start3A_1221, %dma_start3A_1223, %dma_start3A_1224, %dma_start3A_1225] : memref<3x5x32x256xf32, #tpu.memory_space<vmem>> -> memref<1x5x32x256xf32, #tpu.memory_space<vmem>>
    %dma_start3A_1227 = tpu.memref_squeeze %dma_start3A_1226 : memref<1x5x32x256xf32, #tpu.memory_space<vmem>> -> memref<5x32x256xf32, #tpu.memory_space<vmem>>
    %dma_start3A_1228 = arith.constant 0 : i32
    %dma_start3A_1229 = arith.constant 0 : i32
    %dma_start3A_1230 = tpu.memref_slice %arg4[%mul3A_1220, %dma_start3A_1228, %dma_start3A_1229] : memref<7840x32x256xf32, #tpu.memory_space<hbm>> -> memref<5x32x256xf32, #tpu.memory_space<hbm>>
    %dma_start3A_1231 = tpu.memref_slice %arg8[%dma_start3A_1222] : memref<3x!tpu.dma_semaphore, #tpu.memory_space<semaphore_mem>> -> memref<1x!tpu.dma_semaphore, #tpu.memory_space<semaphore_mem>>
    %dma_start3A_1232 = tpu.memref_squeeze %dma_start3A_1231 : memref<1x!tpu.dma_semaphore, #tpu.memory_space<semaphore_mem>> -> memref<!tpu.dma_semaphore, #tpu.memory_space<semaphore_mem>>
    %dma_start3A_1233 = arith.constant 0 : i32
    %dma_start3A_1234 = arith.constant 0 : i32
    %dma_start3A_1235 = tpu.memref_slice %arg4[%mul3A_1220, %dma_start3A_1233, %dma_start3A_1234] : memref<7840x32x256xf32, #tpu.memory_space<hbm>> -> memref<5x32x256xf32, #tpu.memory_space<hbm>>
    %dma_start3A_1236 = arith.constant 0 : i32
    %dma_start3A_1237 = arith.constant 0 : i32
    %dma_start3A_1238 = arith.constant 0 : i32
    %dma_start3A_1239 = tpu.memref_slice %arg6[%dma_start3A_1221, %dma_start3A_1236, %dma_start3A_1237, %dma_start3A_1238] : memref<3x5x32x256xf32, #tpu.memory_space<vmem>> -> memref<1x5x32x256xf32, #tpu.memory_space<vmem>>
    %dma_start3A_1240 = tpu.memref_squeeze %dma_start3A_1239 : memref<1x5x32x256xf32, #tpu.memory_space<vmem>> -> memref<5x32x256xf32, #tpu.memory_space<vmem>>
    tpu.enqueue_dma source(%dma_start3A_1240 : memref<5x32x256xf32, #tpu.memory_space<vmem>>) target(%dma_start3A_1235 : memref<5x32x256xf32, #tpu.memory_space<hbm>>) target_semaphore(%dma_start3A_1232 : memref<!tpu.dma_semaphore, #tpu.memory_space<semaphore_mem>>)
    %add3A_1241 = arith.constant 14 : i32
    %add3A_1242 = arith.addi %mul3A_2, %add3A_1241 : i32
    %mul3A_1243 = arith.constant 5 : i32
    %mul3A_1244 = arith.muli %add3A_1242, %mul3A_1243 : i32
    %dma_wait3A_1245 = arith.constant 2 : i32
    %dma_wait3A_1246 = arith.constant 2 : i32
    %dma_wait3A_1247 = arith.constant 0 : i32
    %dma_wait3A_1248 = arith.constant 0 : i32
    %dma_wait3A_1249 = arith.constant 0 : i32
    %dma_wait3A_1250 = tpu.memref_slice %arg6[%dma_wait3A_1245, %dma_wait3A_1247, %dma_wait3A_1248, %dma_wait3A_1249] : memref<3x5x32x256xf32, #tpu.memory_space<vmem>> -> memref<1x5x32x256xf32, #tpu.memory_space<vmem>>
    %dma_wait3A_1251 = tpu.memref_squeeze %dma_wait3A_1250 : memref<1x5x32x256xf32, #tpu.memory_space<vmem>> -> memref<5x32x256xf32, #tpu.memory_space<vmem>>
    %dma_wait3A_1252 = arith.constant 0 : i32
    %dma_wait3A_1253 = arith.constant 0 : i32
    %dma_wait3A_1254 = tpu.memref_slice %arg4[%mul3A_1244, %dma_wait3A_1252, %dma_wait3A_1253] : memref<7840x32x256xf32, #tpu.memory_space<hbm>> -> memref<5x32x256xf32, #tpu.memory_space<hbm>>
    %dma_wait3A_1255 = tpu.memref_slice %arg8[%dma_wait3A_1246] : memref<3x!tpu.dma_semaphore, #tpu.memory_space<semaphore_mem>> -> memref<1x!tpu.dma_semaphore, #tpu.memory_space<semaphore_mem>>
    %dma_wait3A_1256 = tpu.memref_squeeze %dma_wait3A_1255 : memref<1x!tpu.dma_semaphore, #tpu.memory_space<semaphore_mem>> -> memref<!tpu.dma_semaphore, #tpu.memory_space<semaphore_mem>>
    %dma_wait3A_1257 = arith.constant 0 : i32
    %dma_wait3A_1258 = arith.constant 0 : i32
    %dma_wait3A_1259 = tpu.memref_slice %arg4[%mul3A_1244, %dma_wait3A_1257, %dma_wait3A_1258] : memref<7840x32x256xf32, #tpu.memory_space<hbm>> -> memref<5x32x256xf32, #tpu.memory_space<hbm>>
    %dma_wait3A_1260 = arith.constant 0 : i32
    %dma_wait3A_1261 = arith.constant 0 : i32
    %dma_wait3A_1262 = arith.constant 0 : i32
    %dma_wait3A_1263 = tpu.memref_slice %arg6[%dma_wait3A_1245, %dma_wait3A_1260, %dma_wait3A_1261, %dma_wait3A_1262] : memref<3x5x32x256xf32, #tpu.memory_space<vmem>> -> memref<1x5x32x256xf32, #tpu.memory_space<vmem>>
    %dma_wait3A_1264 = tpu.memref_squeeze %dma_wait3A_1263 : memref<1x5x32x256xf32, #tpu.memory_space<vmem>> -> memref<5x32x256xf32, #tpu.memory_space<vmem>>
    tpu.wait_dma2 semaphore(%dma_wait3A_1256 : memref<!tpu.dma_semaphore, #tpu.memory_space<semaphore_mem>>) src(%dma_wait3A_1264 : memref<5x32x256xf32, #tpu.memory_space<vmem>>) dst(%dma_wait3A_1259 : memref<5x32x256xf32, #tpu.memory_space<hbm>>)
    %dma_start3A_1265 = arith.constant 17 : i32
    %dma_start3A_1266 = arith.constant 2 : i32
    %dma_start3A_1267 = arith.constant 2 : i32
    %dma_start3A_1268 = arith.constant 0 : i32
    %dma_start3A_1269 = arith.constant 0 : i32
    %dma_start3A_1270 = arith.constant 0 : i32
    %dma_start3A_1271 = tpu.memref_slice %arg6[%dma_start3A_1266, %dma_start3A_1268, %dma_start3A_1269, %dma_start3A_1270] : memref<3x5x32x256xf32, #tpu.memory_space<vmem>> -> memref<1x5x32x256xf32, #tpu.memory_space<vmem>>
    %dma_start3A_1272 = tpu.memref_squeeze %dma_start3A_1271 : memref<1x5x32x256xf32, #tpu.memory_space<vmem>> -> memref<5x32x256xf32, #tpu.memory_space<vmem>>
    %dma_start3A_1273 = arith.constant 0 : i32
    %dma_start3A_1274 = tpu.memref_slice %arg5[%dma_start3A_1265, %dma_start3A_1273] : memref<49x5xi32, #tpu.memory_space<vmem>> -> memref<1x5xi32, #tpu.memory_space<vmem>>
    %dma_start3A_1275 = tpu.memref_squeeze %dma_start3A_1274 : memref<1x5xi32, #tpu.memory_space<vmem>> -> memref<5xi32, #tpu.memory_space<vmem>>
    %dma_start3A_1276 = arith.constant 0 : i32
    %dma_start3A_1277 = arith.constant 0 : i32
    %dma_start3A_1278 = arith.constant 0 : i32
    %dma_start3A_1279 = tpu.memref_slice %arg3[%dma_start3A_1276, %dma_start3A_1277, %dma_start3A_1278] : memref<7840x32x256xf32, #tpu.memory_space<hbm>> -> memref<7840x32x256xf32, #tpu.memory_space<hbm>>
    %dma_start3A_1280 = tpu.memref_slice %arg7[%dma_start3A_1267] : memref<3x!tpu.dma_semaphore, #tpu.memory_space<semaphore_mem>> -> memref<1x!tpu.dma_semaphore, #tpu.memory_space<semaphore_mem>>
    %dma_start3A_1281 = tpu.memref_squeeze %dma_start3A_1280 : memref<1x!tpu.dma_semaphore, #tpu.memory_space<semaphore_mem>> -> memref<!tpu.dma_semaphore, #tpu.memory_space<semaphore_mem>>
    tpu.enqueue_indirect_dma source(%dma_start3A_1279 : memref<7840x32x256xf32, #tpu.memory_space<hbm>>) target(%dma_start3A_1272 : memref<5x32x256xf32, #tpu.memory_space<vmem>>) offsets(%dma_start3A_1275 : memref<5xi32, #tpu.memory_space<vmem>>) semaphore(%dma_start3A_1281 : memref<!tpu.dma_semaphore, #tpu.memory_space<semaphore_mem>>)
    %dma_wait3A_1282 = arith.constant 15 : i32
    %dma_wait3A_1283 = arith.constant 0 : i32
    %dma_wait3A_1284 = arith.constant 0 : i32
    %dma_wait3A_1285 = arith.constant 0 : i32
    %dma_wait3A_1286 = arith.constant 0 : i32
    %dma_wait3A_1287 = arith.constant 0 : i32
    %dma_wait3A_1288 = tpu.memref_slice %arg6[%dma_wait3A_1283, %dma_wait3A_1285, %dma_wait3A_1286, %dma_wait3A_1287] : memref<3x5x32x256xf32, #tpu.memory_space<vmem>> -> memref<1x5x32x256xf32, #tpu.memory_space<vmem>>
    %dma_wait3A_1289 = tpu.memref_squeeze %dma_wait3A_1288 : memref<1x5x32x256xf32, #tpu.memory_space<vmem>> -> memref<5x32x256xf32, #tpu.memory_space<vmem>>
    %dma_wait3A_1290 = arith.constant 0 : i32
    %dma_wait3A_1291 = tpu.memref_slice %arg5[%dma_wait3A_1282, %dma_wait3A_1290] : memref<49x5xi32, #tpu.memory_space<vmem>> -> memref<1x5xi32, #tpu.memory_space<vmem>>
    %dma_wait3A_1292 = tpu.memref_squeeze %dma_wait3A_1291 : memref<1x5xi32, #tpu.memory_space<vmem>> -> memref<5xi32, #tpu.memory_space<vmem>>
    %dma_wait3A_1293 = arith.constant 0 : i32
    %dma_wait3A_1294 = arith.constant 0 : i32
    %dma_wait3A_1295 = arith.constant 0 : i32
    %dma_wait3A_1296 = tpu.memref_slice %arg3[%dma_wait3A_1293, %dma_wait3A_1294, %dma_wait3A_1295] : memref<7840x32x256xf32, #tpu.memory_space<hbm>> -> memref<7840x32x256xf32, #tpu.memory_space<hbm>>
    %dma_wait3A_1297 = tpu.memref_slice %arg7[%dma_wait3A_1284] : memref<3x!tpu.dma_semaphore, #tpu.memory_space<semaphore_mem>> -> memref<1x!tpu.dma_semaphore, #tpu.memory_space<semaphore_mem>>
    %dma_wait3A_1298 = tpu.memref_squeeze %dma_wait3A_1297 : memref<1x!tpu.dma_semaphore, #tpu.memory_space<semaphore_mem>> -> memref<!tpu.dma_semaphore, #tpu.memory_space<semaphore_mem>>
    tpu.wait_indirect_dma semaphore(%dma_wait3A_1298 : memref<!tpu.dma_semaphore, #tpu.memory_space<semaphore_mem>>) src(%dma_wait3A_1296 : memref<7840x32x256xf32, #tpu.memory_space<hbm>>) dst(%dma_wait3A_1289 : memref<5x32x256xf32, #tpu.memory_space<vmem>>)
    %add3A_1299 = arith.constant 15 : i32
    %add3A_1300 = arith.addi %mul3A_2, %add3A_1299 : i32
    %mul3A_1301 = arith.constant 5 : i32
    %mul3A_1302 = arith.muli %add3A_1300, %mul3A_1301 : i32
    %dma_start3A_1303 = arith.constant 0 : i32
    %dma_start3A_1304 = arith.constant 0 : i32
    %dma_start3A_1305 = arith.constant 0 : i32
    %dma_start3A_1306 = arith.constant 0 : i32
    %dma_start3A_1307 = arith.constant 0 : i32
    %dma_start3A_1308 = tpu.memref_slice %arg6[%dma_start3A_1303, %dma_start3A_1305, %dma_start3A_1306, %dma_start3A_1307] : memref<3x5x32x256xf32, #tpu.memory_space<vmem>> -> memref<1x5x32x256xf32, #tpu.memory_space<vmem>>
    %dma_start3A_1309 = tpu.memref_squeeze %dma_start3A_1308 : memref<1x5x32x256xf32, #tpu.memory_space<vmem>> -> memref<5x32x256xf32, #tpu.memory_space<vmem>>
    %dma_start3A_1310 = arith.constant 0 : i32
    %dma_start3A_1311 = arith.constant 0 : i32
    %dma_start3A_1312 = tpu.memref_slice %arg4[%mul3A_1302, %dma_start3A_1310, %dma_start3A_1311] : memref<7840x32x256xf32, #tpu.memory_space<hbm>> -> memref<5x32x256xf32, #tpu.memory_space<hbm>>
    %dma_start3A_1313 = tpu.memref_slice %arg8[%dma_start3A_1304] : memref<3x!tpu.dma_semaphore, #tpu.memory_space<semaphore_mem>> -> memref<1x!tpu.dma_semaphore, #tpu.memory_space<semaphore_mem>>
    %dma_start3A_1314 = tpu.memref_squeeze %dma_start3A_1313 : memref<1x!tpu.dma_semaphore, #tpu.memory_space<semaphore_mem>> -> memref<!tpu.dma_semaphore, #tpu.memory_space<semaphore_mem>>
    %dma_start3A_1315 = arith.constant 0 : i32
    %dma_start3A_1316 = arith.constant 0 : i32
    %dma_start3A_1317 = tpu.memref_slice %arg4[%mul3A_1302, %dma_start3A_1315, %dma_start3A_1316] : memref<7840x32x256xf32, #tpu.memory_space<hbm>> -> memref<5x32x256xf32, #tpu.memory_space<hbm>>
    %dma_start3A_1318 = arith.constant 0 : i32
    %dma_start3A_1319 = arith.constant 0 : i32
    %dma_start3A_1320 = arith.constant 0 : i32
    %dma_start3A_1321 = tpu.memref_slice %arg6[%dma_start3A_1303, %dma_start3A_1318, %dma_start3A_1319, %dma_start3A_1320] : memref<3x5x32x256xf32, #tpu.memory_space<vmem>> -> memref<1x5x32x256xf32, #tpu.memory_space<vmem>>
    %dma_start3A_1322 = tpu.memref_squeeze %dma_start3A_1321 : memref<1x5x32x256xf32, #tpu.memory_space<vmem>> -> memref<5x32x256xf32, #tpu.memory_space<vmem>>
    tpu.enqueue_dma source(%dma_start3A_1322 : memref<5x32x256xf32, #tpu.memory_space<vmem>>) target(%dma_start3A_1317 : memref<5x32x256xf32, #tpu.memory_space<hbm>>) target_semaphore(%dma_start3A_1314 : memref<!tpu.dma_semaphore, #tpu.memory_space<semaphore_mem>>)
    %add3A_1323 = arith.constant 15 : i32
    %add3A_1324 = arith.addi %mul3A_2, %add3A_1323 : i32
    %mul3A_1325 = arith.constant 5 : i32
    %mul3A_1326 = arith.muli %add3A_1324, %mul3A_1325 : i32
    %dma_wait3A_1327 = arith.constant 0 : i32
    %dma_wait3A_1328 = arith.constant 0 : i32
    %dma_wait3A_1329 = arith.constant 0 : i32
    %dma_wait3A_1330 = arith.constant 0 : i32
    %dma_wait3A_1331 = arith.constant 0 : i32
    %dma_wait3A_1332 = tpu.memref_slice %arg6[%dma_wait3A_1327, %dma_wait3A_1329, %dma_wait3A_1330, %dma_wait3A_1331] : memref<3x5x32x256xf32, #tpu.memory_space<vmem>> -> memref<1x5x32x256xf32, #tpu.memory_space<vmem>>
    %dma_wait3A_1333 = tpu.memref_squeeze %dma_wait3A_1332 : memref<1x5x32x256xf32, #tpu.memory_space<vmem>> -> memref<5x32x256xf32, #tpu.memory_space<vmem>>
    %dma_wait3A_1334 = arith.constant 0 : i32
    %dma_wait3A_1335 = arith.constant 0 : i32
    %dma_wait3A_1336 = tpu.memref_slice %arg4[%mul3A_1326, %dma_wait3A_1334, %dma_wait3A_1335] : memref<7840x32x256xf32, #tpu.memory_space<hbm>> -> memref<5x32x256xf32, #tpu.memory_space<hbm>>
    %dma_wait3A_1337 = tpu.memref_slice %arg8[%dma_wait3A_1328] : memref<3x!tpu.dma_semaphore, #tpu.memory_space<semaphore_mem>> -> memref<1x!tpu.dma_semaphore, #tpu.memory_space<semaphore_mem>>
    %dma_wait3A_1338 = tpu.memref_squeeze %dma_wait3A_1337 : memref<1x!tpu.dma_semaphore, #tpu.memory_space<semaphore_mem>> -> memref<!tpu.dma_semaphore, #tpu.memory_space<semaphore_mem>>
    %dma_wait3A_1339 = arith.constant 0 : i32
    %dma_wait3A_1340 = arith.constant 0 : i32
    %dma_wait3A_1341 = tpu.memref_slice %arg4[%mul3A_1326, %dma_wait3A_1339, %dma_wait3A_1340] : memref<7840x32x256xf32, #tpu.memory_space<hbm>> -> memref<5x32x256xf32, #tpu.memory_space<hbm>>
    %dma_wait3A_1342 = arith.constant 0 : i32
    %dma_wait3A_1343 = arith.constant 0 : i32
    %dma_wait3A_1344 = arith.constant 0 : i32
    %dma_wait3A_1345 = tpu.memref_slice %arg6[%dma_wait3A_1327, %dma_wait3A_1342, %dma_wait3A_1343, %dma_wait3A_1344] : memref<3x5x32x256xf32, #tpu.memory_space<vmem>> -> memref<1x5x32x256xf32, #tpu.memory_space<vmem>>
    %dma_wait3A_1346 = tpu.memref_squeeze %dma_wait3A_1345 : memref<1x5x32x256xf32, #tpu.memory_space<vmem>> -> memref<5x32x256xf32, #tpu.memory_space<vmem>>
    tpu.wait_dma2 semaphore(%dma_wait3A_1338 : memref<!tpu.dma_semaphore, #tpu.memory_space<semaphore_mem>>) src(%dma_wait3A_1346 : memref<5x32x256xf32, #tpu.memory_space<vmem>>) dst(%dma_wait3A_1341 : memref<5x32x256xf32, #tpu.memory_space<hbm>>)
    %dma_start3A_1347 = arith.constant 18 : i32
    %dma_start3A_1348 = arith.constant 0 : i32
    %dma_start3A_1349 = arith.constant 0 : i32
    %dma_start3A_1350 = arith.constant 0 : i32
    %dma_start3A_1351 = arith.constant 0 : i32
    %dma_start3A_1352 = arith.constant 0 : i32
    %dma_start3A_1353 = tpu.memref_slice %arg6[%dma_start3A_1348, %dma_start3A_1350, %dma_start3A_1351, %dma_start3A_1352] : memref<3x5x32x256xf32, #tpu.memory_space<vmem>> -> memref<1x5x32x256xf32, #tpu.memory_space<vmem>>
    %dma_start3A_1354 = tpu.memref_squeeze %dma_start3A_1353 : memref<1x5x32x256xf32, #tpu.memory_space<vmem>> -> memref<5x32x256xf32, #tpu.memory_space<vmem>>
    %dma_start3A_1355 = arith.constant 0 : i32
    %dma_start3A_1356 = tpu.memref_slice %arg5[%dma_start3A_1347, %dma_start3A_1355] : memref<49x5xi32, #tpu.memory_space<vmem>> -> memref<1x5xi32, #tpu.memory_space<vmem>>
    %dma_start3A_1357 = tpu.memref_squeeze %dma_start3A_1356 : memref<1x5xi32, #tpu.memory_space<vmem>> -> memref<5xi32, #tpu.memory_space<vmem>>
    %dma_start3A_1358 = arith.constant 0 : i32
    %dma_start3A_1359 = arith.constant 0 : i32
    %dma_start3A_1360 = arith.constant 0 : i32
    %dma_start3A_1361 = tpu.memref_slice %arg3[%dma_start3A_1358, %dma_start3A_1359, %dma_start3A_1360] : memref<7840x32x256xf32, #tpu.memory_space<hbm>> -> memref<7840x32x256xf32, #tpu.memory_space<hbm>>
    %dma_start3A_1362 = tpu.memref_slice %arg7[%dma_start3A_1349] : memref<3x!tpu.dma_semaphore, #tpu.memory_space<semaphore_mem>> -> memref<1x!tpu.dma_semaphore, #tpu.memory_space<semaphore_mem>>
    %dma_start3A_1363 = tpu.memref_squeeze %dma_start3A_1362 : memref<1x!tpu.dma_semaphore, #tpu.memory_space<semaphore_mem>> -> memref<!tpu.dma_semaphore, #tpu.memory_space<semaphore_mem>>
    tpu.enqueue_indirect_dma source(%dma_start3A_1361 : memref<7840x32x256xf32, #tpu.memory_space<hbm>>) target(%dma_start3A_1354 : memref<5x32x256xf32, #tpu.memory_space<vmem>>) offsets(%dma_start3A_1357 : memref<5xi32, #tpu.memory_space<vmem>>) semaphore(%dma_start3A_1363 : memref<!tpu.dma_semaphore, #tpu.memory_space<semaphore_mem>>)
    %dma_wait3A_1364 = arith.constant 16 : i32
    %dma_wait3A_1365 = arith.constant 1 : i32
    %dma_wait3A_1366 = arith.constant 1 : i32
    %dma_wait3A_1367 = arith.constant 0 : i32
    %dma_wait3A_1368 = arith.constant 0 : i32
    %dma_wait3A_1369 = arith.constant 0 : i32
    %dma_wait3A_1370 = tpu.memref_slice %arg6[%dma_wait3A_1365, %dma_wait3A_1367, %dma_wait3A_1368, %dma_wait3A_1369] : memref<3x5x32x256xf32, #tpu.memory_space<vmem>> -> memref<1x5x32x256xf32, #tpu.memory_space<vmem>>
    %dma_wait3A_1371 = tpu.memref_squeeze %dma_wait3A_1370 : memref<1x5x32x256xf32, #tpu.memory_space<vmem>> -> memref<5x32x256xf32, #tpu.memory_space<vmem>>
    %dma_wait3A_1372 = arith.constant 0 : i32
    %dma_wait3A_1373 = tpu.memref_slice %arg5[%dma_wait3A_1364, %dma_wait3A_1372] : memref<49x5xi32, #tpu.memory_space<vmem>> -> memref<1x5xi32, #tpu.memory_space<vmem>>
    %dma_wait3A_1374 = tpu.memref_squeeze %dma_wait3A_1373 : memref<1x5xi32, #tpu.memory_space<vmem>> -> memref<5xi32, #tpu.memory_space<vmem>>
    %dma_wait3A_1375 = arith.constant 0 : i32
    %dma_wait3A_1376 = arith.constant 0 : i32
    %dma_wait3A_1377 = arith.constant 0 : i32
    %dma_wait3A_1378 = tpu.memref_slice %arg3[%dma_wait3A_1375, %dma_wait3A_1376, %dma_wait3A_1377] : memref<7840x32x256xf32, #tpu.memory_space<hbm>> -> memref<7840x32x256xf32, #tpu.memory_space<hbm>>
    %dma_wait3A_1379 = tpu.memref_slice %arg7[%dma_wait3A_1366] : memref<3x!tpu.dma_semaphore, #tpu.memory_space<semaphore_mem>> -> memref<1x!tpu.dma_semaphore, #tpu.memory_space<semaphore_mem>>
    %dma_wait3A_1380 = tpu.memref_squeeze %dma_wait3A_1379 : memref<1x!tpu.dma_semaphore, #tpu.memory_space<semaphore_mem>> -> memref<!tpu.dma_semaphore, #tpu.memory_space<semaphore_mem>>
    tpu.wait_indirect_dma semaphore(%dma_wait3A_1380 : memref<!tpu.dma_semaphore, #tpu.memory_space<semaphore_mem>>) src(%dma_wait3A_1378 : memref<7840x32x256xf32, #tpu.memory_space<hbm>>) dst(%dma_wait3A_1371 : memref<5x32x256xf32, #tpu.memory_space<vmem>>)
    %add3A_1381 = arith.constant 16 : i32
    %add3A_1382 = arith.addi %mul3A_2, %add3A_1381 : i32
    %mul3A_1383 = arith.constant 5 : i32
    %mul3A_1384 = arith.muli %add3A_1382, %mul3A_1383 : i32
    %dma_start3A_1385 = arith.constant 1 : i32
    %dma_start3A_1386 = arith.constant 1 : i32
    %dma_start3A_1387 = arith.constant 0 : i32
    %dma_start3A_1388 = arith.constant 0 : i32
    %dma_start3A_1389 = arith.constant 0 : i32
    %dma_start3A_1390 = tpu.memref_slice %arg6[%dma_start3A_1385, %dma_start3A_1387, %dma_start3A_1388, %dma_start3A_1389] : memref<3x5x32x256xf32, #tpu.memory_space<vmem>> -> memref<1x5x32x256xf32, #tpu.memory_space<vmem>>
    %dma_start3A_1391 = tpu.memref_squeeze %dma_start3A_1390 : memref<1x5x32x256xf32, #tpu.memory_space<vmem>> -> memref<5x32x256xf32, #tpu.memory_space<vmem>>
    %dma_start3A_1392 = arith.constant 0 : i32
    %dma_start3A_1393 = arith.constant 0 : i32
    %dma_start3A_1394 = tpu.memref_slice %arg4[%mul3A_1384, %dma_start3A_1392, %dma_start3A_1393] : memref<7840x32x256xf32, #tpu.memory_space<hbm>> -> memref<5x32x256xf32, #tpu.memory_space<hbm>>
    %dma_start3A_1395 = tpu.memref_slice %arg8[%dma_start3A_1386] : memref<3x!tpu.dma_semaphore, #tpu.memory_space<semaphore_mem>> -> memref<1x!tpu.dma_semaphore, #tpu.memory_space<semaphore_mem>>
    %dma_start3A_1396 = tpu.memref_squeeze %dma_start3A_1395 : memref<1x!tpu.dma_semaphore, #tpu.memory_space<semaphore_mem>> -> memref<!tpu.dma_semaphore, #tpu.memory_space<semaphore_mem>>
    %dma_start3A_1397 = arith.constant 0 : i32
    %dma_start3A_1398 = arith.constant 0 : i32
    %dma_start3A_1399 = tpu.memref_slice %arg4[%mul3A_1384, %dma_start3A_1397, %dma_start3A_1398] : memref<7840x32x256xf32, #tpu.memory_space<hbm>> -> memref<5x32x256xf32, #tpu.memory_space<hbm>>
    %dma_start3A_1400 = arith.constant 0 : i32
    %dma_start3A_1401 = arith.constant 0 : i32
    %dma_start3A_1402 = arith.constant 0 : i32
    %dma_start3A_1403 = tpu.memref_slice %arg6[%dma_start3A_1385, %dma_start3A_1400, %dma_start3A_1401, %dma_start3A_1402] : memref<3x5x32x256xf32, #tpu.memory_space<vmem>> -> memref<1x5x32x256xf32, #tpu.memory_space<vmem>>
    %dma_start3A_1404 = tpu.memref_squeeze %dma_start3A_1403 : memref<1x5x32x256xf32, #tpu.memory_space<vmem>> -> memref<5x32x256xf32, #tpu.memory_space<vmem>>
    tpu.enqueue_dma source(%dma_start3A_1404 : memref<5x32x256xf32, #tpu.memory_space<vmem>>) target(%dma_start3A_1399 : memref<5x32x256xf32, #tpu.memory_space<hbm>>) target_semaphore(%dma_start3A_1396 : memref<!tpu.dma_semaphore, #tpu.memory_space<semaphore_mem>>)
    %add3A_1405 = arith.constant 16 : i32
    %add3A_1406 = arith.addi %mul3A_2, %add3A_1405 : i32
    %mul3A_1407 = arith.constant 5 : i32
    %mul3A_1408 = arith.muli %add3A_1406, %mul3A_1407 : i32
    %dma_wait3A_1409 = arith.constant 1 : i32
    %dma_wait3A_1410 = arith.constant 1 : i32
    %dma_wait3A_1411 = arith.constant 0 : i32
    %dma_wait3A_1412 = arith.constant 0 : i32
    %dma_wait3A_1413 = arith.constant 0 : i32
    %dma_wait3A_1414 = tpu.memref_slice %arg6[%dma_wait3A_1409, %dma_wait3A_1411, %dma_wait3A_1412, %dma_wait3A_1413] : memref<3x5x32x256xf32, #tpu.memory_space<vmem>> -> memref<1x5x32x256xf32, #tpu.memory_space<vmem>>
    %dma_wait3A_1415 = tpu.memref_squeeze %dma_wait3A_1414 : memref<1x5x32x256xf32, #tpu.memory_space<vmem>> -> memref<5x32x256xf32, #tpu.memory_space<vmem>>
    %dma_wait3A_1416 = arith.constant 0 : i32
    %dma_wait3A_1417 = arith.constant 0 : i32
    %dma_wait3A_1418 = tpu.memref_slice %arg4[%mul3A_1408, %dma_wait3A_1416, %dma_wait3A_1417] : memref<7840x32x256xf32, #tpu.memory_space<hbm>> -> memref<5x32x256xf32, #tpu.memory_space<hbm>>
    %dma_wait3A_1419 = tpu.memref_slice %arg8[%dma_wait3A_1410] : memref<3x!tpu.dma_semaphore, #tpu.memory_space<semaphore_mem>> -> memref<1x!tpu.dma_semaphore, #tpu.memory_space<semaphore_mem>>
    %dma_wait3A_1420 = tpu.memref_squeeze %dma_wait3A_1419 : memref<1x!tpu.dma_semaphore, #tpu.memory_space<semaphore_mem>> -> memref<!tpu.dma_semaphore, #tpu.memory_space<semaphore_mem>>
    %dma_wait3A_1421 = arith.constant 0 : i32
    %dma_wait3A_1422 = arith.constant 0 : i32
    %dma_wait3A_1423 = tpu.memref_slice %arg4[%mul3A_1408, %dma_wait3A_1421, %dma_wait3A_1422] : memref<7840x32x256xf32, #tpu.memory_space<hbm>> -> memref<5x32x256xf32, #tpu.memory_space<hbm>>
    %dma_wait3A_1424 = arith.constant 0 : i32
    %dma_wait3A_1425 = arith.constant 0 : i32
    %dma_wait3A_1426 = arith.constant 0 : i32
    %dma_wait3A_1427 = tpu.memref_slice %arg6[%dma_wait3A_1409, %dma_wait3A_1424, %dma_wait3A_1425, %dma_wait3A_1426] : memref<3x5x32x256xf32, #tpu.memory_space<vmem>> -> memref<1x5x32x256xf32, #tpu.memory_space<vmem>>
    %dma_wait3A_1428 = tpu.memref_squeeze %dma_wait3A_1427 : memref<1x5x32x256xf32, #tpu.memory_space<vmem>> -> memref<5x32x256xf32, #tpu.memory_space<vmem>>
    tpu.wait_dma2 semaphore(%dma_wait3A_1420 : memref<!tpu.dma_semaphore, #tpu.memory_space<semaphore_mem>>) src(%dma_wait3A_1428 : memref<5x32x256xf32, #tpu.memory_space<vmem>>) dst(%dma_wait3A_1423 : memref<5x32x256xf32, #tpu.memory_space<hbm>>)
    %dma_start3A_1429 = arith.constant 19 : i32
    %dma_start3A_1430 = arith.constant 1 : i32
    %dma_start3A_1431 = arith.constant 1 : i32
    %dma_start3A_1432 = arith.constant 0 : i32
    %dma_start3A_1433 = arith.constant 0 : i32
    %dma_start3A_1434 = arith.constant 0 : i32
    %dma_start3A_1435 = tpu.memref_slice %arg6[%dma_start3A_1430, %dma_start3A_1432, %dma_start3A_1433, %dma_start3A_1434] : memref<3x5x32x256xf32, #tpu.memory_space<vmem>> -> memref<1x5x32x256xf32, #tpu.memory_space<vmem>>
    %dma_start3A_1436 = tpu.memref_squeeze %dma_start3A_1435 : memref<1x5x32x256xf32, #tpu.memory_space<vmem>> -> memref<5x32x256xf32, #tpu.memory_space<vmem>>
    %dma_start3A_1437 = arith.constant 0 : i32
    %dma_start3A_1438 = tpu.memref_slice %arg5[%dma_start3A_1429, %dma_start3A_1437] : memref<49x5xi32, #tpu.memory_space<vmem>> -> memref<1x5xi32, #tpu.memory_space<vmem>>
    %dma_start3A_1439 = tpu.memref_squeeze %dma_start3A_1438 : memref<1x5xi32, #tpu.memory_space<vmem>> -> memref<5xi32, #tpu.memory_space<vmem>>
    %dma_start3A_1440 = arith.constant 0 : i32
    %dma_start3A_1441 = arith.constant 0 : i32
    %dma_start3A_1442 = arith.constant 0 : i32
    %dma_start3A_1443 = tpu.memref_slice %arg3[%dma_start3A_1440, %dma_start3A_1441, %dma_start3A_1442] : memref<7840x32x256xf32, #tpu.memory_space<hbm>> -> memref<7840x32x256xf32, #tpu.memory_space<hbm>>
    %dma_start3A_1444 = tpu.memref_slice %arg7[%dma_start3A_1431] : memref<3x!tpu.dma_semaphore, #tpu.memory_space<semaphore_mem>> -> memref<1x!tpu.dma_semaphore, #tpu.memory_space<semaphore_mem>>
    %dma_start3A_1445 = tpu.memref_squeeze %dma_start3A_1444 : memref<1x!tpu.dma_semaphore, #tpu.memory_space<semaphore_mem>> -> memref<!tpu.dma_semaphore, #tpu.memory_space<semaphore_mem>>
    tpu.enqueue_indirect_dma source(%dma_start3A_1443 : memref<7840x32x256xf32, #tpu.memory_space<hbm>>) target(%dma_start3A_1436 : memref<5x32x256xf32, #tpu.memory_space<vmem>>) offsets(%dma_start3A_1439 : memref<5xi32, #tpu.memory_space<vmem>>) semaphore(%dma_start3A_1445 : memref<!tpu.dma_semaphore, #tpu.memory_space<semaphore_mem>>)
    %dma_wait3A_1446 = arith.constant 17 : i32
    %dma_wait3A_1447 = arith.constant 2 : i32
    %dma_wait3A_1448 = arith.constant 2 : i32
    %dma_wait3A_1449 = arith.constant 0 : i32
    %dma_wait3A_1450 = arith.constant 0 : i32
    %dma_wait3A_1451 = arith.constant 0 : i32
    %dma_wait3A_1452 = tpu.memref_slice %arg6[%dma_wait3A_1447, %dma_wait3A_1449, %dma_wait3A_1450, %dma_wait3A_1451] : memref<3x5x32x256xf32, #tpu.memory_space<vmem>> -> memref<1x5x32x256xf32, #tpu.memory_space<vmem>>
    %dma_wait3A_1453 = tpu.memref_squeeze %dma_wait3A_1452 : memref<1x5x32x256xf32, #tpu.memory_space<vmem>> -> memref<5x32x256xf32, #tpu.memory_space<vmem>>
    %dma_wait3A_1454 = arith.constant 0 : i32
    %dma_wait3A_1455 = tpu.memref_slice %arg5[%dma_wait3A_1446, %dma_wait3A_1454] : memref<49x5xi32, #tpu.memory_space<vmem>> -> memref<1x5xi32, #tpu.memory_space<vmem>>
    %dma_wait3A_1456 = tpu.memref_squeeze %dma_wait3A_1455 : memref<1x5xi32, #tpu.memory_space<vmem>> -> memref<5xi32, #tpu.memory_space<vmem>>
    %dma_wait3A_1457 = arith.constant 0 : i32
    %dma_wait3A_1458 = arith.constant 0 : i32
    %dma_wait3A_1459 = arith.constant 0 : i32
    %dma_wait3A_1460 = tpu.memref_slice %arg3[%dma_wait3A_1457, %dma_wait3A_1458, %dma_wait3A_1459] : memref<7840x32x256xf32, #tpu.memory_space<hbm>> -> memref<7840x32x256xf32, #tpu.memory_space<hbm>>
    %dma_wait3A_1461 = tpu.memref_slice %arg7[%dma_wait3A_1448] : memref<3x!tpu.dma_semaphore, #tpu.memory_space<semaphore_mem>> -> memref<1x!tpu.dma_semaphore, #tpu.memory_space<semaphore_mem>>
    %dma_wait3A_1462 = tpu.memref_squeeze %dma_wait3A_1461 : memref<1x!tpu.dma_semaphore, #tpu.memory_space<semaphore_mem>> -> memref<!tpu.dma_semaphore, #tpu.memory_space<semaphore_mem>>
    tpu.wait_indirect_dma semaphore(%dma_wait3A_1462 : memref<!tpu.dma_semaphore, #tpu.memory_space<semaphore_mem>>) src(%dma_wait3A_1460 : memref<7840x32x256xf32, #tpu.memory_space<hbm>>) dst(%dma_wait3A_1453 : memref<5x32x256xf32, #tpu.memory_space<vmem>>)
    %add3A_1463 = arith.constant 17 : i32
    %add3A_1464 = arith.addi %mul3A_2, %add3A_1463 : i32
    %mul3A_1465 = arith.constant 5 : i32
    %mul3A_1466 = arith.muli %add3A_1464, %mul3A_1465 : i32
    %dma_start3A_1467 = arith.constant 2 : i32
    %dma_start3A_1468 = arith.constant 2 : i32
    %dma_start3A_1469 = arith.constant 0 : i32
    %dma_start3A_1470 = arith.constant 0 : i32
    %dma_start3A_1471 = arith.constant 0 : i32
    %dma_start3A_1472 = tpu.memref_slice %arg6[%dma_start3A_1467, %dma_start3A_1469, %dma_start3A_1470, %dma_start3A_1471] : memref<3x5x32x256xf32, #tpu.memory_space<vmem>> -> memref<1x5x32x256xf32, #tpu.memory_space<vmem>>
    %dma_start3A_1473 = tpu.memref_squeeze %dma_start3A_1472 : memref<1x5x32x256xf32, #tpu.memory_space<vmem>> -> memref<5x32x256xf32, #tpu.memory_space<vmem>>
    %dma_start3A_1474 = arith.constant 0 : i32
    %dma_start3A_1475 = arith.constant 0 : i32
    %dma_start3A_1476 = tpu.memref_slice %arg4[%mul3A_1466, %dma_start3A_1474, %dma_start3A_1475] : memref<7840x32x256xf32, #tpu.memory_space<hbm>> -> memref<5x32x256xf32, #tpu.memory_space<hbm>>
    %dma_start3A_1477 = tpu.memref_slice %arg8[%dma_start3A_1468] : memref<3x!tpu.dma_semaphore, #tpu.memory_space<semaphore_mem>> -> memref<1x!tpu.dma_semaphore, #tpu.memory_space<semaphore_mem>>
    %dma_start3A_1478 = tpu.memref_squeeze %dma_start3A_1477 : memref<1x!tpu.dma_semaphore, #tpu.memory_space<semaphore_mem>> -> memref<!tpu.dma_semaphore, #tpu.memory_space<semaphore_mem>>
    %dma_start3A_1479 = arith.constant 0 : i32
    %dma_start3A_1480 = arith.constant 0 : i32
    %dma_start3A_1481 = tpu.memref_slice %arg4[%mul3A_1466, %dma_start3A_1479, %dma_start3A_1480] : memref<7840x32x256xf32, #tpu.memory_space<hbm>> -> memref<5x32x256xf32, #tpu.memory_space<hbm>>
    %dma_start3A_1482 = arith.constant 0 : i32
    %dma_start3A_1483 = arith.constant 0 : i32
    %dma_start3A_1484 = arith.constant 0 : i32
    %dma_start3A_1485 = tpu.memref_slice %arg6[%dma_start3A_1467, %dma_start3A_1482, %dma_start3A_1483, %dma_start3A_1484] : memref<3x5x32x256xf32, #tpu.memory_space<vmem>> -> memref<1x5x32x256xf32, #tpu.memory_space<vmem>>
    %dma_start3A_1486 = tpu.memref_squeeze %dma_start3A_1485 : memref<1x5x32x256xf32, #tpu.memory_space<vmem>> -> memref<5x32x256xf32, #tpu.memory_space<vmem>>
    tpu.enqueue_dma source(%dma_start3A_1486 : memref<5x32x256xf32, #tpu.memory_space<vmem>>) target(%dma_start3A_1481 : memref<5x32x256xf32, #tpu.memory_space<hbm>>) target_semaphore(%dma_start3A_1478 : memref<!tpu.dma_semaphore, #tpu.memory_space<semaphore_mem>>)
    %add3A_1487 = arith.constant 17 : i32
    %add3A_1488 = arith.addi %mul3A_2, %add3A_1487 : i32
    %mul3A_1489 = arith.constant 5 : i32
    %mul3A_1490 = arith.muli %add3A_1488, %mul3A_1489 : i32
    %dma_wait3A_1491 = arith.constant 2 : i32
    %dma_wait3A_1492 = arith.constant 2 : i32
    %dma_wait3A_1493 = arith.constant 0 : i32
    %dma_wait3A_1494 = arith.constant 0 : i32
    %dma_wait3A_1495 = arith.constant 0 : i32
    %dma_wait3A_1496 = tpu.memref_slice %arg6[%dma_wait3A_1491, %dma_wait3A_1493, %dma_wait3A_1494, %dma_wait3A_1495] : memref<3x5x32x256xf32, #tpu.memory_space<vmem>> -> memref<1x5x32x256xf32, #tpu.memory_space<vmem>>
    %dma_wait3A_1497 = tpu.memref_squeeze %dma_wait3A_1496 : memref<1x5x32x256xf32, #tpu.memory_space<vmem>> -> memref<5x32x256xf32, #tpu.memory_space<vmem>>
    %dma_wait3A_1498 = arith.constant 0 : i32
    %dma_wait3A_1499 = arith.constant 0 : i32
    %dma_wait3A_1500 = tpu.memref_slice %arg4[%mul3A_1490, %dma_wait3A_1498, %dma_wait3A_1499] : memref<7840x32x256xf32, #tpu.memory_space<hbm>> -> memref<5x32x256xf32, #tpu.memory_space<hbm>>
    %dma_wait3A_1501 = tpu.memref_slice %arg8[%dma_wait3A_1492] : memref<3x!tpu.dma_semaphore, #tpu.memory_space<semaphore_mem>> -> memref<1x!tpu.dma_semaphore, #tpu.memory_space<semaphore_mem>>
    %dma_wait3A_1502 = tpu.memref_squeeze %dma_wait3A_1501 : memref<1x!tpu.dma_semaphore, #tpu.memory_space<semaphore_mem>> -> memref<!tpu.dma_semaphore, #tpu.memory_space<semaphore_mem>>
    %dma_wait3A_1503 = arith.constant 0 : i32
    %dma_wait3A_1504 = arith.constant 0 : i32
    %dma_wait3A_1505 = tpu.memref_slice %arg4[%mul3A_1490, %dma_wait3A_1503, %dma_wait3A_1504] : memref<7840x32x256xf32, #tpu.memory_space<hbm>> -> memref<5x32x256xf32, #tpu.memory_space<hbm>>
    %dma_wait3A_1506 = arith.constant 0 : i32
    %dma_wait3A_1507 = arith.constant 0 : i32
    %dma_wait3A_1508 = arith.constant 0 : i32
    %dma_wait3A_1509 = tpu.memref_slice %arg6[%dma_wait3A_1491, %dma_wait3A_1506, %dma_wait3A_1507, %dma_wait3A_1508] : memref<3x5x32x256xf32, #tpu.memory_space<vmem>> -> memref<1x5x32x256xf32, #tpu.memory_space<vmem>>
    %dma_wait3A_1510 = tpu.memref_squeeze %dma_wait3A_1509 : memref<1x5x32x256xf32, #tpu.memory_space<vmem>> -> memref<5x32x256xf32, #tpu.memory_space<vmem>>
    tpu.wait_dma2 semaphore(%dma_wait3A_1502 : memref<!tpu.dma_semaphore, #tpu.memory_space<semaphore_mem>>) src(%dma_wait3A_1510 : memref<5x32x256xf32, #tpu.memory_space<vmem>>) dst(%dma_wait3A_1505 : memref<5x32x256xf32, #tpu.memory_space<hbm>>)
    %dma_start3A_1511 = arith.constant 20 : i32
    %dma_start3A_1512 = arith.constant 2 : i32
    %dma_start3A_1513 = arith.constant 2 : i32
    %dma_start3A_1514 = arith.constant 0 : i32
    %dma_start3A_1515 = arith.constant 0 : i32
    %dma_start3A_1516 = arith.constant 0 : i32
    %dma_start3A_1517 = tpu.memref_slice %arg6[%dma_start3A_1512, %dma_start3A_1514, %dma_start3A_1515, %dma_start3A_1516] : memref<3x5x32x256xf32, #tpu.memory_space<vmem>> -> memref<1x5x32x256xf32, #tpu.memory_space<vmem>>
    %dma_start3A_1518 = tpu.memref_squeeze %dma_start3A_1517 : memref<1x5x32x256xf32, #tpu.memory_space<vmem>> -> memref<5x32x256xf32, #tpu.memory_space<vmem>>
    %dma_start3A_1519 = arith.constant 0 : i32
    %dma_start3A_1520 = tpu.memref_slice %arg5[%dma_start3A_1511, %dma_start3A_1519] : memref<49x5xi32, #tpu.memory_space<vmem>> -> memref<1x5xi32, #tpu.memory_space<vmem>>
    %dma_start3A_1521 = tpu.memref_squeeze %dma_start3A_1520 : memref<1x5xi32, #tpu.memory_space<vmem>> -> memref<5xi32, #tpu.memory_space<vmem>>
    %dma_start3A_1522 = arith.constant 0 : i32
    %dma_start3A_1523 = arith.constant 0 : i32
    %dma_start3A_1524 = arith.constant 0 : i32
    %dma_start3A_1525 = tpu.memref_slice %arg3[%dma_start3A_1522, %dma_start3A_1523, %dma_start3A_1524] : memref<7840x32x256xf32, #tpu.memory_space<hbm>> -> memref<7840x32x256xf32, #tpu.memory_space<hbm>>
    %dma_start3A_1526 = tpu.memref_slice %arg7[%dma_start3A_1513] : memref<3x!tpu.dma_semaphore, #tpu.memory_space<semaphore_mem>> -> memref<1x!tpu.dma_semaphore, #tpu.memory_space<semaphore_mem>>
    %dma_start3A_1527 = tpu.memref_squeeze %dma_start3A_1526 : memref<1x!tpu.dma_semaphore, #tpu.memory_space<semaphore_mem>> -> memref<!tpu.dma_semaphore, #tpu.memory_space<semaphore_mem>>
    tpu.enqueue_indirect_dma source(%dma_start3A_1525 : memref<7840x32x256xf32, #tpu.memory_space<hbm>>) target(%dma_start3A_1518 : memref<5x32x256xf32, #tpu.memory_space<vmem>>) offsets(%dma_start3A_1521 : memref<5xi32, #tpu.memory_space<vmem>>) semaphore(%dma_start3A_1527 : memref<!tpu.dma_semaphore, #tpu.memory_space<semaphore_mem>>)
    %dma_wait3A_1528 = arith.constant 18 : i32
    %dma_wait3A_1529 = arith.constant 0 : i32
    %dma_wait3A_1530 = arith.constant 0 : i32
    %dma_wait3A_1531 = arith.constant 0 : i32
    %dma_wait3A_1532 = arith.constant 0 : i32
    %dma_wait3A_1533 = arith.constant 0 : i32
    %dma_wait3A_1534 = tpu.memref_slice %arg6[%dma_wait3A_1529, %dma_wait3A_1531, %dma_wait3A_1532, %dma_wait3A_1533] : memref<3x5x32x256xf32, #tpu.memory_space<vmem>> -> memref<1x5x32x256xf32, #tpu.memory_space<vmem>>
    %dma_wait3A_1535 = tpu.memref_squeeze %dma_wait3A_1534 : memref<1x5x32x256xf32, #tpu.memory_space<vmem>> -> memref<5x32x256xf32, #tpu.memory_space<vmem>>
    %dma_wait3A_1536 = arith.constant 0 : i32
    %dma_wait3A_1537 = tpu.memref_slice %arg5[%dma_wait3A_1528, %dma_wait3A_1536] : memref<49x5xi32, #tpu.memory_space<vmem>> -> memref<1x5xi32, #tpu.memory_space<vmem>>
    %dma_wait3A_1538 = tpu.memref_squeeze %dma_wait3A_1537 : memref<1x5xi32, #tpu.memory_space<vmem>> -> memref<5xi32, #tpu.memory_space<vmem>>
    %dma_wait3A_1539 = arith.constant 0 : i32
    %dma_wait3A_1540 = arith.constant 0 : i32
    %dma_wait3A_1541 = arith.constant 0 : i32
    %dma_wait3A_1542 = tpu.memref_slice %arg3[%dma_wait3A_1539, %dma_wait3A_1540, %dma_wait3A_1541] : memref<7840x32x256xf32, #tpu.memory_space<hbm>> -> memref<7840x32x256xf32, #tpu.memory_space<hbm>>
    %dma_wait3A_1543 = tpu.memref_slice %arg7[%dma_wait3A_1530] : memref<3x!tpu.dma_semaphore, #tpu.memory_space<semaphore_mem>> -> memref<1x!tpu.dma_semaphore, #tpu.memory_space<semaphore_mem>>
    %dma_wait3A_1544 = tpu.memref_squeeze %dma_wait3A_1543 : memref<1x!tpu.dma_semaphore, #tpu.memory_space<semaphore_mem>> -> memref<!tpu.dma_semaphore, #tpu.memory_space<semaphore_mem>>
    tpu.wait_indirect_dma semaphore(%dma_wait3A_1544 : memref<!tpu.dma_semaphore, #tpu.memory_space<semaphore_mem>>) src(%dma_wait3A_1542 : memref<7840x32x256xf32, #tpu.memory_space<hbm>>) dst(%dma_wait3A_1535 : memref<5x32x256xf32, #tpu.memory_space<vmem>>)
    %add3A_1545 = arith.constant 18 : i32
    %add3A_1546 = arith.addi %mul3A_2, %add3A_1545 : i32
    %mul3A_1547 = arith.constant 5 : i32
    %mul3A_1548 = arith.muli %add3A_1546, %mul3A_1547 : i32
    %dma_start3A_1549 = arith.constant 0 : i32
    %dma_start3A_1550 = arith.constant 0 : i32
    %dma_start3A_1551 = arith.constant 0 : i32
    %dma_start3A_1552 = arith.constant 0 : i32
    %dma_start3A_1553 = arith.constant 0 : i32
    %dma_start3A_1554 = tpu.memref_slice %arg6[%dma_start3A_1549, %dma_start3A_1551, %dma_start3A_1552, %dma_start3A_1553] : memref<3x5x32x256xf32, #tpu.memory_space<vmem>> -> memref<1x5x32x256xf32, #tpu.memory_space<vmem>>
    %dma_start3A_1555 = tpu.memref_squeeze %dma_start3A_1554 : memref<1x5x32x256xf32, #tpu.memory_space<vmem>> -> memref<5x32x256xf32, #tpu.memory_space<vmem>>
    %dma_start3A_1556 = arith.constant 0 : i32
    %dma_start3A_1557 = arith.constant 0 : i32
    %dma_start3A_1558 = tpu.memref_slice %arg4[%mul3A_1548, %dma_start3A_1556, %dma_start3A_1557] : memref<7840x32x256xf32, #tpu.memory_space<hbm>> -> memref<5x32x256xf32, #tpu.memory_space<hbm>>
    %dma_start3A_1559 = tpu.memref_slice %arg8[%dma_start3A_1550] : memref<3x!tpu.dma_semaphore, #tpu.memory_space<semaphore_mem>> -> memref<1x!tpu.dma_semaphore, #tpu.memory_space<semaphore_mem>>
    %dma_start3A_1560 = tpu.memref_squeeze %dma_start3A_1559 : memref<1x!tpu.dma_semaphore, #tpu.memory_space<semaphore_mem>> -> memref<!tpu.dma_semaphore, #tpu.memory_space<semaphore_mem>>
    %dma_start3A_1561 = arith.constant 0 : i32
    %dma_start3A_1562 = arith.constant 0 : i32
    %dma_start3A_1563 = tpu.memref_slice %arg4[%mul3A_1548, %dma_start3A_1561, %dma_start3A_1562] : memref<7840x32x256xf32, #tpu.memory_space<hbm>> -> memref<5x32x256xf32, #tpu.memory_space<hbm>>
    %dma_start3A_1564 = arith.constant 0 : i32
    %dma_start3A_1565 = arith.constant 0 : i32
    %dma_start3A_1566 = arith.constant 0 : i32
    %dma_start3A_1567 = tpu.memref_slice %arg6[%dma_start3A_1549, %dma_start3A_1564, %dma_start3A_1565, %dma_start3A_1566] : memref<3x5x32x256xf32, #tpu.memory_space<vmem>> -> memref<1x5x32x256xf32, #tpu.memory_space<vmem>>
    %dma_start3A_1568 = tpu.memref_squeeze %dma_start3A_1567 : memref<1x5x32x256xf32, #tpu.memory_space<vmem>> -> memref<5x32x256xf32, #tpu.memory_space<vmem>>
    tpu.enqueue_dma source(%dma_start3A_1568 : memref<5x32x256xf32, #tpu.memory_space<vmem>>) target(%dma_start3A_1563 : memref<5x32x256xf32, #tpu.memory_space<hbm>>) target_semaphore(%dma_start3A_1560 : memref<!tpu.dma_semaphore, #tpu.memory_space<semaphore_mem>>)
    %add3A_1569 = arith.constant 18 : i32
    %add3A_1570 = arith.addi %mul3A_2, %add3A_1569 : i32
    %mul3A_1571 = arith.constant 5 : i32
    %mul3A_1572 = arith.muli %add3A_1570, %mul3A_1571 : i32
    %dma_wait3A_1573 = arith.constant 0 : i32
    %dma_wait3A_1574 = arith.constant 0 : i32
    %dma_wait3A_1575 = arith.constant 0 : i32
    %dma_wait3A_1576 = arith.constant 0 : i32
    %dma_wait3A_1577 = arith.constant 0 : i32
    %dma_wait3A_1578 = tpu.memref_slice %arg6[%dma_wait3A_1573, %dma_wait3A_1575, %dma_wait3A_1576, %dma_wait3A_1577] : memref<3x5x32x256xf32, #tpu.memory_space<vmem>> -> memref<1x5x32x256xf32, #tpu.memory_space<vmem>>
    %dma_wait3A_1579 = tpu.memref_squeeze %dma_wait3A_1578 : memref<1x5x32x256xf32, #tpu.memory_space<vmem>> -> memref<5x32x256xf32, #tpu.memory_space<vmem>>
    %dma_wait3A_1580 = arith.constant 0 : i32
    %dma_wait3A_1581 = arith.constant 0 : i32
    %dma_wait3A_1582 = tpu.memref_slice %arg4[%mul3A_1572, %dma_wait3A_1580, %dma_wait3A_1581] : memref<7840x32x256xf32, #tpu.memory_space<hbm>> -> memref<5x32x256xf32, #tpu.memory_space<hbm>>
    %dma_wait3A_1583 = tpu.memref_slice %arg8[%dma_wait3A_1574] : memref<3x!tpu.dma_semaphore, #tpu.memory_space<semaphore_mem>> -> memref<1x!tpu.dma_semaphore, #tpu.memory_space<semaphore_mem>>
    %dma_wait3A_1584 = tpu.memref_squeeze %dma_wait3A_1583 : memref<1x!tpu.dma_semaphore, #tpu.memory_space<semaphore_mem>> -> memref<!tpu.dma_semaphore, #tpu.memory_space<semaphore_mem>>
    %dma_wait3A_1585 = arith.constant 0 : i32
    %dma_wait3A_1586 = arith.constant 0 : i32
    %dma_wait3A_1587 = tpu.memref_slice %arg4[%mul3A_1572, %dma_wait3A_1585, %dma_wait3A_1586] : memref<7840x32x256xf32, #tpu.memory_space<hbm>> -> memref<5x32x256xf32, #tpu.memory_space<hbm>>
    %dma_wait3A_1588 = arith.constant 0 : i32
    %dma_wait3A_1589 = arith.constant 0 : i32
    %dma_wait3A_1590 = arith.constant 0 : i32
    %dma_wait3A_1591 = tpu.memref_slice %arg6[%dma_wait3A_1573, %dma_wait3A_1588, %dma_wait3A_1589, %dma_wait3A_1590] : memref<3x5x32x256xf32, #tpu.memory_space<vmem>> -> memref<1x5x32x256xf32, #tpu.memory_space<vmem>>
    %dma_wait3A_1592 = tpu.memref_squeeze %dma_wait3A_1591 : memref<1x5x32x256xf32, #tpu.memory_space<vmem>> -> memref<5x32x256xf32, #tpu.memory_space<vmem>>
    tpu.wait_dma2 semaphore(%dma_wait3A_1584 : memref<!tpu.dma_semaphore, #tpu.memory_space<semaphore_mem>>) src(%dma_wait3A_1592 : memref<5x32x256xf32, #tpu.memory_space<vmem>>) dst(%dma_wait3A_1587 : memref<5x32x256xf32, #tpu.memory_space<hbm>>)
    %dma_start3A_1593 = arith.constant 21 : i32
    %dma_start3A_1594 = arith.constant 0 : i32
    %dma_start3A_1595 = arith.constant 0 : i32
    %dma_start3A_1596 = arith.constant 0 : i32
    %dma_start3A_1597 = arith.constant 0 : i32
    %dma_start3A_1598 = arith.constant 0 : i32
    %dma_start3A_1599 = tpu.memref_slice %arg6[%dma_start3A_1594, %dma_start3A_1596, %dma_start3A_1597, %dma_start3A_1598] : memref<3x5x32x256xf32, #tpu.memory_space<vmem>> -> memref<1x5x32x256xf32, #tpu.memory_space<vmem>>
    %dma_start3A_1600 = tpu.memref_squeeze %dma_start3A_1599 : memref<1x5x32x256xf32, #tpu.memory_space<vmem>> -> memref<5x32x256xf32, #tpu.memory_space<vmem>>
    %dma_start3A_1601 = arith.constant 0 : i32
    %dma_start3A_1602 = tpu.memref_slice %arg5[%dma_start3A_1593, %dma_start3A_1601] : memref<49x5xi32, #tpu.memory_space<vmem>> -> memref<1x5xi32, #tpu.memory_space<vmem>>
    %dma_start3A_1603 = tpu.memref_squeeze %dma_start3A_1602 : memref<1x5xi32, #tpu.memory_space<vmem>> -> memref<5xi32, #tpu.memory_space<vmem>>
    %dma_start3A_1604 = arith.constant 0 : i32
    %dma_start3A_1605 = arith.constant 0 : i32
    %dma_start3A_1606 = arith.constant 0 : i32
    %dma_start3A_1607 = tpu.memref_slice %arg3[%dma_start3A_1604, %dma_start3A_1605, %dma_start3A_1606] : memref<7840x32x256xf32, #tpu.memory_space<hbm>> -> memref<7840x32x256xf32, #tpu.memory_space<hbm>>
    %dma_start3A_1608 = tpu.memref_slice %arg7[%dma_start3A_1595] : memref<3x!tpu.dma_semaphore, #tpu.memory_space<semaphore_mem>> -> memref<1x!tpu.dma_semaphore, #tpu.memory_space<semaphore_mem>>
    %dma_start3A_1609 = tpu.memref_squeeze %dma_start3A_1608 : memref<1x!tpu.dma_semaphore, #tpu.memory_space<semaphore_mem>> -> memref<!tpu.dma_semaphore, #tpu.memory_space<semaphore_mem>>
    tpu.enqueue_indirect_dma source(%dma_start3A_1607 : memref<7840x32x256xf32, #tpu.memory_space<hbm>>) target(%dma_start3A_1600 : memref<5x32x256xf32, #tpu.memory_space<vmem>>) offsets(%dma_start3A_1603 : memref<5xi32, #tpu.memory_space<vmem>>) semaphore(%dma_start3A_1609 : memref<!tpu.dma_semaphore, #tpu.memory_space<semaphore_mem>>)
    %dma_wait3A_1610 = arith.constant 19 : i32
    %dma_wait3A_1611 = arith.constant 1 : i32
    %dma_wait3A_1612 = arith.constant 1 : i32
    %dma_wait3A_1613 = arith.constant 0 : i32
    %dma_wait3A_1614 = arith.constant 0 : i32
    %dma_wait3A_1615 = arith.constant 0 : i32
    %dma_wait3A_1616 = tpu.memref_slice %arg6[%dma_wait3A_1611, %dma_wait3A_1613, %dma_wait3A_1614, %dma_wait3A_1615] : memref<3x5x32x256xf32, #tpu.memory_space<vmem>> -> memref<1x5x32x256xf32, #tpu.memory_space<vmem>>
    %dma_wait3A_1617 = tpu.memref_squeeze %dma_wait3A_1616 : memref<1x5x32x256xf32, #tpu.memory_space<vmem>> -> memref<5x32x256xf32, #tpu.memory_space<vmem>>
    %dma_wait3A_1618 = arith.constant 0 : i32
    %dma_wait3A_1619 = tpu.memref_slice %arg5[%dma_wait3A_1610, %dma_wait3A_1618] : memref<49x5xi32, #tpu.memory_space<vmem>> -> memref<1x5xi32, #tpu.memory_space<vmem>>
    %dma_wait3A_1620 = tpu.memref_squeeze %dma_wait3A_1619 : memref<1x5xi32, #tpu.memory_space<vmem>> -> memref<5xi32, #tpu.memory_space<vmem>>
    %dma_wait3A_1621 = arith.constant 0 : i32
    %dma_wait3A_1622 = arith.constant 0 : i32
    %dma_wait3A_1623 = arith.constant 0 : i32
    %dma_wait3A_1624 = tpu.memref_slice %arg3[%dma_wait3A_1621, %dma_wait3A_1622, %dma_wait3A_1623] : memref<7840x32x256xf32, #tpu.memory_space<hbm>> -> memref<7840x32x256xf32, #tpu.memory_space<hbm>>
    %dma_wait3A_1625 = tpu.memref_slice %arg7[%dma_wait3A_1612] : memref<3x!tpu.dma_semaphore, #tpu.memory_space<semaphore_mem>> -> memref<1x!tpu.dma_semaphore, #tpu.memory_space<semaphore_mem>>
    %dma_wait3A_1626 = tpu.memref_squeeze %dma_wait3A_1625 : memref<1x!tpu.dma_semaphore, #tpu.memory_space<semaphore_mem>> -> memref<!tpu.dma_semaphore, #tpu.memory_space<semaphore_mem>>
    tpu.wait_indirect_dma semaphore(%dma_wait3A_1626 : memref<!tpu.dma_semaphore, #tpu.memory_space<semaphore_mem>>) src(%dma_wait3A_1624 : memref<7840x32x256xf32, #tpu.memory_space<hbm>>) dst(%dma_wait3A_1617 : memref<5x32x256xf32, #tpu.memory_space<vmem>>)
    %add3A_1627 = arith.constant 19 : i32
    %add3A_1628 = arith.addi %mul3A_2, %add3A_1627 : i32
    %mul3A_1629 = arith.constant 5 : i32
    %mul3A_1630 = arith.muli %add3A_1628, %mul3A_1629 : i32
    %dma_start3A_1631 = arith.constant 1 : i32
    %dma_start3A_1632 = arith.constant 1 : i32
    %dma_start3A_1633 = arith.constant 0 : i32
    %dma_start3A_1634 = arith.constant 0 : i32
    %dma_start3A_1635 = arith.constant 0 : i32
    %dma_start3A_1636 = tpu.memref_slice %arg6[%dma_start3A_1631, %dma_start3A_1633, %dma_start3A_1634, %dma_start3A_1635] : memref<3x5x32x256xf32, #tpu.memory_space<vmem>> -> memref<1x5x32x256xf32, #tpu.memory_space<vmem>>
    %dma_start3A_1637 = tpu.memref_squeeze %dma_start3A_1636 : memref<1x5x32x256xf32, #tpu.memory_space<vmem>> -> memref<5x32x256xf32, #tpu.memory_space<vmem>>
    %dma_start3A_1638 = arith.constant 0 : i32
    %dma_start3A_1639 = arith.constant 0 : i32
    %dma_start3A_1640 = tpu.memref_slice %arg4[%mul3A_1630, %dma_start3A_1638, %dma_start3A_1639] : memref<7840x32x256xf32, #tpu.memory_space<hbm>> -> memref<5x32x256xf32, #tpu.memory_space<hbm>>
    %dma_start3A_1641 = tpu.memref_slice %arg8[%dma_start3A_1632] : memref<3x!tpu.dma_semaphore, #tpu.memory_space<semaphore_mem>> -> memref<1x!tpu.dma_semaphore, #tpu.memory_space<semaphore_mem>>
    %dma_start3A_1642 = tpu.memref_squeeze %dma_start3A_1641 : memref<1x!tpu.dma_semaphore, #tpu.memory_space<semaphore_mem>> -> memref<!tpu.dma_semaphore, #tpu.memory_space<semaphore_mem>>
    %dma_start3A_1643 = arith.constant 0 : i32
    %dma_start3A_1644 = arith.constant 0 : i32
    %dma_start3A_1645 = tpu.memref_slice %arg4[%mul3A_1630, %dma_start3A_1643, %dma_start3A_1644] : memref<7840x32x256xf32, #tpu.memory_space<hbm>> -> memref<5x32x256xf32, #tpu.memory_space<hbm>>
    %dma_start3A_1646 = arith.constant 0 : i32
    %dma_start3A_1647 = arith.constant 0 : i32
    %dma_start3A_1648 = arith.constant 0 : i32
    %dma_start3A_1649 = tpu.memref_slice %arg6[%dma_start3A_1631, %dma_start3A_1646, %dma_start3A_1647, %dma_start3A_1648] : memref<3x5x32x256xf32, #tpu.memory_space<vmem>> -> memref<1x5x32x256xf32, #tpu.memory_space<vmem>>
    %dma_start3A_1650 = tpu.memref_squeeze %dma_start3A_1649 : memref<1x5x32x256xf32, #tpu.memory_space<vmem>> -> memref<5x32x256xf32, #tpu.memory_space<vmem>>
    tpu.enqueue_dma source(%dma_start3A_1650 : memref<5x32x256xf32, #tpu.memory_space<vmem>>) target(%dma_start3A_1645 : memref<5x32x256xf32, #tpu.memory_space<hbm>>) target_semaphore(%dma_start3A_1642 : memref<!tpu.dma_semaphore, #tpu.memory_space<semaphore_mem>>)
    %add3A_1651 = arith.constant 19 : i32
    %add3A_1652 = arith.addi %mul3A_2, %add3A_1651 : i32
    %mul3A_1653 = arith.constant 5 : i32
    %mul3A_1654 = arith.muli %add3A_1652, %mul3A_1653 : i32
    %dma_wait3A_1655 = arith.constant 1 : i32
    %dma_wait3A_1656 = arith.constant 1 : i32
    %dma_wait3A_1657 = arith.constant 0 : i32
    %dma_wait3A_1658 = arith.constant 0 : i32
    %dma_wait3A_1659 = arith.constant 0 : i32
    %dma_wait3A_1660 = tpu.memref_slice %arg6[%dma_wait3A_1655, %dma_wait3A_1657, %dma_wait3A_1658, %dma_wait3A_1659] : memref<3x5x32x256xf32, #tpu.memory_space<vmem>> -> memref<1x5x32x256xf32, #tpu.memory_space<vmem>>
    %dma_wait3A_1661 = tpu.memref_squeeze %dma_wait3A_1660 : memref<1x5x32x256xf32, #tpu.memory_space<vmem>> -> memref<5x32x256xf32, #tpu.memory_space<vmem>>
    %dma_wait3A_1662 = arith.constant 0 : i32
    %dma_wait3A_1663 = arith.constant 0 : i32
    %dma_wait3A_1664 = tpu.memref_slice %arg4[%mul3A_1654, %dma_wait3A_1662, %dma_wait3A_1663] : memref<7840x32x256xf32, #tpu.memory_space<hbm>> -> memref<5x32x256xf32, #tpu.memory_space<hbm>>
    %dma_wait3A_1665 = tpu.memref_slice %arg8[%dma_wait3A_1656] : memref<3x!tpu.dma_semaphore, #tpu.memory_space<semaphore_mem>> -> memref<1x!tpu.dma_semaphore, #tpu.memory_space<semaphore_mem>>
    %dma_wait3A_1666 = tpu.memref_squeeze %dma_wait3A_1665 : memref<1x!tpu.dma_semaphore, #tpu.memory_space<semaphore_mem>> -> memref<!tpu.dma_semaphore, #tpu.memory_space<semaphore_mem>>
    %dma_wait3A_1667 = arith.constant 0 : i32
    %dma_wait3A_1668 = arith.constant 0 : i32
    %dma_wait3A_1669 = tpu.memref_slice %arg4[%mul3A_1654, %dma_wait3A_1667, %dma_wait3A_1668] : memref<7840x32x256xf32, #tpu.memory_space<hbm>> -> memref<5x32x256xf32, #tpu.memory_space<hbm>>
    %dma_wait3A_1670 = arith.constant 0 : i32
    %dma_wait3A_1671 = arith.constant 0 : i32
    %dma_wait3A_1672 = arith.constant 0 : i32
    %dma_wait3A_1673 = tpu.memref_slice %arg6[%dma_wait3A_1655, %dma_wait3A_1670, %dma_wait3A_1671, %dma_wait3A_1672] : memref<3x5x32x256xf32, #tpu.memory_space<vmem>> -> memref<1x5x32x256xf32, #tpu.memory_space<vmem>>
    %dma_wait3A_1674 = tpu.memref_squeeze %dma_wait3A_1673 : memref<1x5x32x256xf32, #tpu.memory_space<vmem>> -> memref<5x32x256xf32, #tpu.memory_space<vmem>>
    tpu.wait_dma2 semaphore(%dma_wait3A_1666 : memref<!tpu.dma_semaphore, #tpu.memory_space<semaphore_mem>>) src(%dma_wait3A_1674 : memref<5x32x256xf32, #tpu.memory_space<vmem>>) dst(%dma_wait3A_1669 : memref<5x32x256xf32, #tpu.memory_space<hbm>>)
    %dma_start3A_1675 = arith.constant 22 : i32
    %dma_start3A_1676 = arith.constant 1 : i32
    %dma_start3A_1677 = arith.constant 1 : i32
    %dma_start3A_1678 = arith.constant 0 : i32
    %dma_start3A_1679 = arith.constant 0 : i32
    %dma_start3A_1680 = arith.constant 0 : i32
    %dma_start3A_1681 = tpu.memref_slice %arg6[%dma_start3A_1676, %dma_start3A_1678, %dma_start3A_1679, %dma_start3A_1680] : memref<3x5x32x256xf32, #tpu.memory_space<vmem>> -> memref<1x5x32x256xf32, #tpu.memory_space<vmem>>
    %dma_start3A_1682 = tpu.memref_squeeze %dma_start3A_1681 : memref<1x5x32x256xf32, #tpu.memory_space<vmem>> -> memref<5x32x256xf32, #tpu.memory_space<vmem>>
    %dma_start3A_1683 = arith.constant 0 : i32
    %dma_start3A_1684 = tpu.memref_slice %arg5[%dma_start3A_1675, %dma_start3A_1683] : memref<49x5xi32, #tpu.memory_space<vmem>> -> memref<1x5xi32, #tpu.memory_space<vmem>>
    %dma_start3A_1685 = tpu.memref_squeeze %dma_start3A_1684 : memref<1x5xi32, #tpu.memory_space<vmem>> -> memref<5xi32, #tpu.memory_space<vmem>>
    %dma_start3A_1686 = arith.constant 0 : i32
    %dma_start3A_1687 = arith.constant 0 : i32
    %dma_start3A_1688 = arith.constant 0 : i32
    %dma_start3A_1689 = tpu.memref_slice %arg3[%dma_start3A_1686, %dma_start3A_1687, %dma_start3A_1688] : memref<7840x32x256xf32, #tpu.memory_space<hbm>> -> memref<7840x32x256xf32, #tpu.memory_space<hbm>>
    %dma_start3A_1690 = tpu.memref_slice %arg7[%dma_start3A_1677] : memref<3x!tpu.dma_semaphore, #tpu.memory_space<semaphore_mem>> -> memref<1x!tpu.dma_semaphore, #tpu.memory_space<semaphore_mem>>
    %dma_start3A_1691 = tpu.memref_squeeze %dma_start3A_1690 : memref<1x!tpu.dma_semaphore, #tpu.memory_space<semaphore_mem>> -> memref<!tpu.dma_semaphore, #tpu.memory_space<semaphore_mem>>
    tpu.enqueue_indirect_dma source(%dma_start3A_1689 : memref<7840x32x256xf32, #tpu.memory_space<hbm>>) target(%dma_start3A_1682 : memref<5x32x256xf32, #tpu.memory_space<vmem>>) offsets(%dma_start3A_1685 : memref<5xi32, #tpu.memory_space<vmem>>) semaphore(%dma_start3A_1691 : memref<!tpu.dma_semaphore, #tpu.memory_space<semaphore_mem>>)
    %dma_wait3A_1692 = arith.constant 20 : i32
    %dma_wait3A_1693 = arith.constant 2 : i32
    %dma_wait3A_1694 = arith.constant 2 : i32
    %dma_wait3A_1695 = arith.constant 0 : i32
    %dma_wait3A_1696 = arith.constant 0 : i32
    %dma_wait3A_1697 = arith.constant 0 : i32
    %dma_wait3A_1698 = tpu.memref_slice %arg6[%dma_wait3A_1693, %dma_wait3A_1695, %dma_wait3A_1696, %dma_wait3A_1697] : memref<3x5x32x256xf32, #tpu.memory_space<vmem>> -> memref<1x5x32x256xf32, #tpu.memory_space<vmem>>
    %dma_wait3A_1699 = tpu.memref_squeeze %dma_wait3A_1698 : memref<1x5x32x256xf32, #tpu.memory_space<vmem>> -> memref<5x32x256xf32, #tpu.memory_space<vmem>>
    %dma_wait3A_1700 = arith.constant 0 : i32
    %dma_wait3A_1701 = tpu.memref_slice %arg5[%dma_wait3A_1692, %dma_wait3A_1700] : memref<49x5xi32, #tpu.memory_space<vmem>> -> memref<1x5xi32, #tpu.memory_space<vmem>>
    %dma_wait3A_1702 = tpu.memref_squeeze %dma_wait3A_1701 : memref<1x5xi32, #tpu.memory_space<vmem>> -> memref<5xi32, #tpu.memory_space<vmem>>
    %dma_wait3A_1703 = arith.constant 0 : i32
    %dma_wait3A_1704 = arith.constant 0 : i32
    %dma_wait3A_1705 = arith.constant 0 : i32
    %dma_wait3A_1706 = tpu.memref_slice %arg3[%dma_wait3A_1703, %dma_wait3A_1704, %dma_wait3A_1705] : memref<7840x32x256xf32, #tpu.memory_space<hbm>> -> memref<7840x32x256xf32, #tpu.memory_space<hbm>>
    %dma_wait3A_1707 = tpu.memref_slice %arg7[%dma_wait3A_1694] : memref<3x!tpu.dma_semaphore, #tpu.memory_space<semaphore_mem>> -> memref<1x!tpu.dma_semaphore, #tpu.memory_space<semaphore_mem>>
    %dma_wait3A_1708 = tpu.memref_squeeze %dma_wait3A_1707 : memref<1x!tpu.dma_semaphore, #tpu.memory_space<semaphore_mem>> -> memref<!tpu.dma_semaphore, #tpu.memory_space<semaphore_mem>>
    tpu.wait_indirect_dma semaphore(%dma_wait3A_1708 : memref<!tpu.dma_semaphore, #tpu.memory_space<semaphore_mem>>) src(%dma_wait3A_1706 : memref<7840x32x256xf32, #tpu.memory_space<hbm>>) dst(%dma_wait3A_1699 : memref<5x32x256xf32, #tpu.memory_space<vmem>>)
    %add3A_1709 = arith.constant 20 : i32
    %add3A_1710 = arith.addi %mul3A_2, %add3A_1709 : i32
    %mul3A_1711 = arith.constant 5 : i32
    %mul3A_1712 = arith.muli %add3A_1710, %mul3A_1711 : i32
    %dma_start3A_1713 = arith.constant 2 : i32
    %dma_start3A_1714 = arith.constant 2 : i32
    %dma_start3A_1715 = arith.constant 0 : i32
    %dma_start3A_1716 = arith.constant 0 : i32
    %dma_start3A_1717 = arith.constant 0 : i32
    %dma_start3A_1718 = tpu.memref_slice %arg6[%dma_start3A_1713, %dma_start3A_1715, %dma_start3A_1716, %dma_start3A_1717] : memref<3x5x32x256xf32, #tpu.memory_space<vmem>> -> memref<1x5x32x256xf32, #tpu.memory_space<vmem>>
    %dma_start3A_1719 = tpu.memref_squeeze %dma_start3A_1718 : memref<1x5x32x256xf32, #tpu.memory_space<vmem>> -> memref<5x32x256xf32, #tpu.memory_space<vmem>>
    %dma_start3A_1720 = arith.constant 0 : i32
    %dma_start3A_1721 = arith.constant 0 : i32
    %dma_start3A_1722 = tpu.memref_slice %arg4[%mul3A_1712, %dma_start3A_1720, %dma_start3A_1721] : memref<7840x32x256xf32, #tpu.memory_space<hbm>> -> memref<5x32x256xf32, #tpu.memory_space<hbm>>
    %dma_start3A_1723 = tpu.memref_slice %arg8[%dma_start3A_1714] : memref<3x!tpu.dma_semaphore, #tpu.memory_space<semaphore_mem>> -> memref<1x!tpu.dma_semaphore, #tpu.memory_space<semaphore_mem>>
    %dma_start3A_1724 = tpu.memref_squeeze %dma_start3A_1723 : memref<1x!tpu.dma_semaphore, #tpu.memory_space<semaphore_mem>> -> memref<!tpu.dma_semaphore, #tpu.memory_space<semaphore_mem>>
    %dma_start3A_1725 = arith.constant 0 : i32
    %dma_start3A_1726 = arith.constant 0 : i32
    %dma_start3A_1727 = tpu.memref_slice %arg4[%mul3A_1712, %dma_start3A_1725, %dma_start3A_1726] : memref<7840x32x256xf32, #tpu.memory_space<hbm>> -> memref<5x32x256xf32, #tpu.memory_space<hbm>>
    %dma_start3A_1728 = arith.constant 0 : i32
    %dma_start3A_1729 = arith.constant 0 : i32
    %dma_start3A_1730 = arith.constant 0 : i32
    %dma_start3A_1731 = tpu.memref_slice %arg6[%dma_start3A_1713, %dma_start3A_1728, %dma_start3A_1729, %dma_start3A_1730] : memref<3x5x32x256xf32, #tpu.memory_space<vmem>> -> memref<1x5x32x256xf32, #tpu.memory_space<vmem>>
    %dma_start3A_1732 = tpu.memref_squeeze %dma_start3A_1731 : memref<1x5x32x256xf32, #tpu.memory_space<vmem>> -> memref<5x32x256xf32, #tpu.memory_space<vmem>>
    tpu.enqueue_dma source(%dma_start3A_1732 : memref<5x32x256xf32, #tpu.memory_space<vmem>>) target(%dma_start3A_1727 : memref<5x32x256xf32, #tpu.memory_space<hbm>>) target_semaphore(%dma_start3A_1724 : memref<!tpu.dma_semaphore, #tpu.memory_space<semaphore_mem>>)
    %add3A_1733 = arith.constant 20 : i32
    %add3A_1734 = arith.addi %mul3A_2, %add3A_1733 : i32
    %mul3A_1735 = arith.constant 5 : i32
    %mul3A_1736 = arith.muli %add3A_1734, %mul3A_1735 : i32
    %dma_wait3A_1737 = arith.constant 2 : i32
    %dma_wait3A_1738 = arith.constant 2 : i32
    %dma_wait3A_1739 = arith.constant 0 : i32
    %dma_wait3A_1740 = arith.constant 0 : i32
    %dma_wait3A_1741 = arith.constant 0 : i32
    %dma_wait3A_1742 = tpu.memref_slice %arg6[%dma_wait3A_1737, %dma_wait3A_1739, %dma_wait3A_1740, %dma_wait3A_1741] : memref<3x5x32x256xf32, #tpu.memory_space<vmem>> -> memref<1x5x32x256xf32, #tpu.memory_space<vmem>>
    %dma_wait3A_1743 = tpu.memref_squeeze %dma_wait3A_1742 : memref<1x5x32x256xf32, #tpu.memory_space<vmem>> -> memref<5x32x256xf32, #tpu.memory_space<vmem>>
    %dma_wait3A_1744 = arith.constant 0 : i32
    %dma_wait3A_1745 = arith.constant 0 : i32
    %dma_wait3A_1746 = tpu.memref_slice %arg4[%mul3A_1736, %dma_wait3A_1744, %dma_wait3A_1745] : memref<7840x32x256xf32, #tpu.memory_space<hbm>> -> memref<5x32x256xf32, #tpu.memory_space<hbm>>
    %dma_wait3A_1747 = tpu.memref_slice %arg8[%dma_wait3A_1738] : memref<3x!tpu.dma_semaphore, #tpu.memory_space<semaphore_mem>> -> memref<1x!tpu.dma_semaphore, #tpu.memory_space<semaphore_mem>>
    %dma_wait3A_1748 = tpu.memref_squeeze %dma_wait3A_1747 : memref<1x!tpu.dma_semaphore, #tpu.memory_space<semaphore_mem>> -> memref<!tpu.dma_semaphore, #tpu.memory_space<semaphore_mem>>
    %dma_wait3A_1749 = arith.constant 0 : i32
    %dma_wait3A_1750 = arith.constant 0 : i32
    %dma_wait3A_1751 = tpu.memref_slice %arg4[%mul3A_1736, %dma_wait3A_1749, %dma_wait3A_1750] : memref<7840x32x256xf32, #tpu.memory_space<hbm>> -> memref<5x32x256xf32, #tpu.memory_space<hbm>>
    %dma_wait3A_1752 = arith.constant 0 : i32
    %dma_wait3A_1753 = arith.constant 0 : i32
    %dma_wait3A_1754 = arith.constant 0 : i32
    %dma_wait3A_1755 = tpu.memref_slice %arg6[%dma_wait3A_1737, %dma_wait3A_1752, %dma_wait3A_1753, %dma_wait3A_1754] : memref<3x5x32x256xf32, #tpu.memory_space<vmem>> -> memref<1x5x32x256xf32, #tpu.memory_space<vmem>>
    %dma_wait3A_1756 = tpu.memref_squeeze %dma_wait3A_1755 : memref<1x5x32x256xf32, #tpu.memory_space<vmem>> -> memref<5x32x256xf32, #tpu.memory_space<vmem>>
    tpu.wait_dma2 semaphore(%dma_wait3A_1748 : memref<!tpu.dma_semaphore, #tpu.memory_space<semaphore_mem>>) src(%dma_wait3A_1756 : memref<5x32x256xf32, #tpu.memory_space<vmem>>) dst(%dma_wait3A_1751 : memref<5x32x256xf32, #tpu.memory_space<hbm>>)
    %dma_start3A_1757 = arith.constant 23 : i32
    %dma_start3A_1758 = arith.constant 2 : i32
    %dma_start3A_1759 = arith.constant 2 : i32
    %dma_start3A_1760 = arith.constant 0 : i32
    %dma_start3A_1761 = arith.constant 0 : i32
    %dma_start3A_1762 = arith.constant 0 : i32
    %dma_start3A_1763 = tpu.memref_slice %arg6[%dma_start3A_1758, %dma_start3A_1760, %dma_start3A_1761, %dma_start3A_1762] : memref<3x5x32x256xf32, #tpu.memory_space<vmem>> -> memref<1x5x32x256xf32, #tpu.memory_space<vmem>>
    %dma_start3A_1764 = tpu.memref_squeeze %dma_start3A_1763 : memref<1x5x32x256xf32, #tpu.memory_space<vmem>> -> memref<5x32x256xf32, #tpu.memory_space<vmem>>
    %dma_start3A_1765 = arith.constant 0 : i32
    %dma_start3A_1766 = tpu.memref_slice %arg5[%dma_start3A_1757, %dma_start3A_1765] : memref<49x5xi32, #tpu.memory_space<vmem>> -> memref<1x5xi32, #tpu.memory_space<vmem>>
    %dma_start3A_1767 = tpu.memref_squeeze %dma_start3A_1766 : memref<1x5xi32, #tpu.memory_space<vmem>> -> memref<5xi32, #tpu.memory_space<vmem>>
    %dma_start3A_1768 = arith.constant 0 : i32
    %dma_start3A_1769 = arith.constant 0 : i32
    %dma_start3A_1770 = arith.constant 0 : i32
    %dma_start3A_1771 = tpu.memref_slice %arg3[%dma_start3A_1768, %dma_start3A_1769, %dma_start3A_1770] : memref<7840x32x256xf32, #tpu.memory_space<hbm>> -> memref<7840x32x256xf32, #tpu.memory_space<hbm>>
    %dma_start3A_1772 = tpu.memref_slice %arg7[%dma_start3A_1759] : memref<3x!tpu.dma_semaphore, #tpu.memory_space<semaphore_mem>> -> memref<1x!tpu.dma_semaphore, #tpu.memory_space<semaphore_mem>>
    %dma_start3A_1773 = tpu.memref_squeeze %dma_start3A_1772 : memref<1x!tpu.dma_semaphore, #tpu.memory_space<semaphore_mem>> -> memref<!tpu.dma_semaphore, #tpu.memory_space<semaphore_mem>>
    tpu.enqueue_indirect_dma source(%dma_start3A_1771 : memref<7840x32x256xf32, #tpu.memory_space<hbm>>) target(%dma_start3A_1764 : memref<5x32x256xf32, #tpu.memory_space<vmem>>) offsets(%dma_start3A_1767 : memref<5xi32, #tpu.memory_space<vmem>>) semaphore(%dma_start3A_1773 : memref<!tpu.dma_semaphore, #tpu.memory_space<semaphore_mem>>)
    %dma_wait3A_1774 = arith.constant 21 : i32
    %dma_wait3A_1775 = arith.constant 0 : i32
    %dma_wait3A_1776 = arith.constant 0 : i32
    %dma_wait3A_1777 = arith.constant 0 : i32
    %dma_wait3A_1778 = arith.constant 0 : i32
    %dma_wait3A_1779 = arith.constant 0 : i32
    %dma_wait3A_1780 = tpu.memref_slice %arg6[%dma_wait3A_1775, %dma_wait3A_1777, %dma_wait3A_1778, %dma_wait3A_1779] : memref<3x5x32x256xf32, #tpu.memory_space<vmem>> -> memref<1x5x32x256xf32, #tpu.memory_space<vmem>>
    %dma_wait3A_1781 = tpu.memref_squeeze %dma_wait3A_1780 : memref<1x5x32x256xf32, #tpu.memory_space<vmem>> -> memref<5x32x256xf32, #tpu.memory_space<vmem>>
    %dma_wait3A_1782 = arith.constant 0 : i32
    %dma_wait3A_1783 = tpu.memref_slice %arg5[%dma_wait3A_1774, %dma_wait3A_1782] : memref<49x5xi32, #tpu.memory_space<vmem>> -> memref<1x5xi32, #tpu.memory_space<vmem>>
    %dma_wait3A_1784 = tpu.memref_squeeze %dma_wait3A_1783 : memref<1x5xi32, #tpu.memory_space<vmem>> -> memref<5xi32, #tpu.memory_space<vmem>>
    %dma_wait3A_1785 = arith.constant 0 : i32
    %dma_wait3A_1786 = arith.constant 0 : i32
    %dma_wait3A_1787 = arith.constant 0 : i32
    %dma_wait3A_1788 = tpu.memref_slice %arg3[%dma_wait3A_1785, %dma_wait3A_1786, %dma_wait3A_1787] : memref<7840x32x256xf32, #tpu.memory_space<hbm>> -> memref<7840x32x256xf32, #tpu.memory_space<hbm>>
    %dma_wait3A_1789 = tpu.memref_slice %arg7[%dma_wait3A_1776] : memref<3x!tpu.dma_semaphore, #tpu.memory_space<semaphore_mem>> -> memref<1x!tpu.dma_semaphore, #tpu.memory_space<semaphore_mem>>
    %dma_wait3A_1790 = tpu.memref_squeeze %dma_wait3A_1789 : memref<1x!tpu.dma_semaphore, #tpu.memory_space<semaphore_mem>> -> memref<!tpu.dma_semaphore, #tpu.memory_space<semaphore_mem>>
    tpu.wait_indirect_dma semaphore(%dma_wait3A_1790 : memref<!tpu.dma_semaphore, #tpu.memory_space<semaphore_mem>>) src(%dma_wait3A_1788 : memref<7840x32x256xf32, #tpu.memory_space<hbm>>) dst(%dma_wait3A_1781 : memref<5x32x256xf32, #tpu.memory_space<vmem>>)
    %add3A_1791 = arith.constant 21 : i32
    %add3A_1792 = arith.addi %mul3A_2, %add3A_1791 : i32
    %mul3A_1793 = arith.constant 5 : i32
    %mul3A_1794 = arith.muli %add3A_1792, %mul3A_1793 : i32
    %dma_start3A_1795 = arith.constant 0 : i32
    %dma_start3A_1796 = arith.constant 0 : i32
    %dma_start3A_1797 = arith.constant 0 : i32
    %dma_start3A_1798 = arith.constant 0 : i32
    %dma_start3A_1799 = arith.constant 0 : i32
    %dma_start3A_1800 = tpu.memref_slice %arg6[%dma_start3A_1795, %dma_start3A_1797, %dma_start3A_1798, %dma_start3A_1799] : memref<3x5x32x256xf32, #tpu.memory_space<vmem>> -> memref<1x5x32x256xf32, #tpu.memory_space<vmem>>
    %dma_start3A_1801 = tpu.memref_squeeze %dma_start3A_1800 : memref<1x5x32x256xf32, #tpu.memory_space<vmem>> -> memref<5x32x256xf32, #tpu.memory_space<vmem>>
    %dma_start3A_1802 = arith.constant 0 : i32
    %dma_start3A_1803 = arith.constant 0 : i32
    %dma_start3A_1804 = tpu.memref_slice %arg4[%mul3A_1794, %dma_start3A_1802, %dma_start3A_1803] : memref<7840x32x256xf32, #tpu.memory_space<hbm>> -> memref<5x32x256xf32, #tpu.memory_space<hbm>>
    %dma_start3A_1805 = tpu.memref_slice %arg8[%dma_start3A_1796] : memref<3x!tpu.dma_semaphore, #tpu.memory_space<semaphore_mem>> -> memref<1x!tpu.dma_semaphore, #tpu.memory_space<semaphore_mem>>
    %dma_start3A_1806 = tpu.memref_squeeze %dma_start3A_1805 : memref<1x!tpu.dma_semaphore, #tpu.memory_space<semaphore_mem>> -> memref<!tpu.dma_semaphore, #tpu.memory_space<semaphore_mem>>
    %dma_start3A_1807 = arith.constant 0 : i32
    %dma_start3A_1808 = arith.constant 0 : i32
    %dma_start3A_1809 = tpu.memref_slice %arg4[%mul3A_1794, %dma_start3A_1807, %dma_start3A_1808] : memref<7840x32x256xf32, #tpu.memory_space<hbm>> -> memref<5x32x256xf32, #tpu.memory_space<hbm>>
    %dma_start3A_1810 = arith.constant 0 : i32
    %dma_start3A_1811 = arith.constant 0 : i32
    %dma_start3A_1812 = arith.constant 0 : i32
    %dma_start3A_1813 = tpu.memref_slice %arg6[%dma_start3A_1795, %dma_start3A_1810, %dma_start3A_1811, %dma_start3A_1812] : memref<3x5x32x256xf32, #tpu.memory_space<vmem>> -> memref<1x5x32x256xf32, #tpu.memory_space<vmem>>
    %dma_start3A_1814 = tpu.memref_squeeze %dma_start3A_1813 : memref<1x5x32x256xf32, #tpu.memory_space<vmem>> -> memref<5x32x256xf32, #tpu.memory_space<vmem>>
    tpu.enqueue_dma source(%dma_start3A_1814 : memref<5x32x256xf32, #tpu.memory_space<vmem>>) target(%dma_start3A_1809 : memref<5x32x256xf32, #tpu.memory_space<hbm>>) target_semaphore(%dma_start3A_1806 : memref<!tpu.dma_semaphore, #tpu.memory_space<semaphore_mem>>)
    %add3A_1815 = arith.constant 21 : i32
    %add3A_1816 = arith.addi %mul3A_2, %add3A_1815 : i32
    %mul3A_1817 = arith.constant 5 : i32
    %mul3A_1818 = arith.muli %add3A_1816, %mul3A_1817 : i32
    %dma_wait3A_1819 = arith.constant 0 : i32
    %dma_wait3A_1820 = arith.constant 0 : i32
    %dma_wait3A_1821 = arith.constant 0 : i32
    %dma_wait3A_1822 = arith.constant 0 : i32
    %dma_wait3A_1823 = arith.constant 0 : i32
    %dma_wait3A_1824 = tpu.memref_slice %arg6[%dma_wait3A_1819, %dma_wait3A_1821, %dma_wait3A_1822, %dma_wait3A_1823] : memref<3x5x32x256xf32, #tpu.memory_space<vmem>> -> memref<1x5x32x256xf32, #tpu.memory_space<vmem>>
    %dma_wait3A_1825 = tpu.memref_squeeze %dma_wait3A_1824 : memref<1x5x32x256xf32, #tpu.memory_space<vmem>> -> memref<5x32x256xf32, #tpu.memory_space<vmem>>
    %dma_wait3A_1826 = arith.constant 0 : i32
    %dma_wait3A_1827 = arith.constant 0 : i32
    %dma_wait3A_1828 = tpu.memref_slice %arg4[%mul3A_1818, %dma_wait3A_1826, %dma_wait3A_1827] : memref<7840x32x256xf32, #tpu.memory_space<hbm>> -> memref<5x32x256xf32, #tpu.memory_space<hbm>>
    %dma_wait3A_1829 = tpu.memref_slice %arg8[%dma_wait3A_1820] : memref<3x!tpu.dma_semaphore, #tpu.memory_space<semaphore_mem>> -> memref<1x!tpu.dma_semaphore, #tpu.memory_space<semaphore_mem>>
    %dma_wait3A_1830 = tpu.memref_squeeze %dma_wait3A_1829 : memref<1x!tpu.dma_semaphore, #tpu.memory_space<semaphore_mem>> -> memref<!tpu.dma_semaphore, #tpu.memory_space<semaphore_mem>>
    %dma_wait3A_1831 = arith.constant 0 : i32
    %dma_wait3A_1832 = arith.constant 0 : i32
    %dma_wait3A_1833 = tpu.memref_slice %arg4[%mul3A_1818, %dma_wait3A_1831, %dma_wait3A_1832] : memref<7840x32x256xf32, #tpu.memory_space<hbm>> -> memref<5x32x256xf32, #tpu.memory_space<hbm>>
    %dma_wait3A_1834 = arith.constant 0 : i32
    %dma_wait3A_1835 = arith.constant 0 : i32
    %dma_wait3A_1836 = arith.constant 0 : i32
    %dma_wait3A_1837 = tpu.memref_slice %arg6[%dma_wait3A_1819, %dma_wait3A_1834, %dma_wait3A_1835, %dma_wait3A_1836] : memref<3x5x32x256xf32, #tpu.memory_space<vmem>> -> memref<1x5x32x256xf32, #tpu.memory_space<vmem>>
    %dma_wait3A_1838 = tpu.memref_squeeze %dma_wait3A_1837 : memref<1x5x32x256xf32, #tpu.memory_space<vmem>> -> memref<5x32x256xf32, #tpu.memory_space<vmem>>
    tpu.wait_dma2 semaphore(%dma_wait3A_1830 : memref<!tpu.dma_semaphore, #tpu.memory_space<semaphore_mem>>) src(%dma_wait3A_1838 : memref<5x32x256xf32, #tpu.memory_space<vmem>>) dst(%dma_wait3A_1833 : memref<5x32x256xf32, #tpu.memory_space<hbm>>)
    %dma_start3A_1839 = arith.constant 24 : i32
    %dma_start3A_1840 = arith.constant 0 : i32
    %dma_start3A_1841 = arith.constant 0 : i32
    %dma_start3A_1842 = arith.constant 0 : i32
    %dma_start3A_1843 = arith.constant 0 : i32
    %dma_start3A_1844 = arith.constant 0 : i32
    %dma_start3A_1845 = tpu.memref_slice %arg6[%dma_start3A_1840, %dma_start3A_1842, %dma_start3A_1843, %dma_start3A_1844] : memref<3x5x32x256xf32, #tpu.memory_space<vmem>> -> memref<1x5x32x256xf32, #tpu.memory_space<vmem>>
    %dma_start3A_1846 = tpu.memref_squeeze %dma_start3A_1845 : memref<1x5x32x256xf32, #tpu.memory_space<vmem>> -> memref<5x32x256xf32, #tpu.memory_space<vmem>>
    %dma_start3A_1847 = arith.constant 0 : i32
    %dma_start3A_1848 = tpu.memref_slice %arg5[%dma_start3A_1839, %dma_start3A_1847] : memref<49x5xi32, #tpu.memory_space<vmem>> -> memref<1x5xi32, #tpu.memory_space<vmem>>
    %dma_start3A_1849 = tpu.memref_squeeze %dma_start3A_1848 : memref<1x5xi32, #tpu.memory_space<vmem>> -> memref<5xi32, #tpu.memory_space<vmem>>
    %dma_start3A_1850 = arith.constant 0 : i32
    %dma_start3A_1851 = arith.constant 0 : i32
    %dma_start3A_1852 = arith.constant 0 : i32
    %dma_start3A_1853 = tpu.memref_slice %arg3[%dma_start3A_1850, %dma_start3A_1851, %dma_start3A_1852] : memref<7840x32x256xf32, #tpu.memory_space<hbm>> -> memref<7840x32x256xf32, #tpu.memory_space<hbm>>
    %dma_start3A_1854 = tpu.memref_slice %arg7[%dma_start3A_1841] : memref<3x!tpu.dma_semaphore, #tpu.memory_space<semaphore_mem>> -> memref<1x!tpu.dma_semaphore, #tpu.memory_space<semaphore_mem>>
    %dma_start3A_1855 = tpu.memref_squeeze %dma_start3A_1854 : memref<1x!tpu.dma_semaphore, #tpu.memory_space<semaphore_mem>> -> memref<!tpu.dma_semaphore, #tpu.memory_space<semaphore_mem>>
    tpu.enqueue_indirect_dma source(%dma_start3A_1853 : memref<7840x32x256xf32, #tpu.memory_space<hbm>>) target(%dma_start3A_1846 : memref<5x32x256xf32, #tpu.memory_space<vmem>>) offsets(%dma_start3A_1849 : memref<5xi32, #tpu.memory_space<vmem>>) semaphore(%dma_start3A_1855 : memref<!tpu.dma_semaphore, #tpu.memory_space<semaphore_mem>>)
    %dma_wait3A_1856 = arith.constant 22 : i32
    %dma_wait3A_1857 = arith.constant 1 : i32
    %dma_wait3A_1858 = arith.constant 1 : i32
    %dma_wait3A_1859 = arith.constant 0 : i32
    %dma_wait3A_1860 = arith.constant 0 : i32
    %dma_wait3A_1861 = arith.constant 0 : i32
    %dma_wait3A_1862 = tpu.memref_slice %arg6[%dma_wait3A_1857, %dma_wait3A_1859, %dma_wait3A_1860, %dma_wait3A_1861] : memref<3x5x32x256xf32, #tpu.memory_space<vmem>> -> memref<1x5x32x256xf32, #tpu.memory_space<vmem>>
    %dma_wait3A_1863 = tpu.memref_squeeze %dma_wait3A_1862 : memref<1x5x32x256xf32, #tpu.memory_space<vmem>> -> memref<5x32x256xf32, #tpu.memory_space<vmem>>
    %dma_wait3A_1864 = arith.constant 0 : i32
    %dma_wait3A_1865 = tpu.memref_slice %arg5[%dma_wait3A_1856, %dma_wait3A_1864] : memref<49x5xi32, #tpu.memory_space<vmem>> -> memref<1x5xi32, #tpu.memory_space<vmem>>
    %dma_wait3A_1866 = tpu.memref_squeeze %dma_wait3A_1865 : memref<1x5xi32, #tpu.memory_space<vmem>> -> memref<5xi32, #tpu.memory_space<vmem>>
    %dma_wait3A_1867 = arith.constant 0 : i32
    %dma_wait3A_1868 = arith.constant 0 : i32
    %dma_wait3A_1869 = arith.constant 0 : i32
    %dma_wait3A_1870 = tpu.memref_slice %arg3[%dma_wait3A_1867, %dma_wait3A_1868, %dma_wait3A_1869] : memref<7840x32x256xf32, #tpu.memory_space<hbm>> -> memref<7840x32x256xf32, #tpu.memory_space<hbm>>
    %dma_wait3A_1871 = tpu.memref_slice %arg7[%dma_wait3A_1858] : memref<3x!tpu.dma_semaphore, #tpu.memory_space<semaphore_mem>> -> memref<1x!tpu.dma_semaphore, #tpu.memory_space<semaphore_mem>>
    %dma_wait3A_1872 = tpu.memref_squeeze %dma_wait3A_1871 : memref<1x!tpu.dma_semaphore, #tpu.memory_space<semaphore_mem>> -> memref<!tpu.dma_semaphore, #tpu.memory_space<semaphore_mem>>
    tpu.wait_indirect_dma semaphore(%dma_wait3A_1872 : memref<!tpu.dma_semaphore, #tpu.memory_space<semaphore_mem>>) src(%dma_wait3A_1870 : memref<7840x32x256xf32, #tpu.memory_space<hbm>>) dst(%dma_wait3A_1863 : memref<5x32x256xf32, #tpu.memory_space<vmem>>)
    %add3A_1873 = arith.constant 22 : i32
    %add3A_1874 = arith.addi %mul3A_2, %add3A_1873 : i32
    %mul3A_1875 = arith.constant 5 : i32
    %mul3A_1876 = arith.muli %add3A_1874, %mul3A_1875 : i32
    %dma_start3A_1877 = arith.constant 1 : i32
    %dma_start3A_1878 = arith.constant 1 : i32
    %dma_start3A_1879 = arith.constant 0 : i32
    %dma_start3A_1880 = arith.constant 0 : i32
    %dma_start3A_1881 = arith.constant 0 : i32
    %dma_start3A_1882 = tpu.memref_slice %arg6[%dma_start3A_1877, %dma_start3A_1879, %dma_start3A_1880, %dma_start3A_1881] : memref<3x5x32x256xf32, #tpu.memory_space<vmem>> -> memref<1x5x32x256xf32, #tpu.memory_space<vmem>>
    %dma_start3A_1883 = tpu.memref_squeeze %dma_start3A_1882 : memref<1x5x32x256xf32, #tpu.memory_space<vmem>> -> memref<5x32x256xf32, #tpu.memory_space<vmem>>
    %dma_start3A_1884 = arith.constant 0 : i32
    %dma_start3A_1885 = arith.constant 0 : i32
    %dma_start3A_1886 = tpu.memref_slice %arg4[%mul3A_1876, %dma_start3A_1884, %dma_start3A_1885] : memref<7840x32x256xf32, #tpu.memory_space<hbm>> -> memref<5x32x256xf32, #tpu.memory_space<hbm>>
    %dma_start3A_1887 = tpu.memref_slice %arg8[%dma_start3A_1878] : memref<3x!tpu.dma_semaphore, #tpu.memory_space<semaphore_mem>> -> memref<1x!tpu.dma_semaphore, #tpu.memory_space<semaphore_mem>>
    %dma_start3A_1888 = tpu.memref_squeeze %dma_start3A_1887 : memref<1x!tpu.dma_semaphore, #tpu.memory_space<semaphore_mem>> -> memref<!tpu.dma_semaphore, #tpu.memory_space<semaphore_mem>>
    %dma_start3A_1889 = arith.constant 0 : i32
    %dma_start3A_1890 = arith.constant 0 : i32
    %dma_start3A_1891 = tpu.memref_slice %arg4[%mul3A_1876, %dma_start3A_1889, %dma_start3A_1890] : memref<7840x32x256xf32, #tpu.memory_space<hbm>> -> memref<5x32x256xf32, #tpu.memory_space<hbm>>
    %dma_start3A_1892 = arith.constant 0 : i32
    %dma_start3A_1893 = arith.constant 0 : i32
    %dma_start3A_1894 = arith.constant 0 : i32
    %dma_start3A_1895 = tpu.memref_slice %arg6[%dma_start3A_1877, %dma_start3A_1892, %dma_start3A_1893, %dma_start3A_1894] : memref<3x5x32x256xf32, #tpu.memory_space<vmem>> -> memref<1x5x32x256xf32, #tpu.memory_space<vmem>>
    %dma_start3A_1896 = tpu.memref_squeeze %dma_start3A_1895 : memref<1x5x32x256xf32, #tpu.memory_space<vmem>> -> memref<5x32x256xf32, #tpu.memory_space<vmem>>
    tpu.enqueue_dma source(%dma_start3A_1896 : memref<5x32x256xf32, #tpu.memory_space<vmem>>) target(%dma_start3A_1891 : memref<5x32x256xf32, #tpu.memory_space<hbm>>) target_semaphore(%dma_start3A_1888 : memref<!tpu.dma_semaphore, #tpu.memory_space<semaphore_mem>>)
    %add3A_1897 = arith.constant 22 : i32
    %add3A_1898 = arith.addi %mul3A_2, %add3A_1897 : i32
    %mul3A_1899 = arith.constant 5 : i32
    %mul3A_1900 = arith.muli %add3A_1898, %mul3A_1899 : i32
    %dma_wait3A_1901 = arith.constant 1 : i32
    %dma_wait3A_1902 = arith.constant 1 : i32
    %dma_wait3A_1903 = arith.constant 0 : i32
    %dma_wait3A_1904 = arith.constant 0 : i32
    %dma_wait3A_1905 = arith.constant 0 : i32
    %dma_wait3A_1906 = tpu.memref_slice %arg6[%dma_wait3A_1901, %dma_wait3A_1903, %dma_wait3A_1904, %dma_wait3A_1905] : memref<3x5x32x256xf32, #tpu.memory_space<vmem>> -> memref<1x5x32x256xf32, #tpu.memory_space<vmem>>
    %dma_wait3A_1907 = tpu.memref_squeeze %dma_wait3A_1906 : memref<1x5x32x256xf32, #tpu.memory_space<vmem>> -> memref<5x32x256xf32, #tpu.memory_space<vmem>>
    %dma_wait3A_1908 = arith.constant 0 : i32
    %dma_wait3A_1909 = arith.constant 0 : i32
    %dma_wait3A_1910 = tpu.memref_slice %arg4[%mul3A_1900, %dma_wait3A_1908, %dma_wait3A_1909] : memref<7840x32x256xf32, #tpu.memory_space<hbm>> -> memref<5x32x256xf32, #tpu.memory_space<hbm>>
    %dma_wait3A_1911 = tpu.memref_slice %arg8[%dma_wait3A_1902] : memref<3x!tpu.dma_semaphore, #tpu.memory_space<semaphore_mem>> -> memref<1x!tpu.dma_semaphore, #tpu.memory_space<semaphore_mem>>
    %dma_wait3A_1912 = tpu.memref_squeeze %dma_wait3A_1911 : memref<1x!tpu.dma_semaphore, #tpu.memory_space<semaphore_mem>> -> memref<!tpu.dma_semaphore, #tpu.memory_space<semaphore_mem>>
    %dma_wait3A_1913 = arith.constant 0 : i32
    %dma_wait3A_1914 = arith.constant 0 : i32
    %dma_wait3A_1915 = tpu.memref_slice %arg4[%mul3A_1900, %dma_wait3A_1913, %dma_wait3A_1914] : memref<7840x32x256xf32, #tpu.memory_space<hbm>> -> memref<5x32x256xf32, #tpu.memory_space<hbm>>
    %dma_wait3A_1916 = arith.constant 0 : i32
    %dma_wait3A_1917 = arith.constant 0 : i32
    %dma_wait3A_1918 = arith.constant 0 : i32
    %dma_wait3A_1919 = tpu.memref_slice %arg6[%dma_wait3A_1901, %dma_wait3A_1916, %dma_wait3A_1917, %dma_wait3A_1918] : memref<3x5x32x256xf32, #tpu.memory_space<vmem>> -> memref<1x5x32x256xf32, #tpu.memory_space<vmem>>
    %dma_wait3A_1920 = tpu.memref_squeeze %dma_wait3A_1919 : memref<1x5x32x256xf32, #tpu.memory_space<vmem>> -> memref<5x32x256xf32, #tpu.memory_space<vmem>>
    tpu.wait_dma2 semaphore(%dma_wait3A_1912 : memref<!tpu.dma_semaphore, #tpu.memory_space<semaphore_mem>>) src(%dma_wait3A_1920 : memref<5x32x256xf32, #tpu.memory_space<vmem>>) dst(%dma_wait3A_1915 : memref<5x32x256xf32, #tpu.memory_space<hbm>>)
    %dma_start3A_1921 = arith.constant 25 : i32
    %dma_start3A_1922 = arith.constant 1 : i32
    %dma_start3A_1923 = arith.constant 1 : i32
    %dma_start3A_1924 = arith.constant 0 : i32
    %dma_start3A_1925 = arith.constant 0 : i32
    %dma_start3A_1926 = arith.constant 0 : i32
    %dma_start3A_1927 = tpu.memref_slice %arg6[%dma_start3A_1922, %dma_start3A_1924, %dma_start3A_1925, %dma_start3A_1926] : memref<3x5x32x256xf32, #tpu.memory_space<vmem>> -> memref<1x5x32x256xf32, #tpu.memory_space<vmem>>
    %dma_start3A_1928 = tpu.memref_squeeze %dma_start3A_1927 : memref<1x5x32x256xf32, #tpu.memory_space<vmem>> -> memref<5x32x256xf32, #tpu.memory_space<vmem>>
    %dma_start3A_1929 = arith.constant 0 : i32
    %dma_start3A_1930 = tpu.memref_slice %arg5[%dma_start3A_1921, %dma_start3A_1929] : memref<49x5xi32, #tpu.memory_space<vmem>> -> memref<1x5xi32, #tpu.memory_space<vmem>>
    %dma_start3A_1931 = tpu.memref_squeeze %dma_start3A_1930 : memref<1x5xi32, #tpu.memory_space<vmem>> -> memref<5xi32, #tpu.memory_space<vmem>>
    %dma_start3A_1932 = arith.constant 0 : i32
    %dma_start3A_1933 = arith.constant 0 : i32
    %dma_start3A_1934 = arith.constant 0 : i32
    %dma_start3A_1935 = tpu.memref_slice %arg3[%dma_start3A_1932, %dma_start3A_1933, %dma_start3A_1934] : memref<7840x32x256xf32, #tpu.memory_space<hbm>> -> memref<7840x32x256xf32, #tpu.memory_space<hbm>>
    %dma_start3A_1936 = tpu.memref_slice %arg7[%dma_start3A_1923] : memref<3x!tpu.dma_semaphore, #tpu.memory_space<semaphore_mem>> -> memref<1x!tpu.dma_semaphore, #tpu.memory_space<semaphore_mem>>
    %dma_start3A_1937 = tpu.memref_squeeze %dma_start3A_1936 : memref<1x!tpu.dma_semaphore, #tpu.memory_space<semaphore_mem>> -> memref<!tpu.dma_semaphore, #tpu.memory_space<semaphore_mem>>
    tpu.enqueue_indirect_dma source(%dma_start3A_1935 : memref<7840x32x256xf32, #tpu.memory_space<hbm>>) target(%dma_start3A_1928 : memref<5x32x256xf32, #tpu.memory_space<vmem>>) offsets(%dma_start3A_1931 : memref<5xi32, #tpu.memory_space<vmem>>) semaphore(%dma_start3A_1937 : memref<!tpu.dma_semaphore, #tpu.memory_space<semaphore_mem>>)
    %dma_wait3A_1938 = arith.constant 23 : i32
    %dma_wait3A_1939 = arith.constant 2 : i32
    %dma_wait3A_1940 = arith.constant 2 : i32
    %dma_wait3A_1941 = arith.constant 0 : i32
    %dma_wait3A_1942 = arith.constant 0 : i32
    %dma_wait3A_1943 = arith.constant 0 : i32
    %dma_wait3A_1944 = tpu.memref_slice %arg6[%dma_wait3A_1939, %dma_wait3A_1941, %dma_wait3A_1942, %dma_wait3A_1943] : memref<3x5x32x256xf32, #tpu.memory_space<vmem>> -> memref<1x5x32x256xf32, #tpu.memory_space<vmem>>
    %dma_wait3A_1945 = tpu.memref_squeeze %dma_wait3A_1944 : memref<1x5x32x256xf32, #tpu.memory_space<vmem>> -> memref<5x32x256xf32, #tpu.memory_space<vmem>>
    %dma_wait3A_1946 = arith.constant 0 : i32
    %dma_wait3A_1947 = tpu.memref_slice %arg5[%dma_wait3A_1938, %dma_wait3A_1946] : memref<49x5xi32, #tpu.memory_space<vmem>> -> memref<1x5xi32, #tpu.memory_space<vmem>>
    %dma_wait3A_1948 = tpu.memref_squeeze %dma_wait3A_1947 : memref<1x5xi32, #tpu.memory_space<vmem>> -> memref<5xi32, #tpu.memory_space<vmem>>
    %dma_wait3A_1949 = arith.constant 0 : i32
    %dma_wait3A_1950 = arith.constant 0 : i32
    %dma_wait3A_1951 = arith.constant 0 : i32
    %dma_wait3A_1952 = tpu.memref_slice %arg3[%dma_wait3A_1949, %dma_wait3A_1950, %dma_wait3A_1951] : memref<7840x32x256xf32, #tpu.memory_space<hbm>> -> memref<7840x32x256xf32, #tpu.memory_space<hbm>>
    %dma_wait3A_1953 = tpu.memref_slice %arg7[%dma_wait3A_1940] : memref<3x!tpu.dma_semaphore, #tpu.memory_space<semaphore_mem>> -> memref<1x!tpu.dma_semaphore, #tpu.memory_space<semaphore_mem>>
    %dma_wait3A_1954 = tpu.memref_squeeze %dma_wait3A_1953 : memref<1x!tpu.dma_semaphore, #tpu.memory_space<semaphore_mem>> -> memref<!tpu.dma_semaphore, #tpu.memory_space<semaphore_mem>>
    tpu.wait_indirect_dma semaphore(%dma_wait3A_1954 : memref<!tpu.dma_semaphore, #tpu.memory_space<semaphore_mem>>) src(%dma_wait3A_1952 : memref<7840x32x256xf32, #tpu.memory_space<hbm>>) dst(%dma_wait3A_1945 : memref<5x32x256xf32, #tpu.memory_space<vmem>>)
    %add3A_1955 = arith.constant 23 : i32
    %add3A_1956 = arith.addi %mul3A_2, %add3A_1955 : i32
    %mul3A_1957 = arith.constant 5 : i32
    %mul3A_1958 = arith.muli %add3A_1956, %mul3A_1957 : i32
    %dma_start3A_1959 = arith.constant 2 : i32
    %dma_start3A_1960 = arith.constant 2 : i32
    %dma_start3A_1961 = arith.constant 0 : i32
    %dma_start3A_1962 = arith.constant 0 : i32
    %dma_start3A_1963 = arith.constant 0 : i32
    %dma_start3A_1964 = tpu.memref_slice %arg6[%dma_start3A_1959, %dma_start3A_1961, %dma_start3A_1962, %dma_start3A_1963] : memref<3x5x32x256xf32, #tpu.memory_space<vmem>> -> memref<1x5x32x256xf32, #tpu.memory_space<vmem>>
    %dma_start3A_1965 = tpu.memref_squeeze %dma_start3A_1964 : memref<1x5x32x256xf32, #tpu.memory_space<vmem>> -> memref<5x32x256xf32, #tpu.memory_space<vmem>>
    %dma_start3A_1966 = arith.constant 0 : i32
    %dma_start3A_1967 = arith.constant 0 : i32
    %dma_start3A_1968 = tpu.memref_slice %arg4[%mul3A_1958, %dma_start3A_1966, %dma_start3A_1967] : memref<7840x32x256xf32, #tpu.memory_space<hbm>> -> memref<5x32x256xf32, #tpu.memory_space<hbm>>
    %dma_start3A_1969 = tpu.memref_slice %arg8[%dma_start3A_1960] : memref<3x!tpu.dma_semaphore, #tpu.memory_space<semaphore_mem>> -> memref<1x!tpu.dma_semaphore, #tpu.memory_space<semaphore_mem>>
    %dma_start3A_1970 = tpu.memref_squeeze %dma_start3A_1969 : memref<1x!tpu.dma_semaphore, #tpu.memory_space<semaphore_mem>> -> memref<!tpu.dma_semaphore, #tpu.memory_space<semaphore_mem>>
    %dma_start3A_1971 = arith.constant 0 : i32
    %dma_start3A_1972 = arith.constant 0 : i32
    %dma_start3A_1973 = tpu.memref_slice %arg4[%mul3A_1958, %dma_start3A_1971, %dma_start3A_1972] : memref<7840x32x256xf32, #tpu.memory_space<hbm>> -> memref<5x32x256xf32, #tpu.memory_space<hbm>>
    %dma_start3A_1974 = arith.constant 0 : i32
    %dma_start3A_1975 = arith.constant 0 : i32
    %dma_start3A_1976 = arith.constant 0 : i32
    %dma_start3A_1977 = tpu.memref_slice %arg6[%dma_start3A_1959, %dma_start3A_1974, %dma_start3A_1975, %dma_start3A_1976] : memref<3x5x32x256xf32, #tpu.memory_space<vmem>> -> memref<1x5x32x256xf32, #tpu.memory_space<vmem>>
    %dma_start3A_1978 = tpu.memref_squeeze %dma_start3A_1977 : memref<1x5x32x256xf32, #tpu.memory_space<vmem>> -> memref<5x32x256xf32, #tpu.memory_space<vmem>>
    tpu.enqueue_dma source(%dma_start3A_1978 : memref<5x32x256xf32, #tpu.memory_space<vmem>>) target(%dma_start3A_1973 : memref<5x32x256xf32, #tpu.memory_space<hbm>>) target_semaphore(%dma_start3A_1970 : memref<!tpu.dma_semaphore, #tpu.memory_space<semaphore_mem>>)
    %add3A_1979 = arith.constant 23 : i32
    %add3A_1980 = arith.addi %mul3A_2, %add3A_1979 : i32
    %mul3A_1981 = arith.constant 5 : i32
    %mul3A_1982 = arith.muli %add3A_1980, %mul3A_1981 : i32
    %dma_wait3A_1983 = arith.constant 2 : i32
    %dma_wait3A_1984 = arith.constant 2 : i32
    %dma_wait3A_1985 = arith.constant 0 : i32
    %dma_wait3A_1986 = arith.constant 0 : i32
    %dma_wait3A_1987 = arith.constant 0 : i32
    %dma_wait3A_1988 = tpu.memref_slice %arg6[%dma_wait3A_1983, %dma_wait3A_1985, %dma_wait3A_1986, %dma_wait3A_1987] : memref<3x5x32x256xf32, #tpu.memory_space<vmem>> -> memref<1x5x32x256xf32, #tpu.memory_space<vmem>>
    %dma_wait3A_1989 = tpu.memref_squeeze %dma_wait3A_1988 : memref<1x5x32x256xf32, #tpu.memory_space<vmem>> -> memref<5x32x256xf32, #tpu.memory_space<vmem>>
    %dma_wait3A_1990 = arith.constant 0 : i32
    %dma_wait3A_1991 = arith.constant 0 : i32
    %dma_wait3A_1992 = tpu.memref_slice %arg4[%mul3A_1982, %dma_wait3A_1990, %dma_wait3A_1991] : memref<7840x32x256xf32, #tpu.memory_space<hbm>> -> memref<5x32x256xf32, #tpu.memory_space<hbm>>
    %dma_wait3A_1993 = tpu.memref_slice %arg8[%dma_wait3A_1984] : memref<3x!tpu.dma_semaphore, #tpu.memory_space<semaphore_mem>> -> memref<1x!tpu.dma_semaphore, #tpu.memory_space<semaphore_mem>>
    %dma_wait3A_1994 = tpu.memref_squeeze %dma_wait3A_1993 : memref<1x!tpu.dma_semaphore, #tpu.memory_space<semaphore_mem>> -> memref<!tpu.dma_semaphore, #tpu.memory_space<semaphore_mem>>
    %dma_wait3A_1995 = arith.constant 0 : i32
    %dma_wait3A_1996 = arith.constant 0 : i32
    %dma_wait3A_1997 = tpu.memref_slice %arg4[%mul3A_1982, %dma_wait3A_1995, %dma_wait3A_1996] : memref<7840x32x256xf32, #tpu.memory_space<hbm>> -> memref<5x32x256xf32, #tpu.memory_space<hbm>>
    %dma_wait3A_1998 = arith.constant 0 : i32
    %dma_wait3A_1999 = arith.constant 0 : i32
    %dma_wait3A_2000 = arith.constant 0 : i32
    %dma_wait3A_2001 = tpu.memref_slice %arg6[%dma_wait3A_1983, %dma_wait3A_1998, %dma_wait3A_1999, %dma_wait3A_2000] : memref<3x5x32x256xf32, #tpu.memory_space<vmem>> -> memref<1x5x32x256xf32, #tpu.memory_space<vmem>>
    %dma_wait3A_2002 = tpu.memref_squeeze %dma_wait3A_2001 : memref<1x5x32x256xf32, #tpu.memory_space<vmem>> -> memref<5x32x256xf32, #tpu.memory_space<vmem>>
    tpu.wait_dma2 semaphore(%dma_wait3A_1994 : memref<!tpu.dma_semaphore, #tpu.memory_space<semaphore_mem>>) src(%dma_wait3A_2002 : memref<5x32x256xf32, #tpu.memory_space<vmem>>) dst(%dma_wait3A_1997 : memref<5x32x256xf32, #tpu.memory_space<hbm>>)
    %dma_start3A_2003 = arith.constant 26 : i32
    %dma_start3A_2004 = arith.constant 2 : i32
    %dma_start3A_2005 = arith.constant 2 : i32
    %dma_start3A_2006 = arith.constant 0 : i32
    %dma_start3A_2007 = arith.constant 0 : i32
    %dma_start3A_2008 = arith.constant 0 : i32
    %dma_start3A_2009 = tpu.memref_slice %arg6[%dma_start3A_2004, %dma_start3A_2006, %dma_start3A_2007, %dma_start3A_2008] : memref<3x5x32x256xf32, #tpu.memory_space<vmem>> -> memref<1x5x32x256xf32, #tpu.memory_space<vmem>>
    %dma_start3A_2010 = tpu.memref_squeeze %dma_start3A_2009 : memref<1x5x32x256xf32, #tpu.memory_space<vmem>> -> memref<5x32x256xf32, #tpu.memory_space<vmem>>
    %dma_start3A_2011 = arith.constant 0 : i32
    %dma_start3A_2012 = tpu.memref_slice %arg5[%dma_start3A_2003, %dma_start3A_2011] : memref<49x5xi32, #tpu.memory_space<vmem>> -> memref<1x5xi32, #tpu.memory_space<vmem>>
    %dma_start3A_2013 = tpu.memref_squeeze %dma_start3A_2012 : memref<1x5xi32, #tpu.memory_space<vmem>> -> memref<5xi32, #tpu.memory_space<vmem>>
    %dma_start3A_2014 = arith.constant 0 : i32
    %dma_start3A_2015 = arith.constant 0 : i32
    %dma_start3A_2016 = arith.constant 0 : i32
    %dma_start3A_2017 = tpu.memref_slice %arg3[%dma_start3A_2014, %dma_start3A_2015, %dma_start3A_2016] : memref<7840x32x256xf32, #tpu.memory_space<hbm>> -> memref<7840x32x256xf32, #tpu.memory_space<hbm>>
    %dma_start3A_2018 = tpu.memref_slice %arg7[%dma_start3A_2005] : memref<3x!tpu.dma_semaphore, #tpu.memory_space<semaphore_mem>> -> memref<1x!tpu.dma_semaphore, #tpu.memory_space<semaphore_mem>>
    %dma_start3A_2019 = tpu.memref_squeeze %dma_start3A_2018 : memref<1x!tpu.dma_semaphore, #tpu.memory_space<semaphore_mem>> -> memref<!tpu.dma_semaphore, #tpu.memory_space<semaphore_mem>>
    tpu.enqueue_indirect_dma source(%dma_start3A_2017 : memref<7840x32x256xf32, #tpu.memory_space<hbm>>) target(%dma_start3A_2010 : memref<5x32x256xf32, #tpu.memory_space<vmem>>) offsets(%dma_start3A_2013 : memref<5xi32, #tpu.memory_space<vmem>>) semaphore(%dma_start3A_2019 : memref<!tpu.dma_semaphore, #tpu.memory_space<semaphore_mem>>)
    %dma_wait3A_2020 = arith.constant 24 : i32
    %dma_wait3A_2021 = arith.constant 0 : i32
    %dma_wait3A_2022 = arith.constant 0 : i32
    %dma_wait3A_2023 = arith.constant 0 : i32
    %dma_wait3A_2024 = arith.constant 0 : i32
    %dma_wait3A_2025 = arith.constant 0 : i32
    %dma_wait3A_2026 = tpu.memref_slice %arg6[%dma_wait3A_2021, %dma_wait3A_2023, %dma_wait3A_2024, %dma_wait3A_2025] : memref<3x5x32x256xf32, #tpu.memory_space<vmem>> -> memref<1x5x32x256xf32, #tpu.memory_space<vmem>>
    %dma_wait3A_2027 = tpu.memref_squeeze %dma_wait3A_2026 : memref<1x5x32x256xf32, #tpu.memory_space<vmem>> -> memref<5x32x256xf32, #tpu.memory_space<vmem>>
    %dma_wait3A_2028 = arith.constant 0 : i32
    %dma_wait3A_2029 = tpu.memref_slice %arg5[%dma_wait3A_2020, %dma_wait3A_2028] : memref<49x5xi32, #tpu.memory_space<vmem>> -> memref<1x5xi32, #tpu.memory_space<vmem>>
    %dma_wait3A_2030 = tpu.memref_squeeze %dma_wait3A_2029 : memref<1x5xi32, #tpu.memory_space<vmem>> -> memref<5xi32, #tpu.memory_space<vmem>>
    %dma_wait3A_2031 = arith.constant 0 : i32
    %dma_wait3A_2032 = arith.constant 0 : i32
    %dma_wait3A_2033 = arith.constant 0 : i32
    %dma_wait3A_2034 = tpu.memref_slice %arg3[%dma_wait3A_2031, %dma_wait3A_2032, %dma_wait3A_2033] : memref<7840x32x256xf32, #tpu.memory_space<hbm>> -> memref<7840x32x256xf32, #tpu.memory_space<hbm>>
    %dma_wait3A_2035 = tpu.memref_slice %arg7[%dma_wait3A_2022] : memref<3x!tpu.dma_semaphore, #tpu.memory_space<semaphore_mem>> -> memref<1x!tpu.dma_semaphore, #tpu.memory_space<semaphore_mem>>
    %dma_wait3A_2036 = tpu.memref_squeeze %dma_wait3A_2035 : memref<1x!tpu.dma_semaphore, #tpu.memory_space<semaphore_mem>> -> memref<!tpu.dma_semaphore, #tpu.memory_space<semaphore_mem>>
    tpu.wait_indirect_dma semaphore(%dma_wait3A_2036 : memref<!tpu.dma_semaphore, #tpu.memory_space<semaphore_mem>>) src(%dma_wait3A_2034 : memref<7840x32x256xf32, #tpu.memory_space<hbm>>) dst(%dma_wait3A_2027 : memref<5x32x256xf32, #tpu.memory_space<vmem>>)
    %add3A_2037 = arith.constant 24 : i32
    %add3A_2038 = arith.addi %mul3A_2, %add3A_2037 : i32
    %mul3A_2039 = arith.constant 5 : i32
    %mul3A_2040 = arith.muli %add3A_2038, %mul3A_2039 : i32
    %dma_start3A_2041 = arith.constant 0 : i32
    %dma_start3A_2042 = arith.constant 0 : i32
    %dma_start3A_2043 = arith.constant 0 : i32
    %dma_start3A_2044 = arith.constant 0 : i32
    %dma_start3A_2045 = arith.constant 0 : i32
    %dma_start3A_2046 = tpu.memref_slice %arg6[%dma_start3A_2041, %dma_start3A_2043, %dma_start3A_2044, %dma_start3A_2045] : memref<3x5x32x256xf32, #tpu.memory_space<vmem>> -> memref<1x5x32x256xf32, #tpu.memory_space<vmem>>
    %dma_start3A_2047 = tpu.memref_squeeze %dma_start3A_2046 : memref<1x5x32x256xf32, #tpu.memory_space<vmem>> -> memref<5x32x256xf32, #tpu.memory_space<vmem>>
    %dma_start3A_2048 = arith.constant 0 : i32
    %dma_start3A_2049 = arith.constant 0 : i32
    %dma_start3A_2050 = tpu.memref_slice %arg4[%mul3A_2040, %dma_start3A_2048, %dma_start3A_2049] : memref<7840x32x256xf32, #tpu.memory_space<hbm>> -> memref<5x32x256xf32, #tpu.memory_space<hbm>>
    %dma_start3A_2051 = tpu.memref_slice %arg8[%dma_start3A_2042] : memref<3x!tpu.dma_semaphore, #tpu.memory_space<semaphore_mem>> -> memref<1x!tpu.dma_semaphore, #tpu.memory_space<semaphore_mem>>
    %dma_start3A_2052 = tpu.memref_squeeze %dma_start3A_2051 : memref<1x!tpu.dma_semaphore, #tpu.memory_space<semaphore_mem>> -> memref<!tpu.dma_semaphore, #tpu.memory_space<semaphore_mem>>
    %dma_start3A_2053 = arith.constant 0 : i32
    %dma_start3A_2054 = arith.constant 0 : i32
    %dma_start3A_2055 = tpu.memref_slice %arg4[%mul3A_2040, %dma_start3A_2053, %dma_start3A_2054] : memref<7840x32x256xf32, #tpu.memory_space<hbm>> -> memref<5x32x256xf32, #tpu.memory_space<hbm>>
    %dma_start3A_2056 = arith.constant 0 : i32
    %dma_start3A_2057 = arith.constant 0 : i32
    %dma_start3A_2058 = arith.constant 0 : i32
    %dma_start3A_2059 = tpu.memref_slice %arg6[%dma_start3A_2041, %dma_start3A_2056, %dma_start3A_2057, %dma_start3A_2058] : memref<3x5x32x256xf32, #tpu.memory_space<vmem>> -> memref<1x5x32x256xf32, #tpu.memory_space<vmem>>
    %dma_start3A_2060 = tpu.memref_squeeze %dma_start3A_2059 : memref<1x5x32x256xf32, #tpu.memory_space<vmem>> -> memref<5x32x256xf32, #tpu.memory_space<vmem>>
    tpu.enqueue_dma source(%dma_start3A_2060 : memref<5x32x256xf32, #tpu.memory_space<vmem>>) target(%dma_start3A_2055 : memref<5x32x256xf32, #tpu.memory_space<hbm>>) target_semaphore(%dma_start3A_2052 : memref<!tpu.dma_semaphore, #tpu.memory_space<semaphore_mem>>)
    %add3A_2061 = arith.constant 24 : i32
    %add3A_2062 = arith.addi %mul3A_2, %add3A_2061 : i32
    %mul3A_2063 = arith.constant 5 : i32
    %mul3A_2064 = arith.muli %add3A_2062, %mul3A_2063 : i32
    %dma_wait3A_2065 = arith.constant 0 : i32
    %dma_wait3A_2066 = arith.constant 0 : i32
    %dma_wait3A_2067 = arith.constant 0 : i32
    %dma_wait3A_2068 = arith.constant 0 : i32
    %dma_wait3A_2069 = arith.constant 0 : i32
    %dma_wait3A_2070 = tpu.memref_slice %arg6[%dma_wait3A_2065, %dma_wait3A_2067, %dma_wait3A_2068, %dma_wait3A_2069] : memref<3x5x32x256xf32, #tpu.memory_space<vmem>> -> memref<1x5x32x256xf32, #tpu.memory_space<vmem>>
    %dma_wait3A_2071 = tpu.memref_squeeze %dma_wait3A_2070 : memref<1x5x32x256xf32, #tpu.memory_space<vmem>> -> memref<5x32x256xf32, #tpu.memory_space<vmem>>
    %dma_wait3A_2072 = arith.constant 0 : i32
    %dma_wait3A_2073 = arith.constant 0 : i32
    %dma_wait3A_2074 = tpu.memref_slice %arg4[%mul3A_2064, %dma_wait3A_2072, %dma_wait3A_2073] : memref<7840x32x256xf32, #tpu.memory_space<hbm>> -> memref<5x32x256xf32, #tpu.memory_space<hbm>>
    %dma_wait3A_2075 = tpu.memref_slice %arg8[%dma_wait3A_2066] : memref<3x!tpu.dma_semaphore, #tpu.memory_space<semaphore_mem>> -> memref<1x!tpu.dma_semaphore, #tpu.memory_space<semaphore_mem>>
    %dma_wait3A_2076 = tpu.memref_squeeze %dma_wait3A_2075 : memref<1x!tpu.dma_semaphore, #tpu.memory_space<semaphore_mem>> -> memref<!tpu.dma_semaphore, #tpu.memory_space<semaphore_mem>>
    %dma_wait3A_2077 = arith.constant 0 : i32
    %dma_wait3A_2078 = arith.constant 0 : i32
    %dma_wait3A_2079 = tpu.memref_slice %arg4[%mul3A_2064, %dma_wait3A_2077, %dma_wait3A_2078] : memref<7840x32x256xf32, #tpu.memory_space<hbm>> -> memref<5x32x256xf32, #tpu.memory_space<hbm>>
    %dma_wait3A_2080 = arith.constant 0 : i32
    %dma_wait3A_2081 = arith.constant 0 : i32
    %dma_wait3A_2082 = arith.constant 0 : i32
    %dma_wait3A_2083 = tpu.memref_slice %arg6[%dma_wait3A_2065, %dma_wait3A_2080, %dma_wait3A_2081, %dma_wait3A_2082] : memref<3x5x32x256xf32, #tpu.memory_space<vmem>> -> memref<1x5x32x256xf32, #tpu.memory_space<vmem>>
    %dma_wait3A_2084 = tpu.memref_squeeze %dma_wait3A_2083 : memref<1x5x32x256xf32, #tpu.memory_space<vmem>> -> memref<5x32x256xf32, #tpu.memory_space<vmem>>
    tpu.wait_dma2 semaphore(%dma_wait3A_2076 : memref<!tpu.dma_semaphore, #tpu.memory_space<semaphore_mem>>) src(%dma_wait3A_2084 : memref<5x32x256xf32, #tpu.memory_space<vmem>>) dst(%dma_wait3A_2079 : memref<5x32x256xf32, #tpu.memory_space<hbm>>)
    %dma_start3A_2085 = arith.constant 27 : i32
    %dma_start3A_2086 = arith.constant 0 : i32
    %dma_start3A_2087 = arith.constant 0 : i32
    %dma_start3A_2088 = arith.constant 0 : i32
    %dma_start3A_2089 = arith.constant 0 : i32
    %dma_start3A_2090 = arith.constant 0 : i32
    %dma_start3A_2091 = tpu.memref_slice %arg6[%dma_start3A_2086, %dma_start3A_2088, %dma_start3A_2089, %dma_start3A_2090] : memref<3x5x32x256xf32, #tpu.memory_space<vmem>> -> memref<1x5x32x256xf32, #tpu.memory_space<vmem>>
    %dma_start3A_2092 = tpu.memref_squeeze %dma_start3A_2091 : memref<1x5x32x256xf32, #tpu.memory_space<vmem>> -> memref<5x32x256xf32, #tpu.memory_space<vmem>>
    %dma_start3A_2093 = arith.constant 0 : i32
    %dma_start3A_2094 = tpu.memref_slice %arg5[%dma_start3A_2085, %dma_start3A_2093] : memref<49x5xi32, #tpu.memory_space<vmem>> -> memref<1x5xi32, #tpu.memory_space<vmem>>
    %dma_start3A_2095 = tpu.memref_squeeze %dma_start3A_2094 : memref<1x5xi32, #tpu.memory_space<vmem>> -> memref<5xi32, #tpu.memory_space<vmem>>
    %dma_start3A_2096 = arith.constant 0 : i32
    %dma_start3A_2097 = arith.constant 0 : i32
    %dma_start3A_2098 = arith.constant 0 : i32
    %dma_start3A_2099 = tpu.memref_slice %arg3[%dma_start3A_2096, %dma_start3A_2097, %dma_start3A_2098] : memref<7840x32x256xf32, #tpu.memory_space<hbm>> -> memref<7840x32x256xf32, #tpu.memory_space<hbm>>
    %dma_start3A_2100 = tpu.memref_slice %arg7[%dma_start3A_2087] : memref<3x!tpu.dma_semaphore, #tpu.memory_space<semaphore_mem>> -> memref<1x!tpu.dma_semaphore, #tpu.memory_space<semaphore_mem>>
    %dma_start3A_2101 = tpu.memref_squeeze %dma_start3A_2100 : memref<1x!tpu.dma_semaphore, #tpu.memory_space<semaphore_mem>> -> memref<!tpu.dma_semaphore, #tpu.memory_space<semaphore_mem>>
    tpu.enqueue_indirect_dma source(%dma_start3A_2099 : memref<7840x32x256xf32, #tpu.memory_space<hbm>>) target(%dma_start3A_2092 : memref<5x32x256xf32, #tpu.memory_space<vmem>>) offsets(%dma_start3A_2095 : memref<5xi32, #tpu.memory_space<vmem>>) semaphore(%dma_start3A_2101 : memref<!tpu.dma_semaphore, #tpu.memory_space<semaphore_mem>>)
    %dma_wait3A_2102 = arith.constant 25 : i32
    %dma_wait3A_2103 = arith.constant 1 : i32
    %dma_wait3A_2104 = arith.constant 1 : i32
    %dma_wait3A_2105 = arith.constant 0 : i32
    %dma_wait3A_2106 = arith.constant 0 : i32
    %dma_wait3A_2107 = arith.constant 0 : i32
    %dma_wait3A_2108 = tpu.memref_slice %arg6[%dma_wait3A_2103, %dma_wait3A_2105, %dma_wait3A_2106, %dma_wait3A_2107] : memref<3x5x32x256xf32, #tpu.memory_space<vmem>> -> memref<1x5x32x256xf32, #tpu.memory_space<vmem>>
    %dma_wait3A_2109 = tpu.memref_squeeze %dma_wait3A_2108 : memref<1x5x32x256xf32, #tpu.memory_space<vmem>> -> memref<5x32x256xf32, #tpu.memory_space<vmem>>
    %dma_wait3A_2110 = arith.constant 0 : i32
    %dma_wait3A_2111 = tpu.memref_slice %arg5[%dma_wait3A_2102, %dma_wait3A_2110] : memref<49x5xi32, #tpu.memory_space<vmem>> -> memref<1x5xi32, #tpu.memory_space<vmem>>
    %dma_wait3A_2112 = tpu.memref_squeeze %dma_wait3A_2111 : memref<1x5xi32, #tpu.memory_space<vmem>> -> memref<5xi32, #tpu.memory_space<vmem>>
    %dma_wait3A_2113 = arith.constant 0 : i32
    %dma_wait3A_2114 = arith.constant 0 : i32
    %dma_wait3A_2115 = arith.constant 0 : i32
    %dma_wait3A_2116 = tpu.memref_slice %arg3[%dma_wait3A_2113, %dma_wait3A_2114, %dma_wait3A_2115] : memref<7840x32x256xf32, #tpu.memory_space<hbm>> -> memref<7840x32x256xf32, #tpu.memory_space<hbm>>
    %dma_wait3A_2117 = tpu.memref_slice %arg7[%dma_wait3A_2104] : memref<3x!tpu.dma_semaphore, #tpu.memory_space<semaphore_mem>> -> memref<1x!tpu.dma_semaphore, #tpu.memory_space<semaphore_mem>>
    %dma_wait3A_2118 = tpu.memref_squeeze %dma_wait3A_2117 : memref<1x!tpu.dma_semaphore, #tpu.memory_space<semaphore_mem>> -> memref<!tpu.dma_semaphore, #tpu.memory_space<semaphore_mem>>
    tpu.wait_indirect_dma semaphore(%dma_wait3A_2118 : memref<!tpu.dma_semaphore, #tpu.memory_space<semaphore_mem>>) src(%dma_wait3A_2116 : memref<7840x32x256xf32, #tpu.memory_space<hbm>>) dst(%dma_wait3A_2109 : memref<5x32x256xf32, #tpu.memory_space<vmem>>)
    %add3A_2119 = arith.constant 25 : i32
    %add3A_2120 = arith.addi %mul3A_2, %add3A_2119 : i32
    %mul3A_2121 = arith.constant 5 : i32
    %mul3A_2122 = arith.muli %add3A_2120, %mul3A_2121 : i32
    %dma_start3A_2123 = arith.constant 1 : i32
    %dma_start3A_2124 = arith.constant 1 : i32
    %dma_start3A_2125 = arith.constant 0 : i32
    %dma_start3A_2126 = arith.constant 0 : i32
    %dma_start3A_2127 = arith.constant 0 : i32
    %dma_start3A_2128 = tpu.memref_slice %arg6[%dma_start3A_2123, %dma_start3A_2125, %dma_start3A_2126, %dma_start3A_2127] : memref<3x5x32x256xf32, #tpu.memory_space<vmem>> -> memref<1x5x32x256xf32, #tpu.memory_space<vmem>>
    %dma_start3A_2129 = tpu.memref_squeeze %dma_start3A_2128 : memref<1x5x32x256xf32, #tpu.memory_space<vmem>> -> memref<5x32x256xf32, #tpu.memory_space<vmem>>
    %dma_start3A_2130 = arith.constant 0 : i32
    %dma_start3A_2131 = arith.constant 0 : i32
    %dma_start3A_2132 = tpu.memref_slice %arg4[%mul3A_2122, %dma_start3A_2130, %dma_start3A_2131] : memref<7840x32x256xf32, #tpu.memory_space<hbm>> -> memref<5x32x256xf32, #tpu.memory_space<hbm>>
    %dma_start3A_2133 = tpu.memref_slice %arg8[%dma_start3A_2124] : memref<3x!tpu.dma_semaphore, #tpu.memory_space<semaphore_mem>> -> memref<1x!tpu.dma_semaphore, #tpu.memory_space<semaphore_mem>>
    %dma_start3A_2134 = tpu.memref_squeeze %dma_start3A_2133 : memref<1x!tpu.dma_semaphore, #tpu.memory_space<semaphore_mem>> -> memref<!tpu.dma_semaphore, #tpu.memory_space<semaphore_mem>>
    %dma_start3A_2135 = arith.constant 0 : i32
    %dma_start3A_2136 = arith.constant 0 : i32
    %dma_start3A_2137 = tpu.memref_slice %arg4[%mul3A_2122, %dma_start3A_2135, %dma_start3A_2136] : memref<7840x32x256xf32, #tpu.memory_space<hbm>> -> memref<5x32x256xf32, #tpu.memory_space<hbm>>
    %dma_start3A_2138 = arith.constant 0 : i32
    %dma_start3A_2139 = arith.constant 0 : i32
    %dma_start3A_2140 = arith.constant 0 : i32
    %dma_start3A_2141 = tpu.memref_slice %arg6[%dma_start3A_2123, %dma_start3A_2138, %dma_start3A_2139, %dma_start3A_2140] : memref<3x5x32x256xf32, #tpu.memory_space<vmem>> -> memref<1x5x32x256xf32, #tpu.memory_space<vmem>>
    %dma_start3A_2142 = tpu.memref_squeeze %dma_start3A_2141 : memref<1x5x32x256xf32, #tpu.memory_space<vmem>> -> memref<5x32x256xf32, #tpu.memory_space<vmem>>
    tpu.enqueue_dma source(%dma_start3A_2142 : memref<5x32x256xf32, #tpu.memory_space<vmem>>) target(%dma_start3A_2137 : memref<5x32x256xf32, #tpu.memory_space<hbm>>) target_semaphore(%dma_start3A_2134 : memref<!tpu.dma_semaphore, #tpu.memory_space<semaphore_mem>>)
    %add3A_2143 = arith.constant 25 : i32
    %add3A_2144 = arith.addi %mul3A_2, %add3A_2143 : i32
    %mul3A_2145 = arith.constant 5 : i32
    %mul3A_2146 = arith.muli %add3A_2144, %mul3A_2145 : i32
    %dma_wait3A_2147 = arith.constant 1 : i32
    %dma_wait3A_2148 = arith.constant 1 : i32
    %dma_wait3A_2149 = arith.constant 0 : i32
    %dma_wait3A_2150 = arith.constant 0 : i32
    %dma_wait3A_2151 = arith.constant 0 : i32
    %dma_wait3A_2152 = tpu.memref_slice %arg6[%dma_wait3A_2147, %dma_wait3A_2149, %dma_wait3A_2150, %dma_wait3A_2151] : memref<3x5x32x256xf32, #tpu.memory_space<vmem>> -> memref<1x5x32x256xf32, #tpu.memory_space<vmem>>
    %dma_wait3A_2153 = tpu.memref_squeeze %dma_wait3A_2152 : memref<1x5x32x256xf32, #tpu.memory_space<vmem>> -> memref<5x32x256xf32, #tpu.memory_space<vmem>>
    %dma_wait3A_2154 = arith.constant 0 : i32
    %dma_wait3A_2155 = arith.constant 0 : i32
    %dma_wait3A_2156 = tpu.memref_slice %arg4[%mul3A_2146, %dma_wait3A_2154, %dma_wait3A_2155] : memref<7840x32x256xf32, #tpu.memory_space<hbm>> -> memref<5x32x256xf32, #tpu.memory_space<hbm>>
    %dma_wait3A_2157 = tpu.memref_slice %arg8[%dma_wait3A_2148] : memref<3x!tpu.dma_semaphore, #tpu.memory_space<semaphore_mem>> -> memref<1x!tpu.dma_semaphore, #tpu.memory_space<semaphore_mem>>
    %dma_wait3A_2158 = tpu.memref_squeeze %dma_wait3A_2157 : memref<1x!tpu.dma_semaphore, #tpu.memory_space<semaphore_mem>> -> memref<!tpu.dma_semaphore, #tpu.memory_space<semaphore_mem>>
    %dma_wait3A_2159 = arith.constant 0 : i32
    %dma_wait3A_2160 = arith.constant 0 : i32
    %dma_wait3A_2161 = tpu.memref_slice %arg4[%mul3A_2146, %dma_wait3A_2159, %dma_wait3A_2160] : memref<7840x32x256xf32, #tpu.memory_space<hbm>> -> memref<5x32x256xf32, #tpu.memory_space<hbm>>
    %dma_wait3A_2162 = arith.constant 0 : i32
    %dma_wait3A_2163 = arith.constant 0 : i32
    %dma_wait3A_2164 = arith.constant 0 : i32
    %dma_wait3A_2165 = tpu.memref_slice %arg6[%dma_wait3A_2147, %dma_wait3A_2162, %dma_wait3A_2163, %dma_wait3A_2164] : memref<3x5x32x256xf32, #tpu.memory_space<vmem>> -> memref<1x5x32x256xf32, #tpu.memory_space<vmem>>
    %dma_wait3A_2166 = tpu.memref_squeeze %dma_wait3A_2165 : memref<1x5x32x256xf32, #tpu.memory_space<vmem>> -> memref<5x32x256xf32, #tpu.memory_space<vmem>>
    tpu.wait_dma2 semaphore(%dma_wait3A_2158 : memref<!tpu.dma_semaphore, #tpu.memory_space<semaphore_mem>>) src(%dma_wait3A_2166 : memref<5x32x256xf32, #tpu.memory_space<vmem>>) dst(%dma_wait3A_2161 : memref<5x32x256xf32, #tpu.memory_space<hbm>>)
    %dma_start3A_2167 = arith.constant 28 : i32
    %dma_start3A_2168 = arith.constant 1 : i32
    %dma_start3A_2169 = arith.constant 1 : i32
    %dma_start3A_2170 = arith.constant 0 : i32
    %dma_start3A_2171 = arith.constant 0 : i32
    %dma_start3A_2172 = arith.constant 0 : i32
    %dma_start3A_2173 = tpu.memref_slice %arg6[%dma_start3A_2168, %dma_start3A_2170, %dma_start3A_2171, %dma_start3A_2172] : memref<3x5x32x256xf32, #tpu.memory_space<vmem>> -> memref<1x5x32x256xf32, #tpu.memory_space<vmem>>
    %dma_start3A_2174 = tpu.memref_squeeze %dma_start3A_2173 : memref<1x5x32x256xf32, #tpu.memory_space<vmem>> -> memref<5x32x256xf32, #tpu.memory_space<vmem>>
    %dma_start3A_2175 = arith.constant 0 : i32
    %dma_start3A_2176 = tpu.memref_slice %arg5[%dma_start3A_2167, %dma_start3A_2175] : memref<49x5xi32, #tpu.memory_space<vmem>> -> memref<1x5xi32, #tpu.memory_space<vmem>>
    %dma_start3A_2177 = tpu.memref_squeeze %dma_start3A_2176 : memref<1x5xi32, #tpu.memory_space<vmem>> -> memref<5xi32, #tpu.memory_space<vmem>>
    %dma_start3A_2178 = arith.constant 0 : i32
    %dma_start3A_2179 = arith.constant 0 : i32
    %dma_start3A_2180 = arith.constant 0 : i32
    %dma_start3A_2181 = tpu.memref_slice %arg3[%dma_start3A_2178, %dma_start3A_2179, %dma_start3A_2180] : memref<7840x32x256xf32, #tpu.memory_space<hbm>> -> memref<7840x32x256xf32, #tpu.memory_space<hbm>>
    %dma_start3A_2182 = tpu.memref_slice %arg7[%dma_start3A_2169] : memref<3x!tpu.dma_semaphore, #tpu.memory_space<semaphore_mem>> -> memref<1x!tpu.dma_semaphore, #tpu.memory_space<semaphore_mem>>
    %dma_start3A_2183 = tpu.memref_squeeze %dma_start3A_2182 : memref<1x!tpu.dma_semaphore, #tpu.memory_space<semaphore_mem>> -> memref<!tpu.dma_semaphore, #tpu.memory_space<semaphore_mem>>
    tpu.enqueue_indirect_dma source(%dma_start3A_2181 : memref<7840x32x256xf32, #tpu.memory_space<hbm>>) target(%dma_start3A_2174 : memref<5x32x256xf32, #tpu.memory_space<vmem>>) offsets(%dma_start3A_2177 : memref<5xi32, #tpu.memory_space<vmem>>) semaphore(%dma_start3A_2183 : memref<!tpu.dma_semaphore, #tpu.memory_space<semaphore_mem>>)
    %dma_wait3A_2184 = arith.constant 26 : i32
    %dma_wait3A_2185 = arith.constant 2 : i32
    %dma_wait3A_2186 = arith.constant 2 : i32
    %dma_wait3A_2187 = arith.constant 0 : i32
    %dma_wait3A_2188 = arith.constant 0 : i32
    %dma_wait3A_2189 = arith.constant 0 : i32
    %dma_wait3A_2190 = tpu.memref_slice %arg6[%dma_wait3A_2185, %dma_wait3A_2187, %dma_wait3A_2188, %dma_wait3A_2189] : memref<3x5x32x256xf32, #tpu.memory_space<vmem>> -> memref<1x5x32x256xf32, #tpu.memory_space<vmem>>
    %dma_wait3A_2191 = tpu.memref_squeeze %dma_wait3A_2190 : memref<1x5x32x256xf32, #tpu.memory_space<vmem>> -> memref<5x32x256xf32, #tpu.memory_space<vmem>>
    %dma_wait3A_2192 = arith.constant 0 : i32
    %dma_wait3A_2193 = tpu.memref_slice %arg5[%dma_wait3A_2184, %dma_wait3A_2192] : memref<49x5xi32, #tpu.memory_space<vmem>> -> memref<1x5xi32, #tpu.memory_space<vmem>>
    %dma_wait3A_2194 = tpu.memref_squeeze %dma_wait3A_2193 : memref<1x5xi32, #tpu.memory_space<vmem>> -> memref<5xi32, #tpu.memory_space<vmem>>
    %dma_wait3A_2195 = arith.constant 0 : i32
    %dma_wait3A_2196 = arith.constant 0 : i32
    %dma_wait3A_2197 = arith.constant 0 : i32
    %dma_wait3A_2198 = tpu.memref_slice %arg3[%dma_wait3A_2195, %dma_wait3A_2196, %dma_wait3A_2197] : memref<7840x32x256xf32, #tpu.memory_space<hbm>> -> memref<7840x32x256xf32, #tpu.memory_space<hbm>>
    %dma_wait3A_2199 = tpu.memref_slice %arg7[%dma_wait3A_2186] : memref<3x!tpu.dma_semaphore, #tpu.memory_space<semaphore_mem>> -> memref<1x!tpu.dma_semaphore, #tpu.memory_space<semaphore_mem>>
    %dma_wait3A_2200 = tpu.memref_squeeze %dma_wait3A_2199 : memref<1x!tpu.dma_semaphore, #tpu.memory_space<semaphore_mem>> -> memref<!tpu.dma_semaphore, #tpu.memory_space<semaphore_mem>>
    tpu.wait_indirect_dma semaphore(%dma_wait3A_2200 : memref<!tpu.dma_semaphore, #tpu.memory_space<semaphore_mem>>) src(%dma_wait3A_2198 : memref<7840x32x256xf32, #tpu.memory_space<hbm>>) dst(%dma_wait3A_2191 : memref<5x32x256xf32, #tpu.memory_space<vmem>>)
    %add3A_2201 = arith.constant 26 : i32
    %add3A_2202 = arith.addi %mul3A_2, %add3A_2201 : i32
    %mul3A_2203 = arith.constant 5 : i32
    %mul3A_2204 = arith.muli %add3A_2202, %mul3A_2203 : i32
    %dma_start3A_2205 = arith.constant 2 : i32
    %dma_start3A_2206 = arith.constant 2 : i32
    %dma_start3A_2207 = arith.constant 0 : i32
    %dma_start3A_2208 = arith.constant 0 : i32
    %dma_start3A_2209 = arith.constant 0 : i32
    %dma_start3A_2210 = tpu.memref_slice %arg6[%dma_start3A_2205, %dma_start3A_2207, %dma_start3A_2208, %dma_start3A_2209] : memref<3x5x32x256xf32, #tpu.memory_space<vmem>> -> memref<1x5x32x256xf32, #tpu.memory_space<vmem>>
    %dma_start3A_2211 = tpu.memref_squeeze %dma_start3A_2210 : memref<1x5x32x256xf32, #tpu.memory_space<vmem>> -> memref<5x32x256xf32, #tpu.memory_space<vmem>>
    %dma_start3A_2212 = arith.constant 0 : i32
    %dma_start3A_2213 = arith.constant 0 : i32
    %dma_start3A_2214 = tpu.memref_slice %arg4[%mul3A_2204, %dma_start3A_2212, %dma_start3A_2213] : memref<7840x32x256xf32, #tpu.memory_space<hbm>> -> memref<5x32x256xf32, #tpu.memory_space<hbm>>
    %dma_start3A_2215 = tpu.memref_slice %arg8[%dma_start3A_2206] : memref<3x!tpu.dma_semaphore, #tpu.memory_space<semaphore_mem>> -> memref<1x!tpu.dma_semaphore, #tpu.memory_space<semaphore_mem>>
    %dma_start3A_2216 = tpu.memref_squeeze %dma_start3A_2215 : memref<1x!tpu.dma_semaphore, #tpu.memory_space<semaphore_mem>> -> memref<!tpu.dma_semaphore, #tpu.memory_space<semaphore_mem>>
    %dma_start3A_2217 = arith.constant 0 : i32
    %dma_start3A_2218 = arith.constant 0 : i32
    %dma_start3A_2219 = tpu.memref_slice %arg4[%mul3A_2204, %dma_start3A_2217, %dma_start3A_2218] : memref<7840x32x256xf32, #tpu.memory_space<hbm>> -> memref<5x32x256xf32, #tpu.memory_space<hbm>>
    %dma_start3A_2220 = arith.constant 0 : i32
    %dma_start3A_2221 = arith.constant 0 : i32
    %dma_start3A_2222 = arith.constant 0 : i32
    %dma_start3A_2223 = tpu.memref_slice %arg6[%dma_start3A_2205, %dma_start3A_2220, %dma_start3A_2221, %dma_start3A_2222] : memref<3x5x32x256xf32, #tpu.memory_space<vmem>> -> memref<1x5x32x256xf32, #tpu.memory_space<vmem>>
    %dma_start3A_2224 = tpu.memref_squeeze %dma_start3A_2223 : memref<1x5x32x256xf32, #tpu.memory_space<vmem>> -> memref<5x32x256xf32, #tpu.memory_space<vmem>>
    tpu.enqueue_dma source(%dma_start3A_2224 : memref<5x32x256xf32, #tpu.memory_space<vmem>>) target(%dma_start3A_2219 : memref<5x32x256xf32, #tpu.memory_space<hbm>>) target_semaphore(%dma_start3A_2216 : memref<!tpu.dma_semaphore, #tpu.memory_space<semaphore_mem>>)
    %add3A_2225 = arith.constant 26 : i32
    %add3A_2226 = arith.addi %mul3A_2, %add3A_2225 : i32
    %mul3A_2227 = arith.constant 5 : i32
    %mul3A_2228 = arith.muli %add3A_2226, %mul3A_2227 : i32
    %dma_wait3A_2229 = arith.constant 2 : i32
    %dma_wait3A_2230 = arith.constant 2 : i32
    %dma_wait3A_2231 = arith.constant 0 : i32
    %dma_wait3A_2232 = arith.constant 0 : i32
    %dma_wait3A_2233 = arith.constant 0 : i32
    %dma_wait3A_2234 = tpu.memref_slice %arg6[%dma_wait3A_2229, %dma_wait3A_2231, %dma_wait3A_2232, %dma_wait3A_2233] : memref<3x5x32x256xf32, #tpu.memory_space<vmem>> -> memref<1x5x32x256xf32, #tpu.memory_space<vmem>>
    %dma_wait3A_2235 = tpu.memref_squeeze %dma_wait3A_2234 : memref<1x5x32x256xf32, #tpu.memory_space<vmem>> -> memref<5x32x256xf32, #tpu.memory_space<vmem>>
    %dma_wait3A_2236 = arith.constant 0 : i32
    %dma_wait3A_2237 = arith.constant 0 : i32
    %dma_wait3A_2238 = tpu.memref_slice %arg4[%mul3A_2228, %dma_wait3A_2236, %dma_wait3A_2237] : memref<7840x32x256xf32, #tpu.memory_space<hbm>> -> memref<5x32x256xf32, #tpu.memory_space<hbm>>
    %dma_wait3A_2239 = tpu.memref_slice %arg8[%dma_wait3A_2230] : memref<3x!tpu.dma_semaphore, #tpu.memory_space<semaphore_mem>> -> memref<1x!tpu.dma_semaphore, #tpu.memory_space<semaphore_mem>>
    %dma_wait3A_2240 = tpu.memref_squeeze %dma_wait3A_2239 : memref<1x!tpu.dma_semaphore, #tpu.memory_space<semaphore_mem>> -> memref<!tpu.dma_semaphore, #tpu.memory_space<semaphore_mem>>
    %dma_wait3A_2241 = arith.constant 0 : i32
    %dma_wait3A_2242 = arith.constant 0 : i32
    %dma_wait3A_2243 = tpu.memref_slice %arg4[%mul3A_2228, %dma_wait3A_2241, %dma_wait3A_2242] : memref<7840x32x256xf32, #tpu.memory_space<hbm>> -> memref<5x32x256xf32, #tpu.memory_space<hbm>>
    %dma_wait3A_2244 = arith.constant 0 : i32
    %dma_wait3A_2245 = arith.constant 0 : i32
    %dma_wait3A_2246 = arith.constant 0 : i32
    %dma_wait3A_2247 = tpu.memref_slice %arg6[%dma_wait3A_2229, %dma_wait3A_2244, %dma_wait3A_2245, %dma_wait3A_2246] : memref<3x5x32x256xf32, #tpu.memory_space<vmem>> -> memref<1x5x32x256xf32, #tpu.memory_space<vmem>>
    %dma_wait3A_2248 = tpu.memref_squeeze %dma_wait3A_2247 : memref<1x5x32x256xf32, #tpu.memory_space<vmem>> -> memref<5x32x256xf32, #tpu.memory_space<vmem>>
    tpu.wait_dma2 semaphore(%dma_wait3A_2240 : memref<!tpu.dma_semaphore, #tpu.memory_space<semaphore_mem>>) src(%dma_wait3A_2248 : memref<5x32x256xf32, #tpu.memory_space<vmem>>) dst(%dma_wait3A_2243 : memref<5x32x256xf32, #tpu.memory_space<hbm>>)
    %dma_start3A_2249 = arith.constant 29 : i32
    %dma_start3A_2250 = arith.constant 2 : i32
    %dma_start3A_2251 = arith.constant 2 : i32
    %dma_start3A_2252 = arith.constant 0 : i32
    %dma_start3A_2253 = arith.constant 0 : i32
    %dma_start3A_2254 = arith.constant 0 : i32
    %dma_start3A_2255 = tpu.memref_slice %arg6[%dma_start3A_2250, %dma_start3A_2252, %dma_start3A_2253, %dma_start3A_2254] : memref<3x5x32x256xf32, #tpu.memory_space<vmem>> -> memref<1x5x32x256xf32, #tpu.memory_space<vmem>>
    %dma_start3A_2256 = tpu.memref_squeeze %dma_start3A_2255 : memref<1x5x32x256xf32, #tpu.memory_space<vmem>> -> memref<5x32x256xf32, #tpu.memory_space<vmem>>
    %dma_start3A_2257 = arith.constant 0 : i32
    %dma_start3A_2258 = tpu.memref_slice %arg5[%dma_start3A_2249, %dma_start3A_2257] : memref<49x5xi32, #tpu.memory_space<vmem>> -> memref<1x5xi32, #tpu.memory_space<vmem>>
    %dma_start3A_2259 = tpu.memref_squeeze %dma_start3A_2258 : memref<1x5xi32, #tpu.memory_space<vmem>> -> memref<5xi32, #tpu.memory_space<vmem>>
    %dma_start3A_2260 = arith.constant 0 : i32
    %dma_start3A_2261 = arith.constant 0 : i32
    %dma_start3A_2262 = arith.constant 0 : i32
    %dma_start3A_2263 = tpu.memref_slice %arg3[%dma_start3A_2260, %dma_start3A_2261, %dma_start3A_2262] : memref<7840x32x256xf32, #tpu.memory_space<hbm>> -> memref<7840x32x256xf32, #tpu.memory_space<hbm>>
    %dma_start3A_2264 = tpu.memref_slice %arg7[%dma_start3A_2251] : memref<3x!tpu.dma_semaphore, #tpu.memory_space<semaphore_mem>> -> memref<1x!tpu.dma_semaphore, #tpu.memory_space<semaphore_mem>>
    %dma_start3A_2265 = tpu.memref_squeeze %dma_start3A_2264 : memref<1x!tpu.dma_semaphore, #tpu.memory_space<semaphore_mem>> -> memref<!tpu.dma_semaphore, #tpu.memory_space<semaphore_mem>>
    tpu.enqueue_indirect_dma source(%dma_start3A_2263 : memref<7840x32x256xf32, #tpu.memory_space<hbm>>) target(%dma_start3A_2256 : memref<5x32x256xf32, #tpu.memory_space<vmem>>) offsets(%dma_start3A_2259 : memref<5xi32, #tpu.memory_space<vmem>>) semaphore(%dma_start3A_2265 : memref<!tpu.dma_semaphore, #tpu.memory_space<semaphore_mem>>)
    %dma_wait3A_2266 = arith.constant 27 : i32
    %dma_wait3A_2267 = arith.constant 0 : i32
    %dma_wait3A_2268 = arith.constant 0 : i32
    %dma_wait3A_2269 = arith.constant 0 : i32
    %dma_wait3A_2270 = arith.constant 0 : i32
    %dma_wait3A_2271 = arith.constant 0 : i32
    %dma_wait3A_2272 = tpu.memref_slice %arg6[%dma_wait3A_2267, %dma_wait3A_2269, %dma_wait3A_2270, %dma_wait3A_2271] : memref<3x5x32x256xf32, #tpu.memory_space<vmem>> -> memref<1x5x32x256xf32, #tpu.memory_space<vmem>>
    %dma_wait3A_2273 = tpu.memref_squeeze %dma_wait3A_2272 : memref<1x5x32x256xf32, #tpu.memory_space<vmem>> -> memref<5x32x256xf32, #tpu.memory_space<vmem>>
    %dma_wait3A_2274 = arith.constant 0 : i32
    %dma_wait3A_2275 = tpu.memref_slice %arg5[%dma_wait3A_2266, %dma_wait3A_2274] : memref<49x5xi32, #tpu.memory_space<vmem>> -> memref<1x5xi32, #tpu.memory_space<vmem>>
    %dma_wait3A_2276 = tpu.memref_squeeze %dma_wait3A_2275 : memref<1x5xi32, #tpu.memory_space<vmem>> -> memref<5xi32, #tpu.memory_space<vmem>>
    %dma_wait3A_2277 = arith.constant 0 : i32
    %dma_wait3A_2278 = arith.constant 0 : i32
    %dma_wait3A_2279 = arith.constant 0 : i32
    %dma_wait3A_2280 = tpu.memref_slice %arg3[%dma_wait3A_2277, %dma_wait3A_2278, %dma_wait3A_2279] : memref<7840x32x256xf32, #tpu.memory_space<hbm>> -> memref<7840x32x256xf32, #tpu.memory_space<hbm>>
    %dma_wait3A_2281 = tpu.memref_slice %arg7[%dma_wait3A_2268] : memref<3x!tpu.dma_semaphore, #tpu.memory_space<semaphore_mem>> -> memref<1x!tpu.dma_semaphore, #tpu.memory_space<semaphore_mem>>
    %dma_wait3A_2282 = tpu.memref_squeeze %dma_wait3A_2281 : memref<1x!tpu.dma_semaphore, #tpu.memory_space<semaphore_mem>> -> memref<!tpu.dma_semaphore, #tpu.memory_space<semaphore_mem>>
    tpu.wait_indirect_dma semaphore(%dma_wait3A_2282 : memref<!tpu.dma_semaphore, #tpu.memory_space<semaphore_mem>>) src(%dma_wait3A_2280 : memref<7840x32x256xf32, #tpu.memory_space<hbm>>) dst(%dma_wait3A_2273 : memref<5x32x256xf32, #tpu.memory_space<vmem>>)
    %add3A_2283 = arith.constant 27 : i32
    %add3A_2284 = arith.addi %mul3A_2, %add3A_2283 : i32
    %mul3A_2285 = arith.constant 5 : i32
    %mul3A_2286 = arith.muli %add3A_2284, %mul3A_2285 : i32
    %dma_start3A_2287 = arith.constant 0 : i32
    %dma_start3A_2288 = arith.constant 0 : i32
    %dma_start3A_2289 = arith.constant 0 : i32
    %dma_start3A_2290 = arith.constant 0 : i32
    %dma_start3A_2291 = arith.constant 0 : i32
    %dma_start3A_2292 = tpu.memref_slice %arg6[%dma_start3A_2287, %dma_start3A_2289, %dma_start3A_2290, %dma_start3A_2291] : memref<3x5x32x256xf32, #tpu.memory_space<vmem>> -> memref<1x5x32x256xf32, #tpu.memory_space<vmem>>
    %dma_start3A_2293 = tpu.memref_squeeze %dma_start3A_2292 : memref<1x5x32x256xf32, #tpu.memory_space<vmem>> -> memref<5x32x256xf32, #tpu.memory_space<vmem>>
    %dma_start3A_2294 = arith.constant 0 : i32
    %dma_start3A_2295 = arith.constant 0 : i32
    %dma_start3A_2296 = tpu.memref_slice %arg4[%mul3A_2286, %dma_start3A_2294, %dma_start3A_2295] : memref<7840x32x256xf32, #tpu.memory_space<hbm>> -> memref<5x32x256xf32, #tpu.memory_space<hbm>>
    %dma_start3A_2297 = tpu.memref_slice %arg8[%dma_start3A_2288] : memref<3x!tpu.dma_semaphore, #tpu.memory_space<semaphore_mem>> -> memref<1x!tpu.dma_semaphore, #tpu.memory_space<semaphore_mem>>
    %dma_start3A_2298 = tpu.memref_squeeze %dma_start3A_2297 : memref<1x!tpu.dma_semaphore, #tpu.memory_space<semaphore_mem>> -> memref<!tpu.dma_semaphore, #tpu.memory_space<semaphore_mem>>
    %dma_start3A_2299 = arith.constant 0 : i32
    %dma_start3A_2300 = arith.constant 0 : i32
    %dma_start3A_2301 = tpu.memref_slice %arg4[%mul3A_2286, %dma_start3A_2299, %dma_start3A_2300] : memref<7840x32x256xf32, #tpu.memory_space<hbm>> -> memref<5x32x256xf32, #tpu.memory_space<hbm>>
    %dma_start3A_2302 = arith.constant 0 : i32
    %dma_start3A_2303 = arith.constant 0 : i32
    %dma_start3A_2304 = arith.constant 0 : i32
    %dma_start3A_2305 = tpu.memref_slice %arg6[%dma_start3A_2287, %dma_start3A_2302, %dma_start3A_2303, %dma_start3A_2304] : memref<3x5x32x256xf32, #tpu.memory_space<vmem>> -> memref<1x5x32x256xf32, #tpu.memory_space<vmem>>
    %dma_start3A_2306 = tpu.memref_squeeze %dma_start3A_2305 : memref<1x5x32x256xf32, #tpu.memory_space<vmem>> -> memref<5x32x256xf32, #tpu.memory_space<vmem>>
    tpu.enqueue_dma source(%dma_start3A_2306 : memref<5x32x256xf32, #tpu.memory_space<vmem>>) target(%dma_start3A_2301 : memref<5x32x256xf32, #tpu.memory_space<hbm>>) target_semaphore(%dma_start3A_2298 : memref<!tpu.dma_semaphore, #tpu.memory_space<semaphore_mem>>)
    %add3A_2307 = arith.constant 27 : i32
    %add3A_2308 = arith.addi %mul3A_2, %add3A_2307 : i32
    %mul3A_2309 = arith.constant 5 : i32
    %mul3A_2310 = arith.muli %add3A_2308, %mul3A_2309 : i32
    %dma_wait3A_2311 = arith.constant 0 : i32
    %dma_wait3A_2312 = arith.constant 0 : i32
    %dma_wait3A_2313 = arith.constant 0 : i32
    %dma_wait3A_2314 = arith.constant 0 : i32
    %dma_wait3A_2315 = arith.constant 0 : i32
    %dma_wait3A_2316 = tpu.memref_slice %arg6[%dma_wait3A_2311, %dma_wait3A_2313, %dma_wait3A_2314, %dma_wait3A_2315] : memref<3x5x32x256xf32, #tpu.memory_space<vmem>> -> memref<1x5x32x256xf32, #tpu.memory_space<vmem>>
    %dma_wait3A_2317 = tpu.memref_squeeze %dma_wait3A_2316 : memref<1x5x32x256xf32, #tpu.memory_space<vmem>> -> memref<5x32x256xf32, #tpu.memory_space<vmem>>
    %dma_wait3A_2318 = arith.constant 0 : i32
    %dma_wait3A_2319 = arith.constant 0 : i32
    %dma_wait3A_2320 = tpu.memref_slice %arg4[%mul3A_2310, %dma_wait3A_2318, %dma_wait3A_2319] : memref<7840x32x256xf32, #tpu.memory_space<hbm>> -> memref<5x32x256xf32, #tpu.memory_space<hbm>>
    %dma_wait3A_2321 = tpu.memref_slice %arg8[%dma_wait3A_2312] : memref<3x!tpu.dma_semaphore, #tpu.memory_space<semaphore_mem>> -> memref<1x!tpu.dma_semaphore, #tpu.memory_space<semaphore_mem>>
    %dma_wait3A_2322 = tpu.memref_squeeze %dma_wait3A_2321 : memref<1x!tpu.dma_semaphore, #tpu.memory_space<semaphore_mem>> -> memref<!tpu.dma_semaphore, #tpu.memory_space<semaphore_mem>>
    %dma_wait3A_2323 = arith.constant 0 : i32
    %dma_wait3A_2324 = arith.constant 0 : i32
    %dma_wait3A_2325 = tpu.memref_slice %arg4[%mul3A_2310, %dma_wait3A_2323, %dma_wait3A_2324] : memref<7840x32x256xf32, #tpu.memory_space<hbm>> -> memref<5x32x256xf32, #tpu.memory_space<hbm>>
    %dma_wait3A_2326 = arith.constant 0 : i32
    %dma_wait3A_2327 = arith.constant 0 : i32
    %dma_wait3A_2328 = arith.constant 0 : i32
    %dma_wait3A_2329 = tpu.memref_slice %arg6[%dma_wait3A_2311, %dma_wait3A_2326, %dma_wait3A_2327, %dma_wait3A_2328] : memref<3x5x32x256xf32, #tpu.memory_space<vmem>> -> memref<1x5x32x256xf32, #tpu.memory_space<vmem>>
    %dma_wait3A_2330 = tpu.memref_squeeze %dma_wait3A_2329 : memref<1x5x32x256xf32, #tpu.memory_space<vmem>> -> memref<5x32x256xf32, #tpu.memory_space<vmem>>
    tpu.wait_dma2 semaphore(%dma_wait3A_2322 : memref<!tpu.dma_semaphore, #tpu.memory_space<semaphore_mem>>) src(%dma_wait3A_2330 : memref<5x32x256xf32, #tpu.memory_space<vmem>>) dst(%dma_wait3A_2325 : memref<5x32x256xf32, #tpu.memory_space<hbm>>)
    %dma_start3A_2331 = arith.constant 30 : i32
    %dma_start3A_2332 = arith.constant 0 : i32
    %dma_start3A_2333 = arith.constant 0 : i32
    %dma_start3A_2334 = arith.constant 0 : i32
    %dma_start3A_2335 = arith.constant 0 : i32
    %dma_start3A_2336 = arith.constant 0 : i32
    %dma_start3A_2337 = tpu.memref_slice %arg6[%dma_start3A_2332, %dma_start3A_2334, %dma_start3A_2335, %dma_start3A_2336] : memref<3x5x32x256xf32, #tpu.memory_space<vmem>> -> memref<1x5x32x256xf32, #tpu.memory_space<vmem>>
    %dma_start3A_2338 = tpu.memref_squeeze %dma_start3A_2337 : memref<1x5x32x256xf32, #tpu.memory_space<vmem>> -> memref<5x32x256xf32, #tpu.memory_space<vmem>>
    %dma_start3A_2339 = arith.constant 0 : i32
    %dma_start3A_2340 = tpu.memref_slice %arg5[%dma_start3A_2331, %dma_start3A_2339] : memref<49x5xi32, #tpu.memory_space<vmem>> -> memref<1x5xi32, #tpu.memory_space<vmem>>
    %dma_start3A_2341 = tpu.memref_squeeze %dma_start3A_2340 : memref<1x5xi32, #tpu.memory_space<vmem>> -> memref<5xi32, #tpu.memory_space<vmem>>
    %dma_start3A_2342 = arith.constant 0 : i32
    %dma_start3A_2343 = arith.constant 0 : i32
    %dma_start3A_2344 = arith.constant 0 : i32
    %dma_start3A_2345 = tpu.memref_slice %arg3[%dma_start3A_2342, %dma_start3A_2343, %dma_start3A_2344] : memref<7840x32x256xf32, #tpu.memory_space<hbm>> -> memref<7840x32x256xf32, #tpu.memory_space<hbm>>
    %dma_start3A_2346 = tpu.memref_slice %arg7[%dma_start3A_2333] : memref<3x!tpu.dma_semaphore, #tpu.memory_space<semaphore_mem>> -> memref<1x!tpu.dma_semaphore, #tpu.memory_space<semaphore_mem>>
    %dma_start3A_2347 = tpu.memref_squeeze %dma_start3A_2346 : memref<1x!tpu.dma_semaphore, #tpu.memory_space<semaphore_mem>> -> memref<!tpu.dma_semaphore, #tpu.memory_space<semaphore_mem>>
    tpu.enqueue_indirect_dma source(%dma_start3A_2345 : memref<7840x32x256xf32, #tpu.memory_space<hbm>>) target(%dma_start3A_2338 : memref<5x32x256xf32, #tpu.memory_space<vmem>>) offsets(%dma_start3A_2341 : memref<5xi32, #tpu.memory_space<vmem>>) semaphore(%dma_start3A_2347 : memref<!tpu.dma_semaphore, #tpu.memory_space<semaphore_mem>>)
    %dma_wait3A_2348 = arith.constant 28 : i32
    %dma_wait3A_2349 = arith.constant 1 : i32
    %dma_wait3A_2350 = arith.constant 1 : i32
    %dma_wait3A_2351 = arith.constant 0 : i32
    %dma_wait3A_2352 = arith.constant 0 : i32
    %dma_wait3A_2353 = arith.constant 0 : i32
    %dma_wait3A_2354 = tpu.memref_slice %arg6[%dma_wait3A_2349, %dma_wait3A_2351, %dma_wait3A_2352, %dma_wait3A_2353] : memref<3x5x32x256xf32, #tpu.memory_space<vmem>> -> memref<1x5x32x256xf32, #tpu.memory_space<vmem>>
    %dma_wait3A_2355 = tpu.memref_squeeze %dma_wait3A_2354 : memref<1x5x32x256xf32, #tpu.memory_space<vmem>> -> memref<5x32x256xf32, #tpu.memory_space<vmem>>
    %dma_wait3A_2356 = arith.constant 0 : i32
    %dma_wait3A_2357 = tpu.memref_slice %arg5[%dma_wait3A_2348, %dma_wait3A_2356] : memref<49x5xi32, #tpu.memory_space<vmem>> -> memref<1x5xi32, #tpu.memory_space<vmem>>
    %dma_wait3A_2358 = tpu.memref_squeeze %dma_wait3A_2357 : memref<1x5xi32, #tpu.memory_space<vmem>> -> memref<5xi32, #tpu.memory_space<vmem>>
    %dma_wait3A_2359 = arith.constant 0 : i32
    %dma_wait3A_2360 = arith.constant 0 : i32
    %dma_wait3A_2361 = arith.constant 0 : i32
    %dma_wait3A_2362 = tpu.memref_slice %arg3[%dma_wait3A_2359, %dma_wait3A_2360, %dma_wait3A_2361] : memref<7840x32x256xf32, #tpu.memory_space<hbm>> -> memref<7840x32x256xf32, #tpu.memory_space<hbm>>
    %dma_wait3A_2363 = tpu.memref_slice %arg7[%dma_wait3A_2350] : memref<3x!tpu.dma_semaphore, #tpu.memory_space<semaphore_mem>> -> memref<1x!tpu.dma_semaphore, #tpu.memory_space<semaphore_mem>>
    %dma_wait3A_2364 = tpu.memref_squeeze %dma_wait3A_2363 : memref<1x!tpu.dma_semaphore, #tpu.memory_space<semaphore_mem>> -> memref<!tpu.dma_semaphore, #tpu.memory_space<semaphore_mem>>
    tpu.wait_indirect_dma semaphore(%dma_wait3A_2364 : memref<!tpu.dma_semaphore, #tpu.memory_space<semaphore_mem>>) src(%dma_wait3A_2362 : memref<7840x32x256xf32, #tpu.memory_space<hbm>>) dst(%dma_wait3A_2355 : memref<5x32x256xf32, #tpu.memory_space<vmem>>)
    %add3A_2365 = arith.constant 28 : i32
    %add3A_2366 = arith.addi %mul3A_2, %add3A_2365 : i32
    %mul3A_2367 = arith.constant 5 : i32
    %mul3A_2368 = arith.muli %add3A_2366, %mul3A_2367 : i32
    %dma_start3A_2369 = arith.constant 1 : i32
    %dma_start3A_2370 = arith.constant 1 : i32
    %dma_start3A_2371 = arith.constant 0 : i32
    %dma_start3A_2372 = arith.constant 0 : i32
    %dma_start3A_2373 = arith.constant 0 : i32
    %dma_start3A_2374 = tpu.memref_slice %arg6[%dma_start3A_2369, %dma_start3A_2371, %dma_start3A_2372, %dma_start3A_2373] : memref<3x5x32x256xf32, #tpu.memory_space<vmem>> -> memref<1x5x32x256xf32, #tpu.memory_space<vmem>>
    %dma_start3A_2375 = tpu.memref_squeeze %dma_start3A_2374 : memref<1x5x32x256xf32, #tpu.memory_space<vmem>> -> memref<5x32x256xf32, #tpu.memory_space<vmem>>
    %dma_start3A_2376 = arith.constant 0 : i32
    %dma_start3A_2377 = arith.constant 0 : i32
    %dma_start3A_2378 = tpu.memref_slice %arg4[%mul3A_2368, %dma_start3A_2376, %dma_start3A_2377] : memref<7840x32x256xf32, #tpu.memory_space<hbm>> -> memref<5x32x256xf32, #tpu.memory_space<hbm>>
    %dma_start3A_2379 = tpu.memref_slice %arg8[%dma_start3A_2370] : memref<3x!tpu.dma_semaphore, #tpu.memory_space<semaphore_mem>> -> memref<1x!tpu.dma_semaphore, #tpu.memory_space<semaphore_mem>>
    %dma_start3A_2380 = tpu.memref_squeeze %dma_start3A_2379 : memref<1x!tpu.dma_semaphore, #tpu.memory_space<semaphore_mem>> -> memref<!tpu.dma_semaphore, #tpu.memory_space<semaphore_mem>>
    %dma_start3A_2381 = arith.constant 0 : i32
    %dma_start3A_2382 = arith.constant 0 : i32
    %dma_start3A_2383 = tpu.memref_slice %arg4[%mul3A_2368, %dma_start3A_2381, %dma_start3A_2382] : memref<7840x32x256xf32, #tpu.memory_space<hbm>> -> memref<5x32x256xf32, #tpu.memory_space<hbm>>
    %dma_start3A_2384 = arith.constant 0 : i32
    %dma_start3A_2385 = arith.constant 0 : i32
    %dma_start3A_2386 = arith.constant 0 : i32
    %dma_start3A_2387 = tpu.memref_slice %arg6[%dma_start3A_2369, %dma_start3A_2384, %dma_start3A_2385, %dma_start3A_2386] : memref<3x5x32x256xf32, #tpu.memory_space<vmem>> -> memref<1x5x32x256xf32, #tpu.memory_space<vmem>>
    %dma_start3A_2388 = tpu.memref_squeeze %dma_start3A_2387 : memref<1x5x32x256xf32, #tpu.memory_space<vmem>> -> memref<5x32x256xf32, #tpu.memory_space<vmem>>
    tpu.enqueue_dma source(%dma_start3A_2388 : memref<5x32x256xf32, #tpu.memory_space<vmem>>) target(%dma_start3A_2383 : memref<5x32x256xf32, #tpu.memory_space<hbm>>) target_semaphore(%dma_start3A_2380 : memref<!tpu.dma_semaphore, #tpu.memory_space<semaphore_mem>>)
    %add3A_2389 = arith.constant 28 : i32
    %add3A_2390 = arith.addi %mul3A_2, %add3A_2389 : i32
    %mul3A_2391 = arith.constant 5 : i32
    %mul3A_2392 = arith.muli %add3A_2390, %mul3A_2391 : i32
    %dma_wait3A_2393 = arith.constant 1 : i32
    %dma_wait3A_2394 = arith.constant 1 : i32
    %dma_wait3A_2395 = arith.constant 0 : i32
    %dma_wait3A_2396 = arith.constant 0 : i32
    %dma_wait3A_2397 = arith.constant 0 : i32
    %dma_wait3A_2398 = tpu.memref_slice %arg6[%dma_wait3A_2393, %dma_wait3A_2395, %dma_wait3A_2396, %dma_wait3A_2397] : memref<3x5x32x256xf32, #tpu.memory_space<vmem>> -> memref<1x5x32x256xf32, #tpu.memory_space<vmem>>
    %dma_wait3A_2399 = tpu.memref_squeeze %dma_wait3A_2398 : memref<1x5x32x256xf32, #tpu.memory_space<vmem>> -> memref<5x32x256xf32, #tpu.memory_space<vmem>>
    %dma_wait3A_2400 = arith.constant 0 : i32
    %dma_wait3A_2401 = arith.constant 0 : i32
    %dma_wait3A_2402 = tpu.memref_slice %arg4[%mul3A_2392, %dma_wait3A_2400, %dma_wait3A_2401] : memref<7840x32x256xf32, #tpu.memory_space<hbm>> -> memref<5x32x256xf32, #tpu.memory_space<hbm>>
    %dma_wait3A_2403 = tpu.memref_slice %arg8[%dma_wait3A_2394] : memref<3x!tpu.dma_semaphore, #tpu.memory_space<semaphore_mem>> -> memref<1x!tpu.dma_semaphore, #tpu.memory_space<semaphore_mem>>
    %dma_wait3A_2404 = tpu.memref_squeeze %dma_wait3A_2403 : memref<1x!tpu.dma_semaphore, #tpu.memory_space<semaphore_mem>> -> memref<!tpu.dma_semaphore, #tpu.memory_space<semaphore_mem>>
    %dma_wait3A_2405 = arith.constant 0 : i32
    %dma_wait3A_2406 = arith.constant 0 : i32
    %dma_wait3A_2407 = tpu.memref_slice %arg4[%mul3A_2392, %dma_wait3A_2405, %dma_wait3A_2406] : memref<7840x32x256xf32, #tpu.memory_space<hbm>> -> memref<5x32x256xf32, #tpu.memory_space<hbm>>
    %dma_wait3A_2408 = arith.constant 0 : i32
    %dma_wait3A_2409 = arith.constant 0 : i32
    %dma_wait3A_2410 = arith.constant 0 : i32
    %dma_wait3A_2411 = tpu.memref_slice %arg6[%dma_wait3A_2393, %dma_wait3A_2408, %dma_wait3A_2409, %dma_wait3A_2410] : memref<3x5x32x256xf32, #tpu.memory_space<vmem>> -> memref<1x5x32x256xf32, #tpu.memory_space<vmem>>
    %dma_wait3A_2412 = tpu.memref_squeeze %dma_wait3A_2411 : memref<1x5x32x256xf32, #tpu.memory_space<vmem>> -> memref<5x32x256xf32, #tpu.memory_space<vmem>>
    tpu.wait_dma2 semaphore(%dma_wait3A_2404 : memref<!tpu.dma_semaphore, #tpu.memory_space<semaphore_mem>>) src(%dma_wait3A_2412 : memref<5x32x256xf32, #tpu.memory_space<vmem>>) dst(%dma_wait3A_2407 : memref<5x32x256xf32, #tpu.memory_space<hbm>>)
    %dma_start3A_2413 = arith.constant 31 : i32
    %dma_start3A_2414 = arith.constant 1 : i32
    %dma_start3A_2415 = arith.constant 1 : i32
    %dma_start3A_2416 = arith.constant 0 : i32
    %dma_start3A_2417 = arith.constant 0 : i32
    %dma_start3A_2418 = arith.constant 0 : i32
    %dma_start3A_2419 = tpu.memref_slice %arg6[%dma_start3A_2414, %dma_start3A_2416, %dma_start3A_2417, %dma_start3A_2418] : memref<3x5x32x256xf32, #tpu.memory_space<vmem>> -> memref<1x5x32x256xf32, #tpu.memory_space<vmem>>
    %dma_start3A_2420 = tpu.memref_squeeze %dma_start3A_2419 : memref<1x5x32x256xf32, #tpu.memory_space<vmem>> -> memref<5x32x256xf32, #tpu.memory_space<vmem>>
    %dma_start3A_2421 = arith.constant 0 : i32
    %dma_start3A_2422 = tpu.memref_slice %arg5[%dma_start3A_2413, %dma_start3A_2421] : memref<49x5xi32, #tpu.memory_space<vmem>> -> memref<1x5xi32, #tpu.memory_space<vmem>>
    %dma_start3A_2423 = tpu.memref_squeeze %dma_start3A_2422 : memref<1x5xi32, #tpu.memory_space<vmem>> -> memref<5xi32, #tpu.memory_space<vmem>>
    %dma_start3A_2424 = arith.constant 0 : i32
    %dma_start3A_2425 = arith.constant 0 : i32
    %dma_start3A_2426 = arith.constant 0 : i32
    %dma_start3A_2427 = tpu.memref_slice %arg3[%dma_start3A_2424, %dma_start3A_2425, %dma_start3A_2426] : memref<7840x32x256xf32, #tpu.memory_space<hbm>> -> memref<7840x32x256xf32, #tpu.memory_space<hbm>>
    %dma_start3A_2428 = tpu.memref_slice %arg7[%dma_start3A_2415] : memref<3x!tpu.dma_semaphore, #tpu.memory_space<semaphore_mem>> -> memref<1x!tpu.dma_semaphore, #tpu.memory_space<semaphore_mem>>
    %dma_start3A_2429 = tpu.memref_squeeze %dma_start3A_2428 : memref<1x!tpu.dma_semaphore, #tpu.memory_space<semaphore_mem>> -> memref<!tpu.dma_semaphore, #tpu.memory_space<semaphore_mem>>
    tpu.enqueue_indirect_dma source(%dma_start3A_2427 : memref<7840x32x256xf32, #tpu.memory_space<hbm>>) target(%dma_start3A_2420 : memref<5x32x256xf32, #tpu.memory_space<vmem>>) offsets(%dma_start3A_2423 : memref<5xi32, #tpu.memory_space<vmem>>) semaphore(%dma_start3A_2429 : memref<!tpu.dma_semaphore, #tpu.memory_space<semaphore_mem>>)
    %dma_wait3A_2430 = arith.constant 29 : i32
    %dma_wait3A_2431 = arith.constant 2 : i32
    %dma_wait3A_2432 = arith.constant 2 : i32
    %dma_wait3A_2433 = arith.constant 0 : i32
    %dma_wait3A_2434 = arith.constant 0 : i32
    %dma_wait3A_2435 = arith.constant 0 : i32
    %dma_wait3A_2436 = tpu.memref_slice %arg6[%dma_wait3A_2431, %dma_wait3A_2433, %dma_wait3A_2434, %dma_wait3A_2435] : memref<3x5x32x256xf32, #tpu.memory_space<vmem>> -> memref<1x5x32x256xf32, #tpu.memory_space<vmem>>
    %dma_wait3A_2437 = tpu.memref_squeeze %dma_wait3A_2436 : memref<1x5x32x256xf32, #tpu.memory_space<vmem>> -> memref<5x32x256xf32, #tpu.memory_space<vmem>>
    %dma_wait3A_2438 = arith.constant 0 : i32
    %dma_wait3A_2439 = tpu.memref_slice %arg5[%dma_wait3A_2430, %dma_wait3A_2438] : memref<49x5xi32, #tpu.memory_space<vmem>> -> memref<1x5xi32, #tpu.memory_space<vmem>>
    %dma_wait3A_2440 = tpu.memref_squeeze %dma_wait3A_2439 : memref<1x5xi32, #tpu.memory_space<vmem>> -> memref<5xi32, #tpu.memory_space<vmem>>
    %dma_wait3A_2441 = arith.constant 0 : i32
    %dma_wait3A_2442 = arith.constant 0 : i32
    %dma_wait3A_2443 = arith.constant 0 : i32
    %dma_wait3A_2444 = tpu.memref_slice %arg3[%dma_wait3A_2441, %dma_wait3A_2442, %dma_wait3A_2443] : memref<7840x32x256xf32, #tpu.memory_space<hbm>> -> memref<7840x32x256xf32, #tpu.memory_space<hbm>>
    %dma_wait3A_2445 = tpu.memref_slice %arg7[%dma_wait3A_2432] : memref<3x!tpu.dma_semaphore, #tpu.memory_space<semaphore_mem>> -> memref<1x!tpu.dma_semaphore, #tpu.memory_space<semaphore_mem>>
    %dma_wait3A_2446 = tpu.memref_squeeze %dma_wait3A_2445 : memref<1x!tpu.dma_semaphore, #tpu.memory_space<semaphore_mem>> -> memref<!tpu.dma_semaphore, #tpu.memory_space<semaphore_mem>>
    tpu.wait_indirect_dma semaphore(%dma_wait3A_2446 : memref<!tpu.dma_semaphore, #tpu.memory_space<semaphore_mem>>) src(%dma_wait3A_2444 : memref<7840x32x256xf32, #tpu.memory_space<hbm>>) dst(%dma_wait3A_2437 : memref<5x32x256xf32, #tpu.memory_space<vmem>>)
    %add3A_2447 = arith.constant 29 : i32
    %add3A_2448 = arith.addi %mul3A_2, %add3A_2447 : i32
    %mul3A_2449 = arith.constant 5 : i32
    %mul3A_2450 = arith.muli %add3A_2448, %mul3A_2449 : i32
    %dma_start3A_2451 = arith.constant 2 : i32
    %dma_start3A_2452 = arith.constant 2 : i32
    %dma_start3A_2453 = arith.constant 0 : i32
    %dma_start3A_2454 = arith.constant 0 : i32
    %dma_start3A_2455 = arith.constant 0 : i32
    %dma_start3A_2456 = tpu.memref_slice %arg6[%dma_start3A_2451, %dma_start3A_2453, %dma_start3A_2454, %dma_start3A_2455] : memref<3x5x32x256xf32, #tpu.memory_space<vmem>> -> memref<1x5x32x256xf32, #tpu.memory_space<vmem>>
    %dma_start3A_2457 = tpu.memref_squeeze %dma_start3A_2456 : memref<1x5x32x256xf32, #tpu.memory_space<vmem>> -> memref<5x32x256xf32, #tpu.memory_space<vmem>>
    %dma_start3A_2458 = arith.constant 0 : i32
    %dma_start3A_2459 = arith.constant 0 : i32
    %dma_start3A_2460 = tpu.memref_slice %arg4[%mul3A_2450, %dma_start3A_2458, %dma_start3A_2459] : memref<7840x32x256xf32, #tpu.memory_space<hbm>> -> memref<5x32x256xf32, #tpu.memory_space<hbm>>
    %dma_start3A_2461 = tpu.memref_slice %arg8[%dma_start3A_2452] : memref<3x!tpu.dma_semaphore, #tpu.memory_space<semaphore_mem>> -> memref<1x!tpu.dma_semaphore, #tpu.memory_space<semaphore_mem>>
    %dma_start3A_2462 = tpu.memref_squeeze %dma_start3A_2461 : memref<1x!tpu.dma_semaphore, #tpu.memory_space<semaphore_mem>> -> memref<!tpu.dma_semaphore, #tpu.memory_space<semaphore_mem>>
    %dma_start3A_2463 = arith.constant 0 : i32
    %dma_start3A_2464 = arith.constant 0 : i32
    %dma_start3A_2465 = tpu.memref_slice %arg4[%mul3A_2450, %dma_start3A_2463, %dma_start3A_2464] : memref<7840x32x256xf32, #tpu.memory_space<hbm>> -> memref<5x32x256xf32, #tpu.memory_space<hbm>>
    %dma_start3A_2466 = arith.constant 0 : i32
    %dma_start3A_2467 = arith.constant 0 : i32
    %dma_start3A_2468 = arith.constant 0 : i32
    %dma_start3A_2469 = tpu.memref_slice %arg6[%dma_start3A_2451, %dma_start3A_2466, %dma_start3A_2467, %dma_start3A_2468] : memref<3x5x32x256xf32, #tpu.memory_space<vmem>> -> memref<1x5x32x256xf32, #tpu.memory_space<vmem>>
    %dma_start3A_2470 = tpu.memref_squeeze %dma_start3A_2469 : memref<1x5x32x256xf32, #tpu.memory_space<vmem>> -> memref<5x32x256xf32, #tpu.memory_space<vmem>>
    tpu.enqueue_dma source(%dma_start3A_2470 : memref<5x32x256xf32, #tpu.memory_space<vmem>>) target(%dma_start3A_2465 : memref<5x32x256xf32, #tpu.memory_space<hbm>>) target_semaphore(%dma_start3A_2462 : memref<!tpu.dma_semaphore, #tpu.memory_space<semaphore_mem>>)
    %add3A_2471 = arith.constant 29 : i32
    %add3A_2472 = arith.addi %mul3A_2, %add3A_2471 : i32
    %mul3A_2473 = arith.constant 5 : i32
    %mul3A_2474 = arith.muli %add3A_2472, %mul3A_2473 : i32
    %dma_wait3A_2475 = arith.constant 2 : i32
    %dma_wait3A_2476 = arith.constant 2 : i32
    %dma_wait3A_2477 = arith.constant 0 : i32
    %dma_wait3A_2478 = arith.constant 0 : i32
    %dma_wait3A_2479 = arith.constant 0 : i32
    %dma_wait3A_2480 = tpu.memref_slice %arg6[%dma_wait3A_2475, %dma_wait3A_2477, %dma_wait3A_2478, %dma_wait3A_2479] : memref<3x5x32x256xf32, #tpu.memory_space<vmem>> -> memref<1x5x32x256xf32, #tpu.memory_space<vmem>>
    %dma_wait3A_2481 = tpu.memref_squeeze %dma_wait3A_2480 : memref<1x5x32x256xf32, #tpu.memory_space<vmem>> -> memref<5x32x256xf32, #tpu.memory_space<vmem>>
    %dma_wait3A_2482 = arith.constant 0 : i32
    %dma_wait3A_2483 = arith.constant 0 : i32
    %dma_wait3A_2484 = tpu.memref_slice %arg4[%mul3A_2474, %dma_wait3A_2482, %dma_wait3A_2483] : memref<7840x32x256xf32, #tpu.memory_space<hbm>> -> memref<5x32x256xf32, #tpu.memory_space<hbm>>
    %dma_wait3A_2485 = tpu.memref_slice %arg8[%dma_wait3A_2476] : memref<3x!tpu.dma_semaphore, #tpu.memory_space<semaphore_mem>> -> memref<1x!tpu.dma_semaphore, #tpu.memory_space<semaphore_mem>>
    %dma_wait3A_2486 = tpu.memref_squeeze %dma_wait3A_2485 : memref<1x!tpu.dma_semaphore, #tpu.memory_space<semaphore_mem>> -> memref<!tpu.dma_semaphore, #tpu.memory_space<semaphore_mem>>
    %dma_wait3A_2487 = arith.constant 0 : i32
    %dma_wait3A_2488 = arith.constant 0 : i32
    %dma_wait3A_2489 = tpu.memref_slice %arg4[%mul3A_2474, %dma_wait3A_2487, %dma_wait3A_2488] : memref<7840x32x256xf32, #tpu.memory_space<hbm>> -> memref<5x32x256xf32, #tpu.memory_space<hbm>>
    %dma_wait3A_2490 = arith.constant 0 : i32
    %dma_wait3A_2491 = arith.constant 0 : i32
    %dma_wait3A_2492 = arith.constant 0 : i32
    %dma_wait3A_2493 = tpu.memref_slice %arg6[%dma_wait3A_2475, %dma_wait3A_2490, %dma_wait3A_2491, %dma_wait3A_2492] : memref<3x5x32x256xf32, #tpu.memory_space<vmem>> -> memref<1x5x32x256xf32, #tpu.memory_space<vmem>>
    %dma_wait3A_2494 = tpu.memref_squeeze %dma_wait3A_2493 : memref<1x5x32x256xf32, #tpu.memory_space<vmem>> -> memref<5x32x256xf32, #tpu.memory_space<vmem>>
    tpu.wait_dma2 semaphore(%dma_wait3A_2486 : memref<!tpu.dma_semaphore, #tpu.memory_space<semaphore_mem>>) src(%dma_wait3A_2494 : memref<5x32x256xf32, #tpu.memory_space<vmem>>) dst(%dma_wait3A_2489 : memref<5x32x256xf32, #tpu.memory_space<hbm>>)
    %dma_start3A_2495 = arith.constant 32 : i32
    %dma_start3A_2496 = arith.constant 2 : i32
    %dma_start3A_2497 = arith.constant 2 : i32
    %dma_start3A_2498 = arith.constant 0 : i32
    %dma_start3A_2499 = arith.constant 0 : i32
    %dma_start3A_2500 = arith.constant 0 : i32
    %dma_start3A_2501 = tpu.memref_slice %arg6[%dma_start3A_2496, %dma_start3A_2498, %dma_start3A_2499, %dma_start3A_2500] : memref<3x5x32x256xf32, #tpu.memory_space<vmem>> -> memref<1x5x32x256xf32, #tpu.memory_space<vmem>>
    %dma_start3A_2502 = tpu.memref_squeeze %dma_start3A_2501 : memref<1x5x32x256xf32, #tpu.memory_space<vmem>> -> memref<5x32x256xf32, #tpu.memory_space<vmem>>
    %dma_start3A_2503 = arith.constant 0 : i32
    %dma_start3A_2504 = tpu.memref_slice %arg5[%dma_start3A_2495, %dma_start3A_2503] : memref<49x5xi32, #tpu.memory_space<vmem>> -> memref<1x5xi32, #tpu.memory_space<vmem>>
    %dma_start3A_2505 = tpu.memref_squeeze %dma_start3A_2504 : memref<1x5xi32, #tpu.memory_space<vmem>> -> memref<5xi32, #tpu.memory_space<vmem>>
    %dma_start3A_2506 = arith.constant 0 : i32
    %dma_start3A_2507 = arith.constant 0 : i32
    %dma_start3A_2508 = arith.constant 0 : i32
    %dma_start3A_2509 = tpu.memref_slice %arg3[%dma_start3A_2506, %dma_start3A_2507, %dma_start3A_2508] : memref<7840x32x256xf32, #tpu.memory_space<hbm>> -> memref<7840x32x256xf32, #tpu.memory_space<hbm>>
    %dma_start3A_2510 = tpu.memref_slice %arg7[%dma_start3A_2497] : memref<3x!tpu.dma_semaphore, #tpu.memory_space<semaphore_mem>> -> memref<1x!tpu.dma_semaphore, #tpu.memory_space<semaphore_mem>>
    %dma_start3A_2511 = tpu.memref_squeeze %dma_start3A_2510 : memref<1x!tpu.dma_semaphore, #tpu.memory_space<semaphore_mem>> -> memref<!tpu.dma_semaphore, #tpu.memory_space<semaphore_mem>>
    tpu.enqueue_indirect_dma source(%dma_start3A_2509 : memref<7840x32x256xf32, #tpu.memory_space<hbm>>) target(%dma_start3A_2502 : memref<5x32x256xf32, #tpu.memory_space<vmem>>) offsets(%dma_start3A_2505 : memref<5xi32, #tpu.memory_space<vmem>>) semaphore(%dma_start3A_2511 : memref<!tpu.dma_semaphore, #tpu.memory_space<semaphore_mem>>)
    %dma_wait3A_2512 = arith.constant 30 : i32
    %dma_wait3A_2513 = arith.constant 0 : i32
    %dma_wait3A_2514 = arith.constant 0 : i32
    %dma_wait3A_2515 = arith.constant 0 : i32
    %dma_wait3A_2516 = arith.constant 0 : i32
    %dma_wait3A_2517 = arith.constant 0 : i32
    %dma_wait3A_2518 = tpu.memref_slice %arg6[%dma_wait3A_2513, %dma_wait3A_2515, %dma_wait3A_2516, %dma_wait3A_2517] : memref<3x5x32x256xf32, #tpu.memory_space<vmem>> -> memref<1x5x32x256xf32, #tpu.memory_space<vmem>>
    %dma_wait3A_2519 = tpu.memref_squeeze %dma_wait3A_2518 : memref<1x5x32x256xf32, #tpu.memory_space<vmem>> -> memref<5x32x256xf32, #tpu.memory_space<vmem>>
    %dma_wait3A_2520 = arith.constant 0 : i32
    %dma_wait3A_2521 = tpu.memref_slice %arg5[%dma_wait3A_2512, %dma_wait3A_2520] : memref<49x5xi32, #tpu.memory_space<vmem>> -> memref<1x5xi32, #tpu.memory_space<vmem>>
    %dma_wait3A_2522 = tpu.memref_squeeze %dma_wait3A_2521 : memref<1x5xi32, #tpu.memory_space<vmem>> -> memref<5xi32, #tpu.memory_space<vmem>>
    %dma_wait3A_2523 = arith.constant 0 : i32
    %dma_wait3A_2524 = arith.constant 0 : i32
    %dma_wait3A_2525 = arith.constant 0 : i32
    %dma_wait3A_2526 = tpu.memref_slice %arg3[%dma_wait3A_2523, %dma_wait3A_2524, %dma_wait3A_2525] : memref<7840x32x256xf32, #tpu.memory_space<hbm>> -> memref<7840x32x256xf32, #tpu.memory_space<hbm>>
    %dma_wait3A_2527 = tpu.memref_slice %arg7[%dma_wait3A_2514] : memref<3x!tpu.dma_semaphore, #tpu.memory_space<semaphore_mem>> -> memref<1x!tpu.dma_semaphore, #tpu.memory_space<semaphore_mem>>
    %dma_wait3A_2528 = tpu.memref_squeeze %dma_wait3A_2527 : memref<1x!tpu.dma_semaphore, #tpu.memory_space<semaphore_mem>> -> memref<!tpu.dma_semaphore, #tpu.memory_space<semaphore_mem>>
    tpu.wait_indirect_dma semaphore(%dma_wait3A_2528 : memref<!tpu.dma_semaphore, #tpu.memory_space<semaphore_mem>>) src(%dma_wait3A_2526 : memref<7840x32x256xf32, #tpu.memory_space<hbm>>) dst(%dma_wait3A_2519 : memref<5x32x256xf32, #tpu.memory_space<vmem>>)
    %add3A_2529 = arith.constant 30 : i32
    %add3A_2530 = arith.addi %mul3A_2, %add3A_2529 : i32
    %mul3A_2531 = arith.constant 5 : i32
    %mul3A_2532 = arith.muli %add3A_2530, %mul3A_2531 : i32
    %dma_start3A_2533 = arith.constant 0 : i32
    %dma_start3A_2534 = arith.constant 0 : i32
    %dma_start3A_2535 = arith.constant 0 : i32
    %dma_start3A_2536 = arith.constant 0 : i32
    %dma_start3A_2537 = arith.constant 0 : i32
    %dma_start3A_2538 = tpu.memref_slice %arg6[%dma_start3A_2533, %dma_start3A_2535, %dma_start3A_2536, %dma_start3A_2537] : memref<3x5x32x256xf32, #tpu.memory_space<vmem>> -> memref<1x5x32x256xf32, #tpu.memory_space<vmem>>
    %dma_start3A_2539 = tpu.memref_squeeze %dma_start3A_2538 : memref<1x5x32x256xf32, #tpu.memory_space<vmem>> -> memref<5x32x256xf32, #tpu.memory_space<vmem>>
    %dma_start3A_2540 = arith.constant 0 : i32
    %dma_start3A_2541 = arith.constant 0 : i32
    %dma_start3A_2542 = tpu.memref_slice %arg4[%mul3A_2532, %dma_start3A_2540, %dma_start3A_2541] : memref<7840x32x256xf32, #tpu.memory_space<hbm>> -> memref<5x32x256xf32, #tpu.memory_space<hbm>>
    %dma_start3A_2543 = tpu.memref_slice %arg8[%dma_start3A_2534] : memref<3x!tpu.dma_semaphore, #tpu.memory_space<semaphore_mem>> -> memref<1x!tpu.dma_semaphore, #tpu.memory_space<semaphore_mem>>
    %dma_start3A_2544 = tpu.memref_squeeze %dma_start3A_2543 : memref<1x!tpu.dma_semaphore, #tpu.memory_space<semaphore_mem>> -> memref<!tpu.dma_semaphore, #tpu.memory_space<semaphore_mem>>
    %dma_start3A_2545 = arith.constant 0 : i32
    %dma_start3A_2546 = arith.constant 0 : i32
    %dma_start3A_2547 = tpu.memref_slice %arg4[%mul3A_2532, %dma_start3A_2545, %dma_start3A_2546] : memref<7840x32x256xf32, #tpu.memory_space<hbm>> -> memref<5x32x256xf32, #tpu.memory_space<hbm>>
    %dma_start3A_2548 = arith.constant 0 : i32
    %dma_start3A_2549 = arith.constant 0 : i32
    %dma_start3A_2550 = arith.constant 0 : i32
    %dma_start3A_2551 = tpu.memref_slice %arg6[%dma_start3A_2533, %dma_start3A_2548, %dma_start3A_2549, %dma_start3A_2550] : memref<3x5x32x256xf32, #tpu.memory_space<vmem>> -> memref<1x5x32x256xf32, #tpu.memory_space<vmem>>
    %dma_start3A_2552 = tpu.memref_squeeze %dma_start3A_2551 : memref<1x5x32x256xf32, #tpu.memory_space<vmem>> -> memref<5x32x256xf32, #tpu.memory_space<vmem>>
    tpu.enqueue_dma source(%dma_start3A_2552 : memref<5x32x256xf32, #tpu.memory_space<vmem>>) target(%dma_start3A_2547 : memref<5x32x256xf32, #tpu.memory_space<hbm>>) target_semaphore(%dma_start3A_2544 : memref<!tpu.dma_semaphore, #tpu.memory_space<semaphore_mem>>)
    %add3A_2553 = arith.constant 30 : i32
    %add3A_2554 = arith.addi %mul3A_2, %add3A_2553 : i32
    %mul3A_2555 = arith.constant 5 : i32
    %mul3A_2556 = arith.muli %add3A_2554, %mul3A_2555 : i32
    %dma_wait3A_2557 = arith.constant 0 : i32
    %dma_wait3A_2558 = arith.constant 0 : i32
    %dma_wait3A_2559 = arith.constant 0 : i32
    %dma_wait3A_2560 = arith.constant 0 : i32
    %dma_wait3A_2561 = arith.constant 0 : i32
    %dma_wait3A_2562 = tpu.memref_slice %arg6[%dma_wait3A_2557, %dma_wait3A_2559, %dma_wait3A_2560, %dma_wait3A_2561] : memref<3x5x32x256xf32, #tpu.memory_space<vmem>> -> memref<1x5x32x256xf32, #tpu.memory_space<vmem>>
    %dma_wait3A_2563 = tpu.memref_squeeze %dma_wait3A_2562 : memref<1x5x32x256xf32, #tpu.memory_space<vmem>> -> memref<5x32x256xf32, #tpu.memory_space<vmem>>
    %dma_wait3A_2564 = arith.constant 0 : i32
    %dma_wait3A_2565 = arith.constant 0 : i32
    %dma_wait3A_2566 = tpu.memref_slice %arg4[%mul3A_2556, %dma_wait3A_2564, %dma_wait3A_2565] : memref<7840x32x256xf32, #tpu.memory_space<hbm>> -> memref<5x32x256xf32, #tpu.memory_space<hbm>>
    %dma_wait3A_2567 = tpu.memref_slice %arg8[%dma_wait3A_2558] : memref<3x!tpu.dma_semaphore, #tpu.memory_space<semaphore_mem>> -> memref<1x!tpu.dma_semaphore, #tpu.memory_space<semaphore_mem>>
    %dma_wait3A_2568 = tpu.memref_squeeze %dma_wait3A_2567 : memref<1x!tpu.dma_semaphore, #tpu.memory_space<semaphore_mem>> -> memref<!tpu.dma_semaphore, #tpu.memory_space<semaphore_mem>>
    %dma_wait3A_2569 = arith.constant 0 : i32
    %dma_wait3A_2570 = arith.constant 0 : i32
    %dma_wait3A_2571 = tpu.memref_slice %arg4[%mul3A_2556, %dma_wait3A_2569, %dma_wait3A_2570] : memref<7840x32x256xf32, #tpu.memory_space<hbm>> -> memref<5x32x256xf32, #tpu.memory_space<hbm>>
    %dma_wait3A_2572 = arith.constant 0 : i32
    %dma_wait3A_2573 = arith.constant 0 : i32
    %dma_wait3A_2574 = arith.constant 0 : i32
    %dma_wait3A_2575 = tpu.memref_slice %arg6[%dma_wait3A_2557, %dma_wait3A_2572, %dma_wait3A_2573, %dma_wait3A_2574] : memref<3x5x32x256xf32, #tpu.memory_space<vmem>> -> memref<1x5x32x256xf32, #tpu.memory_space<vmem>>
    %dma_wait3A_2576 = tpu.memref_squeeze %dma_wait3A_2575 : memref<1x5x32x256xf32, #tpu.memory_space<vmem>> -> memref<5x32x256xf32, #tpu.memory_space<vmem>>
    tpu.wait_dma2 semaphore(%dma_wait3A_2568 : memref<!tpu.dma_semaphore, #tpu.memory_space<semaphore_mem>>) src(%dma_wait3A_2576 : memref<5x32x256xf32, #tpu.memory_space<vmem>>) dst(%dma_wait3A_2571 : memref<5x32x256xf32, #tpu.memory_space<hbm>>)
    %dma_start3A_2577 = arith.constant 33 : i32
    %dma_start3A_2578 = arith.constant 0 : i32
    %dma_start3A_2579 = arith.constant 0 : i32
    %dma_start3A_2580 = arith.constant 0 : i32
    %dma_start3A_2581 = arith.constant 0 : i32
    %dma_start3A_2582 = arith.constant 0 : i32
    %dma_start3A_2583 = tpu.memref_slice %arg6[%dma_start3A_2578, %dma_start3A_2580, %dma_start3A_2581, %dma_start3A_2582] : memref<3x5x32x256xf32, #tpu.memory_space<vmem>> -> memref<1x5x32x256xf32, #tpu.memory_space<vmem>>
    %dma_start3A_2584 = tpu.memref_squeeze %dma_start3A_2583 : memref<1x5x32x256xf32, #tpu.memory_space<vmem>> -> memref<5x32x256xf32, #tpu.memory_space<vmem>>
    %dma_start3A_2585 = arith.constant 0 : i32
    %dma_start3A_2586 = tpu.memref_slice %arg5[%dma_start3A_2577, %dma_start3A_2585] : memref<49x5xi32, #tpu.memory_space<vmem>> -> memref<1x5xi32, #tpu.memory_space<vmem>>
    %dma_start3A_2587 = tpu.memref_squeeze %dma_start3A_2586 : memref<1x5xi32, #tpu.memory_space<vmem>> -> memref<5xi32, #tpu.memory_space<vmem>>
    %dma_start3A_2588 = arith.constant 0 : i32
    %dma_start3A_2589 = arith.constant 0 : i32
    %dma_start3A_2590 = arith.constant 0 : i32
    %dma_start3A_2591 = tpu.memref_slice %arg3[%dma_start3A_2588, %dma_start3A_2589, %dma_start3A_2590] : memref<7840x32x256xf32, #tpu.memory_space<hbm>> -> memref<7840x32x256xf32, #tpu.memory_space<hbm>>
    %dma_start3A_2592 = tpu.memref_slice %arg7[%dma_start3A_2579] : memref<3x!tpu.dma_semaphore, #tpu.memory_space<semaphore_mem>> -> memref<1x!tpu.dma_semaphore, #tpu.memory_space<semaphore_mem>>
    %dma_start3A_2593 = tpu.memref_squeeze %dma_start3A_2592 : memref<1x!tpu.dma_semaphore, #tpu.memory_space<semaphore_mem>> -> memref<!tpu.dma_semaphore, #tpu.memory_space<semaphore_mem>>
    tpu.enqueue_indirect_dma source(%dma_start3A_2591 : memref<7840x32x256xf32, #tpu.memory_space<hbm>>) target(%dma_start3A_2584 : memref<5x32x256xf32, #tpu.memory_space<vmem>>) offsets(%dma_start3A_2587 : memref<5xi32, #tpu.memory_space<vmem>>) semaphore(%dma_start3A_2593 : memref<!tpu.dma_semaphore, #tpu.memory_space<semaphore_mem>>)
    %dma_wait3A_2594 = arith.constant 31 : i32
    %dma_wait3A_2595 = arith.constant 1 : i32
    %dma_wait3A_2596 = arith.constant 1 : i32
    %dma_wait3A_2597 = arith.constant 0 : i32
    %dma_wait3A_2598 = arith.constant 0 : i32
    %dma_wait3A_2599 = arith.constant 0 : i32
    %dma_wait3A_2600 = tpu.memref_slice %arg6[%dma_wait3A_2595, %dma_wait3A_2597, %dma_wait3A_2598, %dma_wait3A_2599] : memref<3x5x32x256xf32, #tpu.memory_space<vmem>> -> memref<1x5x32x256xf32, #tpu.memory_space<vmem>>
    %dma_wait3A_2601 = tpu.memref_squeeze %dma_wait3A_2600 : memref<1x5x32x256xf32, #tpu.memory_space<vmem>> -> memref<5x32x256xf32, #tpu.memory_space<vmem>>
    %dma_wait3A_2602 = arith.constant 0 : i32
    %dma_wait3A_2603 = tpu.memref_slice %arg5[%dma_wait3A_2594, %dma_wait3A_2602] : memref<49x5xi32, #tpu.memory_space<vmem>> -> memref<1x5xi32, #tpu.memory_space<vmem>>
    %dma_wait3A_2604 = tpu.memref_squeeze %dma_wait3A_2603 : memref<1x5xi32, #tpu.memory_space<vmem>> -> memref<5xi32, #tpu.memory_space<vmem>>
    %dma_wait3A_2605 = arith.constant 0 : i32
    %dma_wait3A_2606 = arith.constant 0 : i32
    %dma_wait3A_2607 = arith.constant 0 : i32
    %dma_wait3A_2608 = tpu.memref_slice %arg3[%dma_wait3A_2605, %dma_wait3A_2606, %dma_wait3A_2607] : memref<7840x32x256xf32, #tpu.memory_space<hbm>> -> memref<7840x32x256xf32, #tpu.memory_space<hbm>>
    %dma_wait3A_2609 = tpu.memref_slice %arg7[%dma_wait3A_2596] : memref<3x!tpu.dma_semaphore, #tpu.memory_space<semaphore_mem>> -> memref<1x!tpu.dma_semaphore, #tpu.memory_space<semaphore_mem>>
    %dma_wait3A_2610 = tpu.memref_squeeze %dma_wait3A_2609 : memref<1x!tpu.dma_semaphore, #tpu.memory_space<semaphore_mem>> -> memref<!tpu.dma_semaphore, #tpu.memory_space<semaphore_mem>>
    tpu.wait_indirect_dma semaphore(%dma_wait3A_2610 : memref<!tpu.dma_semaphore, #tpu.memory_space<semaphore_mem>>) src(%dma_wait3A_2608 : memref<7840x32x256xf32, #tpu.memory_space<hbm>>) dst(%dma_wait3A_2601 : memref<5x32x256xf32, #tpu.memory_space<vmem>>)
    %add3A_2611 = arith.constant 31 : i32
    %add3A_2612 = arith.addi %mul3A_2, %add3A_2611 : i32
    %mul3A_2613 = arith.constant 5 : i32
    %mul3A_2614 = arith.muli %add3A_2612, %mul3A_2613 : i32
    %dma_start3A_2615 = arith.constant 1 : i32
    %dma_start3A_2616 = arith.constant 1 : i32
    %dma_start3A_2617 = arith.constant 0 : i32
    %dma_start3A_2618 = arith.constant 0 : i32
    %dma_start3A_2619 = arith.constant 0 : i32
    %dma_start3A_2620 = tpu.memref_slice %arg6[%dma_start3A_2615, %dma_start3A_2617, %dma_start3A_2618, %dma_start3A_2619] : memref<3x5x32x256xf32, #tpu.memory_space<vmem>> -> memref<1x5x32x256xf32, #tpu.memory_space<vmem>>
    %dma_start3A_2621 = tpu.memref_squeeze %dma_start3A_2620 : memref<1x5x32x256xf32, #tpu.memory_space<vmem>> -> memref<5x32x256xf32, #tpu.memory_space<vmem>>
    %dma_start3A_2622 = arith.constant 0 : i32
    %dma_start3A_2623 = arith.constant 0 : i32
    %dma_start3A_2624 = tpu.memref_slice %arg4[%mul3A_2614, %dma_start3A_2622, %dma_start3A_2623] : memref<7840x32x256xf32, #tpu.memory_space<hbm>> -> memref<5x32x256xf32, #tpu.memory_space<hbm>>
    %dma_start3A_2625 = tpu.memref_slice %arg8[%dma_start3A_2616] : memref<3x!tpu.dma_semaphore, #tpu.memory_space<semaphore_mem>> -> memref<1x!tpu.dma_semaphore, #tpu.memory_space<semaphore_mem>>
    %dma_start3A_2626 = tpu.memref_squeeze %dma_start3A_2625 : memref<1x!tpu.dma_semaphore, #tpu.memory_space<semaphore_mem>> -> memref<!tpu.dma_semaphore, #tpu.memory_space<semaphore_mem>>
    %dma_start3A_2627 = arith.constant 0 : i32
    %dma_start3A_2628 = arith.constant 0 : i32
    %dma_start3A_2629 = tpu.memref_slice %arg4[%mul3A_2614, %dma_start3A_2627, %dma_start3A_2628] : memref<7840x32x256xf32, #tpu.memory_space<hbm>> -> memref<5x32x256xf32, #tpu.memory_space<hbm>>
    %dma_start3A_2630 = arith.constant 0 : i32
    %dma_start3A_2631 = arith.constant 0 : i32
    %dma_start3A_2632 = arith.constant 0 : i32
    %dma_start3A_2633 = tpu.memref_slice %arg6[%dma_start3A_2615, %dma_start3A_2630, %dma_start3A_2631, %dma_start3A_2632] : memref<3x5x32x256xf32, #tpu.memory_space<vmem>> -> memref<1x5x32x256xf32, #tpu.memory_space<vmem>>
    %dma_start3A_2634 = tpu.memref_squeeze %dma_start3A_2633 : memref<1x5x32x256xf32, #tpu.memory_space<vmem>> -> memref<5x32x256xf32, #tpu.memory_space<vmem>>
    tpu.enqueue_dma source(%dma_start3A_2634 : memref<5x32x256xf32, #tpu.memory_space<vmem>>) target(%dma_start3A_2629 : memref<5x32x256xf32, #tpu.memory_space<hbm>>) target_semaphore(%dma_start3A_2626 : memref<!tpu.dma_semaphore, #tpu.memory_space<semaphore_mem>>)
    %add3A_2635 = arith.constant 31 : i32
    %add3A_2636 = arith.addi %mul3A_2, %add3A_2635 : i32
    %mul3A_2637 = arith.constant 5 : i32
    %mul3A_2638 = arith.muli %add3A_2636, %mul3A_2637 : i32
    %dma_wait3A_2639 = arith.constant 1 : i32
    %dma_wait3A_2640 = arith.constant 1 : i32
    %dma_wait3A_2641 = arith.constant 0 : i32
    %dma_wait3A_2642 = arith.constant 0 : i32
    %dma_wait3A_2643 = arith.constant 0 : i32
    %dma_wait3A_2644 = tpu.memref_slice %arg6[%dma_wait3A_2639, %dma_wait3A_2641, %dma_wait3A_2642, %dma_wait3A_2643] : memref<3x5x32x256xf32, #tpu.memory_space<vmem>> -> memref<1x5x32x256xf32, #tpu.memory_space<vmem>>
    %dma_wait3A_2645 = tpu.memref_squeeze %dma_wait3A_2644 : memref<1x5x32x256xf32, #tpu.memory_space<vmem>> -> memref<5x32x256xf32, #tpu.memory_space<vmem>>
    %dma_wait3A_2646 = arith.constant 0 : i32
    %dma_wait3A_2647 = arith.constant 0 : i32
    %dma_wait3A_2648 = tpu.memref_slice %arg4[%mul3A_2638, %dma_wait3A_2646, %dma_wait3A_2647] : memref<7840x32x256xf32, #tpu.memory_space<hbm>> -> memref<5x32x256xf32, #tpu.memory_space<hbm>>
    %dma_wait3A_2649 = tpu.memref_slice %arg8[%dma_wait3A_2640] : memref<3x!tpu.dma_semaphore, #tpu.memory_space<semaphore_mem>> -> memref<1x!tpu.dma_semaphore, #tpu.memory_space<semaphore_mem>>
    %dma_wait3A_2650 = tpu.memref_squeeze %dma_wait3A_2649 : memref<1x!tpu.dma_semaphore, #tpu.memory_space<semaphore_mem>> -> memref<!tpu.dma_semaphore, #tpu.memory_space<semaphore_mem>>
    %dma_wait3A_2651 = arith.constant 0 : i32
    %dma_wait3A_2652 = arith.constant 0 : i32
    %dma_wait3A_2653 = tpu.memref_slice %arg4[%mul3A_2638, %dma_wait3A_2651, %dma_wait3A_2652] : memref<7840x32x256xf32, #tpu.memory_space<hbm>> -> memref<5x32x256xf32, #tpu.memory_space<hbm>>
    %dma_wait3A_2654 = arith.constant 0 : i32
    %dma_wait3A_2655 = arith.constant 0 : i32
    %dma_wait3A_2656 = arith.constant 0 : i32
    %dma_wait3A_2657 = tpu.memref_slice %arg6[%dma_wait3A_2639, %dma_wait3A_2654, %dma_wait3A_2655, %dma_wait3A_2656] : memref<3x5x32x256xf32, #tpu.memory_space<vmem>> -> memref<1x5x32x256xf32, #tpu.memory_space<vmem>>
    %dma_wait3A_2658 = tpu.memref_squeeze %dma_wait3A_2657 : memref<1x5x32x256xf32, #tpu.memory_space<vmem>> -> memref<5x32x256xf32, #tpu.memory_space<vmem>>
    tpu.wait_dma2 semaphore(%dma_wait3A_2650 : memref<!tpu.dma_semaphore, #tpu.memory_space<semaphore_mem>>) src(%dma_wait3A_2658 : memref<5x32x256xf32, #tpu.memory_space<vmem>>) dst(%dma_wait3A_2653 : memref<5x32x256xf32, #tpu.memory_space<hbm>>)
    %dma_start3A_2659 = arith.constant 34 : i32
    %dma_start3A_2660 = arith.constant 1 : i32
    %dma_start3A_2661 = arith.constant 1 : i32
    %dma_start3A_2662 = arith.constant 0 : i32
    %dma_start3A_2663 = arith.constant 0 : i32
    %dma_start3A_2664 = arith.constant 0 : i32
    %dma_start3A_2665 = tpu.memref_slice %arg6[%dma_start3A_2660, %dma_start3A_2662, %dma_start3A_2663, %dma_start3A_2664] : memref<3x5x32x256xf32, #tpu.memory_space<vmem>> -> memref<1x5x32x256xf32, #tpu.memory_space<vmem>>
    %dma_start3A_2666 = tpu.memref_squeeze %dma_start3A_2665 : memref<1x5x32x256xf32, #tpu.memory_space<vmem>> -> memref<5x32x256xf32, #tpu.memory_space<vmem>>
    %dma_start3A_2667 = arith.constant 0 : i32
    %dma_start3A_2668 = tpu.memref_slice %arg5[%dma_start3A_2659, %dma_start3A_2667] : memref<49x5xi32, #tpu.memory_space<vmem>> -> memref<1x5xi32, #tpu.memory_space<vmem>>
    %dma_start3A_2669 = tpu.memref_squeeze %dma_start3A_2668 : memref<1x5xi32, #tpu.memory_space<vmem>> -> memref<5xi32, #tpu.memory_space<vmem>>
    %dma_start3A_2670 = arith.constant 0 : i32
    %dma_start3A_2671 = arith.constant 0 : i32
    %dma_start3A_2672 = arith.constant 0 : i32
    %dma_start3A_2673 = tpu.memref_slice %arg3[%dma_start3A_2670, %dma_start3A_2671, %dma_start3A_2672] : memref<7840x32x256xf32, #tpu.memory_space<hbm>> -> memref<7840x32x256xf32, #tpu.memory_space<hbm>>
    %dma_start3A_2674 = tpu.memref_slice %arg7[%dma_start3A_2661] : memref<3x!tpu.dma_semaphore, #tpu.memory_space<semaphore_mem>> -> memref<1x!tpu.dma_semaphore, #tpu.memory_space<semaphore_mem>>
    %dma_start3A_2675 = tpu.memref_squeeze %dma_start3A_2674 : memref<1x!tpu.dma_semaphore, #tpu.memory_space<semaphore_mem>> -> memref<!tpu.dma_semaphore, #tpu.memory_space<semaphore_mem>>
    tpu.enqueue_indirect_dma source(%dma_start3A_2673 : memref<7840x32x256xf32, #tpu.memory_space<hbm>>) target(%dma_start3A_2666 : memref<5x32x256xf32, #tpu.memory_space<vmem>>) offsets(%dma_start3A_2669 : memref<5xi32, #tpu.memory_space<vmem>>) semaphore(%dma_start3A_2675 : memref<!tpu.dma_semaphore, #tpu.memory_space<semaphore_mem>>)
    %dma_wait3A_2676 = arith.constant 32 : i32
    %dma_wait3A_2677 = arith.constant 2 : i32
    %dma_wait3A_2678 = arith.constant 2 : i32
    %dma_wait3A_2679 = arith.constant 0 : i32
    %dma_wait3A_2680 = arith.constant 0 : i32
    %dma_wait3A_2681 = arith.constant 0 : i32
    %dma_wait3A_2682 = tpu.memref_slice %arg6[%dma_wait3A_2677, %dma_wait3A_2679, %dma_wait3A_2680, %dma_wait3A_2681] : memref<3x5x32x256xf32, #tpu.memory_space<vmem>> -> memref<1x5x32x256xf32, #tpu.memory_space<vmem>>
    %dma_wait3A_2683 = tpu.memref_squeeze %dma_wait3A_2682 : memref<1x5x32x256xf32, #tpu.memory_space<vmem>> -> memref<5x32x256xf32, #tpu.memory_space<vmem>>
    %dma_wait3A_2684 = arith.constant 0 : i32
    %dma_wait3A_2685 = tpu.memref_slice %arg5[%dma_wait3A_2676, %dma_wait3A_2684] : memref<49x5xi32, #tpu.memory_space<vmem>> -> memref<1x5xi32, #tpu.memory_space<vmem>>
    %dma_wait3A_2686 = tpu.memref_squeeze %dma_wait3A_2685 : memref<1x5xi32, #tpu.memory_space<vmem>> -> memref<5xi32, #tpu.memory_space<vmem>>
    %dma_wait3A_2687 = arith.constant 0 : i32
    %dma_wait3A_2688 = arith.constant 0 : i32
    %dma_wait3A_2689 = arith.constant 0 : i32
    %dma_wait3A_2690 = tpu.memref_slice %arg3[%dma_wait3A_2687, %dma_wait3A_2688, %dma_wait3A_2689] : memref<7840x32x256xf32, #tpu.memory_space<hbm>> -> memref<7840x32x256xf32, #tpu.memory_space<hbm>>
    %dma_wait3A_2691 = tpu.memref_slice %arg7[%dma_wait3A_2678] : memref<3x!tpu.dma_semaphore, #tpu.memory_space<semaphore_mem>> -> memref<1x!tpu.dma_semaphore, #tpu.memory_space<semaphore_mem>>
    %dma_wait3A_2692 = tpu.memref_squeeze %dma_wait3A_2691 : memref<1x!tpu.dma_semaphore, #tpu.memory_space<semaphore_mem>> -> memref<!tpu.dma_semaphore, #tpu.memory_space<semaphore_mem>>
    tpu.wait_indirect_dma semaphore(%dma_wait3A_2692 : memref<!tpu.dma_semaphore, #tpu.memory_space<semaphore_mem>>) src(%dma_wait3A_2690 : memref<7840x32x256xf32, #tpu.memory_space<hbm>>) dst(%dma_wait3A_2683 : memref<5x32x256xf32, #tpu.memory_space<vmem>>)
    %add3A_2693 = arith.constant 32 : i32
    %add3A_2694 = arith.addi %mul3A_2, %add3A_2693 : i32
    %mul3A_2695 = arith.constant 5 : i32
    %mul3A_2696 = arith.muli %add3A_2694, %mul3A_2695 : i32
    %dma_start3A_2697 = arith.constant 2 : i32
    %dma_start3A_2698 = arith.constant 2 : i32
    %dma_start3A_2699 = arith.constant 0 : i32
    %dma_start3A_2700 = arith.constant 0 : i32
    %dma_start3A_2701 = arith.constant 0 : i32
    %dma_start3A_2702 = tpu.memref_slice %arg6[%dma_start3A_2697, %dma_start3A_2699, %dma_start3A_2700, %dma_start3A_2701] : memref<3x5x32x256xf32, #tpu.memory_space<vmem>> -> memref<1x5x32x256xf32, #tpu.memory_space<vmem>>
    %dma_start3A_2703 = tpu.memref_squeeze %dma_start3A_2702 : memref<1x5x32x256xf32, #tpu.memory_space<vmem>> -> memref<5x32x256xf32, #tpu.memory_space<vmem>>
    %dma_start3A_2704 = arith.constant 0 : i32
    %dma_start3A_2705 = arith.constant 0 : i32
    %dma_start3A_2706 = tpu.memref_slice %arg4[%mul3A_2696, %dma_start3A_2704, %dma_start3A_2705] : memref<7840x32x256xf32, #tpu.memory_space<hbm>> -> memref<5x32x256xf32, #tpu.memory_space<hbm>>
    %dma_start3A_2707 = tpu.memref_slice %arg8[%dma_start3A_2698] : memref<3x!tpu.dma_semaphore, #tpu.memory_space<semaphore_mem>> -> memref<1x!tpu.dma_semaphore, #tpu.memory_space<semaphore_mem>>
    %dma_start3A_2708 = tpu.memref_squeeze %dma_start3A_2707 : memref<1x!tpu.dma_semaphore, #tpu.memory_space<semaphore_mem>> -> memref<!tpu.dma_semaphore, #tpu.memory_space<semaphore_mem>>
    %dma_start3A_2709 = arith.constant 0 : i32
    %dma_start3A_2710 = arith.constant 0 : i32
    %dma_start3A_2711 = tpu.memref_slice %arg4[%mul3A_2696, %dma_start3A_2709, %dma_start3A_2710] : memref<7840x32x256xf32, #tpu.memory_space<hbm>> -> memref<5x32x256xf32, #tpu.memory_space<hbm>>
    %dma_start3A_2712 = arith.constant 0 : i32
    %dma_start3A_2713 = arith.constant 0 : i32
    %dma_start3A_2714 = arith.constant 0 : i32
    %dma_start3A_2715 = tpu.memref_slice %arg6[%dma_start3A_2697, %dma_start3A_2712, %dma_start3A_2713, %dma_start3A_2714] : memref<3x5x32x256xf32, #tpu.memory_space<vmem>> -> memref<1x5x32x256xf32, #tpu.memory_space<vmem>>
    %dma_start3A_2716 = tpu.memref_squeeze %dma_start3A_2715 : memref<1x5x32x256xf32, #tpu.memory_space<vmem>> -> memref<5x32x256xf32, #tpu.memory_space<vmem>>
    tpu.enqueue_dma source(%dma_start3A_2716 : memref<5x32x256xf32, #tpu.memory_space<vmem>>) target(%dma_start3A_2711 : memref<5x32x256xf32, #tpu.memory_space<hbm>>) target_semaphore(%dma_start3A_2708 : memref<!tpu.dma_semaphore, #tpu.memory_space<semaphore_mem>>)
    %add3A_2717 = arith.constant 32 : i32
    %add3A_2718 = arith.addi %mul3A_2, %add3A_2717 : i32
    %mul3A_2719 = arith.constant 5 : i32
    %mul3A_2720 = arith.muli %add3A_2718, %mul3A_2719 : i32
    %dma_wait3A_2721 = arith.constant 2 : i32
    %dma_wait3A_2722 = arith.constant 2 : i32
    %dma_wait3A_2723 = arith.constant 0 : i32
    %dma_wait3A_2724 = arith.constant 0 : i32
    %dma_wait3A_2725 = arith.constant 0 : i32
    %dma_wait3A_2726 = tpu.memref_slice %arg6[%dma_wait3A_2721, %dma_wait3A_2723, %dma_wait3A_2724, %dma_wait3A_2725] : memref<3x5x32x256xf32, #tpu.memory_space<vmem>> -> memref<1x5x32x256xf32, #tpu.memory_space<vmem>>
    %dma_wait3A_2727 = tpu.memref_squeeze %dma_wait3A_2726 : memref<1x5x32x256xf32, #tpu.memory_space<vmem>> -> memref<5x32x256xf32, #tpu.memory_space<vmem>>
    %dma_wait3A_2728 = arith.constant 0 : i32
    %dma_wait3A_2729 = arith.constant 0 : i32
    %dma_wait3A_2730 = tpu.memref_slice %arg4[%mul3A_2720, %dma_wait3A_2728, %dma_wait3A_2729] : memref<7840x32x256xf32, #tpu.memory_space<hbm>> -> memref<5x32x256xf32, #tpu.memory_space<hbm>>
    %dma_wait3A_2731 = tpu.memref_slice %arg8[%dma_wait3A_2722] : memref<3x!tpu.dma_semaphore, #tpu.memory_space<semaphore_mem>> -> memref<1x!tpu.dma_semaphore, #tpu.memory_space<semaphore_mem>>
    %dma_wait3A_2732 = tpu.memref_squeeze %dma_wait3A_2731 : memref<1x!tpu.dma_semaphore, #tpu.memory_space<semaphore_mem>> -> memref<!tpu.dma_semaphore, #tpu.memory_space<semaphore_mem>>
    %dma_wait3A_2733 = arith.constant 0 : i32
    %dma_wait3A_2734 = arith.constant 0 : i32
    %dma_wait3A_2735 = tpu.memref_slice %arg4[%mul3A_2720, %dma_wait3A_2733, %dma_wait3A_2734] : memref<7840x32x256xf32, #tpu.memory_space<hbm>> -> memref<5x32x256xf32, #tpu.memory_space<hbm>>
    %dma_wait3A_2736 = arith.constant 0 : i32
    %dma_wait3A_2737 = arith.constant 0 : i32
    %dma_wait3A_2738 = arith.constant 0 : i32
    %dma_wait3A_2739 = tpu.memref_slice %arg6[%dma_wait3A_2721, %dma_wait3A_2736, %dma_wait3A_2737, %dma_wait3A_2738] : memref<3x5x32x256xf32, #tpu.memory_space<vmem>> -> memref<1x5x32x256xf32, #tpu.memory_space<vmem>>
    %dma_wait3A_2740 = tpu.memref_squeeze %dma_wait3A_2739 : memref<1x5x32x256xf32, #tpu.memory_space<vmem>> -> memref<5x32x256xf32, #tpu.memory_space<vmem>>
    tpu.wait_dma2 semaphore(%dma_wait3A_2732 : memref<!tpu.dma_semaphore, #tpu.memory_space<semaphore_mem>>) src(%dma_wait3A_2740 : memref<5x32x256xf32, #tpu.memory_space<vmem>>) dst(%dma_wait3A_2735 : memref<5x32x256xf32, #tpu.memory_space<hbm>>)
    %dma_start3A_2741 = arith.constant 35 : i32
    %dma_start3A_2742 = arith.constant 2 : i32
    %dma_start3A_2743 = arith.constant 2 : i32
    %dma_start3A_2744 = arith.constant 0 : i32
    %dma_start3A_2745 = arith.constant 0 : i32
    %dma_start3A_2746 = arith.constant 0 : i32
    %dma_start3A_2747 = tpu.memref_slice %arg6[%dma_start3A_2742, %dma_start3A_2744, %dma_start3A_2745, %dma_start3A_2746] : memref<3x5x32x256xf32, #tpu.memory_space<vmem>> -> memref<1x5x32x256xf32, #tpu.memory_space<vmem>>
    %dma_start3A_2748 = tpu.memref_squeeze %dma_start3A_2747 : memref<1x5x32x256xf32, #tpu.memory_space<vmem>> -> memref<5x32x256xf32, #tpu.memory_space<vmem>>
    %dma_start3A_2749 = arith.constant 0 : i32
    %dma_start3A_2750 = tpu.memref_slice %arg5[%dma_start3A_2741, %dma_start3A_2749] : memref<49x5xi32, #tpu.memory_space<vmem>> -> memref<1x5xi32, #tpu.memory_space<vmem>>
    %dma_start3A_2751 = tpu.memref_squeeze %dma_start3A_2750 : memref<1x5xi32, #tpu.memory_space<vmem>> -> memref<5xi32, #tpu.memory_space<vmem>>
    %dma_start3A_2752 = arith.constant 0 : i32
    %dma_start3A_2753 = arith.constant 0 : i32
    %dma_start3A_2754 = arith.constant 0 : i32
    %dma_start3A_2755 = tpu.memref_slice %arg3[%dma_start3A_2752, %dma_start3A_2753, %dma_start3A_2754] : memref<7840x32x256xf32, #tpu.memory_space<hbm>> -> memref<7840x32x256xf32, #tpu.memory_space<hbm>>
    %dma_start3A_2756 = tpu.memref_slice %arg7[%dma_start3A_2743] : memref<3x!tpu.dma_semaphore, #tpu.memory_space<semaphore_mem>> -> memref<1x!tpu.dma_semaphore, #tpu.memory_space<semaphore_mem>>
    %dma_start3A_2757 = tpu.memref_squeeze %dma_start3A_2756 : memref<1x!tpu.dma_semaphore, #tpu.memory_space<semaphore_mem>> -> memref<!tpu.dma_semaphore, #tpu.memory_space<semaphore_mem>>
    tpu.enqueue_indirect_dma source(%dma_start3A_2755 : memref<7840x32x256xf32, #tpu.memory_space<hbm>>) target(%dma_start3A_2748 : memref<5x32x256xf32, #tpu.memory_space<vmem>>) offsets(%dma_start3A_2751 : memref<5xi32, #tpu.memory_space<vmem>>) semaphore(%dma_start3A_2757 : memref<!tpu.dma_semaphore, #tpu.memory_space<semaphore_mem>>)
    %dma_wait3A_2758 = arith.constant 33 : i32
    %dma_wait3A_2759 = arith.constant 0 : i32
    %dma_wait3A_2760 = arith.constant 0 : i32
    %dma_wait3A_2761 = arith.constant 0 : i32
    %dma_wait3A_2762 = arith.constant 0 : i32
    %dma_wait3A_2763 = arith.constant 0 : i32
    %dma_wait3A_2764 = tpu.memref_slice %arg6[%dma_wait3A_2759, %dma_wait3A_2761, %dma_wait3A_2762, %dma_wait3A_2763] : memref<3x5x32x256xf32, #tpu.memory_space<vmem>> -> memref<1x5x32x256xf32, #tpu.memory_space<vmem>>
    %dma_wait3A_2765 = tpu.memref_squeeze %dma_wait3A_2764 : memref<1x5x32x256xf32, #tpu.memory_space<vmem>> -> memref<5x32x256xf32, #tpu.memory_space<vmem>>
    %dma_wait3A_2766 = arith.constant 0 : i32
    %dma_wait3A_2767 = tpu.memref_slice %arg5[%dma_wait3A_2758, %dma_wait3A_2766] : memref<49x5xi32, #tpu.memory_space<vmem>> -> memref<1x5xi32, #tpu.memory_space<vmem>>
    %dma_wait3A_2768 = tpu.memref_squeeze %dma_wait3A_2767 : memref<1x5xi32, #tpu.memory_space<vmem>> -> memref<5xi32, #tpu.memory_space<vmem>>
    %dma_wait3A_2769 = arith.constant 0 : i32
    %dma_wait3A_2770 = arith.constant 0 : i32
    %dma_wait3A_2771 = arith.constant 0 : i32
    %dma_wait3A_2772 = tpu.memref_slice %arg3[%dma_wait3A_2769, %dma_wait3A_2770, %dma_wait3A_2771] : memref<7840x32x256xf32, #tpu.memory_space<hbm>> -> memref<7840x32x256xf32, #tpu.memory_space<hbm>>
    %dma_wait3A_2773 = tpu.memref_slice %arg7[%dma_wait3A_2760] : memref<3x!tpu.dma_semaphore, #tpu.memory_space<semaphore_mem>> -> memref<1x!tpu.dma_semaphore, #tpu.memory_space<semaphore_mem>>
    %dma_wait3A_2774 = tpu.memref_squeeze %dma_wait3A_2773 : memref<1x!tpu.dma_semaphore, #tpu.memory_space<semaphore_mem>> -> memref<!tpu.dma_semaphore, #tpu.memory_space<semaphore_mem>>
    tpu.wait_indirect_dma semaphore(%dma_wait3A_2774 : memref<!tpu.dma_semaphore, #tpu.memory_space<semaphore_mem>>) src(%dma_wait3A_2772 : memref<7840x32x256xf32, #tpu.memory_space<hbm>>) dst(%dma_wait3A_2765 : memref<5x32x256xf32, #tpu.memory_space<vmem>>)
    %add3A_2775 = arith.constant 33 : i32
    %add3A_2776 = arith.addi %mul3A_2, %add3A_2775 : i32
    %mul3A_2777 = arith.constant 5 : i32
    %mul3A_2778 = arith.muli %add3A_2776, %mul3A_2777 : i32
    %dma_start3A_2779 = arith.constant 0 : i32
    %dma_start3A_2780 = arith.constant 0 : i32
    %dma_start3A_2781 = arith.constant 0 : i32
    %dma_start3A_2782 = arith.constant 0 : i32
    %dma_start3A_2783 = arith.constant 0 : i32
    %dma_start3A_2784 = tpu.memref_slice %arg6[%dma_start3A_2779, %dma_start3A_2781, %dma_start3A_2782, %dma_start3A_2783] : memref<3x5x32x256xf32, #tpu.memory_space<vmem>> -> memref<1x5x32x256xf32, #tpu.memory_space<vmem>>
    %dma_start3A_2785 = tpu.memref_squeeze %dma_start3A_2784 : memref<1x5x32x256xf32, #tpu.memory_space<vmem>> -> memref<5x32x256xf32, #tpu.memory_space<vmem>>
    %dma_start3A_2786 = arith.constant 0 : i32
    %dma_start3A_2787 = arith.constant 0 : i32
    %dma_start3A_2788 = tpu.memref_slice %arg4[%mul3A_2778, %dma_start3A_2786, %dma_start3A_2787] : memref<7840x32x256xf32, #tpu.memory_space<hbm>> -> memref<5x32x256xf32, #tpu.memory_space<hbm>>
    %dma_start3A_2789 = tpu.memref_slice %arg8[%dma_start3A_2780] : memref<3x!tpu.dma_semaphore, #tpu.memory_space<semaphore_mem>> -> memref<1x!tpu.dma_semaphore, #tpu.memory_space<semaphore_mem>>
    %dma_start3A_2790 = tpu.memref_squeeze %dma_start3A_2789 : memref<1x!tpu.dma_semaphore, #tpu.memory_space<semaphore_mem>> -> memref<!tpu.dma_semaphore, #tpu.memory_space<semaphore_mem>>
    %dma_start3A_2791 = arith.constant 0 : i32
    %dma_start3A_2792 = arith.constant 0 : i32
    %dma_start3A_2793 = tpu.memref_slice %arg4[%mul3A_2778, %dma_start3A_2791, %dma_start3A_2792] : memref<7840x32x256xf32, #tpu.memory_space<hbm>> -> memref<5x32x256xf32, #tpu.memory_space<hbm>>
    %dma_start3A_2794 = arith.constant 0 : i32
    %dma_start3A_2795 = arith.constant 0 : i32
    %dma_start3A_2796 = arith.constant 0 : i32
    %dma_start3A_2797 = tpu.memref_slice %arg6[%dma_start3A_2779, %dma_start3A_2794, %dma_start3A_2795, %dma_start3A_2796] : memref<3x5x32x256xf32, #tpu.memory_space<vmem>> -> memref<1x5x32x256xf32, #tpu.memory_space<vmem>>
    %dma_start3A_2798 = tpu.memref_squeeze %dma_start3A_2797 : memref<1x5x32x256xf32, #tpu.memory_space<vmem>> -> memref<5x32x256xf32, #tpu.memory_space<vmem>>
    tpu.enqueue_dma source(%dma_start3A_2798 : memref<5x32x256xf32, #tpu.memory_space<vmem>>) target(%dma_start3A_2793 : memref<5x32x256xf32, #tpu.memory_space<hbm>>) target_semaphore(%dma_start3A_2790 : memref<!tpu.dma_semaphore, #tpu.memory_space<semaphore_mem>>)
    %add3A_2799 = arith.constant 33 : i32
    %add3A_2800 = arith.addi %mul3A_2, %add3A_2799 : i32
    %mul3A_2801 = arith.constant 5 : i32
    %mul3A_2802 = arith.muli %add3A_2800, %mul3A_2801 : i32
    %dma_wait3A_2803 = arith.constant 0 : i32
    %dma_wait3A_2804 = arith.constant 0 : i32
    %dma_wait3A_2805 = arith.constant 0 : i32
    %dma_wait3A_2806 = arith.constant 0 : i32
    %dma_wait3A_2807 = arith.constant 0 : i32
    %dma_wait3A_2808 = tpu.memref_slice %arg6[%dma_wait3A_2803, %dma_wait3A_2805, %dma_wait3A_2806, %dma_wait3A_2807] : memref<3x5x32x256xf32, #tpu.memory_space<vmem>> -> memref<1x5x32x256xf32, #tpu.memory_space<vmem>>
    %dma_wait3A_2809 = tpu.memref_squeeze %dma_wait3A_2808 : memref<1x5x32x256xf32, #tpu.memory_space<vmem>> -> memref<5x32x256xf32, #tpu.memory_space<vmem>>
    %dma_wait3A_2810 = arith.constant 0 : i32
    %dma_wait3A_2811 = arith.constant 0 : i32
    %dma_wait3A_2812 = tpu.memref_slice %arg4[%mul3A_2802, %dma_wait3A_2810, %dma_wait3A_2811] : memref<7840x32x256xf32, #tpu.memory_space<hbm>> -> memref<5x32x256xf32, #tpu.memory_space<hbm>>
    %dma_wait3A_2813 = tpu.memref_slice %arg8[%dma_wait3A_2804] : memref<3x!tpu.dma_semaphore, #tpu.memory_space<semaphore_mem>> -> memref<1x!tpu.dma_semaphore, #tpu.memory_space<semaphore_mem>>
    %dma_wait3A_2814 = tpu.memref_squeeze %dma_wait3A_2813 : memref<1x!tpu.dma_semaphore, #tpu.memory_space<semaphore_mem>> -> memref<!tpu.dma_semaphore, #tpu.memory_space<semaphore_mem>>
    %dma_wait3A_2815 = arith.constant 0 : i32
    %dma_wait3A_2816 = arith.constant 0 : i32
    %dma_wait3A_2817 = tpu.memref_slice %arg4[%mul3A_2802, %dma_wait3A_2815, %dma_wait3A_2816] : memref<7840x32x256xf32, #tpu.memory_space<hbm>> -> memref<5x32x256xf32, #tpu.memory_space<hbm>>
    %dma_wait3A_2818 = arith.constant 0 : i32
    %dma_wait3A_2819 = arith.constant 0 : i32
    %dma_wait3A_2820 = arith.constant 0 : i32
    %dma_wait3A_2821 = tpu.memref_slice %arg6[%dma_wait3A_2803, %dma_wait3A_2818, %dma_wait3A_2819, %dma_wait3A_2820] : memref<3x5x32x256xf32, #tpu.memory_space<vmem>> -> memref<1x5x32x256xf32, #tpu.memory_space<vmem>>
    %dma_wait3A_2822 = tpu.memref_squeeze %dma_wait3A_2821 : memref<1x5x32x256xf32, #tpu.memory_space<vmem>> -> memref<5x32x256xf32, #tpu.memory_space<vmem>>
    tpu.wait_dma2 semaphore(%dma_wait3A_2814 : memref<!tpu.dma_semaphore, #tpu.memory_space<semaphore_mem>>) src(%dma_wait3A_2822 : memref<5x32x256xf32, #tpu.memory_space<vmem>>) dst(%dma_wait3A_2817 : memref<5x32x256xf32, #tpu.memory_space<hbm>>)
    %dma_start3A_2823 = arith.constant 36 : i32
    %dma_start3A_2824 = arith.constant 0 : i32
    %dma_start3A_2825 = arith.constant 0 : i32
    %dma_start3A_2826 = arith.constant 0 : i32
    %dma_start3A_2827 = arith.constant 0 : i32
    %dma_start3A_2828 = arith.constant 0 : i32
    %dma_start3A_2829 = tpu.memref_slice %arg6[%dma_start3A_2824, %dma_start3A_2826, %dma_start3A_2827, %dma_start3A_2828] : memref<3x5x32x256xf32, #tpu.memory_space<vmem>> -> memref<1x5x32x256xf32, #tpu.memory_space<vmem>>
    %dma_start3A_2830 = tpu.memref_squeeze %dma_start3A_2829 : memref<1x5x32x256xf32, #tpu.memory_space<vmem>> -> memref<5x32x256xf32, #tpu.memory_space<vmem>>
    %dma_start3A_2831 = arith.constant 0 : i32
    %dma_start3A_2832 = tpu.memref_slice %arg5[%dma_start3A_2823, %dma_start3A_2831] : memref<49x5xi32, #tpu.memory_space<vmem>> -> memref<1x5xi32, #tpu.memory_space<vmem>>
    %dma_start3A_2833 = tpu.memref_squeeze %dma_start3A_2832 : memref<1x5xi32, #tpu.memory_space<vmem>> -> memref<5xi32, #tpu.memory_space<vmem>>
    %dma_start3A_2834 = arith.constant 0 : i32
    %dma_start3A_2835 = arith.constant 0 : i32
    %dma_start3A_2836 = arith.constant 0 : i32
    %dma_start3A_2837 = tpu.memref_slice %arg3[%dma_start3A_2834, %dma_start3A_2835, %dma_start3A_2836] : memref<7840x32x256xf32, #tpu.memory_space<hbm>> -> memref<7840x32x256xf32, #tpu.memory_space<hbm>>
    %dma_start3A_2838 = tpu.memref_slice %arg7[%dma_start3A_2825] : memref<3x!tpu.dma_semaphore, #tpu.memory_space<semaphore_mem>> -> memref<1x!tpu.dma_semaphore, #tpu.memory_space<semaphore_mem>>
    %dma_start3A_2839 = tpu.memref_squeeze %dma_start3A_2838 : memref<1x!tpu.dma_semaphore, #tpu.memory_space<semaphore_mem>> -> memref<!tpu.dma_semaphore, #tpu.memory_space<semaphore_mem>>
    tpu.enqueue_indirect_dma source(%dma_start3A_2837 : memref<7840x32x256xf32, #tpu.memory_space<hbm>>) target(%dma_start3A_2830 : memref<5x32x256xf32, #tpu.memory_space<vmem>>) offsets(%dma_start3A_2833 : memref<5xi32, #tpu.memory_space<vmem>>) semaphore(%dma_start3A_2839 : memref<!tpu.dma_semaphore, #tpu.memory_space<semaphore_mem>>)
    %dma_wait3A_2840 = arith.constant 34 : i32
    %dma_wait3A_2841 = arith.constant 1 : i32
    %dma_wait3A_2842 = arith.constant 1 : i32
    %dma_wait3A_2843 = arith.constant 0 : i32
    %dma_wait3A_2844 = arith.constant 0 : i32
    %dma_wait3A_2845 = arith.constant 0 : i32
    %dma_wait3A_2846 = tpu.memref_slice %arg6[%dma_wait3A_2841, %dma_wait3A_2843, %dma_wait3A_2844, %dma_wait3A_2845] : memref<3x5x32x256xf32, #tpu.memory_space<vmem>> -> memref<1x5x32x256xf32, #tpu.memory_space<vmem>>
    %dma_wait3A_2847 = tpu.memref_squeeze %dma_wait3A_2846 : memref<1x5x32x256xf32, #tpu.memory_space<vmem>> -> memref<5x32x256xf32, #tpu.memory_space<vmem>>
    %dma_wait3A_2848 = arith.constant 0 : i32
    %dma_wait3A_2849 = tpu.memref_slice %arg5[%dma_wait3A_2840, %dma_wait3A_2848] : memref<49x5xi32, #tpu.memory_space<vmem>> -> memref<1x5xi32, #tpu.memory_space<vmem>>
    %dma_wait3A_2850 = tpu.memref_squeeze %dma_wait3A_2849 : memref<1x5xi32, #tpu.memory_space<vmem>> -> memref<5xi32, #tpu.memory_space<vmem>>
    %dma_wait3A_2851 = arith.constant 0 : i32
    %dma_wait3A_2852 = arith.constant 0 : i32
    %dma_wait3A_2853 = arith.constant 0 : i32
    %dma_wait3A_2854 = tpu.memref_slice %arg3[%dma_wait3A_2851, %dma_wait3A_2852, %dma_wait3A_2853] : memref<7840x32x256xf32, #tpu.memory_space<hbm>> -> memref<7840x32x256xf32, #tpu.memory_space<hbm>>
    %dma_wait3A_2855 = tpu.memref_slice %arg7[%dma_wait3A_2842] : memref<3x!tpu.dma_semaphore, #tpu.memory_space<semaphore_mem>> -> memref<1x!tpu.dma_semaphore, #tpu.memory_space<semaphore_mem>>
    %dma_wait3A_2856 = tpu.memref_squeeze %dma_wait3A_2855 : memref<1x!tpu.dma_semaphore, #tpu.memory_space<semaphore_mem>> -> memref<!tpu.dma_semaphore, #tpu.memory_space<semaphore_mem>>
    tpu.wait_indirect_dma semaphore(%dma_wait3A_2856 : memref<!tpu.dma_semaphore, #tpu.memory_space<semaphore_mem>>) src(%dma_wait3A_2854 : memref<7840x32x256xf32, #tpu.memory_space<hbm>>) dst(%dma_wait3A_2847 : memref<5x32x256xf32, #tpu.memory_space<vmem>>)
    %add3A_2857 = arith.constant 34 : i32
    %add3A_2858 = arith.addi %mul3A_2, %add3A_2857 : i32
    %mul3A_2859 = arith.constant 5 : i32
    %mul3A_2860 = arith.muli %add3A_2858, %mul3A_2859 : i32
    %dma_start3A_2861 = arith.constant 1 : i32
    %dma_start3A_2862 = arith.constant 1 : i32
    %dma_start3A_2863 = arith.constant 0 : i32
    %dma_start3A_2864 = arith.constant 0 : i32
    %dma_start3A_2865 = arith.constant 0 : i32
    %dma_start3A_2866 = tpu.memref_slice %arg6[%dma_start3A_2861, %dma_start3A_2863, %dma_start3A_2864, %dma_start3A_2865] : memref<3x5x32x256xf32, #tpu.memory_space<vmem>> -> memref<1x5x32x256xf32, #tpu.memory_space<vmem>>
    %dma_start3A_2867 = tpu.memref_squeeze %dma_start3A_2866 : memref<1x5x32x256xf32, #tpu.memory_space<vmem>> -> memref<5x32x256xf32, #tpu.memory_space<vmem>>
    %dma_start3A_2868 = arith.constant 0 : i32
    %dma_start3A_2869 = arith.constant 0 : i32
    %dma_start3A_2870 = tpu.memref_slice %arg4[%mul3A_2860, %dma_start3A_2868, %dma_start3A_2869] : memref<7840x32x256xf32, #tpu.memory_space<hbm>> -> memref<5x32x256xf32, #tpu.memory_space<hbm>>
    %dma_start3A_2871 = tpu.memref_slice %arg8[%dma_start3A_2862] : memref<3x!tpu.dma_semaphore, #tpu.memory_space<semaphore_mem>> -> memref<1x!tpu.dma_semaphore, #tpu.memory_space<semaphore_mem>>
    %dma_start3A_2872 = tpu.memref_squeeze %dma_start3A_2871 : memref<1x!tpu.dma_semaphore, #tpu.memory_space<semaphore_mem>> -> memref<!tpu.dma_semaphore, #tpu.memory_space<semaphore_mem>>
    %dma_start3A_2873 = arith.constant 0 : i32
    %dma_start3A_2874 = arith.constant 0 : i32
    %dma_start3A_2875 = tpu.memref_slice %arg4[%mul3A_2860, %dma_start3A_2873, %dma_start3A_2874] : memref<7840x32x256xf32, #tpu.memory_space<hbm>> -> memref<5x32x256xf32, #tpu.memory_space<hbm>>
    %dma_start3A_2876 = arith.constant 0 : i32
    %dma_start3A_2877 = arith.constant 0 : i32
    %dma_start3A_2878 = arith.constant 0 : i32
    %dma_start3A_2879 = tpu.memref_slice %arg6[%dma_start3A_2861, %dma_start3A_2876, %dma_start3A_2877, %dma_start3A_2878] : memref<3x5x32x256xf32, #tpu.memory_space<vmem>> -> memref<1x5x32x256xf32, #tpu.memory_space<vmem>>
    %dma_start3A_2880 = tpu.memref_squeeze %dma_start3A_2879 : memref<1x5x32x256xf32, #tpu.memory_space<vmem>> -> memref<5x32x256xf32, #tpu.memory_space<vmem>>
    tpu.enqueue_dma source(%dma_start3A_2880 : memref<5x32x256xf32, #tpu.memory_space<vmem>>) target(%dma_start3A_2875 : memref<5x32x256xf32, #tpu.memory_space<hbm>>) target_semaphore(%dma_start3A_2872 : memref<!tpu.dma_semaphore, #tpu.memory_space<semaphore_mem>>)
    %add3A_2881 = arith.constant 34 : i32
    %add3A_2882 = arith.addi %mul3A_2, %add3A_2881 : i32
    %mul3A_2883 = arith.constant 5 : i32
    %mul3A_2884 = arith.muli %add3A_2882, %mul3A_2883 : i32
    %dma_wait3A_2885 = arith.constant 1 : i32
    %dma_wait3A_2886 = arith.constant 1 : i32
    %dma_wait3A_2887 = arith.constant 0 : i32
    %dma_wait3A_2888 = arith.constant 0 : i32
    %dma_wait3A_2889 = arith.constant 0 : i32
    %dma_wait3A_2890 = tpu.memref_slice %arg6[%dma_wait3A_2885, %dma_wait3A_2887, %dma_wait3A_2888, %dma_wait3A_2889] : memref<3x5x32x256xf32, #tpu.memory_space<vmem>> -> memref<1x5x32x256xf32, #tpu.memory_space<vmem>>
    %dma_wait3A_2891 = tpu.memref_squeeze %dma_wait3A_2890 : memref<1x5x32x256xf32, #tpu.memory_space<vmem>> -> memref<5x32x256xf32, #tpu.memory_space<vmem>>
    %dma_wait3A_2892 = arith.constant 0 : i32
    %dma_wait3A_2893 = arith.constant 0 : i32
    %dma_wait3A_2894 = tpu.memref_slice %arg4[%mul3A_2884, %dma_wait3A_2892, %dma_wait3A_2893] : memref<7840x32x256xf32, #tpu.memory_space<hbm>> -> memref<5x32x256xf32, #tpu.memory_space<hbm>>
    %dma_wait3A_2895 = tpu.memref_slice %arg8[%dma_wait3A_2886] : memref<3x!tpu.dma_semaphore, #tpu.memory_space<semaphore_mem>> -> memref<1x!tpu.dma_semaphore, #tpu.memory_space<semaphore_mem>>
    %dma_wait3A_2896 = tpu.memref_squeeze %dma_wait3A_2895 : memref<1x!tpu.dma_semaphore, #tpu.memory_space<semaphore_mem>> -> memref<!tpu.dma_semaphore, #tpu.memory_space<semaphore_mem>>
    %dma_wait3A_2897 = arith.constant 0 : i32
    %dma_wait3A_2898 = arith.constant 0 : i32
    %dma_wait3A_2899 = tpu.memref_slice %arg4[%mul3A_2884, %dma_wait3A_2897, %dma_wait3A_2898] : memref<7840x32x256xf32, #tpu.memory_space<hbm>> -> memref<5x32x256xf32, #tpu.memory_space<hbm>>
    %dma_wait3A_2900 = arith.constant 0 : i32
    %dma_wait3A_2901 = arith.constant 0 : i32
    %dma_wait3A_2902 = arith.constant 0 : i32
    %dma_wait3A_2903 = tpu.memref_slice %arg6[%dma_wait3A_2885, %dma_wait3A_2900, %dma_wait3A_2901, %dma_wait3A_2902] : memref<3x5x32x256xf32, #tpu.memory_space<vmem>> -> memref<1x5x32x256xf32, #tpu.memory_space<vmem>>
    %dma_wait3A_2904 = tpu.memref_squeeze %dma_wait3A_2903 : memref<1x5x32x256xf32, #tpu.memory_space<vmem>> -> memref<5x32x256xf32, #tpu.memory_space<vmem>>
    tpu.wait_dma2 semaphore(%dma_wait3A_2896 : memref<!tpu.dma_semaphore, #tpu.memory_space<semaphore_mem>>) src(%dma_wait3A_2904 : memref<5x32x256xf32, #tpu.memory_space<vmem>>) dst(%dma_wait3A_2899 : memref<5x32x256xf32, #tpu.memory_space<hbm>>)
    %dma_start3A_2905 = arith.constant 37 : i32
    %dma_start3A_2906 = arith.constant 1 : i32
    %dma_start3A_2907 = arith.constant 1 : i32
    %dma_start3A_2908 = arith.constant 0 : i32
    %dma_start3A_2909 = arith.constant 0 : i32
    %dma_start3A_2910 = arith.constant 0 : i32
    %dma_start3A_2911 = tpu.memref_slice %arg6[%dma_start3A_2906, %dma_start3A_2908, %dma_start3A_2909, %dma_start3A_2910] : memref<3x5x32x256xf32, #tpu.memory_space<vmem>> -> memref<1x5x32x256xf32, #tpu.memory_space<vmem>>
    %dma_start3A_2912 = tpu.memref_squeeze %dma_start3A_2911 : memref<1x5x32x256xf32, #tpu.memory_space<vmem>> -> memref<5x32x256xf32, #tpu.memory_space<vmem>>
    %dma_start3A_2913 = arith.constant 0 : i32
    %dma_start3A_2914 = tpu.memref_slice %arg5[%dma_start3A_2905, %dma_start3A_2913] : memref<49x5xi32, #tpu.memory_space<vmem>> -> memref<1x5xi32, #tpu.memory_space<vmem>>
    %dma_start3A_2915 = tpu.memref_squeeze %dma_start3A_2914 : memref<1x5xi32, #tpu.memory_space<vmem>> -> memref<5xi32, #tpu.memory_space<vmem>>
    %dma_start3A_2916 = arith.constant 0 : i32
    %dma_start3A_2917 = arith.constant 0 : i32
    %dma_start3A_2918 = arith.constant 0 : i32
    %dma_start3A_2919 = tpu.memref_slice %arg3[%dma_start3A_2916, %dma_start3A_2917, %dma_start3A_2918] : memref<7840x32x256xf32, #tpu.memory_space<hbm>> -> memref<7840x32x256xf32, #tpu.memory_space<hbm>>
    %dma_start3A_2920 = tpu.memref_slice %arg7[%dma_start3A_2907] : memref<3x!tpu.dma_semaphore, #tpu.memory_space<semaphore_mem>> -> memref<1x!tpu.dma_semaphore, #tpu.memory_space<semaphore_mem>>
    %dma_start3A_2921 = tpu.memref_squeeze %dma_start3A_2920 : memref<1x!tpu.dma_semaphore, #tpu.memory_space<semaphore_mem>> -> memref<!tpu.dma_semaphore, #tpu.memory_space<semaphore_mem>>
    tpu.enqueue_indirect_dma source(%dma_start3A_2919 : memref<7840x32x256xf32, #tpu.memory_space<hbm>>) target(%dma_start3A_2912 : memref<5x32x256xf32, #tpu.memory_space<vmem>>) offsets(%dma_start3A_2915 : memref<5xi32, #tpu.memory_space<vmem>>) semaphore(%dma_start3A_2921 : memref<!tpu.dma_semaphore, #tpu.memory_space<semaphore_mem>>)
    %dma_wait3A_2922 = arith.constant 35 : i32
    %dma_wait3A_2923 = arith.constant 2 : i32
    %dma_wait3A_2924 = arith.constant 2 : i32
    %dma_wait3A_2925 = arith.constant 0 : i32
    %dma_wait3A_2926 = arith.constant 0 : i32
    %dma_wait3A_2927 = arith.constant 0 : i32
    %dma_wait3A_2928 = tpu.memref_slice %arg6[%dma_wait3A_2923, %dma_wait3A_2925, %dma_wait3A_2926, %dma_wait3A_2927] : memref<3x5x32x256xf32, #tpu.memory_space<vmem>> -> memref<1x5x32x256xf32, #tpu.memory_space<vmem>>
    %dma_wait3A_2929 = tpu.memref_squeeze %dma_wait3A_2928 : memref<1x5x32x256xf32, #tpu.memory_space<vmem>> -> memref<5x32x256xf32, #tpu.memory_space<vmem>>
    %dma_wait3A_2930 = arith.constant 0 : i32
    %dma_wait3A_2931 = tpu.memref_slice %arg5[%dma_wait3A_2922, %dma_wait3A_2930] : memref<49x5xi32, #tpu.memory_space<vmem>> -> memref<1x5xi32, #tpu.memory_space<vmem>>
    %dma_wait3A_2932 = tpu.memref_squeeze %dma_wait3A_2931 : memref<1x5xi32, #tpu.memory_space<vmem>> -> memref<5xi32, #tpu.memory_space<vmem>>
    %dma_wait3A_2933 = arith.constant 0 : i32
    %dma_wait3A_2934 = arith.constant 0 : i32
    %dma_wait3A_2935 = arith.constant 0 : i32
    %dma_wait3A_2936 = tpu.memref_slice %arg3[%dma_wait3A_2933, %dma_wait3A_2934, %dma_wait3A_2935] : memref<7840x32x256xf32, #tpu.memory_space<hbm>> -> memref<7840x32x256xf32, #tpu.memory_space<hbm>>
    %dma_wait3A_2937 = tpu.memref_slice %arg7[%dma_wait3A_2924] : memref<3x!tpu.dma_semaphore, #tpu.memory_space<semaphore_mem>> -> memref<1x!tpu.dma_semaphore, #tpu.memory_space<semaphore_mem>>
    %dma_wait3A_2938 = tpu.memref_squeeze %dma_wait3A_2937 : memref<1x!tpu.dma_semaphore, #tpu.memory_space<semaphore_mem>> -> memref<!tpu.dma_semaphore, #tpu.memory_space<semaphore_mem>>
    tpu.wait_indirect_dma semaphore(%dma_wait3A_2938 : memref<!tpu.dma_semaphore, #tpu.memory_space<semaphore_mem>>) src(%dma_wait3A_2936 : memref<7840x32x256xf32, #tpu.memory_space<hbm>>) dst(%dma_wait3A_2929 : memref<5x32x256xf32, #tpu.memory_space<vmem>>)
    %add3A_2939 = arith.constant 35 : i32
    %add3A_2940 = arith.addi %mul3A_2, %add3A_2939 : i32
    %mul3A_2941 = arith.constant 5 : i32
    %mul3A_2942 = arith.muli %add3A_2940, %mul3A_2941 : i32
    %dma_start3A_2943 = arith.constant 2 : i32
    %dma_start3A_2944 = arith.constant 2 : i32
    %dma_start3A_2945 = arith.constant 0 : i32
    %dma_start3A_2946 = arith.constant 0 : i32
    %dma_start3A_2947 = arith.constant 0 : i32
    %dma_start3A_2948 = tpu.memref_slice %arg6[%dma_start3A_2943, %dma_start3A_2945, %dma_start3A_2946, %dma_start3A_2947] : memref<3x5x32x256xf32, #tpu.memory_space<vmem>> -> memref<1x5x32x256xf32, #tpu.memory_space<vmem>>
    %dma_start3A_2949 = tpu.memref_squeeze %dma_start3A_2948 : memref<1x5x32x256xf32, #tpu.memory_space<vmem>> -> memref<5x32x256xf32, #tpu.memory_space<vmem>>
    %dma_start3A_2950 = arith.constant 0 : i32
    %dma_start3A_2951 = arith.constant 0 : i32
    %dma_start3A_2952 = tpu.memref_slice %arg4[%mul3A_2942, %dma_start3A_2950, %dma_start3A_2951] : memref<7840x32x256xf32, #tpu.memory_space<hbm>> -> memref<5x32x256xf32, #tpu.memory_space<hbm>>
    %dma_start3A_2953 = tpu.memref_slice %arg8[%dma_start3A_2944] : memref<3x!tpu.dma_semaphore, #tpu.memory_space<semaphore_mem>> -> memref<1x!tpu.dma_semaphore, #tpu.memory_space<semaphore_mem>>
    %dma_start3A_2954 = tpu.memref_squeeze %dma_start3A_2953 : memref<1x!tpu.dma_semaphore, #tpu.memory_space<semaphore_mem>> -> memref<!tpu.dma_semaphore, #tpu.memory_space<semaphore_mem>>
    %dma_start3A_2955 = arith.constant 0 : i32
    %dma_start3A_2956 = arith.constant 0 : i32
    %dma_start3A_2957 = tpu.memref_slice %arg4[%mul3A_2942, %dma_start3A_2955, %dma_start3A_2956] : memref<7840x32x256xf32, #tpu.memory_space<hbm>> -> memref<5x32x256xf32, #tpu.memory_space<hbm>>
    %dma_start3A_2958 = arith.constant 0 : i32
    %dma_start3A_2959 = arith.constant 0 : i32
    %dma_start3A_2960 = arith.constant 0 : i32
    %dma_start3A_2961 = tpu.memref_slice %arg6[%dma_start3A_2943, %dma_start3A_2958, %dma_start3A_2959, %dma_start3A_2960] : memref<3x5x32x256xf32, #tpu.memory_space<vmem>> -> memref<1x5x32x256xf32, #tpu.memory_space<vmem>>
    %dma_start3A_2962 = tpu.memref_squeeze %dma_start3A_2961 : memref<1x5x32x256xf32, #tpu.memory_space<vmem>> -> memref<5x32x256xf32, #tpu.memory_space<vmem>>
    tpu.enqueue_dma source(%dma_start3A_2962 : memref<5x32x256xf32, #tpu.memory_space<vmem>>) target(%dma_start3A_2957 : memref<5x32x256xf32, #tpu.memory_space<hbm>>) target_semaphore(%dma_start3A_2954 : memref<!tpu.dma_semaphore, #tpu.memory_space<semaphore_mem>>)
    %add3A_2963 = arith.constant 35 : i32
    %add3A_2964 = arith.addi %mul3A_2, %add3A_2963 : i32
    %mul3A_2965 = arith.constant 5 : i32
    %mul3A_2966 = arith.muli %add3A_2964, %mul3A_2965 : i32
    %dma_wait3A_2967 = arith.constant 2 : i32
    %dma_wait3A_2968 = arith.constant 2 : i32
    %dma_wait3A_2969 = arith.constant 0 : i32
    %dma_wait3A_2970 = arith.constant 0 : i32
    %dma_wait3A_2971 = arith.constant 0 : i32
    %dma_wait3A_2972 = tpu.memref_slice %arg6[%dma_wait3A_2967, %dma_wait3A_2969, %dma_wait3A_2970, %dma_wait3A_2971] : memref<3x5x32x256xf32, #tpu.memory_space<vmem>> -> memref<1x5x32x256xf32, #tpu.memory_space<vmem>>
    %dma_wait3A_2973 = tpu.memref_squeeze %dma_wait3A_2972 : memref<1x5x32x256xf32, #tpu.memory_space<vmem>> -> memref<5x32x256xf32, #tpu.memory_space<vmem>>
    %dma_wait3A_2974 = arith.constant 0 : i32
    %dma_wait3A_2975 = arith.constant 0 : i32
    %dma_wait3A_2976 = tpu.memref_slice %arg4[%mul3A_2966, %dma_wait3A_2974, %dma_wait3A_2975] : memref<7840x32x256xf32, #tpu.memory_space<hbm>> -> memref<5x32x256xf32, #tpu.memory_space<hbm>>
    %dma_wait3A_2977 = tpu.memref_slice %arg8[%dma_wait3A_2968] : memref<3x!tpu.dma_semaphore, #tpu.memory_space<semaphore_mem>> -> memref<1x!tpu.dma_semaphore, #tpu.memory_space<semaphore_mem>>
    %dma_wait3A_2978 = tpu.memref_squeeze %dma_wait3A_2977 : memref<1x!tpu.dma_semaphore, #tpu.memory_space<semaphore_mem>> -> memref<!tpu.dma_semaphore, #tpu.memory_space<semaphore_mem>>
    %dma_wait3A_2979 = arith.constant 0 : i32
    %dma_wait3A_2980 = arith.constant 0 : i32
    %dma_wait3A_2981 = tpu.memref_slice %arg4[%mul3A_2966, %dma_wait3A_2979, %dma_wait3A_2980] : memref<7840x32x256xf32, #tpu.memory_space<hbm>> -> memref<5x32x256xf32, #tpu.memory_space<hbm>>
    %dma_wait3A_2982 = arith.constant 0 : i32
    %dma_wait3A_2983 = arith.constant 0 : i32
    %dma_wait3A_2984 = arith.constant 0 : i32
    %dma_wait3A_2985 = tpu.memref_slice %arg6[%dma_wait3A_2967, %dma_wait3A_2982, %dma_wait3A_2983, %dma_wait3A_2984] : memref<3x5x32x256xf32, #tpu.memory_space<vmem>> -> memref<1x5x32x256xf32, #tpu.memory_space<vmem>>
    %dma_wait3A_2986 = tpu.memref_squeeze %dma_wait3A_2985 : memref<1x5x32x256xf32, #tpu.memory_space<vmem>> -> memref<5x32x256xf32, #tpu.memory_space<vmem>>
    tpu.wait_dma2 semaphore(%dma_wait3A_2978 : memref<!tpu.dma_semaphore, #tpu.memory_space<semaphore_mem>>) src(%dma_wait3A_2986 : memref<5x32x256xf32, #tpu.memory_space<vmem>>) dst(%dma_wait3A_2981 : memref<5x32x256xf32, #tpu.memory_space<hbm>>)
    %dma_start3A_2987 = arith.constant 38 : i32
    %dma_start3A_2988 = arith.constant 2 : i32
    %dma_start3A_2989 = arith.constant 2 : i32
    %dma_start3A_2990 = arith.constant 0 : i32
    %dma_start3A_2991 = arith.constant 0 : i32
    %dma_start3A_2992 = arith.constant 0 : i32
    %dma_start3A_2993 = tpu.memref_slice %arg6[%dma_start3A_2988, %dma_start3A_2990, %dma_start3A_2991, %dma_start3A_2992] : memref<3x5x32x256xf32, #tpu.memory_space<vmem>> -> memref<1x5x32x256xf32, #tpu.memory_space<vmem>>
    %dma_start3A_2994 = tpu.memref_squeeze %dma_start3A_2993 : memref<1x5x32x256xf32, #tpu.memory_space<vmem>> -> memref<5x32x256xf32, #tpu.memory_space<vmem>>
    %dma_start3A_2995 = arith.constant 0 : i32
    %dma_start3A_2996 = tpu.memref_slice %arg5[%dma_start3A_2987, %dma_start3A_2995] : memref<49x5xi32, #tpu.memory_space<vmem>> -> memref<1x5xi32, #tpu.memory_space<vmem>>
    %dma_start3A_2997 = tpu.memref_squeeze %dma_start3A_2996 : memref<1x5xi32, #tpu.memory_space<vmem>> -> memref<5xi32, #tpu.memory_space<vmem>>
    %dma_start3A_2998 = arith.constant 0 : i32
    %dma_start3A_2999 = arith.constant 0 : i32
    %dma_start3A_3000 = arith.constant 0 : i32
    %dma_start3A_3001 = tpu.memref_slice %arg3[%dma_start3A_2998, %dma_start3A_2999, %dma_start3A_3000] : memref<7840x32x256xf32, #tpu.memory_space<hbm>> -> memref<7840x32x256xf32, #tpu.memory_space<hbm>>
    %dma_start3A_3002 = tpu.memref_slice %arg7[%dma_start3A_2989] : memref<3x!tpu.dma_semaphore, #tpu.memory_space<semaphore_mem>> -> memref<1x!tpu.dma_semaphore, #tpu.memory_space<semaphore_mem>>
    %dma_start3A_3003 = tpu.memref_squeeze %dma_start3A_3002 : memref<1x!tpu.dma_semaphore, #tpu.memory_space<semaphore_mem>> -> memref<!tpu.dma_semaphore, #tpu.memory_space<semaphore_mem>>
    tpu.enqueue_indirect_dma source(%dma_start3A_3001 : memref<7840x32x256xf32, #tpu.memory_space<hbm>>) target(%dma_start3A_2994 : memref<5x32x256xf32, #tpu.memory_space<vmem>>) offsets(%dma_start3A_2997 : memref<5xi32, #tpu.memory_space<vmem>>) semaphore(%dma_start3A_3003 : memref<!tpu.dma_semaphore, #tpu.memory_space<semaphore_mem>>)
    %dma_wait3A_3004 = arith.constant 36 : i32
    %dma_wait3A_3005 = arith.constant 0 : i32
    %dma_wait3A_3006 = arith.constant 0 : i32
    %dma_wait3A_3007 = arith.constant 0 : i32
    %dma_wait3A_3008 = arith.constant 0 : i32
    %dma_wait3A_3009 = arith.constant 0 : i32
    %dma_wait3A_3010 = tpu.memref_slice %arg6[%dma_wait3A_3005, %dma_wait3A_3007, %dma_wait3A_3008, %dma_wait3A_3009] : memref<3x5x32x256xf32, #tpu.memory_space<vmem>> -> memref<1x5x32x256xf32, #tpu.memory_space<vmem>>
    %dma_wait3A_3011 = tpu.memref_squeeze %dma_wait3A_3010 : memref<1x5x32x256xf32, #tpu.memory_space<vmem>> -> memref<5x32x256xf32, #tpu.memory_space<vmem>>
    %dma_wait3A_3012 = arith.constant 0 : i32
    %dma_wait3A_3013 = tpu.memref_slice %arg5[%dma_wait3A_3004, %dma_wait3A_3012] : memref<49x5xi32, #tpu.memory_space<vmem>> -> memref<1x5xi32, #tpu.memory_space<vmem>>
    %dma_wait3A_3014 = tpu.memref_squeeze %dma_wait3A_3013 : memref<1x5xi32, #tpu.memory_space<vmem>> -> memref<5xi32, #tpu.memory_space<vmem>>
    %dma_wait3A_3015 = arith.constant 0 : i32
    %dma_wait3A_3016 = arith.constant 0 : i32
    %dma_wait3A_3017 = arith.constant 0 : i32
    %dma_wait3A_3018 = tpu.memref_slice %arg3[%dma_wait3A_3015, %dma_wait3A_3016, %dma_wait3A_3017] : memref<7840x32x256xf32, #tpu.memory_space<hbm>> -> memref<7840x32x256xf32, #tpu.memory_space<hbm>>
    %dma_wait3A_3019 = tpu.memref_slice %arg7[%dma_wait3A_3006] : memref<3x!tpu.dma_semaphore, #tpu.memory_space<semaphore_mem>> -> memref<1x!tpu.dma_semaphore, #tpu.memory_space<semaphore_mem>>
    %dma_wait3A_3020 = tpu.memref_squeeze %dma_wait3A_3019 : memref<1x!tpu.dma_semaphore, #tpu.memory_space<semaphore_mem>> -> memref<!tpu.dma_semaphore, #tpu.memory_space<semaphore_mem>>
    tpu.wait_indirect_dma semaphore(%dma_wait3A_3020 : memref<!tpu.dma_semaphore, #tpu.memory_space<semaphore_mem>>) src(%dma_wait3A_3018 : memref<7840x32x256xf32, #tpu.memory_space<hbm>>) dst(%dma_wait3A_3011 : memref<5x32x256xf32, #tpu.memory_space<vmem>>)
    %add3A_3021 = arith.constant 36 : i32
    %add3A_3022 = arith.addi %mul3A_2, %add3A_3021 : i32
    %mul3A_3023 = arith.constant 5 : i32
    %mul3A_3024 = arith.muli %add3A_3022, %mul3A_3023 : i32
    %dma_start3A_3025 = arith.constant 0 : i32
    %dma_start3A_3026 = arith.constant 0 : i32
    %dma_start3A_3027 = arith.constant 0 : i32
    %dma_start3A_3028 = arith.constant 0 : i32
    %dma_start3A_3029 = arith.constant 0 : i32
    %dma_start3A_3030 = tpu.memref_slice %arg6[%dma_start3A_3025, %dma_start3A_3027, %dma_start3A_3028, %dma_start3A_3029] : memref<3x5x32x256xf32, #tpu.memory_space<vmem>> -> memref<1x5x32x256xf32, #tpu.memory_space<vmem>>
    %dma_start3A_3031 = tpu.memref_squeeze %dma_start3A_3030 : memref<1x5x32x256xf32, #tpu.memory_space<vmem>> -> memref<5x32x256xf32, #tpu.memory_space<vmem>>
    %dma_start3A_3032 = arith.constant 0 : i32
    %dma_start3A_3033 = arith.constant 0 : i32
    %dma_start3A_3034 = tpu.memref_slice %arg4[%mul3A_3024, %dma_start3A_3032, %dma_start3A_3033] : memref<7840x32x256xf32, #tpu.memory_space<hbm>> -> memref<5x32x256xf32, #tpu.memory_space<hbm>>
    %dma_start3A_3035 = tpu.memref_slice %arg8[%dma_start3A_3026] : memref<3x!tpu.dma_semaphore, #tpu.memory_space<semaphore_mem>> -> memref<1x!tpu.dma_semaphore, #tpu.memory_space<semaphore_mem>>
    %dma_start3A_3036 = tpu.memref_squeeze %dma_start3A_3035 : memref<1x!tpu.dma_semaphore, #tpu.memory_space<semaphore_mem>> -> memref<!tpu.dma_semaphore, #tpu.memory_space<semaphore_mem>>
    %dma_start3A_3037 = arith.constant 0 : i32
    %dma_start3A_3038 = arith.constant 0 : i32
    %dma_start3A_3039 = tpu.memref_slice %arg4[%mul3A_3024, %dma_start3A_3037, %dma_start3A_3038] : memref<7840x32x256xf32, #tpu.memory_space<hbm>> -> memref<5x32x256xf32, #tpu.memory_space<hbm>>
    %dma_start3A_3040 = arith.constant 0 : i32
    %dma_start3A_3041 = arith.constant 0 : i32
    %dma_start3A_3042 = arith.constant 0 : i32
    %dma_start3A_3043 = tpu.memref_slice %arg6[%dma_start3A_3025, %dma_start3A_3040, %dma_start3A_3041, %dma_start3A_3042] : memref<3x5x32x256xf32, #tpu.memory_space<vmem>> -> memref<1x5x32x256xf32, #tpu.memory_space<vmem>>
    %dma_start3A_3044 = tpu.memref_squeeze %dma_start3A_3043 : memref<1x5x32x256xf32, #tpu.memory_space<vmem>> -> memref<5x32x256xf32, #tpu.memory_space<vmem>>
    tpu.enqueue_dma source(%dma_start3A_3044 : memref<5x32x256xf32, #tpu.memory_space<vmem>>) target(%dma_start3A_3039 : memref<5x32x256xf32, #tpu.memory_space<hbm>>) target_semaphore(%dma_start3A_3036 : memref<!tpu.dma_semaphore, #tpu.memory_space<semaphore_mem>>)
    %add3A_3045 = arith.constant 36 : i32
    %add3A_3046 = arith.addi %mul3A_2, %add3A_3045 : i32
    %mul3A_3047 = arith.constant 5 : i32
    %mul3A_3048 = arith.muli %add3A_3046, %mul3A_3047 : i32
    %dma_wait3A_3049 = arith.constant 0 : i32
    %dma_wait3A_3050 = arith.constant 0 : i32
    %dma_wait3A_3051 = arith.constant 0 : i32
    %dma_wait3A_3052 = arith.constant 0 : i32
    %dma_wait3A_3053 = arith.constant 0 : i32
    %dma_wait3A_3054 = tpu.memref_slice %arg6[%dma_wait3A_3049, %dma_wait3A_3051, %dma_wait3A_3052, %dma_wait3A_3053] : memref<3x5x32x256xf32, #tpu.memory_space<vmem>> -> memref<1x5x32x256xf32, #tpu.memory_space<vmem>>
    %dma_wait3A_3055 = tpu.memref_squeeze %dma_wait3A_3054 : memref<1x5x32x256xf32, #tpu.memory_space<vmem>> -> memref<5x32x256xf32, #tpu.memory_space<vmem>>
    %dma_wait3A_3056 = arith.constant 0 : i32
    %dma_wait3A_3057 = arith.constant 0 : i32
    %dma_wait3A_3058 = tpu.memref_slice %arg4[%mul3A_3048, %dma_wait3A_3056, %dma_wait3A_3057] : memref<7840x32x256xf32, #tpu.memory_space<hbm>> -> memref<5x32x256xf32, #tpu.memory_space<hbm>>
    %dma_wait3A_3059 = tpu.memref_slice %arg8[%dma_wait3A_3050] : memref<3x!tpu.dma_semaphore, #tpu.memory_space<semaphore_mem>> -> memref<1x!tpu.dma_semaphore, #tpu.memory_space<semaphore_mem>>
    %dma_wait3A_3060 = tpu.memref_squeeze %dma_wait3A_3059 : memref<1x!tpu.dma_semaphore, #tpu.memory_space<semaphore_mem>> -> memref<!tpu.dma_semaphore, #tpu.memory_space<semaphore_mem>>
    %dma_wait3A_3061 = arith.constant 0 : i32
    %dma_wait3A_3062 = arith.constant 0 : i32
    %dma_wait3A_3063 = tpu.memref_slice %arg4[%mul3A_3048, %dma_wait3A_3061, %dma_wait3A_3062] : memref<7840x32x256xf32, #tpu.memory_space<hbm>> -> memref<5x32x256xf32, #tpu.memory_space<hbm>>
    %dma_wait3A_3064 = arith.constant 0 : i32
    %dma_wait3A_3065 = arith.constant 0 : i32
    %dma_wait3A_3066 = arith.constant 0 : i32
    %dma_wait3A_3067 = tpu.memref_slice %arg6[%dma_wait3A_3049, %dma_wait3A_3064, %dma_wait3A_3065, %dma_wait3A_3066] : memref<3x5x32x256xf32, #tpu.memory_space<vmem>> -> memref<1x5x32x256xf32, #tpu.memory_space<vmem>>
    %dma_wait3A_3068 = tpu.memref_squeeze %dma_wait3A_3067 : memref<1x5x32x256xf32, #tpu.memory_space<vmem>> -> memref<5x32x256xf32, #tpu.memory_space<vmem>>
    tpu.wait_dma2 semaphore(%dma_wait3A_3060 : memref<!tpu.dma_semaphore, #tpu.memory_space<semaphore_mem>>) src(%dma_wait3A_3068 : memref<5x32x256xf32, #tpu.memory_space<vmem>>) dst(%dma_wait3A_3063 : memref<5x32x256xf32, #tpu.memory_space<hbm>>)
    %dma_start3A_3069 = arith.constant 39 : i32
    %dma_start3A_3070 = arith.constant 0 : i32
    %dma_start3A_3071 = arith.constant 0 : i32
    %dma_start3A_3072 = arith.constant 0 : i32
    %dma_start3A_3073 = arith.constant 0 : i32
    %dma_start3A_3074 = arith.constant 0 : i32
    %dma_start3A_3075 = tpu.memref_slice %arg6[%dma_start3A_3070, %dma_start3A_3072, %dma_start3A_3073, %dma_start3A_3074] : memref<3x5x32x256xf32, #tpu.memory_space<vmem>> -> memref<1x5x32x256xf32, #tpu.memory_space<vmem>>
    %dma_start3A_3076 = tpu.memref_squeeze %dma_start3A_3075 : memref<1x5x32x256xf32, #tpu.memory_space<vmem>> -> memref<5x32x256xf32, #tpu.memory_space<vmem>>
    %dma_start3A_3077 = arith.constant 0 : i32
    %dma_start3A_3078 = tpu.memref_slice %arg5[%dma_start3A_3069, %dma_start3A_3077] : memref<49x5xi32, #tpu.memory_space<vmem>> -> memref<1x5xi32, #tpu.memory_space<vmem>>
    %dma_start3A_3079 = tpu.memref_squeeze %dma_start3A_3078 : memref<1x5xi32, #tpu.memory_space<vmem>> -> memref<5xi32, #tpu.memory_space<vmem>>
    %dma_start3A_3080 = arith.constant 0 : i32
    %dma_start3A_3081 = arith.constant 0 : i32
    %dma_start3A_3082 = arith.constant 0 : i32
    %dma_start3A_3083 = tpu.memref_slice %arg3[%dma_start3A_3080, %dma_start3A_3081, %dma_start3A_3082] : memref<7840x32x256xf32, #tpu.memory_space<hbm>> -> memref<7840x32x256xf32, #tpu.memory_space<hbm>>
    %dma_start3A_3084 = tpu.memref_slice %arg7[%dma_start3A_3071] : memref<3x!tpu.dma_semaphore, #tpu.memory_space<semaphore_mem>> -> memref<1x!tpu.dma_semaphore, #tpu.memory_space<semaphore_mem>>
    %dma_start3A_3085 = tpu.memref_squeeze %dma_start3A_3084 : memref<1x!tpu.dma_semaphore, #tpu.memory_space<semaphore_mem>> -> memref<!tpu.dma_semaphore, #tpu.memory_space<semaphore_mem>>
    tpu.enqueue_indirect_dma source(%dma_start3A_3083 : memref<7840x32x256xf32, #tpu.memory_space<hbm>>) target(%dma_start3A_3076 : memref<5x32x256xf32, #tpu.memory_space<vmem>>) offsets(%dma_start3A_3079 : memref<5xi32, #tpu.memory_space<vmem>>) semaphore(%dma_start3A_3085 : memref<!tpu.dma_semaphore, #tpu.memory_space<semaphore_mem>>)
    %dma_wait3A_3086 = arith.constant 37 : i32
    %dma_wait3A_3087 = arith.constant 1 : i32
    %dma_wait3A_3088 = arith.constant 1 : i32
    %dma_wait3A_3089 = arith.constant 0 : i32
    %dma_wait3A_3090 = arith.constant 0 : i32
    %dma_wait3A_3091 = arith.constant 0 : i32
    %dma_wait3A_3092 = tpu.memref_slice %arg6[%dma_wait3A_3087, %dma_wait3A_3089, %dma_wait3A_3090, %dma_wait3A_3091] : memref<3x5x32x256xf32, #tpu.memory_space<vmem>> -> memref<1x5x32x256xf32, #tpu.memory_space<vmem>>
    %dma_wait3A_3093 = tpu.memref_squeeze %dma_wait3A_3092 : memref<1x5x32x256xf32, #tpu.memory_space<vmem>> -> memref<5x32x256xf32, #tpu.memory_space<vmem>>
    %dma_wait3A_3094 = arith.constant 0 : i32
    %dma_wait3A_3095 = tpu.memref_slice %arg5[%dma_wait3A_3086, %dma_wait3A_3094] : memref<49x5xi32, #tpu.memory_space<vmem>> -> memref<1x5xi32, #tpu.memory_space<vmem>>
    %dma_wait3A_3096 = tpu.memref_squeeze %dma_wait3A_3095 : memref<1x5xi32, #tpu.memory_space<vmem>> -> memref<5xi32, #tpu.memory_space<vmem>>
    %dma_wait3A_3097 = arith.constant 0 : i32
    %dma_wait3A_3098 = arith.constant 0 : i32
    %dma_wait3A_3099 = arith.constant 0 : i32
    %dma_wait3A_3100 = tpu.memref_slice %arg3[%dma_wait3A_3097, %dma_wait3A_3098, %dma_wait3A_3099] : memref<7840x32x256xf32, #tpu.memory_space<hbm>> -> memref<7840x32x256xf32, #tpu.memory_space<hbm>>
    %dma_wait3A_3101 = tpu.memref_slice %arg7[%dma_wait3A_3088] : memref<3x!tpu.dma_semaphore, #tpu.memory_space<semaphore_mem>> -> memref<1x!tpu.dma_semaphore, #tpu.memory_space<semaphore_mem>>
    %dma_wait3A_3102 = tpu.memref_squeeze %dma_wait3A_3101 : memref<1x!tpu.dma_semaphore, #tpu.memory_space<semaphore_mem>> -> memref<!tpu.dma_semaphore, #tpu.memory_space<semaphore_mem>>
    tpu.wait_indirect_dma semaphore(%dma_wait3A_3102 : memref<!tpu.dma_semaphore, #tpu.memory_space<semaphore_mem>>) src(%dma_wait3A_3100 : memref<7840x32x256xf32, #tpu.memory_space<hbm>>) dst(%dma_wait3A_3093 : memref<5x32x256xf32, #tpu.memory_space<vmem>>)
    %add3A_3103 = arith.constant 37 : i32
    %add3A_3104 = arith.addi %mul3A_2, %add3A_3103 : i32
    %mul3A_3105 = arith.constant 5 : i32
    %mul3A_3106 = arith.muli %add3A_3104, %mul3A_3105 : i32
    %dma_start3A_3107 = arith.constant 1 : i32
    %dma_start3A_3108 = arith.constant 1 : i32
    %dma_start3A_3109 = arith.constant 0 : i32
    %dma_start3A_3110 = arith.constant 0 : i32
    %dma_start3A_3111 = arith.constant 0 : i32
    %dma_start3A_3112 = tpu.memref_slice %arg6[%dma_start3A_3107, %dma_start3A_3109, %dma_start3A_3110, %dma_start3A_3111] : memref<3x5x32x256xf32, #tpu.memory_space<vmem>> -> memref<1x5x32x256xf32, #tpu.memory_space<vmem>>
    %dma_start3A_3113 = tpu.memref_squeeze %dma_start3A_3112 : memref<1x5x32x256xf32, #tpu.memory_space<vmem>> -> memref<5x32x256xf32, #tpu.memory_space<vmem>>
    %dma_start3A_3114 = arith.constant 0 : i32
    %dma_start3A_3115 = arith.constant 0 : i32
    %dma_start3A_3116 = tpu.memref_slice %arg4[%mul3A_3106, %dma_start3A_3114, %dma_start3A_3115] : memref<7840x32x256xf32, #tpu.memory_space<hbm>> -> memref<5x32x256xf32, #tpu.memory_space<hbm>>
    %dma_start3A_3117 = tpu.memref_slice %arg8[%dma_start3A_3108] : memref<3x!tpu.dma_semaphore, #tpu.memory_space<semaphore_mem>> -> memref<1x!tpu.dma_semaphore, #tpu.memory_space<semaphore_mem>>
    %dma_start3A_3118 = tpu.memref_squeeze %dma_start3A_3117 : memref<1x!tpu.dma_semaphore, #tpu.memory_space<semaphore_mem>> -> memref<!tpu.dma_semaphore, #tpu.memory_space<semaphore_mem>>
    %dma_start3A_3119 = arith.constant 0 : i32
    %dma_start3A_3120 = arith.constant 0 : i32
    %dma_start3A_3121 = tpu.memref_slice %arg4[%mul3A_3106, %dma_start3A_3119, %dma_start3A_3120] : memref<7840x32x256xf32, #tpu.memory_space<hbm>> -> memref<5x32x256xf32, #tpu.memory_space<hbm>>
    %dma_start3A_3122 = arith.constant 0 : i32
    %dma_start3A_3123 = arith.constant 0 : i32
    %dma_start3A_3124 = arith.constant 0 : i32
    %dma_start3A_3125 = tpu.memref_slice %arg6[%dma_start3A_3107, %dma_start3A_3122, %dma_start3A_3123, %dma_start3A_3124] : memref<3x5x32x256xf32, #tpu.memory_space<vmem>> -> memref<1x5x32x256xf32, #tpu.memory_space<vmem>>
    %dma_start3A_3126 = tpu.memref_squeeze %dma_start3A_3125 : memref<1x5x32x256xf32, #tpu.memory_space<vmem>> -> memref<5x32x256xf32, #tpu.memory_space<vmem>>
    tpu.enqueue_dma source(%dma_start3A_3126 : memref<5x32x256xf32, #tpu.memory_space<vmem>>) target(%dma_start3A_3121 : memref<5x32x256xf32, #tpu.memory_space<hbm>>) target_semaphore(%dma_start3A_3118 : memref<!tpu.dma_semaphore, #tpu.memory_space<semaphore_mem>>)
    %add3A_3127 = arith.constant 37 : i32
    %add3A_3128 = arith.addi %mul3A_2, %add3A_3127 : i32
    %mul3A_3129 = arith.constant 5 : i32
    %mul3A_3130 = arith.muli %add3A_3128, %mul3A_3129 : i32
    %dma_wait3A_3131 = arith.constant 1 : i32
    %dma_wait3A_3132 = arith.constant 1 : i32
    %dma_wait3A_3133 = arith.constant 0 : i32
    %dma_wait3A_3134 = arith.constant 0 : i32
    %dma_wait3A_3135 = arith.constant 0 : i32
    %dma_wait3A_3136 = tpu.memref_slice %arg6[%dma_wait3A_3131, %dma_wait3A_3133, %dma_wait3A_3134, %dma_wait3A_3135] : memref<3x5x32x256xf32, #tpu.memory_space<vmem>> -> memref<1x5x32x256xf32, #tpu.memory_space<vmem>>
    %dma_wait3A_3137 = tpu.memref_squeeze %dma_wait3A_3136 : memref<1x5x32x256xf32, #tpu.memory_space<vmem>> -> memref<5x32x256xf32, #tpu.memory_space<vmem>>
    %dma_wait3A_3138 = arith.constant 0 : i32
    %dma_wait3A_3139 = arith.constant 0 : i32
    %dma_wait3A_3140 = tpu.memref_slice %arg4[%mul3A_3130, %dma_wait3A_3138, %dma_wait3A_3139] : memref<7840x32x256xf32, #tpu.memory_space<hbm>> -> memref<5x32x256xf32, #tpu.memory_space<hbm>>
    %dma_wait3A_3141 = tpu.memref_slice %arg8[%dma_wait3A_3132] : memref<3x!tpu.dma_semaphore, #tpu.memory_space<semaphore_mem>> -> memref<1x!tpu.dma_semaphore, #tpu.memory_space<semaphore_mem>>
    %dma_wait3A_3142 = tpu.memref_squeeze %dma_wait3A_3141 : memref<1x!tpu.dma_semaphore, #tpu.memory_space<semaphore_mem>> -> memref<!tpu.dma_semaphore, #tpu.memory_space<semaphore_mem>>
    %dma_wait3A_3143 = arith.constant 0 : i32
    %dma_wait3A_3144 = arith.constant 0 : i32
    %dma_wait3A_3145 = tpu.memref_slice %arg4[%mul3A_3130, %dma_wait3A_3143, %dma_wait3A_3144] : memref<7840x32x256xf32, #tpu.memory_space<hbm>> -> memref<5x32x256xf32, #tpu.memory_space<hbm>>
    %dma_wait3A_3146 = arith.constant 0 : i32
    %dma_wait3A_3147 = arith.constant 0 : i32
    %dma_wait3A_3148 = arith.constant 0 : i32
    %dma_wait3A_3149 = tpu.memref_slice %arg6[%dma_wait3A_3131, %dma_wait3A_3146, %dma_wait3A_3147, %dma_wait3A_3148] : memref<3x5x32x256xf32, #tpu.memory_space<vmem>> -> memref<1x5x32x256xf32, #tpu.memory_space<vmem>>
    %dma_wait3A_3150 = tpu.memref_squeeze %dma_wait3A_3149 : memref<1x5x32x256xf32, #tpu.memory_space<vmem>> -> memref<5x32x256xf32, #tpu.memory_space<vmem>>
    tpu.wait_dma2 semaphore(%dma_wait3A_3142 : memref<!tpu.dma_semaphore, #tpu.memory_space<semaphore_mem>>) src(%dma_wait3A_3150 : memref<5x32x256xf32, #tpu.memory_space<vmem>>) dst(%dma_wait3A_3145 : memref<5x32x256xf32, #tpu.memory_space<hbm>>)
    %dma_start3A_3151 = arith.constant 40 : i32
    %dma_start3A_3152 = arith.constant 1 : i32
    %dma_start3A_3153 = arith.constant 1 : i32
    %dma_start3A_3154 = arith.constant 0 : i32
    %dma_start3A_3155 = arith.constant 0 : i32
    %dma_start3A_3156 = arith.constant 0 : i32
    %dma_start3A_3157 = tpu.memref_slice %arg6[%dma_start3A_3152, %dma_start3A_3154, %dma_start3A_3155, %dma_start3A_3156] : memref<3x5x32x256xf32, #tpu.memory_space<vmem>> -> memref<1x5x32x256xf32, #tpu.memory_space<vmem>>
    %dma_start3A_3158 = tpu.memref_squeeze %dma_start3A_3157 : memref<1x5x32x256xf32, #tpu.memory_space<vmem>> -> memref<5x32x256xf32, #tpu.memory_space<vmem>>
    %dma_start3A_3159 = arith.constant 0 : i32
    %dma_start3A_3160 = tpu.memref_slice %arg5[%dma_start3A_3151, %dma_start3A_3159] : memref<49x5xi32, #tpu.memory_space<vmem>> -> memref<1x5xi32, #tpu.memory_space<vmem>>
    %dma_start3A_3161 = tpu.memref_squeeze %dma_start3A_3160 : memref<1x5xi32, #tpu.memory_space<vmem>> -> memref<5xi32, #tpu.memory_space<vmem>>
    %dma_start3A_3162 = arith.constant 0 : i32
    %dma_start3A_3163 = arith.constant 0 : i32
    %dma_start3A_3164 = arith.constant 0 : i32
    %dma_start3A_3165 = tpu.memref_slice %arg3[%dma_start3A_3162, %dma_start3A_3163, %dma_start3A_3164] : memref<7840x32x256xf32, #tpu.memory_space<hbm>> -> memref<7840x32x256xf32, #tpu.memory_space<hbm>>
    %dma_start3A_3166 = tpu.memref_slice %arg7[%dma_start3A_3153] : memref<3x!tpu.dma_semaphore, #tpu.memory_space<semaphore_mem>> -> memref<1x!tpu.dma_semaphore, #tpu.memory_space<semaphore_mem>>
    %dma_start3A_3167 = tpu.memref_squeeze %dma_start3A_3166 : memref<1x!tpu.dma_semaphore, #tpu.memory_space<semaphore_mem>> -> memref<!tpu.dma_semaphore, #tpu.memory_space<semaphore_mem>>
    tpu.enqueue_indirect_dma source(%dma_start3A_3165 : memref<7840x32x256xf32, #tpu.memory_space<hbm>>) target(%dma_start3A_3158 : memref<5x32x256xf32, #tpu.memory_space<vmem>>) offsets(%dma_start3A_3161 : memref<5xi32, #tpu.memory_space<vmem>>) semaphore(%dma_start3A_3167 : memref<!tpu.dma_semaphore, #tpu.memory_space<semaphore_mem>>)
    %dma_wait3A_3168 = arith.constant 38 : i32
    %dma_wait3A_3169 = arith.constant 2 : i32
    %dma_wait3A_3170 = arith.constant 2 : i32
    %dma_wait3A_3171 = arith.constant 0 : i32
    %dma_wait3A_3172 = arith.constant 0 : i32
    %dma_wait3A_3173 = arith.constant 0 : i32
    %dma_wait3A_3174 = tpu.memref_slice %arg6[%dma_wait3A_3169, %dma_wait3A_3171, %dma_wait3A_3172, %dma_wait3A_3173] : memref<3x5x32x256xf32, #tpu.memory_space<vmem>> -> memref<1x5x32x256xf32, #tpu.memory_space<vmem>>
    %dma_wait3A_3175 = tpu.memref_squeeze %dma_wait3A_3174 : memref<1x5x32x256xf32, #tpu.memory_space<vmem>> -> memref<5x32x256xf32, #tpu.memory_space<vmem>>
    %dma_wait3A_3176 = arith.constant 0 : i32
    %dma_wait3A_3177 = tpu.memref_slice %arg5[%dma_wait3A_3168, %dma_wait3A_3176] : memref<49x5xi32, #tpu.memory_space<vmem>> -> memref<1x5xi32, #tpu.memory_space<vmem>>
    %dma_wait3A_3178 = tpu.memref_squeeze %dma_wait3A_3177 : memref<1x5xi32, #tpu.memory_space<vmem>> -> memref<5xi32, #tpu.memory_space<vmem>>
    %dma_wait3A_3179 = arith.constant 0 : i32
    %dma_wait3A_3180 = arith.constant 0 : i32
    %dma_wait3A_3181 = arith.constant 0 : i32
    %dma_wait3A_3182 = tpu.memref_slice %arg3[%dma_wait3A_3179, %dma_wait3A_3180, %dma_wait3A_3181] : memref<7840x32x256xf32, #tpu.memory_space<hbm>> -> memref<7840x32x256xf32, #tpu.memory_space<hbm>>
    %dma_wait3A_3183 = tpu.memref_slice %arg7[%dma_wait3A_3170] : memref<3x!tpu.dma_semaphore, #tpu.memory_space<semaphore_mem>> -> memref<1x!tpu.dma_semaphore, #tpu.memory_space<semaphore_mem>>
    %dma_wait3A_3184 = tpu.memref_squeeze %dma_wait3A_3183 : memref<1x!tpu.dma_semaphore, #tpu.memory_space<semaphore_mem>> -> memref<!tpu.dma_semaphore, #tpu.memory_space<semaphore_mem>>
    tpu.wait_indirect_dma semaphore(%dma_wait3A_3184 : memref<!tpu.dma_semaphore, #tpu.memory_space<semaphore_mem>>) src(%dma_wait3A_3182 : memref<7840x32x256xf32, #tpu.memory_space<hbm>>) dst(%dma_wait3A_3175 : memref<5x32x256xf32, #tpu.memory_space<vmem>>)
    %add3A_3185 = arith.constant 38 : i32
    %add3A_3186 = arith.addi %mul3A_2, %add3A_3185 : i32
    %mul3A_3187 = arith.constant 5 : i32
    %mul3A_3188 = arith.muli %add3A_3186, %mul3A_3187 : i32
    %dma_start3A_3189 = arith.constant 2 : i32
    %dma_start3A_3190 = arith.constant 2 : i32
    %dma_start3A_3191 = arith.constant 0 : i32
    %dma_start3A_3192 = arith.constant 0 : i32
    %dma_start3A_3193 = arith.constant 0 : i32
    %dma_start3A_3194 = tpu.memref_slice %arg6[%dma_start3A_3189, %dma_start3A_3191, %dma_start3A_3192, %dma_start3A_3193] : memref<3x5x32x256xf32, #tpu.memory_space<vmem>> -> memref<1x5x32x256xf32, #tpu.memory_space<vmem>>
    %dma_start3A_3195 = tpu.memref_squeeze %dma_start3A_3194 : memref<1x5x32x256xf32, #tpu.memory_space<vmem>> -> memref<5x32x256xf32, #tpu.memory_space<vmem>>
    %dma_start3A_3196 = arith.constant 0 : i32
    %dma_start3A_3197 = arith.constant 0 : i32
    %dma_start3A_3198 = tpu.memref_slice %arg4[%mul3A_3188, %dma_start3A_3196, %dma_start3A_3197] : memref<7840x32x256xf32, #tpu.memory_space<hbm>> -> memref<5x32x256xf32, #tpu.memory_space<hbm>>
    %dma_start3A_3199 = tpu.memref_slice %arg8[%dma_start3A_3190] : memref<3x!tpu.dma_semaphore, #tpu.memory_space<semaphore_mem>> -> memref<1x!tpu.dma_semaphore, #tpu.memory_space<semaphore_mem>>
    %dma_start3A_3200 = tpu.memref_squeeze %dma_start3A_3199 : memref<1x!tpu.dma_semaphore, #tpu.memory_space<semaphore_mem>> -> memref<!tpu.dma_semaphore, #tpu.memory_space<semaphore_mem>>
    %dma_start3A_3201 = arith.constant 0 : i32
    %dma_start3A_3202 = arith.constant 0 : i32
    %dma_start3A_3203 = tpu.memref_slice %arg4[%mul3A_3188, %dma_start3A_3201, %dma_start3A_3202] : memref<7840x32x256xf32, #tpu.memory_space<hbm>> -> memref<5x32x256xf32, #tpu.memory_space<hbm>>
    %dma_start3A_3204 = arith.constant 0 : i32
    %dma_start3A_3205 = arith.constant 0 : i32
    %dma_start3A_3206 = arith.constant 0 : i32
    %dma_start3A_3207 = tpu.memref_slice %arg6[%dma_start3A_3189, %dma_start3A_3204, %dma_start3A_3205, %dma_start3A_3206] : memref<3x5x32x256xf32, #tpu.memory_space<vmem>> -> memref<1x5x32x256xf32, #tpu.memory_space<vmem>>
    %dma_start3A_3208 = tpu.memref_squeeze %dma_start3A_3207 : memref<1x5x32x256xf32, #tpu.memory_space<vmem>> -> memref<5x32x256xf32, #tpu.memory_space<vmem>>
    tpu.enqueue_dma source(%dma_start3A_3208 : memref<5x32x256xf32, #tpu.memory_space<vmem>>) target(%dma_start3A_3203 : memref<5x32x256xf32, #tpu.memory_space<hbm>>) target_semaphore(%dma_start3A_3200 : memref<!tpu.dma_semaphore, #tpu.memory_space<semaphore_mem>>)
    %add3A_3209 = arith.constant 38 : i32
    %add3A_3210 = arith.addi %mul3A_2, %add3A_3209 : i32
    %mul3A_3211 = arith.constant 5 : i32
    %mul3A_3212 = arith.muli %add3A_3210, %mul3A_3211 : i32
    %dma_wait3A_3213 = arith.constant 2 : i32
    %dma_wait3A_3214 = arith.constant 2 : i32
    %dma_wait3A_3215 = arith.constant 0 : i32
    %dma_wait3A_3216 = arith.constant 0 : i32
    %dma_wait3A_3217 = arith.constant 0 : i32
    %dma_wait3A_3218 = tpu.memref_slice %arg6[%dma_wait3A_3213, %dma_wait3A_3215, %dma_wait3A_3216, %dma_wait3A_3217] : memref<3x5x32x256xf32, #tpu.memory_space<vmem>> -> memref<1x5x32x256xf32, #tpu.memory_space<vmem>>
    %dma_wait3A_3219 = tpu.memref_squeeze %dma_wait3A_3218 : memref<1x5x32x256xf32, #tpu.memory_space<vmem>> -> memref<5x32x256xf32, #tpu.memory_space<vmem>>
    %dma_wait3A_3220 = arith.constant 0 : i32
    %dma_wait3A_3221 = arith.constant 0 : i32
    %dma_wait3A_3222 = tpu.memref_slice %arg4[%mul3A_3212, %dma_wait3A_3220, %dma_wait3A_3221] : memref<7840x32x256xf32, #tpu.memory_space<hbm>> -> memref<5x32x256xf32, #tpu.memory_space<hbm>>
    %dma_wait3A_3223 = tpu.memref_slice %arg8[%dma_wait3A_3214] : memref<3x!tpu.dma_semaphore, #tpu.memory_space<semaphore_mem>> -> memref<1x!tpu.dma_semaphore, #tpu.memory_space<semaphore_mem>>
    %dma_wait3A_3224 = tpu.memref_squeeze %dma_wait3A_3223 : memref<1x!tpu.dma_semaphore, #tpu.memory_space<semaphore_mem>> -> memref<!tpu.dma_semaphore, #tpu.memory_space<semaphore_mem>>
    %dma_wait3A_3225 = arith.constant 0 : i32
    %dma_wait3A_3226 = arith.constant 0 : i32
    %dma_wait3A_3227 = tpu.memref_slice %arg4[%mul3A_3212, %dma_wait3A_3225, %dma_wait3A_3226] : memref<7840x32x256xf32, #tpu.memory_space<hbm>> -> memref<5x32x256xf32, #tpu.memory_space<hbm>>
    %dma_wait3A_3228 = arith.constant 0 : i32
    %dma_wait3A_3229 = arith.constant 0 : i32
    %dma_wait3A_3230 = arith.constant 0 : i32
    %dma_wait3A_3231 = tpu.memref_slice %arg6[%dma_wait3A_3213, %dma_wait3A_3228, %dma_wait3A_3229, %dma_wait3A_3230] : memref<3x5x32x256xf32, #tpu.memory_space<vmem>> -> memref<1x5x32x256xf32, #tpu.memory_space<vmem>>
    %dma_wait3A_3232 = tpu.memref_squeeze %dma_wait3A_3231 : memref<1x5x32x256xf32, #tpu.memory_space<vmem>> -> memref<5x32x256xf32, #tpu.memory_space<vmem>>
    tpu.wait_dma2 semaphore(%dma_wait3A_3224 : memref<!tpu.dma_semaphore, #tpu.memory_space<semaphore_mem>>) src(%dma_wait3A_3232 : memref<5x32x256xf32, #tpu.memory_space<vmem>>) dst(%dma_wait3A_3227 : memref<5x32x256xf32, #tpu.memory_space<hbm>>)
    %dma_start3A_3233 = arith.constant 41 : i32
    %dma_start3A_3234 = arith.constant 2 : i32
    %dma_start3A_3235 = arith.constant 2 : i32
    %dma_start3A_3236 = arith.constant 0 : i32
    %dma_start3A_3237 = arith.constant 0 : i32
    %dma_start3A_3238 = arith.constant 0 : i32
    %dma_start3A_3239 = tpu.memref_slice %arg6[%dma_start3A_3234, %dma_start3A_3236, %dma_start3A_3237, %dma_start3A_3238] : memref<3x5x32x256xf32, #tpu.memory_space<vmem>> -> memref<1x5x32x256xf32, #tpu.memory_space<vmem>>
    %dma_start3A_3240 = tpu.memref_squeeze %dma_start3A_3239 : memref<1x5x32x256xf32, #tpu.memory_space<vmem>> -> memref<5x32x256xf32, #tpu.memory_space<vmem>>
    %dma_start3A_3241 = arith.constant 0 : i32
    %dma_start3A_3242 = tpu.memref_slice %arg5[%dma_start3A_3233, %dma_start3A_3241] : memref<49x5xi32, #tpu.memory_space<vmem>> -> memref<1x5xi32, #tpu.memory_space<vmem>>
    %dma_start3A_3243 = tpu.memref_squeeze %dma_start3A_3242 : memref<1x5xi32, #tpu.memory_space<vmem>> -> memref<5xi32, #tpu.memory_space<vmem>>
    %dma_start3A_3244 = arith.constant 0 : i32
    %dma_start3A_3245 = arith.constant 0 : i32
    %dma_start3A_3246 = arith.constant 0 : i32
    %dma_start3A_3247 = tpu.memref_slice %arg3[%dma_start3A_3244, %dma_start3A_3245, %dma_start3A_3246] : memref<7840x32x256xf32, #tpu.memory_space<hbm>> -> memref<7840x32x256xf32, #tpu.memory_space<hbm>>
    %dma_start3A_3248 = tpu.memref_slice %arg7[%dma_start3A_3235] : memref<3x!tpu.dma_semaphore, #tpu.memory_space<semaphore_mem>> -> memref<1x!tpu.dma_semaphore, #tpu.memory_space<semaphore_mem>>
    %dma_start3A_3249 = tpu.memref_squeeze %dma_start3A_3248 : memref<1x!tpu.dma_semaphore, #tpu.memory_space<semaphore_mem>> -> memref<!tpu.dma_semaphore, #tpu.memory_space<semaphore_mem>>
    tpu.enqueue_indirect_dma source(%dma_start3A_3247 : memref<7840x32x256xf32, #tpu.memory_space<hbm>>) target(%dma_start3A_3240 : memref<5x32x256xf32, #tpu.memory_space<vmem>>) offsets(%dma_start3A_3243 : memref<5xi32, #tpu.memory_space<vmem>>) semaphore(%dma_start3A_3249 : memref<!tpu.dma_semaphore, #tpu.memory_space<semaphore_mem>>)
    %dma_wait3A_3250 = arith.constant 39 : i32
    %dma_wait3A_3251 = arith.constant 0 : i32
    %dma_wait3A_3252 = arith.constant 0 : i32
    %dma_wait3A_3253 = arith.constant 0 : i32
    %dma_wait3A_3254 = arith.constant 0 : i32
    %dma_wait3A_3255 = arith.constant 0 : i32
    %dma_wait3A_3256 = tpu.memref_slice %arg6[%dma_wait3A_3251, %dma_wait3A_3253, %dma_wait3A_3254, %dma_wait3A_3255] : memref<3x5x32x256xf32, #tpu.memory_space<vmem>> -> memref<1x5x32x256xf32, #tpu.memory_space<vmem>>
    %dma_wait3A_3257 = tpu.memref_squeeze %dma_wait3A_3256 : memref<1x5x32x256xf32, #tpu.memory_space<vmem>> -> memref<5x32x256xf32, #tpu.memory_space<vmem>>
    %dma_wait3A_3258 = arith.constant 0 : i32
    %dma_wait3A_3259 = tpu.memref_slice %arg5[%dma_wait3A_3250, %dma_wait3A_3258] : memref<49x5xi32, #tpu.memory_space<vmem>> -> memref<1x5xi32, #tpu.memory_space<vmem>>
    %dma_wait3A_3260 = tpu.memref_squeeze %dma_wait3A_3259 : memref<1x5xi32, #tpu.memory_space<vmem>> -> memref<5xi32, #tpu.memory_space<vmem>>
    %dma_wait3A_3261 = arith.constant 0 : i32
    %dma_wait3A_3262 = arith.constant 0 : i32
    %dma_wait3A_3263 = arith.constant 0 : i32
    %dma_wait3A_3264 = tpu.memref_slice %arg3[%dma_wait3A_3261, %dma_wait3A_3262, %dma_wait3A_3263] : memref<7840x32x256xf32, #tpu.memory_space<hbm>> -> memref<7840x32x256xf32, #tpu.memory_space<hbm>>
    %dma_wait3A_3265 = tpu.memref_slice %arg7[%dma_wait3A_3252] : memref<3x!tpu.dma_semaphore, #tpu.memory_space<semaphore_mem>> -> memref<1x!tpu.dma_semaphore, #tpu.memory_space<semaphore_mem>>
    %dma_wait3A_3266 = tpu.memref_squeeze %dma_wait3A_3265 : memref<1x!tpu.dma_semaphore, #tpu.memory_space<semaphore_mem>> -> memref<!tpu.dma_semaphore, #tpu.memory_space<semaphore_mem>>
    tpu.wait_indirect_dma semaphore(%dma_wait3A_3266 : memref<!tpu.dma_semaphore, #tpu.memory_space<semaphore_mem>>) src(%dma_wait3A_3264 : memref<7840x32x256xf32, #tpu.memory_space<hbm>>) dst(%dma_wait3A_3257 : memref<5x32x256xf32, #tpu.memory_space<vmem>>)
    %add3A_3267 = arith.constant 39 : i32
    %add3A_3268 = arith.addi %mul3A_2, %add3A_3267 : i32
    %mul3A_3269 = arith.constant 5 : i32
    %mul3A_3270 = arith.muli %add3A_3268, %mul3A_3269 : i32
    %dma_start3A_3271 = arith.constant 0 : i32
    %dma_start3A_3272 = arith.constant 0 : i32
    %dma_start3A_3273 = arith.constant 0 : i32
    %dma_start3A_3274 = arith.constant 0 : i32
    %dma_start3A_3275 = arith.constant 0 : i32
    %dma_start3A_3276 = tpu.memref_slice %arg6[%dma_start3A_3271, %dma_start3A_3273, %dma_start3A_3274, %dma_start3A_3275] : memref<3x5x32x256xf32, #tpu.memory_space<vmem>> -> memref<1x5x32x256xf32, #tpu.memory_space<vmem>>
    %dma_start3A_3277 = tpu.memref_squeeze %dma_start3A_3276 : memref<1x5x32x256xf32, #tpu.memory_space<vmem>> -> memref<5x32x256xf32, #tpu.memory_space<vmem>>
    %dma_start3A_3278 = arith.constant 0 : i32
    %dma_start3A_3279 = arith.constant 0 : i32
    %dma_start3A_3280 = tpu.memref_slice %arg4[%mul3A_3270, %dma_start3A_3278, %dma_start3A_3279] : memref<7840x32x256xf32, #tpu.memory_space<hbm>> -> memref<5x32x256xf32, #tpu.memory_space<hbm>>
    %dma_start3A_3281 = tpu.memref_slice %arg8[%dma_start3A_3272] : memref<3x!tpu.dma_semaphore, #tpu.memory_space<semaphore_mem>> -> memref<1x!tpu.dma_semaphore, #tpu.memory_space<semaphore_mem>>
    %dma_start3A_3282 = tpu.memref_squeeze %dma_start3A_3281 : memref<1x!tpu.dma_semaphore, #tpu.memory_space<semaphore_mem>> -> memref<!tpu.dma_semaphore, #tpu.memory_space<semaphore_mem>>
    %dma_start3A_3283 = arith.constant 0 : i32
    %dma_start3A_3284 = arith.constant 0 : i32
    %dma_start3A_3285 = tpu.memref_slice %arg4[%mul3A_3270, %dma_start3A_3283, %dma_start3A_3284] : memref<7840x32x256xf32, #tpu.memory_space<hbm>> -> memref<5x32x256xf32, #tpu.memory_space<hbm>>
    %dma_start3A_3286 = arith.constant 0 : i32
    %dma_start3A_3287 = arith.constant 0 : i32
    %dma_start3A_3288 = arith.constant 0 : i32
    %dma_start3A_3289 = tpu.memref_slice %arg6[%dma_start3A_3271, %dma_start3A_3286, %dma_start3A_3287, %dma_start3A_3288] : memref<3x5x32x256xf32, #tpu.memory_space<vmem>> -> memref<1x5x32x256xf32, #tpu.memory_space<vmem>>
    %dma_start3A_3290 = tpu.memref_squeeze %dma_start3A_3289 : memref<1x5x32x256xf32, #tpu.memory_space<vmem>> -> memref<5x32x256xf32, #tpu.memory_space<vmem>>
    tpu.enqueue_dma source(%dma_start3A_3290 : memref<5x32x256xf32, #tpu.memory_space<vmem>>) target(%dma_start3A_3285 : memref<5x32x256xf32, #tpu.memory_space<hbm>>) target_semaphore(%dma_start3A_3282 : memref<!tpu.dma_semaphore, #tpu.memory_space<semaphore_mem>>)
    %add3A_3291 = arith.constant 39 : i32
    %add3A_3292 = arith.addi %mul3A_2, %add3A_3291 : i32
    %mul3A_3293 = arith.constant 5 : i32
    %mul3A_3294 = arith.muli %add3A_3292, %mul3A_3293 : i32
    %dma_wait3A_3295 = arith.constant 0 : i32
    %dma_wait3A_3296 = arith.constant 0 : i32
    %dma_wait3A_3297 = arith.constant 0 : i32
    %dma_wait3A_3298 = arith.constant 0 : i32
    %dma_wait3A_3299 = arith.constant 0 : i32
    %dma_wait3A_3300 = tpu.memref_slice %arg6[%dma_wait3A_3295, %dma_wait3A_3297, %dma_wait3A_3298, %dma_wait3A_3299] : memref<3x5x32x256xf32, #tpu.memory_space<vmem>> -> memref<1x5x32x256xf32, #tpu.memory_space<vmem>>
    %dma_wait3A_3301 = tpu.memref_squeeze %dma_wait3A_3300 : memref<1x5x32x256xf32, #tpu.memory_space<vmem>> -> memref<5x32x256xf32, #tpu.memory_space<vmem>>
    %dma_wait3A_3302 = arith.constant 0 : i32
    %dma_wait3A_3303 = arith.constant 0 : i32
    %dma_wait3A_3304 = tpu.memref_slice %arg4[%mul3A_3294, %dma_wait3A_3302, %dma_wait3A_3303] : memref<7840x32x256xf32, #tpu.memory_space<hbm>> -> memref<5x32x256xf32, #tpu.memory_space<hbm>>
    %dma_wait3A_3305 = tpu.memref_slice %arg8[%dma_wait3A_3296] : memref<3x!tpu.dma_semaphore, #tpu.memory_space<semaphore_mem>> -> memref<1x!tpu.dma_semaphore, #tpu.memory_space<semaphore_mem>>
    %dma_wait3A_3306 = tpu.memref_squeeze %dma_wait3A_3305 : memref<1x!tpu.dma_semaphore, #tpu.memory_space<semaphore_mem>> -> memref<!tpu.dma_semaphore, #tpu.memory_space<semaphore_mem>>
    %dma_wait3A_3307 = arith.constant 0 : i32
    %dma_wait3A_3308 = arith.constant 0 : i32
    %dma_wait3A_3309 = tpu.memref_slice %arg4[%mul3A_3294, %dma_wait3A_3307, %dma_wait3A_3308] : memref<7840x32x256xf32, #tpu.memory_space<hbm>> -> memref<5x32x256xf32, #tpu.memory_space<hbm>>
    %dma_wait3A_3310 = arith.constant 0 : i32
    %dma_wait3A_3311 = arith.constant 0 : i32
    %dma_wait3A_3312 = arith.constant 0 : i32
    %dma_wait3A_3313 = tpu.memref_slice %arg6[%dma_wait3A_3295, %dma_wait3A_3310, %dma_wait3A_3311, %dma_wait3A_3312] : memref<3x5x32x256xf32, #tpu.memory_space<vmem>> -> memref<1x5x32x256xf32, #tpu.memory_space<vmem>>
    %dma_wait3A_3314 = tpu.memref_squeeze %dma_wait3A_3313 : memref<1x5x32x256xf32, #tpu.memory_space<vmem>> -> memref<5x32x256xf32, #tpu.memory_space<vmem>>
    tpu.wait_dma2 semaphore(%dma_wait3A_3306 : memref<!tpu.dma_semaphore, #tpu.memory_space<semaphore_mem>>) src(%dma_wait3A_3314 : memref<5x32x256xf32, #tpu.memory_space<vmem>>) dst(%dma_wait3A_3309 : memref<5x32x256xf32, #tpu.memory_space<hbm>>)
    %dma_start3A_3315 = arith.constant 42 : i32
    %dma_start3A_3316 = arith.constant 0 : i32
    %dma_start3A_3317 = arith.constant 0 : i32
    %dma_start3A_3318 = arith.constant 0 : i32
    %dma_start3A_3319 = arith.constant 0 : i32
    %dma_start3A_3320 = arith.constant 0 : i32
    %dma_start3A_3321 = tpu.memref_slice %arg6[%dma_start3A_3316, %dma_start3A_3318, %dma_start3A_3319, %dma_start3A_3320] : memref<3x5x32x256xf32, #tpu.memory_space<vmem>> -> memref<1x5x32x256xf32, #tpu.memory_space<vmem>>
    %dma_start3A_3322 = tpu.memref_squeeze %dma_start3A_3321 : memref<1x5x32x256xf32, #tpu.memory_space<vmem>> -> memref<5x32x256xf32, #tpu.memory_space<vmem>>
    %dma_start3A_3323 = arith.constant 0 : i32
    %dma_start3A_3324 = tpu.memref_slice %arg5[%dma_start3A_3315, %dma_start3A_3323] : memref<49x5xi32, #tpu.memory_space<vmem>> -> memref<1x5xi32, #tpu.memory_space<vmem>>
    %dma_start3A_3325 = tpu.memref_squeeze %dma_start3A_3324 : memref<1x5xi32, #tpu.memory_space<vmem>> -> memref<5xi32, #tpu.memory_space<vmem>>
    %dma_start3A_3326 = arith.constant 0 : i32
    %dma_start3A_3327 = arith.constant 0 : i32
    %dma_start3A_3328 = arith.constant 0 : i32
    %dma_start3A_3329 = tpu.memref_slice %arg3[%dma_start3A_3326, %dma_start3A_3327, %dma_start3A_3328] : memref<7840x32x256xf32, #tpu.memory_space<hbm>> -> memref<7840x32x256xf32, #tpu.memory_space<hbm>>
    %dma_start3A_3330 = tpu.memref_slice %arg7[%dma_start3A_3317] : memref<3x!tpu.dma_semaphore, #tpu.memory_space<semaphore_mem>> -> memref<1x!tpu.dma_semaphore, #tpu.memory_space<semaphore_mem>>
    %dma_start3A_3331 = tpu.memref_squeeze %dma_start3A_3330 : memref<1x!tpu.dma_semaphore, #tpu.memory_space<semaphore_mem>> -> memref<!tpu.dma_semaphore, #tpu.memory_space<semaphore_mem>>
    tpu.enqueue_indirect_dma source(%dma_start3A_3329 : memref<7840x32x256xf32, #tpu.memory_space<hbm>>) target(%dma_start3A_3322 : memref<5x32x256xf32, #tpu.memory_space<vmem>>) offsets(%dma_start3A_3325 : memref<5xi32, #tpu.memory_space<vmem>>) semaphore(%dma_start3A_3331 : memref<!tpu.dma_semaphore, #tpu.memory_space<semaphore_mem>>)
    %dma_wait3A_3332 = arith.constant 40 : i32
    %dma_wait3A_3333 = arith.constant 1 : i32
    %dma_wait3A_3334 = arith.constant 1 : i32
    %dma_wait3A_3335 = arith.constant 0 : i32
    %dma_wait3A_3336 = arith.constant 0 : i32
    %dma_wait3A_3337 = arith.constant 0 : i32
    %dma_wait3A_3338 = tpu.memref_slice %arg6[%dma_wait3A_3333, %dma_wait3A_3335, %dma_wait3A_3336, %dma_wait3A_3337] : memref<3x5x32x256xf32, #tpu.memory_space<vmem>> -> memref<1x5x32x256xf32, #tpu.memory_space<vmem>>
    %dma_wait3A_3339 = tpu.memref_squeeze %dma_wait3A_3338 : memref<1x5x32x256xf32, #tpu.memory_space<vmem>> -> memref<5x32x256xf32, #tpu.memory_space<vmem>>
    %dma_wait3A_3340 = arith.constant 0 : i32
    %dma_wait3A_3341 = tpu.memref_slice %arg5[%dma_wait3A_3332, %dma_wait3A_3340] : memref<49x5xi32, #tpu.memory_space<vmem>> -> memref<1x5xi32, #tpu.memory_space<vmem>>
    %dma_wait3A_3342 = tpu.memref_squeeze %dma_wait3A_3341 : memref<1x5xi32, #tpu.memory_space<vmem>> -> memref<5xi32, #tpu.memory_space<vmem>>
    %dma_wait3A_3343 = arith.constant 0 : i32
    %dma_wait3A_3344 = arith.constant 0 : i32
    %dma_wait3A_3345 = arith.constant 0 : i32
    %dma_wait3A_3346 = tpu.memref_slice %arg3[%dma_wait3A_3343, %dma_wait3A_3344, %dma_wait3A_3345] : memref<7840x32x256xf32, #tpu.memory_space<hbm>> -> memref<7840x32x256xf32, #tpu.memory_space<hbm>>
    %dma_wait3A_3347 = tpu.memref_slice %arg7[%dma_wait3A_3334] : memref<3x!tpu.dma_semaphore, #tpu.memory_space<semaphore_mem>> -> memref<1x!tpu.dma_semaphore, #tpu.memory_space<semaphore_mem>>
    %dma_wait3A_3348 = tpu.memref_squeeze %dma_wait3A_3347 : memref<1x!tpu.dma_semaphore, #tpu.memory_space<semaphore_mem>> -> memref<!tpu.dma_semaphore, #tpu.memory_space<semaphore_mem>>
    tpu.wait_indirect_dma semaphore(%dma_wait3A_3348 : memref<!tpu.dma_semaphore, #tpu.memory_space<semaphore_mem>>) src(%dma_wait3A_3346 : memref<7840x32x256xf32, #tpu.memory_space<hbm>>) dst(%dma_wait3A_3339 : memref<5x32x256xf32, #tpu.memory_space<vmem>>)
    %add3A_3349 = arith.constant 40 : i32
    %add3A_3350 = arith.addi %mul3A_2, %add3A_3349 : i32
    %mul3A_3351 = arith.constant 5 : i32
    %mul3A_3352 = arith.muli %add3A_3350, %mul3A_3351 : i32
    %dma_start3A_3353 = arith.constant 1 : i32
    %dma_start3A_3354 = arith.constant 1 : i32
    %dma_start3A_3355 = arith.constant 0 : i32
    %dma_start3A_3356 = arith.constant 0 : i32
    %dma_start3A_3357 = arith.constant 0 : i32
    %dma_start3A_3358 = tpu.memref_slice %arg6[%dma_start3A_3353, %dma_start3A_3355, %dma_start3A_3356, %dma_start3A_3357] : memref<3x5x32x256xf32, #tpu.memory_space<vmem>> -> memref<1x5x32x256xf32, #tpu.memory_space<vmem>>
    %dma_start3A_3359 = tpu.memref_squeeze %dma_start3A_3358 : memref<1x5x32x256xf32, #tpu.memory_space<vmem>> -> memref<5x32x256xf32, #tpu.memory_space<vmem>>
    %dma_start3A_3360 = arith.constant 0 : i32
    %dma_start3A_3361 = arith.constant 0 : i32
    %dma_start3A_3362 = tpu.memref_slice %arg4[%mul3A_3352, %dma_start3A_3360, %dma_start3A_3361] : memref<7840x32x256xf32, #tpu.memory_space<hbm>> -> memref<5x32x256xf32, #tpu.memory_space<hbm>>
    %dma_start3A_3363 = tpu.memref_slice %arg8[%dma_start3A_3354] : memref<3x!tpu.dma_semaphore, #tpu.memory_space<semaphore_mem>> -> memref<1x!tpu.dma_semaphore, #tpu.memory_space<semaphore_mem>>
    %dma_start3A_3364 = tpu.memref_squeeze %dma_start3A_3363 : memref<1x!tpu.dma_semaphore, #tpu.memory_space<semaphore_mem>> -> memref<!tpu.dma_semaphore, #tpu.memory_space<semaphore_mem>>
    %dma_start3A_3365 = arith.constant 0 : i32
    %dma_start3A_3366 = arith.constant 0 : i32
    %dma_start3A_3367 = tpu.memref_slice %arg4[%mul3A_3352, %dma_start3A_3365, %dma_start3A_3366] : memref<7840x32x256xf32, #tpu.memory_space<hbm>> -> memref<5x32x256xf32, #tpu.memory_space<hbm>>
    %dma_start3A_3368 = arith.constant 0 : i32
    %dma_start3A_3369 = arith.constant 0 : i32
    %dma_start3A_3370 = arith.constant 0 : i32
    %dma_start3A_3371 = tpu.memref_slice %arg6[%dma_start3A_3353, %dma_start3A_3368, %dma_start3A_3369, %dma_start3A_3370] : memref<3x5x32x256xf32, #tpu.memory_space<vmem>> -> memref<1x5x32x256xf32, #tpu.memory_space<vmem>>
    %dma_start3A_3372 = tpu.memref_squeeze %dma_start3A_3371 : memref<1x5x32x256xf32, #tpu.memory_space<vmem>> -> memref<5x32x256xf32, #tpu.memory_space<vmem>>
    tpu.enqueue_dma source(%dma_start3A_3372 : memref<5x32x256xf32, #tpu.memory_space<vmem>>) target(%dma_start3A_3367 : memref<5x32x256xf32, #tpu.memory_space<hbm>>) target_semaphore(%dma_start3A_3364 : memref<!tpu.dma_semaphore, #tpu.memory_space<semaphore_mem>>)
    %add3A_3373 = arith.constant 40 : i32
    %add3A_3374 = arith.addi %mul3A_2, %add3A_3373 : i32
    %mul3A_3375 = arith.constant 5 : i32
    %mul3A_3376 = arith.muli %add3A_3374, %mul3A_3375 : i32
    %dma_wait3A_3377 = arith.constant 1 : i32
    %dma_wait3A_3378 = arith.constant 1 : i32
    %dma_wait3A_3379 = arith.constant 0 : i32
    %dma_wait3A_3380 = arith.constant 0 : i32
    %dma_wait3A_3381 = arith.constant 0 : i32
    %dma_wait3A_3382 = tpu.memref_slice %arg6[%dma_wait3A_3377, %dma_wait3A_3379, %dma_wait3A_3380, %dma_wait3A_3381] : memref<3x5x32x256xf32, #tpu.memory_space<vmem>> -> memref<1x5x32x256xf32, #tpu.memory_space<vmem>>
    %dma_wait3A_3383 = tpu.memref_squeeze %dma_wait3A_3382 : memref<1x5x32x256xf32, #tpu.memory_space<vmem>> -> memref<5x32x256xf32, #tpu.memory_space<vmem>>
    %dma_wait3A_3384 = arith.constant 0 : i32
    %dma_wait3A_3385 = arith.constant 0 : i32
    %dma_wait3A_3386 = tpu.memref_slice %arg4[%mul3A_3376, %dma_wait3A_3384, %dma_wait3A_3385] : memref<7840x32x256xf32, #tpu.memory_space<hbm>> -> memref<5x32x256xf32, #tpu.memory_space<hbm>>
    %dma_wait3A_3387 = tpu.memref_slice %arg8[%dma_wait3A_3378] : memref<3x!tpu.dma_semaphore, #tpu.memory_space<semaphore_mem>> -> memref<1x!tpu.dma_semaphore, #tpu.memory_space<semaphore_mem>>
    %dma_wait3A_3388 = tpu.memref_squeeze %dma_wait3A_3387 : memref<1x!tpu.dma_semaphore, #tpu.memory_space<semaphore_mem>> -> memref<!tpu.dma_semaphore, #tpu.memory_space<semaphore_mem>>
    %dma_wait3A_3389 = arith.constant 0 : i32
    %dma_wait3A_3390 = arith.constant 0 : i32
    %dma_wait3A_3391 = tpu.memref_slice %arg4[%mul3A_3376, %dma_wait3A_3389, %dma_wait3A_3390] : memref<7840x32x256xf32, #tpu.memory_space<hbm>> -> memref<5x32x256xf32, #tpu.memory_space<hbm>>
    %dma_wait3A_3392 = arith.constant 0 : i32
    %dma_wait3A_3393 = arith.constant 0 : i32
    %dma_wait3A_3394 = arith.constant 0 : i32
    %dma_wait3A_3395 = tpu.memref_slice %arg6[%dma_wait3A_3377, %dma_wait3A_3392, %dma_wait3A_3393, %dma_wait3A_3394] : memref<3x5x32x256xf32, #tpu.memory_space<vmem>> -> memref<1x5x32x256xf32, #tpu.memory_space<vmem>>
    %dma_wait3A_3396 = tpu.memref_squeeze %dma_wait3A_3395 : memref<1x5x32x256xf32, #tpu.memory_space<vmem>> -> memref<5x32x256xf32, #tpu.memory_space<vmem>>
    tpu.wait_dma2 semaphore(%dma_wait3A_3388 : memref<!tpu.dma_semaphore, #tpu.memory_space<semaphore_mem>>) src(%dma_wait3A_3396 : memref<5x32x256xf32, #tpu.memory_space<vmem>>) dst(%dma_wait3A_3391 : memref<5x32x256xf32, #tpu.memory_space<hbm>>)
    %dma_start3A_3397 = arith.constant 43 : i32
    %dma_start3A_3398 = arith.constant 1 : i32
    %dma_start3A_3399 = arith.constant 1 : i32
    %dma_start3A_3400 = arith.constant 0 : i32
    %dma_start3A_3401 = arith.constant 0 : i32
    %dma_start3A_3402 = arith.constant 0 : i32
    %dma_start3A_3403 = tpu.memref_slice %arg6[%dma_start3A_3398, %dma_start3A_3400, %dma_start3A_3401, %dma_start3A_3402] : memref<3x5x32x256xf32, #tpu.memory_space<vmem>> -> memref<1x5x32x256xf32, #tpu.memory_space<vmem>>
    %dma_start3A_3404 = tpu.memref_squeeze %dma_start3A_3403 : memref<1x5x32x256xf32, #tpu.memory_space<vmem>> -> memref<5x32x256xf32, #tpu.memory_space<vmem>>
    %dma_start3A_3405 = arith.constant 0 : i32
    %dma_start3A_3406 = tpu.memref_slice %arg5[%dma_start3A_3397, %dma_start3A_3405] : memref<49x5xi32, #tpu.memory_space<vmem>> -> memref<1x5xi32, #tpu.memory_space<vmem>>
    %dma_start3A_3407 = tpu.memref_squeeze %dma_start3A_3406 : memref<1x5xi32, #tpu.memory_space<vmem>> -> memref<5xi32, #tpu.memory_space<vmem>>
    %dma_start3A_3408 = arith.constant 0 : i32
    %dma_start3A_3409 = arith.constant 0 : i32
    %dma_start3A_3410 = arith.constant 0 : i32
    %dma_start3A_3411 = tpu.memref_slice %arg3[%dma_start3A_3408, %dma_start3A_3409, %dma_start3A_3410] : memref<7840x32x256xf32, #tpu.memory_space<hbm>> -> memref<7840x32x256xf32, #tpu.memory_space<hbm>>
    %dma_start3A_3412 = tpu.memref_slice %arg7[%dma_start3A_3399] : memref<3x!tpu.dma_semaphore, #tpu.memory_space<semaphore_mem>> -> memref<1x!tpu.dma_semaphore, #tpu.memory_space<semaphore_mem>>
    %dma_start3A_3413 = tpu.memref_squeeze %dma_start3A_3412 : memref<1x!tpu.dma_semaphore, #tpu.memory_space<semaphore_mem>> -> memref<!tpu.dma_semaphore, #tpu.memory_space<semaphore_mem>>
    tpu.enqueue_indirect_dma source(%dma_start3A_3411 : memref<7840x32x256xf32, #tpu.memory_space<hbm>>) target(%dma_start3A_3404 : memref<5x32x256xf32, #tpu.memory_space<vmem>>) offsets(%dma_start3A_3407 : memref<5xi32, #tpu.memory_space<vmem>>) semaphore(%dma_start3A_3413 : memref<!tpu.dma_semaphore, #tpu.memory_space<semaphore_mem>>)
    %dma_wait3A_3414 = arith.constant 41 : i32
    %dma_wait3A_3415 = arith.constant 2 : i32
    %dma_wait3A_3416 = arith.constant 2 : i32
    %dma_wait3A_3417 = arith.constant 0 : i32
    %dma_wait3A_3418 = arith.constant 0 : i32
    %dma_wait3A_3419 = arith.constant 0 : i32
    %dma_wait3A_3420 = tpu.memref_slice %arg6[%dma_wait3A_3415, %dma_wait3A_3417, %dma_wait3A_3418, %dma_wait3A_3419] : memref<3x5x32x256xf32, #tpu.memory_space<vmem>> -> memref<1x5x32x256xf32, #tpu.memory_space<vmem>>
    %dma_wait3A_3421 = tpu.memref_squeeze %dma_wait3A_3420 : memref<1x5x32x256xf32, #tpu.memory_space<vmem>> -> memref<5x32x256xf32, #tpu.memory_space<vmem>>
    %dma_wait3A_3422 = arith.constant 0 : i32
    %dma_wait3A_3423 = tpu.memref_slice %arg5[%dma_wait3A_3414, %dma_wait3A_3422] : memref<49x5xi32, #tpu.memory_space<vmem>> -> memref<1x5xi32, #tpu.memory_space<vmem>>
    %dma_wait3A_3424 = tpu.memref_squeeze %dma_wait3A_3423 : memref<1x5xi32, #tpu.memory_space<vmem>> -> memref<5xi32, #tpu.memory_space<vmem>>
    %dma_wait3A_3425 = arith.constant 0 : i32
    %dma_wait3A_3426 = arith.constant 0 : i32
    %dma_wait3A_3427 = arith.constant 0 : i32
    %dma_wait3A_3428 = tpu.memref_slice %arg3[%dma_wait3A_3425, %dma_wait3A_3426, %dma_wait3A_3427] : memref<7840x32x256xf32, #tpu.memory_space<hbm>> -> memref<7840x32x256xf32, #tpu.memory_space<hbm>>
    %dma_wait3A_3429 = tpu.memref_slice %arg7[%dma_wait3A_3416] : memref<3x!tpu.dma_semaphore, #tpu.memory_space<semaphore_mem>> -> memref<1x!tpu.dma_semaphore, #tpu.memory_space<semaphore_mem>>
    %dma_wait3A_3430 = tpu.memref_squeeze %dma_wait3A_3429 : memref<1x!tpu.dma_semaphore, #tpu.memory_space<semaphore_mem>> -> memref<!tpu.dma_semaphore, #tpu.memory_space<semaphore_mem>>
    tpu.wait_indirect_dma semaphore(%dma_wait3A_3430 : memref<!tpu.dma_semaphore, #tpu.memory_space<semaphore_mem>>) src(%dma_wait3A_3428 : memref<7840x32x256xf32, #tpu.memory_space<hbm>>) dst(%dma_wait3A_3421 : memref<5x32x256xf32, #tpu.memory_space<vmem>>)
    %add3A_3431 = arith.constant 41 : i32
    %add3A_3432 = arith.addi %mul3A_2, %add3A_3431 : i32
    %mul3A_3433 = arith.constant 5 : i32
    %mul3A_3434 = arith.muli %add3A_3432, %mul3A_3433 : i32
    %dma_start3A_3435 = arith.constant 2 : i32
    %dma_start3A_3436 = arith.constant 2 : i32
    %dma_start3A_3437 = arith.constant 0 : i32
    %dma_start3A_3438 = arith.constant 0 : i32
    %dma_start3A_3439 = arith.constant 0 : i32
    %dma_start3A_3440 = tpu.memref_slice %arg6[%dma_start3A_3435, %dma_start3A_3437, %dma_start3A_3438, %dma_start3A_3439] : memref<3x5x32x256xf32, #tpu.memory_space<vmem>> -> memref<1x5x32x256xf32, #tpu.memory_space<vmem>>
    %dma_start3A_3441 = tpu.memref_squeeze %dma_start3A_3440 : memref<1x5x32x256xf32, #tpu.memory_space<vmem>> -> memref<5x32x256xf32, #tpu.memory_space<vmem>>
    %dma_start3A_3442 = arith.constant 0 : i32
    %dma_start3A_3443 = arith.constant 0 : i32
    %dma_start3A_3444 = tpu.memref_slice %arg4[%mul3A_3434, %dma_start3A_3442, %dma_start3A_3443] : memref<7840x32x256xf32, #tpu.memory_space<hbm>> -> memref<5x32x256xf32, #tpu.memory_space<hbm>>
    %dma_start3A_3445 = tpu.memref_slice %arg8[%dma_start3A_3436] : memref<3x!tpu.dma_semaphore, #tpu.memory_space<semaphore_mem>> -> memref<1x!tpu.dma_semaphore, #tpu.memory_space<semaphore_mem>>
    %dma_start3A_3446 = tpu.memref_squeeze %dma_start3A_3445 : memref<1x!tpu.dma_semaphore, #tpu.memory_space<semaphore_mem>> -> memref<!tpu.dma_semaphore, #tpu.memory_space<semaphore_mem>>
    %dma_start3A_3447 = arith.constant 0 : i32
    %dma_start3A_3448 = arith.constant 0 : i32
    %dma_start3A_3449 = tpu.memref_slice %arg4[%mul3A_3434, %dma_start3A_3447, %dma_start3A_3448] : memref<7840x32x256xf32, #tpu.memory_space<hbm>> -> memref<5x32x256xf32, #tpu.memory_space<hbm>>
    %dma_start3A_3450 = arith.constant 0 : i32
    %dma_start3A_3451 = arith.constant 0 : i32
    %dma_start3A_3452 = arith.constant 0 : i32
    %dma_start3A_3453 = tpu.memref_slice %arg6[%dma_start3A_3435, %dma_start3A_3450, %dma_start3A_3451, %dma_start3A_3452] : memref<3x5x32x256xf32, #tpu.memory_space<vmem>> -> memref<1x5x32x256xf32, #tpu.memory_space<vmem>>
    %dma_start3A_3454 = tpu.memref_squeeze %dma_start3A_3453 : memref<1x5x32x256xf32, #tpu.memory_space<vmem>> -> memref<5x32x256xf32, #tpu.memory_space<vmem>>
    tpu.enqueue_dma source(%dma_start3A_3454 : memref<5x32x256xf32, #tpu.memory_space<vmem>>) target(%dma_start3A_3449 : memref<5x32x256xf32, #tpu.memory_space<hbm>>) target_semaphore(%dma_start3A_3446 : memref<!tpu.dma_semaphore, #tpu.memory_space<semaphore_mem>>)
    %add3A_3455 = arith.constant 41 : i32
    %add3A_3456 = arith.addi %mul3A_2, %add3A_3455 : i32
    %mul3A_3457 = arith.constant 5 : i32
    %mul3A_3458 = arith.muli %add3A_3456, %mul3A_3457 : i32
    %dma_wait3A_3459 = arith.constant 2 : i32
    %dma_wait3A_3460 = arith.constant 2 : i32
    %dma_wait3A_3461 = arith.constant 0 : i32
    %dma_wait3A_3462 = arith.constant 0 : i32
    %dma_wait3A_3463 = arith.constant 0 : i32
    %dma_wait3A_3464 = tpu.memref_slice %arg6[%dma_wait3A_3459, %dma_wait3A_3461, %dma_wait3A_3462, %dma_wait3A_3463] : memref<3x5x32x256xf32, #tpu.memory_space<vmem>> -> memref<1x5x32x256xf32, #tpu.memory_space<vmem>>
    %dma_wait3A_3465 = tpu.memref_squeeze %dma_wait3A_3464 : memref<1x5x32x256xf32, #tpu.memory_space<vmem>> -> memref<5x32x256xf32, #tpu.memory_space<vmem>>
    %dma_wait3A_3466 = arith.constant 0 : i32
    %dma_wait3A_3467 = arith.constant 0 : i32
    %dma_wait3A_3468 = tpu.memref_slice %arg4[%mul3A_3458, %dma_wait3A_3466, %dma_wait3A_3467] : memref<7840x32x256xf32, #tpu.memory_space<hbm>> -> memref<5x32x256xf32, #tpu.memory_space<hbm>>
    %dma_wait3A_3469 = tpu.memref_slice %arg8[%dma_wait3A_3460] : memref<3x!tpu.dma_semaphore, #tpu.memory_space<semaphore_mem>> -> memref<1x!tpu.dma_semaphore, #tpu.memory_space<semaphore_mem>>
    %dma_wait3A_3470 = tpu.memref_squeeze %dma_wait3A_3469 : memref<1x!tpu.dma_semaphore, #tpu.memory_space<semaphore_mem>> -> memref<!tpu.dma_semaphore, #tpu.memory_space<semaphore_mem>>
    %dma_wait3A_3471 = arith.constant 0 : i32
    %dma_wait3A_3472 = arith.constant 0 : i32
    %dma_wait3A_3473 = tpu.memref_slice %arg4[%mul3A_3458, %dma_wait3A_3471, %dma_wait3A_3472] : memref<7840x32x256xf32, #tpu.memory_space<hbm>> -> memref<5x32x256xf32, #tpu.memory_space<hbm>>
    %dma_wait3A_3474 = arith.constant 0 : i32
    %dma_wait3A_3475 = arith.constant 0 : i32
    %dma_wait3A_3476 = arith.constant 0 : i32
    %dma_wait3A_3477 = tpu.memref_slice %arg6[%dma_wait3A_3459, %dma_wait3A_3474, %dma_wait3A_3475, %dma_wait3A_3476] : memref<3x5x32x256xf32, #tpu.memory_space<vmem>> -> memref<1x5x32x256xf32, #tpu.memory_space<vmem>>
    %dma_wait3A_3478 = tpu.memref_squeeze %dma_wait3A_3477 : memref<1x5x32x256xf32, #tpu.memory_space<vmem>> -> memref<5x32x256xf32, #tpu.memory_space<vmem>>
    tpu.wait_dma2 semaphore(%dma_wait3A_3470 : memref<!tpu.dma_semaphore, #tpu.memory_space<semaphore_mem>>) src(%dma_wait3A_3478 : memref<5x32x256xf32, #tpu.memory_space<vmem>>) dst(%dma_wait3A_3473 : memref<5x32x256xf32, #tpu.memory_space<hbm>>)
    %dma_start3A_3479 = arith.constant 44 : i32
    %dma_start3A_3480 = arith.constant 2 : i32
    %dma_start3A_3481 = arith.constant 2 : i32
    %dma_start3A_3482 = arith.constant 0 : i32
    %dma_start3A_3483 = arith.constant 0 : i32
    %dma_start3A_3484 = arith.constant 0 : i32
    %dma_start3A_3485 = tpu.memref_slice %arg6[%dma_start3A_3480, %dma_start3A_3482, %dma_start3A_3483, %dma_start3A_3484] : memref<3x5x32x256xf32, #tpu.memory_space<vmem>> -> memref<1x5x32x256xf32, #tpu.memory_space<vmem>>
    %dma_start3A_3486 = tpu.memref_squeeze %dma_start3A_3485 : memref<1x5x32x256xf32, #tpu.memory_space<vmem>> -> memref<5x32x256xf32, #tpu.memory_space<vmem>>
    %dma_start3A_3487 = arith.constant 0 : i32
    %dma_start3A_3488 = tpu.memref_slice %arg5[%dma_start3A_3479, %dma_start3A_3487] : memref<49x5xi32, #tpu.memory_space<vmem>> -> memref<1x5xi32, #tpu.memory_space<vmem>>
    %dma_start3A_3489 = tpu.memref_squeeze %dma_start3A_3488 : memref<1x5xi32, #tpu.memory_space<vmem>> -> memref<5xi32, #tpu.memory_space<vmem>>
    %dma_start3A_3490 = arith.constant 0 : i32
    %dma_start3A_3491 = arith.constant 0 : i32
    %dma_start3A_3492 = arith.constant 0 : i32
    %dma_start3A_3493 = tpu.memref_slice %arg3[%dma_start3A_3490, %dma_start3A_3491, %dma_start3A_3492] : memref<7840x32x256xf32, #tpu.memory_space<hbm>> -> memref<7840x32x256xf32, #tpu.memory_space<hbm>>
    %dma_start3A_3494 = tpu.memref_slice %arg7[%dma_start3A_3481] : memref<3x!tpu.dma_semaphore, #tpu.memory_space<semaphore_mem>> -> memref<1x!tpu.dma_semaphore, #tpu.memory_space<semaphore_mem>>
    %dma_start3A_3495 = tpu.memref_squeeze %dma_start3A_3494 : memref<1x!tpu.dma_semaphore, #tpu.memory_space<semaphore_mem>> -> memref<!tpu.dma_semaphore, #tpu.memory_space<semaphore_mem>>
    tpu.enqueue_indirect_dma source(%dma_start3A_3493 : memref<7840x32x256xf32, #tpu.memory_space<hbm>>) target(%dma_start3A_3486 : memref<5x32x256xf32, #tpu.memory_space<vmem>>) offsets(%dma_start3A_3489 : memref<5xi32, #tpu.memory_space<vmem>>) semaphore(%dma_start3A_3495 : memref<!tpu.dma_semaphore, #tpu.memory_space<semaphore_mem>>)
    %dma_wait3A_3496 = arith.constant 42 : i32
    %dma_wait3A_3497 = arith.constant 0 : i32
    %dma_wait3A_3498 = arith.constant 0 : i32
    %dma_wait3A_3499 = arith.constant 0 : i32
    %dma_wait3A_3500 = arith.constant 0 : i32
    %dma_wait3A_3501 = arith.constant 0 : i32
    %dma_wait3A_3502 = tpu.memref_slice %arg6[%dma_wait3A_3497, %dma_wait3A_3499, %dma_wait3A_3500, %dma_wait3A_3501] : memref<3x5x32x256xf32, #tpu.memory_space<vmem>> -> memref<1x5x32x256xf32, #tpu.memory_space<vmem>>
    %dma_wait3A_3503 = tpu.memref_squeeze %dma_wait3A_3502 : memref<1x5x32x256xf32, #tpu.memory_space<vmem>> -> memref<5x32x256xf32, #tpu.memory_space<vmem>>
    %dma_wait3A_3504 = arith.constant 0 : i32
    %dma_wait3A_3505 = tpu.memref_slice %arg5[%dma_wait3A_3496, %dma_wait3A_3504] : memref<49x5xi32, #tpu.memory_space<vmem>> -> memref<1x5xi32, #tpu.memory_space<vmem>>
    %dma_wait3A_3506 = tpu.memref_squeeze %dma_wait3A_3505 : memref<1x5xi32, #tpu.memory_space<vmem>> -> memref<5xi32, #tpu.memory_space<vmem>>
    %dma_wait3A_3507 = arith.constant 0 : i32
    %dma_wait3A_3508 = arith.constant 0 : i32
    %dma_wait3A_3509 = arith.constant 0 : i32
    %dma_wait3A_3510 = tpu.memref_slice %arg3[%dma_wait3A_3507, %dma_wait3A_3508, %dma_wait3A_3509] : memref<7840x32x256xf32, #tpu.memory_space<hbm>> -> memref<7840x32x256xf32, #tpu.memory_space<hbm>>
    %dma_wait3A_3511 = tpu.memref_slice %arg7[%dma_wait3A_3498] : memref<3x!tpu.dma_semaphore, #tpu.memory_space<semaphore_mem>> -> memref<1x!tpu.dma_semaphore, #tpu.memory_space<semaphore_mem>>
    %dma_wait3A_3512 = tpu.memref_squeeze %dma_wait3A_3511 : memref<1x!tpu.dma_semaphore, #tpu.memory_space<semaphore_mem>> -> memref<!tpu.dma_semaphore, #tpu.memory_space<semaphore_mem>>
    tpu.wait_indirect_dma semaphore(%dma_wait3A_3512 : memref<!tpu.dma_semaphore, #tpu.memory_space<semaphore_mem>>) src(%dma_wait3A_3510 : memref<7840x32x256xf32, #tpu.memory_space<hbm>>) dst(%dma_wait3A_3503 : memref<5x32x256xf32, #tpu.memory_space<vmem>>)
    %add3A_3513 = arith.constant 42 : i32
    %add3A_3514 = arith.addi %mul3A_2, %add3A_3513 : i32
    %mul3A_3515 = arith.constant 5 : i32
    %mul3A_3516 = arith.muli %add3A_3514, %mul3A_3515 : i32
    %dma_start3A_3517 = arith.constant 0 : i32
    %dma_start3A_3518 = arith.constant 0 : i32
    %dma_start3A_3519 = arith.constant 0 : i32
    %dma_start3A_3520 = arith.constant 0 : i32
    %dma_start3A_3521 = arith.constant 0 : i32
    %dma_start3A_3522 = tpu.memref_slice %arg6[%dma_start3A_3517, %dma_start3A_3519, %dma_start3A_3520, %dma_start3A_3521] : memref<3x5x32x256xf32, #tpu.memory_space<vmem>> -> memref<1x5x32x256xf32, #tpu.memory_space<vmem>>
    %dma_start3A_3523 = tpu.memref_squeeze %dma_start3A_3522 : memref<1x5x32x256xf32, #tpu.memory_space<vmem>> -> memref<5x32x256xf32, #tpu.memory_space<vmem>>
    %dma_start3A_3524 = arith.constant 0 : i32
    %dma_start3A_3525 = arith.constant 0 : i32
    %dma_start3A_3526 = tpu.memref_slice %arg4[%mul3A_3516, %dma_start3A_3524, %dma_start3A_3525] : memref<7840x32x256xf32, #tpu.memory_space<hbm>> -> memref<5x32x256xf32, #tpu.memory_space<hbm>>
    %dma_start3A_3527 = tpu.memref_slice %arg8[%dma_start3A_3518] : memref<3x!tpu.dma_semaphore, #tpu.memory_space<semaphore_mem>> -> memref<1x!tpu.dma_semaphore, #tpu.memory_space<semaphore_mem>>
    %dma_start3A_3528 = tpu.memref_squeeze %dma_start3A_3527 : memref<1x!tpu.dma_semaphore, #tpu.memory_space<semaphore_mem>> -> memref<!tpu.dma_semaphore, #tpu.memory_space<semaphore_mem>>
    %dma_start3A_3529 = arith.constant 0 : i32
    %dma_start3A_3530 = arith.constant 0 : i32
    %dma_start3A_3531 = tpu.memref_slice %arg4[%mul3A_3516, %dma_start3A_3529, %dma_start3A_3530] : memref<7840x32x256xf32, #tpu.memory_space<hbm>> -> memref<5x32x256xf32, #tpu.memory_space<hbm>>
    %dma_start3A_3532 = arith.constant 0 : i32
    %dma_start3A_3533 = arith.constant 0 : i32
    %dma_start3A_3534 = arith.constant 0 : i32
    %dma_start3A_3535 = tpu.memref_slice %arg6[%dma_start3A_3517, %dma_start3A_3532, %dma_start3A_3533, %dma_start3A_3534] : memref<3x5x32x256xf32, #tpu.memory_space<vmem>> -> memref<1x5x32x256xf32, #tpu.memory_space<vmem>>
    %dma_start3A_3536 = tpu.memref_squeeze %dma_start3A_3535 : memref<1x5x32x256xf32, #tpu.memory_space<vmem>> -> memref<5x32x256xf32, #tpu.memory_space<vmem>>
    tpu.enqueue_dma source(%dma_start3A_3536 : memref<5x32x256xf32, #tpu.memory_space<vmem>>) target(%dma_start3A_3531 : memref<5x32x256xf32, #tpu.memory_space<hbm>>) target_semaphore(%dma_start3A_3528 : memref<!tpu.dma_semaphore, #tpu.memory_space<semaphore_mem>>)
    %add3A_3537 = arith.constant 42 : i32
    %add3A_3538 = arith.addi %mul3A_2, %add3A_3537 : i32
    %mul3A_3539 = arith.constant 5 : i32
    %mul3A_3540 = arith.muli %add3A_3538, %mul3A_3539 : i32
    %dma_wait3A_3541 = arith.constant 0 : i32
    %dma_wait3A_3542 = arith.constant 0 : i32
    %dma_wait3A_3543 = arith.constant 0 : i32
    %dma_wait3A_3544 = arith.constant 0 : i32
    %dma_wait3A_3545 = arith.constant 0 : i32
    %dma_wait3A_3546 = tpu.memref_slice %arg6[%dma_wait3A_3541, %dma_wait3A_3543, %dma_wait3A_3544, %dma_wait3A_3545] : memref<3x5x32x256xf32, #tpu.memory_space<vmem>> -> memref<1x5x32x256xf32, #tpu.memory_space<vmem>>
    %dma_wait3A_3547 = tpu.memref_squeeze %dma_wait3A_3546 : memref<1x5x32x256xf32, #tpu.memory_space<vmem>> -> memref<5x32x256xf32, #tpu.memory_space<vmem>>
    %dma_wait3A_3548 = arith.constant 0 : i32
    %dma_wait3A_3549 = arith.constant 0 : i32
    %dma_wait3A_3550 = tpu.memref_slice %arg4[%mul3A_3540, %dma_wait3A_3548, %dma_wait3A_3549] : memref<7840x32x256xf32, #tpu.memory_space<hbm>> -> memref<5x32x256xf32, #tpu.memory_space<hbm>>
    %dma_wait3A_3551 = tpu.memref_slice %arg8[%dma_wait3A_3542] : memref<3x!tpu.dma_semaphore, #tpu.memory_space<semaphore_mem>> -> memref<1x!tpu.dma_semaphore, #tpu.memory_space<semaphore_mem>>
    %dma_wait3A_3552 = tpu.memref_squeeze %dma_wait3A_3551 : memref<1x!tpu.dma_semaphore, #tpu.memory_space<semaphore_mem>> -> memref<!tpu.dma_semaphore, #tpu.memory_space<semaphore_mem>>
    %dma_wait3A_3553 = arith.constant 0 : i32
    %dma_wait3A_3554 = arith.constant 0 : i32
    %dma_wait3A_3555 = tpu.memref_slice %arg4[%mul3A_3540, %dma_wait3A_3553, %dma_wait3A_3554] : memref<7840x32x256xf32, #tpu.memory_space<hbm>> -> memref<5x32x256xf32, #tpu.memory_space<hbm>>
    %dma_wait3A_3556 = arith.constant 0 : i32
    %dma_wait3A_3557 = arith.constant 0 : i32
    %dma_wait3A_3558 = arith.constant 0 : i32
    %dma_wait3A_3559 = tpu.memref_slice %arg6[%dma_wait3A_3541, %dma_wait3A_3556, %dma_wait3A_3557, %dma_wait3A_3558] : memref<3x5x32x256xf32, #tpu.memory_space<vmem>> -> memref<1x5x32x256xf32, #tpu.memory_space<vmem>>
    %dma_wait3A_3560 = tpu.memref_squeeze %dma_wait3A_3559 : memref<1x5x32x256xf32, #tpu.memory_space<vmem>> -> memref<5x32x256xf32, #tpu.memory_space<vmem>>
    tpu.wait_dma2 semaphore(%dma_wait3A_3552 : memref<!tpu.dma_semaphore, #tpu.memory_space<semaphore_mem>>) src(%dma_wait3A_3560 : memref<5x32x256xf32, #tpu.memory_space<vmem>>) dst(%dma_wait3A_3555 : memref<5x32x256xf32, #tpu.memory_space<hbm>>)
    %dma_start3A_3561 = arith.constant 45 : i32
    %dma_start3A_3562 = arith.constant 0 : i32
    %dma_start3A_3563 = arith.constant 0 : i32
    %dma_start3A_3564 = arith.constant 0 : i32
    %dma_start3A_3565 = arith.constant 0 : i32
    %dma_start3A_3566 = arith.constant 0 : i32
    %dma_start3A_3567 = tpu.memref_slice %arg6[%dma_start3A_3562, %dma_start3A_3564, %dma_start3A_3565, %dma_start3A_3566] : memref<3x5x32x256xf32, #tpu.memory_space<vmem>> -> memref<1x5x32x256xf32, #tpu.memory_space<vmem>>
    %dma_start3A_3568 = tpu.memref_squeeze %dma_start3A_3567 : memref<1x5x32x256xf32, #tpu.memory_space<vmem>> -> memref<5x32x256xf32, #tpu.memory_space<vmem>>
    %dma_start3A_3569 = arith.constant 0 : i32
    %dma_start3A_3570 = tpu.memref_slice %arg5[%dma_start3A_3561, %dma_start3A_3569] : memref<49x5xi32, #tpu.memory_space<vmem>> -> memref<1x5xi32, #tpu.memory_space<vmem>>
    %dma_start3A_3571 = tpu.memref_squeeze %dma_start3A_3570 : memref<1x5xi32, #tpu.memory_space<vmem>> -> memref<5xi32, #tpu.memory_space<vmem>>
    %dma_start3A_3572 = arith.constant 0 : i32
    %dma_start3A_3573 = arith.constant 0 : i32
    %dma_start3A_3574 = arith.constant 0 : i32
    %dma_start3A_3575 = tpu.memref_slice %arg3[%dma_start3A_3572, %dma_start3A_3573, %dma_start3A_3574] : memref<7840x32x256xf32, #tpu.memory_space<hbm>> -> memref<7840x32x256xf32, #tpu.memory_space<hbm>>
    %dma_start3A_3576 = tpu.memref_slice %arg7[%dma_start3A_3563] : memref<3x!tpu.dma_semaphore, #tpu.memory_space<semaphore_mem>> -> memref<1x!tpu.dma_semaphore, #tpu.memory_space<semaphore_mem>>
    %dma_start3A_3577 = tpu.memref_squeeze %dma_start3A_3576 : memref<1x!tpu.dma_semaphore, #tpu.memory_space<semaphore_mem>> -> memref<!tpu.dma_semaphore, #tpu.memory_space<semaphore_mem>>
    tpu.enqueue_indirect_dma source(%dma_start3A_3575 : memref<7840x32x256xf32, #tpu.memory_space<hbm>>) target(%dma_start3A_3568 : memref<5x32x256xf32, #tpu.memory_space<vmem>>) offsets(%dma_start3A_3571 : memref<5xi32, #tpu.memory_space<vmem>>) semaphore(%dma_start3A_3577 : memref<!tpu.dma_semaphore, #tpu.memory_space<semaphore_mem>>)
    %dma_wait3A_3578 = arith.constant 43 : i32
    %dma_wait3A_3579 = arith.constant 1 : i32
    %dma_wait3A_3580 = arith.constant 1 : i32
    %dma_wait3A_3581 = arith.constant 0 : i32
    %dma_wait3A_3582 = arith.constant 0 : i32
    %dma_wait3A_3583 = arith.constant 0 : i32
    %dma_wait3A_3584 = tpu.memref_slice %arg6[%dma_wait3A_3579, %dma_wait3A_3581, %dma_wait3A_3582, %dma_wait3A_3583] : memref<3x5x32x256xf32, #tpu.memory_space<vmem>> -> memref<1x5x32x256xf32, #tpu.memory_space<vmem>>
    %dma_wait3A_3585 = tpu.memref_squeeze %dma_wait3A_3584 : memref<1x5x32x256xf32, #tpu.memory_space<vmem>> -> memref<5x32x256xf32, #tpu.memory_space<vmem>>
    %dma_wait3A_3586 = arith.constant 0 : i32
    %dma_wait3A_3587 = tpu.memref_slice %arg5[%dma_wait3A_3578, %dma_wait3A_3586] : memref<49x5xi32, #tpu.memory_space<vmem>> -> memref<1x5xi32, #tpu.memory_space<vmem>>
    %dma_wait3A_3588 = tpu.memref_squeeze %dma_wait3A_3587 : memref<1x5xi32, #tpu.memory_space<vmem>> -> memref<5xi32, #tpu.memory_space<vmem>>
    %dma_wait3A_3589 = arith.constant 0 : i32
    %dma_wait3A_3590 = arith.constant 0 : i32
    %dma_wait3A_3591 = arith.constant 0 : i32
    %dma_wait3A_3592 = tpu.memref_slice %arg3[%dma_wait3A_3589, %dma_wait3A_3590, %dma_wait3A_3591] : memref<7840x32x256xf32, #tpu.memory_space<hbm>> -> memref<7840x32x256xf32, #tpu.memory_space<hbm>>
    %dma_wait3A_3593 = tpu.memref_slice %arg7[%dma_wait3A_3580] : memref<3x!tpu.dma_semaphore, #tpu.memory_space<semaphore_mem>> -> memref<1x!tpu.dma_semaphore, #tpu.memory_space<semaphore_mem>>
    %dma_wait3A_3594 = tpu.memref_squeeze %dma_wait3A_3593 : memref<1x!tpu.dma_semaphore, #tpu.memory_space<semaphore_mem>> -> memref<!tpu.dma_semaphore, #tpu.memory_space<semaphore_mem>>
    tpu.wait_indirect_dma semaphore(%dma_wait3A_3594 : memref<!tpu.dma_semaphore, #tpu.memory_space<semaphore_mem>>) src(%dma_wait3A_3592 : memref<7840x32x256xf32, #tpu.memory_space<hbm>>) dst(%dma_wait3A_3585 : memref<5x32x256xf32, #tpu.memory_space<vmem>>)
    %add3A_3595 = arith.constant 43 : i32
    %add3A_3596 = arith.addi %mul3A_2, %add3A_3595 : i32
    %mul3A_3597 = arith.constant 5 : i32
    %mul3A_3598 = arith.muli %add3A_3596, %mul3A_3597 : i32
    %dma_start3A_3599 = arith.constant 1 : i32
    %dma_start3A_3600 = arith.constant 1 : i32
    %dma_start3A_3601 = arith.constant 0 : i32
    %dma_start3A_3602 = arith.constant 0 : i32
    %dma_start3A_3603 = arith.constant 0 : i32
    %dma_start3A_3604 = tpu.memref_slice %arg6[%dma_start3A_3599, %dma_start3A_3601, %dma_start3A_3602, %dma_start3A_3603] : memref<3x5x32x256xf32, #tpu.memory_space<vmem>> -> memref<1x5x32x256xf32, #tpu.memory_space<vmem>>
    %dma_start3A_3605 = tpu.memref_squeeze %dma_start3A_3604 : memref<1x5x32x256xf32, #tpu.memory_space<vmem>> -> memref<5x32x256xf32, #tpu.memory_space<vmem>>
    %dma_start3A_3606 = arith.constant 0 : i32
    %dma_start3A_3607 = arith.constant 0 : i32
    %dma_start3A_3608 = tpu.memref_slice %arg4[%mul3A_3598, %dma_start3A_3606, %dma_start3A_3607] : memref<7840x32x256xf32, #tpu.memory_space<hbm>> -> memref<5x32x256xf32, #tpu.memory_space<hbm>>
    %dma_start3A_3609 = tpu.memref_slice %arg8[%dma_start3A_3600] : memref<3x!tpu.dma_semaphore, #tpu.memory_space<semaphore_mem>> -> memref<1x!tpu.dma_semaphore, #tpu.memory_space<semaphore_mem>>
    %dma_start3A_3610 = tpu.memref_squeeze %dma_start3A_3609 : memref<1x!tpu.dma_semaphore, #tpu.memory_space<semaphore_mem>> -> memref<!tpu.dma_semaphore, #tpu.memory_space<semaphore_mem>>
    %dma_start3A_3611 = arith.constant 0 : i32
    %dma_start3A_3612 = arith.constant 0 : i32
    %dma_start3A_3613 = tpu.memref_slice %arg4[%mul3A_3598, %dma_start3A_3611, %dma_start3A_3612] : memref<7840x32x256xf32, #tpu.memory_space<hbm>> -> memref<5x32x256xf32, #tpu.memory_space<hbm>>
    %dma_start3A_3614 = arith.constant 0 : i32
    %dma_start3A_3615 = arith.constant 0 : i32
    %dma_start3A_3616 = arith.constant 0 : i32
    %dma_start3A_3617 = tpu.memref_slice %arg6[%dma_start3A_3599, %dma_start3A_3614, %dma_start3A_3615, %dma_start3A_3616] : memref<3x5x32x256xf32, #tpu.memory_space<vmem>> -> memref<1x5x32x256xf32, #tpu.memory_space<vmem>>
    %dma_start3A_3618 = tpu.memref_squeeze %dma_start3A_3617 : memref<1x5x32x256xf32, #tpu.memory_space<vmem>> -> memref<5x32x256xf32, #tpu.memory_space<vmem>>
    tpu.enqueue_dma source(%dma_start3A_3618 : memref<5x32x256xf32, #tpu.memory_space<vmem>>) target(%dma_start3A_3613 : memref<5x32x256xf32, #tpu.memory_space<hbm>>) target_semaphore(%dma_start3A_3610 : memref<!tpu.dma_semaphore, #tpu.memory_space<semaphore_mem>>)
    %add3A_3619 = arith.constant 43 : i32
    %add3A_3620 = arith.addi %mul3A_2, %add3A_3619 : i32
    %mul3A_3621 = arith.constant 5 : i32
    %mul3A_3622 = arith.muli %add3A_3620, %mul3A_3621 : i32
    %dma_wait3A_3623 = arith.constant 1 : i32
    %dma_wait3A_3624 = arith.constant 1 : i32
    %dma_wait3A_3625 = arith.constant 0 : i32
    %dma_wait3A_3626 = arith.constant 0 : i32
    %dma_wait3A_3627 = arith.constant 0 : i32
    %dma_wait3A_3628 = tpu.memref_slice %arg6[%dma_wait3A_3623, %dma_wait3A_3625, %dma_wait3A_3626, %dma_wait3A_3627] : memref<3x5x32x256xf32, #tpu.memory_space<vmem>> -> memref<1x5x32x256xf32, #tpu.memory_space<vmem>>
    %dma_wait3A_3629 = tpu.memref_squeeze %dma_wait3A_3628 : memref<1x5x32x256xf32, #tpu.memory_space<vmem>> -> memref<5x32x256xf32, #tpu.memory_space<vmem>>
    %dma_wait3A_3630 = arith.constant 0 : i32
    %dma_wait3A_3631 = arith.constant 0 : i32
    %dma_wait3A_3632 = tpu.memref_slice %arg4[%mul3A_3622, %dma_wait3A_3630, %dma_wait3A_3631] : memref<7840x32x256xf32, #tpu.memory_space<hbm>> -> memref<5x32x256xf32, #tpu.memory_space<hbm>>
    %dma_wait3A_3633 = tpu.memref_slice %arg8[%dma_wait3A_3624] : memref<3x!tpu.dma_semaphore, #tpu.memory_space<semaphore_mem>> -> memref<1x!tpu.dma_semaphore, #tpu.memory_space<semaphore_mem>>
    %dma_wait3A_3634 = tpu.memref_squeeze %dma_wait3A_3633 : memref<1x!tpu.dma_semaphore, #tpu.memory_space<semaphore_mem>> -> memref<!tpu.dma_semaphore, #tpu.memory_space<semaphore_mem>>
    %dma_wait3A_3635 = arith.constant 0 : i32
    %dma_wait3A_3636 = arith.constant 0 : i32
    %dma_wait3A_3637 = tpu.memref_slice %arg4[%mul3A_3622, %dma_wait3A_3635, %dma_wait3A_3636] : memref<7840x32x256xf32, #tpu.memory_space<hbm>> -> memref<5x32x256xf32, #tpu.memory_space<hbm>>
    %dma_wait3A_3638 = arith.constant 0 : i32
    %dma_wait3A_3639 = arith.constant 0 : i32
    %dma_wait3A_3640 = arith.constant 0 : i32
    %dma_wait3A_3641 = tpu.memref_slice %arg6[%dma_wait3A_3623, %dma_wait3A_3638, %dma_wait3A_3639, %dma_wait3A_3640] : memref<3x5x32x256xf32, #tpu.memory_space<vmem>> -> memref<1x5x32x256xf32, #tpu.memory_space<vmem>>
    %dma_wait3A_3642 = tpu.memref_squeeze %dma_wait3A_3641 : memref<1x5x32x256xf32, #tpu.memory_space<vmem>> -> memref<5x32x256xf32, #tpu.memory_space<vmem>>
    tpu.wait_dma2 semaphore(%dma_wait3A_3634 : memref<!tpu.dma_semaphore, #tpu.memory_space<semaphore_mem>>) src(%dma_wait3A_3642 : memref<5x32x256xf32, #tpu.memory_space<vmem>>) dst(%dma_wait3A_3637 : memref<5x32x256xf32, #tpu.memory_space<hbm>>)
    %dma_start3A_3643 = arith.constant 46 : i32
    %dma_start3A_3644 = arith.constant 1 : i32
    %dma_start3A_3645 = arith.constant 1 : i32
    %dma_start3A_3646 = arith.constant 0 : i32
    %dma_start3A_3647 = arith.constant 0 : i32
    %dma_start3A_3648 = arith.constant 0 : i32
    %dma_start3A_3649 = tpu.memref_slice %arg6[%dma_start3A_3644, %dma_start3A_3646, %dma_start3A_3647, %dma_start3A_3648] : memref<3x5x32x256xf32, #tpu.memory_space<vmem>> -> memref<1x5x32x256xf32, #tpu.memory_space<vmem>>
    %dma_start3A_3650 = tpu.memref_squeeze %dma_start3A_3649 : memref<1x5x32x256xf32, #tpu.memory_space<vmem>> -> memref<5x32x256xf32, #tpu.memory_space<vmem>>
    %dma_start3A_3651 = arith.constant 0 : i32
    %dma_start3A_3652 = tpu.memref_slice %arg5[%dma_start3A_3643, %dma_start3A_3651] : memref<49x5xi32, #tpu.memory_space<vmem>> -> memref<1x5xi32, #tpu.memory_space<vmem>>
    %dma_start3A_3653 = tpu.memref_squeeze %dma_start3A_3652 : memref<1x5xi32, #tpu.memory_space<vmem>> -> memref<5xi32, #tpu.memory_space<vmem>>
    %dma_start3A_3654 = arith.constant 0 : i32
    %dma_start3A_3655 = arith.constant 0 : i32
    %dma_start3A_3656 = arith.constant 0 : i32
    %dma_start3A_3657 = tpu.memref_slice %arg3[%dma_start3A_3654, %dma_start3A_3655, %dma_start3A_3656] : memref<7840x32x256xf32, #tpu.memory_space<hbm>> -> memref<7840x32x256xf32, #tpu.memory_space<hbm>>
    %dma_start3A_3658 = tpu.memref_slice %arg7[%dma_start3A_3645] : memref<3x!tpu.dma_semaphore, #tpu.memory_space<semaphore_mem>> -> memref<1x!tpu.dma_semaphore, #tpu.memory_space<semaphore_mem>>
    %dma_start3A_3659 = tpu.memref_squeeze %dma_start3A_3658 : memref<1x!tpu.dma_semaphore, #tpu.memory_space<semaphore_mem>> -> memref<!tpu.dma_semaphore, #tpu.memory_space<semaphore_mem>>
    tpu.enqueue_indirect_dma source(%dma_start3A_3657 : memref<7840x32x256xf32, #tpu.memory_space<hbm>>) target(%dma_start3A_3650 : memref<5x32x256xf32, #tpu.memory_space<vmem>>) offsets(%dma_start3A_3653 : memref<5xi32, #tpu.memory_space<vmem>>) semaphore(%dma_start3A_3659 : memref<!tpu.dma_semaphore, #tpu.memory_space<semaphore_mem>>)
    %dma_wait3A_3660 = arith.constant 44 : i32
    %dma_wait3A_3661 = arith.constant 2 : i32
    %dma_wait3A_3662 = arith.constant 2 : i32
    %dma_wait3A_3663 = arith.constant 0 : i32
    %dma_wait3A_3664 = arith.constant 0 : i32
    %dma_wait3A_3665 = arith.constant 0 : i32
    %dma_wait3A_3666 = tpu.memref_slice %arg6[%dma_wait3A_3661, %dma_wait3A_3663, %dma_wait3A_3664, %dma_wait3A_3665] : memref<3x5x32x256xf32, #tpu.memory_space<vmem>> -> memref<1x5x32x256xf32, #tpu.memory_space<vmem>>
    %dma_wait3A_3667 = tpu.memref_squeeze %dma_wait3A_3666 : memref<1x5x32x256xf32, #tpu.memory_space<vmem>> -> memref<5x32x256xf32, #tpu.memory_space<vmem>>
    %dma_wait3A_3668 = arith.constant 0 : i32
    %dma_wait3A_3669 = tpu.memref_slice %arg5[%dma_wait3A_3660, %dma_wait3A_3668] : memref<49x5xi32, #tpu.memory_space<vmem>> -> memref<1x5xi32, #tpu.memory_space<vmem>>
    %dma_wait3A_3670 = tpu.memref_squeeze %dma_wait3A_3669 : memref<1x5xi32, #tpu.memory_space<vmem>> -> memref<5xi32, #tpu.memory_space<vmem>>
    %dma_wait3A_3671 = arith.constant 0 : i32
    %dma_wait3A_3672 = arith.constant 0 : i32
    %dma_wait3A_3673 = arith.constant 0 : i32
    %dma_wait3A_3674 = tpu.memref_slice %arg3[%dma_wait3A_3671, %dma_wait3A_3672, %dma_wait3A_3673] : memref<7840x32x256xf32, #tpu.memory_space<hbm>> -> memref<7840x32x256xf32, #tpu.memory_space<hbm>>
    %dma_wait3A_3675 = tpu.memref_slice %arg7[%dma_wait3A_3662] : memref<3x!tpu.dma_semaphore, #tpu.memory_space<semaphore_mem>> -> memref<1x!tpu.dma_semaphore, #tpu.memory_space<semaphore_mem>>
    %dma_wait3A_3676 = tpu.memref_squeeze %dma_wait3A_3675 : memref<1x!tpu.dma_semaphore, #tpu.memory_space<semaphore_mem>> -> memref<!tpu.dma_semaphore, #tpu.memory_space<semaphore_mem>>
    tpu.wait_indirect_dma semaphore(%dma_wait3A_3676 : memref<!tpu.dma_semaphore, #tpu.memory_space<semaphore_mem>>) src(%dma_wait3A_3674 : memref<7840x32x256xf32, #tpu.memory_space<hbm>>) dst(%dma_wait3A_3667 : memref<5x32x256xf32, #tpu.memory_space<vmem>>)
    %add3A_3677 = arith.constant 44 : i32
    %add3A_3678 = arith.addi %mul3A_2, %add3A_3677 : i32
    %mul3A_3679 = arith.constant 5 : i32
    %mul3A_3680 = arith.muli %add3A_3678, %mul3A_3679 : i32
    %dma_start3A_3681 = arith.constant 2 : i32
    %dma_start3A_3682 = arith.constant 2 : i32
    %dma_start3A_3683 = arith.constant 0 : i32
    %dma_start3A_3684 = arith.constant 0 : i32
    %dma_start3A_3685 = arith.constant 0 : i32
    %dma_start3A_3686 = tpu.memref_slice %arg6[%dma_start3A_3681, %dma_start3A_3683, %dma_start3A_3684, %dma_start3A_3685] : memref<3x5x32x256xf32, #tpu.memory_space<vmem>> -> memref<1x5x32x256xf32, #tpu.memory_space<vmem>>
    %dma_start3A_3687 = tpu.memref_squeeze %dma_start3A_3686 : memref<1x5x32x256xf32, #tpu.memory_space<vmem>> -> memref<5x32x256xf32, #tpu.memory_space<vmem>>
    %dma_start3A_3688 = arith.constant 0 : i32
    %dma_start3A_3689 = arith.constant 0 : i32
    %dma_start3A_3690 = tpu.memref_slice %arg4[%mul3A_3680, %dma_start3A_3688, %dma_start3A_3689] : memref<7840x32x256xf32, #tpu.memory_space<hbm>> -> memref<5x32x256xf32, #tpu.memory_space<hbm>>
    %dma_start3A_3691 = tpu.memref_slice %arg8[%dma_start3A_3682] : memref<3x!tpu.dma_semaphore, #tpu.memory_space<semaphore_mem>> -> memref<1x!tpu.dma_semaphore, #tpu.memory_space<semaphore_mem>>
    %dma_start3A_3692 = tpu.memref_squeeze %dma_start3A_3691 : memref<1x!tpu.dma_semaphore, #tpu.memory_space<semaphore_mem>> -> memref<!tpu.dma_semaphore, #tpu.memory_space<semaphore_mem>>
    %dma_start3A_3693 = arith.constant 0 : i32
    %dma_start3A_3694 = arith.constant 0 : i32
    %dma_start3A_3695 = tpu.memref_slice %arg4[%mul3A_3680, %dma_start3A_3693, %dma_start3A_3694] : memref<7840x32x256xf32, #tpu.memory_space<hbm>> -> memref<5x32x256xf32, #tpu.memory_space<hbm>>
    %dma_start3A_3696 = arith.constant 0 : i32
    %dma_start3A_3697 = arith.constant 0 : i32
    %dma_start3A_3698 = arith.constant 0 : i32
    %dma_start3A_3699 = tpu.memref_slice %arg6[%dma_start3A_3681, %dma_start3A_3696, %dma_start3A_3697, %dma_start3A_3698] : memref<3x5x32x256xf32, #tpu.memory_space<vmem>> -> memref<1x5x32x256xf32, #tpu.memory_space<vmem>>
    %dma_start3A_3700 = tpu.memref_squeeze %dma_start3A_3699 : memref<1x5x32x256xf32, #tpu.memory_space<vmem>> -> memref<5x32x256xf32, #tpu.memory_space<vmem>>
    tpu.enqueue_dma source(%dma_start3A_3700 : memref<5x32x256xf32, #tpu.memory_space<vmem>>) target(%dma_start3A_3695 : memref<5x32x256xf32, #tpu.memory_space<hbm>>) target_semaphore(%dma_start3A_3692 : memref<!tpu.dma_semaphore, #tpu.memory_space<semaphore_mem>>)
    %add3A_3701 = arith.constant 44 : i32
    %add3A_3702 = arith.addi %mul3A_2, %add3A_3701 : i32
    %mul3A_3703 = arith.constant 5 : i32
    %mul3A_3704 = arith.muli %add3A_3702, %mul3A_3703 : i32
    %dma_wait3A_3705 = arith.constant 2 : i32
    %dma_wait3A_3706 = arith.constant 2 : i32
    %dma_wait3A_3707 = arith.constant 0 : i32
    %dma_wait3A_3708 = arith.constant 0 : i32
    %dma_wait3A_3709 = arith.constant 0 : i32
    %dma_wait3A_3710 = tpu.memref_slice %arg6[%dma_wait3A_3705, %dma_wait3A_3707, %dma_wait3A_3708, %dma_wait3A_3709] : memref<3x5x32x256xf32, #tpu.memory_space<vmem>> -> memref<1x5x32x256xf32, #tpu.memory_space<vmem>>
    %dma_wait3A_3711 = tpu.memref_squeeze %dma_wait3A_3710 : memref<1x5x32x256xf32, #tpu.memory_space<vmem>> -> memref<5x32x256xf32, #tpu.memory_space<vmem>>
    %dma_wait3A_3712 = arith.constant 0 : i32
    %dma_wait3A_3713 = arith.constant 0 : i32
    %dma_wait3A_3714 = tpu.memref_slice %arg4[%mul3A_3704, %dma_wait3A_3712, %dma_wait3A_3713] : memref<7840x32x256xf32, #tpu.memory_space<hbm>> -> memref<5x32x256xf32, #tpu.memory_space<hbm>>
    %dma_wait3A_3715 = tpu.memref_slice %arg8[%dma_wait3A_3706] : memref<3x!tpu.dma_semaphore, #tpu.memory_space<semaphore_mem>> -> memref<1x!tpu.dma_semaphore, #tpu.memory_space<semaphore_mem>>
    %dma_wait3A_3716 = tpu.memref_squeeze %dma_wait3A_3715 : memref<1x!tpu.dma_semaphore, #tpu.memory_space<semaphore_mem>> -> memref<!tpu.dma_semaphore, #tpu.memory_space<semaphore_mem>>
    %dma_wait3A_3717 = arith.constant 0 : i32
    %dma_wait3A_3718 = arith.constant 0 : i32
    %dma_wait3A_3719 = tpu.memref_slice %arg4[%mul3A_3704, %dma_wait3A_3717, %dma_wait3A_3718] : memref<7840x32x256xf32, #tpu.memory_space<hbm>> -> memref<5x32x256xf32, #tpu.memory_space<hbm>>
    %dma_wait3A_3720 = arith.constant 0 : i32
    %dma_wait3A_3721 = arith.constant 0 : i32
    %dma_wait3A_3722 = arith.constant 0 : i32
    %dma_wait3A_3723 = tpu.memref_slice %arg6[%dma_wait3A_3705, %dma_wait3A_3720, %dma_wait3A_3721, %dma_wait3A_3722] : memref<3x5x32x256xf32, #tpu.memory_space<vmem>> -> memref<1x5x32x256xf32, #tpu.memory_space<vmem>>
    %dma_wait3A_3724 = tpu.memref_squeeze %dma_wait3A_3723 : memref<1x5x32x256xf32, #tpu.memory_space<vmem>> -> memref<5x32x256xf32, #tpu.memory_space<vmem>>
    tpu.wait_dma2 semaphore(%dma_wait3A_3716 : memref<!tpu.dma_semaphore, #tpu.memory_space<semaphore_mem>>) src(%dma_wait3A_3724 : memref<5x32x256xf32, #tpu.memory_space<vmem>>) dst(%dma_wait3A_3719 : memref<5x32x256xf32, #tpu.memory_space<hbm>>)
    %dma_start3A_3725 = arith.constant 47 : i32
    %dma_start3A_3726 = arith.constant 2 : i32
    %dma_start3A_3727 = arith.constant 2 : i32
    %dma_start3A_3728 = arith.constant 0 : i32
    %dma_start3A_3729 = arith.constant 0 : i32
    %dma_start3A_3730 = arith.constant 0 : i32
    %dma_start3A_3731 = tpu.memref_slice %arg6[%dma_start3A_3726, %dma_start3A_3728, %dma_start3A_3729, %dma_start3A_3730] : memref<3x5x32x256xf32, #tpu.memory_space<vmem>> -> memref<1x5x32x256xf32, #tpu.memory_space<vmem>>
    %dma_start3A_3732 = tpu.memref_squeeze %dma_start3A_3731 : memref<1x5x32x256xf32, #tpu.memory_space<vmem>> -> memref<5x32x256xf32, #tpu.memory_space<vmem>>
    %dma_start3A_3733 = arith.constant 0 : i32
    %dma_start3A_3734 = tpu.memref_slice %arg5[%dma_start3A_3725, %dma_start3A_3733] : memref<49x5xi32, #tpu.memory_space<vmem>> -> memref<1x5xi32, #tpu.memory_space<vmem>>
    %dma_start3A_3735 = tpu.memref_squeeze %dma_start3A_3734 : memref<1x5xi32, #tpu.memory_space<vmem>> -> memref<5xi32, #tpu.memory_space<vmem>>
    %dma_start3A_3736 = arith.constant 0 : i32
    %dma_start3A_3737 = arith.constant 0 : i32
    %dma_start3A_3738 = arith.constant 0 : i32
    %dma_start3A_3739 = tpu.memref_slice %arg3[%dma_start3A_3736, %dma_start3A_3737, %dma_start3A_3738] : memref<7840x32x256xf32, #tpu.memory_space<hbm>> -> memref<7840x32x256xf32, #tpu.memory_space<hbm>>
    %dma_start3A_3740 = tpu.memref_slice %arg7[%dma_start3A_3727] : memref<3x!tpu.dma_semaphore, #tpu.memory_space<semaphore_mem>> -> memref<1x!tpu.dma_semaphore, #tpu.memory_space<semaphore_mem>>
    %dma_start3A_3741 = tpu.memref_squeeze %dma_start3A_3740 : memref<1x!tpu.dma_semaphore, #tpu.memory_space<semaphore_mem>> -> memref<!tpu.dma_semaphore, #tpu.memory_space<semaphore_mem>>
    tpu.enqueue_indirect_dma source(%dma_start3A_3739 : memref<7840x32x256xf32, #tpu.memory_space<hbm>>) target(%dma_start3A_3732 : memref<5x32x256xf32, #tpu.memory_space<vmem>>) offsets(%dma_start3A_3735 : memref<5xi32, #tpu.memory_space<vmem>>) semaphore(%dma_start3A_3741 : memref<!tpu.dma_semaphore, #tpu.memory_space<semaphore_mem>>)
    %dma_wait3A_3742 = arith.constant 45 : i32
    %dma_wait3A_3743 = arith.constant 0 : i32
    %dma_wait3A_3744 = arith.constant 0 : i32
    %dma_wait3A_3745 = arith.constant 0 : i32
    %dma_wait3A_3746 = arith.constant 0 : i32
    %dma_wait3A_3747 = arith.constant 0 : i32
    %dma_wait3A_3748 = tpu.memref_slice %arg6[%dma_wait3A_3743, %dma_wait3A_3745, %dma_wait3A_3746, %dma_wait3A_3747] : memref<3x5x32x256xf32, #tpu.memory_space<vmem>> -> memref<1x5x32x256xf32, #tpu.memory_space<vmem>>
    %dma_wait3A_3749 = tpu.memref_squeeze %dma_wait3A_3748 : memref<1x5x32x256xf32, #tpu.memory_space<vmem>> -> memref<5x32x256xf32, #tpu.memory_space<vmem>>
    %dma_wait3A_3750 = arith.constant 0 : i32
    %dma_wait3A_3751 = tpu.memref_slice %arg5[%dma_wait3A_3742, %dma_wait3A_3750] : memref<49x5xi32, #tpu.memory_space<vmem>> -> memref<1x5xi32, #tpu.memory_space<vmem>>
    %dma_wait3A_3752 = tpu.memref_squeeze %dma_wait3A_3751 : memref<1x5xi32, #tpu.memory_space<vmem>> -> memref<5xi32, #tpu.memory_space<vmem>>
    %dma_wait3A_3753 = arith.constant 0 : i32
    %dma_wait3A_3754 = arith.constant 0 : i32
    %dma_wait3A_3755 = arith.constant 0 : i32
    %dma_wait3A_3756 = tpu.memref_slice %arg3[%dma_wait3A_3753, %dma_wait3A_3754, %dma_wait3A_3755] : memref<7840x32x256xf32, #tpu.memory_space<hbm>> -> memref<7840x32x256xf32, #tpu.memory_space<hbm>>
    %dma_wait3A_3757 = tpu.memref_slice %arg7[%dma_wait3A_3744] : memref<3x!tpu.dma_semaphore, #tpu.memory_space<semaphore_mem>> -> memref<1x!tpu.dma_semaphore, #tpu.memory_space<semaphore_mem>>
    %dma_wait3A_3758 = tpu.memref_squeeze %dma_wait3A_3757 : memref<1x!tpu.dma_semaphore, #tpu.memory_space<semaphore_mem>> -> memref<!tpu.dma_semaphore, #tpu.memory_space<semaphore_mem>>
    tpu.wait_indirect_dma semaphore(%dma_wait3A_3758 : memref<!tpu.dma_semaphore, #tpu.memory_space<semaphore_mem>>) src(%dma_wait3A_3756 : memref<7840x32x256xf32, #tpu.memory_space<hbm>>) dst(%dma_wait3A_3749 : memref<5x32x256xf32, #tpu.memory_space<vmem>>)
    %add3A_3759 = arith.constant 45 : i32
    %add3A_3760 = arith.addi %mul3A_2, %add3A_3759 : i32
    %mul3A_3761 = arith.constant 5 : i32
    %mul3A_3762 = arith.muli %add3A_3760, %mul3A_3761 : i32
    %dma_start3A_3763 = arith.constant 0 : i32
    %dma_start3A_3764 = arith.constant 0 : i32
    %dma_start3A_3765 = arith.constant 0 : i32
    %dma_start3A_3766 = arith.constant 0 : i32
    %dma_start3A_3767 = arith.constant 0 : i32
    %dma_start3A_3768 = tpu.memref_slice %arg6[%dma_start3A_3763, %dma_start3A_3765, %dma_start3A_3766, %dma_start3A_3767] : memref<3x5x32x256xf32, #tpu.memory_space<vmem>> -> memref<1x5x32x256xf32, #tpu.memory_space<vmem>>
    %dma_start3A_3769 = tpu.memref_squeeze %dma_start3A_3768 : memref<1x5x32x256xf32, #tpu.memory_space<vmem>> -> memref<5x32x256xf32, #tpu.memory_space<vmem>>
    %dma_start3A_3770 = arith.constant 0 : i32
    %dma_start3A_3771 = arith.constant 0 : i32
    %dma_start3A_3772 = tpu.memref_slice %arg4[%mul3A_3762, %dma_start3A_3770, %dma_start3A_3771] : memref<7840x32x256xf32, #tpu.memory_space<hbm>> -> memref<5x32x256xf32, #tpu.memory_space<hbm>>
    %dma_start3A_3773 = tpu.memref_slice %arg8[%dma_start3A_3764] : memref<3x!tpu.dma_semaphore, #tpu.memory_space<semaphore_mem>> -> memref<1x!tpu.dma_semaphore, #tpu.memory_space<semaphore_mem>>
    %dma_start3A_3774 = tpu.memref_squeeze %dma_start3A_3773 : memref<1x!tpu.dma_semaphore, #tpu.memory_space<semaphore_mem>> -> memref<!tpu.dma_semaphore, #tpu.memory_space<semaphore_mem>>
    %dma_start3A_3775 = arith.constant 0 : i32
    %dma_start3A_3776 = arith.constant 0 : i32
    %dma_start3A_3777 = tpu.memref_slice %arg4[%mul3A_3762, %dma_start3A_3775, %dma_start3A_3776] : memref<7840x32x256xf32, #tpu.memory_space<hbm>> -> memref<5x32x256xf32, #tpu.memory_space<hbm>>
    %dma_start3A_3778 = arith.constant 0 : i32
    %dma_start3A_3779 = arith.constant 0 : i32
    %dma_start3A_3780 = arith.constant 0 : i32
    %dma_start3A_3781 = tpu.memref_slice %arg6[%dma_start3A_3763, %dma_start3A_3778, %dma_start3A_3779, %dma_start3A_3780] : memref<3x5x32x256xf32, #tpu.memory_space<vmem>> -> memref<1x5x32x256xf32, #tpu.memory_space<vmem>>
    %dma_start3A_3782 = tpu.memref_squeeze %dma_start3A_3781 : memref<1x5x32x256xf32, #tpu.memory_space<vmem>> -> memref<5x32x256xf32, #tpu.memory_space<vmem>>
    tpu.enqueue_dma source(%dma_start3A_3782 : memref<5x32x256xf32, #tpu.memory_space<vmem>>) target(%dma_start3A_3777 : memref<5x32x256xf32, #tpu.memory_space<hbm>>) target_semaphore(%dma_start3A_3774 : memref<!tpu.dma_semaphore, #tpu.memory_space<semaphore_mem>>)
    %add3A_3783 = arith.constant 45 : i32
    %add3A_3784 = arith.addi %mul3A_2, %add3A_3783 : i32
    %mul3A_3785 = arith.constant 5 : i32
    %mul3A_3786 = arith.muli %add3A_3784, %mul3A_3785 : i32
    %dma_wait3A_3787 = arith.constant 0 : i32
    %dma_wait3A_3788 = arith.constant 0 : i32
    %dma_wait3A_3789 = arith.constant 0 : i32
    %dma_wait3A_3790 = arith.constant 0 : i32
    %dma_wait3A_3791 = arith.constant 0 : i32
    %dma_wait3A_3792 = tpu.memref_slice %arg6[%dma_wait3A_3787, %dma_wait3A_3789, %dma_wait3A_3790, %dma_wait3A_3791] : memref<3x5x32x256xf32, #tpu.memory_space<vmem>> -> memref<1x5x32x256xf32, #tpu.memory_space<vmem>>
    %dma_wait3A_3793 = tpu.memref_squeeze %dma_wait3A_3792 : memref<1x5x32x256xf32, #tpu.memory_space<vmem>> -> memref<5x32x256xf32, #tpu.memory_space<vmem>>
    %dma_wait3A_3794 = arith.constant 0 : i32
    %dma_wait3A_3795 = arith.constant 0 : i32
    %dma_wait3A_3796 = tpu.memref_slice %arg4[%mul3A_3786, %dma_wait3A_3794, %dma_wait3A_3795] : memref<7840x32x256xf32, #tpu.memory_space<hbm>> -> memref<5x32x256xf32, #tpu.memory_space<hbm>>
    %dma_wait3A_3797 = tpu.memref_slice %arg8[%dma_wait3A_3788] : memref<3x!tpu.dma_semaphore, #tpu.memory_space<semaphore_mem>> -> memref<1x!tpu.dma_semaphore, #tpu.memory_space<semaphore_mem>>
    %dma_wait3A_3798 = tpu.memref_squeeze %dma_wait3A_3797 : memref<1x!tpu.dma_semaphore, #tpu.memory_space<semaphore_mem>> -> memref<!tpu.dma_semaphore, #tpu.memory_space<semaphore_mem>>
    %dma_wait3A_3799 = arith.constant 0 : i32
    %dma_wait3A_3800 = arith.constant 0 : i32
    %dma_wait3A_3801 = tpu.memref_slice %arg4[%mul3A_3786, %dma_wait3A_3799, %dma_wait3A_3800] : memref<7840x32x256xf32, #tpu.memory_space<hbm>> -> memref<5x32x256xf32, #tpu.memory_space<hbm>>
    %dma_wait3A_3802 = arith.constant 0 : i32
    %dma_wait3A_3803 = arith.constant 0 : i32
    %dma_wait3A_3804 = arith.constant 0 : i32
    %dma_wait3A_3805 = tpu.memref_slice %arg6[%dma_wait3A_3787, %dma_wait3A_3802, %dma_wait3A_3803, %dma_wait3A_3804] : memref<3x5x32x256xf32, #tpu.memory_space<vmem>> -> memref<1x5x32x256xf32, #tpu.memory_space<vmem>>
    %dma_wait3A_3806 = tpu.memref_squeeze %dma_wait3A_3805 : memref<1x5x32x256xf32, #tpu.memory_space<vmem>> -> memref<5x32x256xf32, #tpu.memory_space<vmem>>
    tpu.wait_dma2 semaphore(%dma_wait3A_3798 : memref<!tpu.dma_semaphore, #tpu.memory_space<semaphore_mem>>) src(%dma_wait3A_3806 : memref<5x32x256xf32, #tpu.memory_space<vmem>>) dst(%dma_wait3A_3801 : memref<5x32x256xf32, #tpu.memory_space<hbm>>)
    %dma_start3A_3807 = arith.constant 48 : i32
    %dma_start3A_3808 = arith.constant 0 : i32
    %dma_start3A_3809 = arith.constant 0 : i32
    %dma_start3A_3810 = arith.constant 0 : i32
    %dma_start3A_3811 = arith.constant 0 : i32
    %dma_start3A_3812 = arith.constant 0 : i32
    %dma_start3A_3813 = tpu.memref_slice %arg6[%dma_start3A_3808, %dma_start3A_3810, %dma_start3A_3811, %dma_start3A_3812] : memref<3x5x32x256xf32, #tpu.memory_space<vmem>> -> memref<1x5x32x256xf32, #tpu.memory_space<vmem>>
    %dma_start3A_3814 = tpu.memref_squeeze %dma_start3A_3813 : memref<1x5x32x256xf32, #tpu.memory_space<vmem>> -> memref<5x32x256xf32, #tpu.memory_space<vmem>>
    %dma_start3A_3815 = arith.constant 0 : i32
    %dma_start3A_3816 = tpu.memref_slice %arg5[%dma_start3A_3807, %dma_start3A_3815] : memref<49x5xi32, #tpu.memory_space<vmem>> -> memref<1x5xi32, #tpu.memory_space<vmem>>
    %dma_start3A_3817 = tpu.memref_squeeze %dma_start3A_3816 : memref<1x5xi32, #tpu.memory_space<vmem>> -> memref<5xi32, #tpu.memory_space<vmem>>
    %dma_start3A_3818 = arith.constant 0 : i32
    %dma_start3A_3819 = arith.constant 0 : i32
    %dma_start3A_3820 = arith.constant 0 : i32
    %dma_start3A_3821 = tpu.memref_slice %arg3[%dma_start3A_3818, %dma_start3A_3819, %dma_start3A_3820] : memref<7840x32x256xf32, #tpu.memory_space<hbm>> -> memref<7840x32x256xf32, #tpu.memory_space<hbm>>
    %dma_start3A_3822 = tpu.memref_slice %arg7[%dma_start3A_3809] : memref<3x!tpu.dma_semaphore, #tpu.memory_space<semaphore_mem>> -> memref<1x!tpu.dma_semaphore, #tpu.memory_space<semaphore_mem>>
    %dma_start3A_3823 = tpu.memref_squeeze %dma_start3A_3822 : memref<1x!tpu.dma_semaphore, #tpu.memory_space<semaphore_mem>> -> memref<!tpu.dma_semaphore, #tpu.memory_space<semaphore_mem>>
    tpu.enqueue_indirect_dma source(%dma_start3A_3821 : memref<7840x32x256xf32, #tpu.memory_space<hbm>>) target(%dma_start3A_3814 : memref<5x32x256xf32, #tpu.memory_space<vmem>>) offsets(%dma_start3A_3817 : memref<5xi32, #tpu.memory_space<vmem>>) semaphore(%dma_start3A_3823 : memref<!tpu.dma_semaphore, #tpu.memory_space<semaphore_mem>>)
    %dma_wait3A_3824 = arith.constant 46 : i32
    %dma_wait3A_3825 = arith.constant 1 : i32
    %dma_wait3A_3826 = arith.constant 1 : i32
    %dma_wait3A_3827 = arith.constant 0 : i32
    %dma_wait3A_3828 = arith.constant 0 : i32
    %dma_wait3A_3829 = arith.constant 0 : i32
    %dma_wait3A_3830 = tpu.memref_slice %arg6[%dma_wait3A_3825, %dma_wait3A_3827, %dma_wait3A_3828, %dma_wait3A_3829] : memref<3x5x32x256xf32, #tpu.memory_space<vmem>> -> memref<1x5x32x256xf32, #tpu.memory_space<vmem>>
    %dma_wait3A_3831 = tpu.memref_squeeze %dma_wait3A_3830 : memref<1x5x32x256xf32, #tpu.memory_space<vmem>> -> memref<5x32x256xf32, #tpu.memory_space<vmem>>
    %dma_wait3A_3832 = arith.constant 0 : i32
    %dma_wait3A_3833 = tpu.memref_slice %arg5[%dma_wait3A_3824, %dma_wait3A_3832] : memref<49x5xi32, #tpu.memory_space<vmem>> -> memref<1x5xi32, #tpu.memory_space<vmem>>
    %dma_wait3A_3834 = tpu.memref_squeeze %dma_wait3A_3833 : memref<1x5xi32, #tpu.memory_space<vmem>> -> memref<5xi32, #tpu.memory_space<vmem>>
    %dma_wait3A_3835 = arith.constant 0 : i32
    %dma_wait3A_3836 = arith.constant 0 : i32
    %dma_wait3A_3837 = arith.constant 0 : i32
    %dma_wait3A_3838 = tpu.memref_slice %arg3[%dma_wait3A_3835, %dma_wait3A_3836, %dma_wait3A_3837] : memref<7840x32x256xf32, #tpu.memory_space<hbm>> -> memref<7840x32x256xf32, #tpu.memory_space<hbm>>
    %dma_wait3A_3839 = tpu.memref_slice %arg7[%dma_wait3A_3826] : memref<3x!tpu.dma_semaphore, #tpu.memory_space<semaphore_mem>> -> memref<1x!tpu.dma_semaphore, #tpu.memory_space<semaphore_mem>>
    %dma_wait3A_3840 = tpu.memref_squeeze %dma_wait3A_3839 : memref<1x!tpu.dma_semaphore, #tpu.memory_space<semaphore_mem>> -> memref<!tpu.dma_semaphore, #tpu.memory_space<semaphore_mem>>
    tpu.wait_indirect_dma semaphore(%dma_wait3A_3840 : memref<!tpu.dma_semaphore, #tpu.memory_space<semaphore_mem>>) src(%dma_wait3A_3838 : memref<7840x32x256xf32, #tpu.memory_space<hbm>>) dst(%dma_wait3A_3831 : memref<5x32x256xf32, #tpu.memory_space<vmem>>)
    %add3A_3841 = arith.constant 46 : i32
    %add3A_3842 = arith.addi %mul3A_2, %add3A_3841 : i32
    %mul3A_3843 = arith.constant 5 : i32
    %mul3A_3844 = arith.muli %add3A_3842, %mul3A_3843 : i32
    %dma_start3A_3845 = arith.constant 1 : i32
    %dma_start3A_3846 = arith.constant 1 : i32
    %dma_start3A_3847 = arith.constant 0 : i32
    %dma_start3A_3848 = arith.constant 0 : i32
    %dma_start3A_3849 = arith.constant 0 : i32
    %dma_start3A_3850 = tpu.memref_slice %arg6[%dma_start3A_3845, %dma_start3A_3847, %dma_start3A_3848, %dma_start3A_3849] : memref<3x5x32x256xf32, #tpu.memory_space<vmem>> -> memref<1x5x32x256xf32, #tpu.memory_space<vmem>>
    %dma_start3A_3851 = tpu.memref_squeeze %dma_start3A_3850 : memref<1x5x32x256xf32, #tpu.memory_space<vmem>> -> memref<5x32x256xf32, #tpu.memory_space<vmem>>
    %dma_start3A_3852 = arith.constant 0 : i32
    %dma_start3A_3853 = arith.constant 0 : i32
    %dma_start3A_3854 = tpu.memref_slice %arg4[%mul3A_3844, %dma_start3A_3852, %dma_start3A_3853] : memref<7840x32x256xf32, #tpu.memory_space<hbm>> -> memref<5x32x256xf32, #tpu.memory_space<hbm>>
    %dma_start3A_3855 = tpu.memref_slice %arg8[%dma_start3A_3846] : memref<3x!tpu.dma_semaphore, #tpu.memory_space<semaphore_mem>> -> memref<1x!tpu.dma_semaphore, #tpu.memory_space<semaphore_mem>>
    %dma_start3A_3856 = tpu.memref_squeeze %dma_start3A_3855 : memref<1x!tpu.dma_semaphore, #tpu.memory_space<semaphore_mem>> -> memref<!tpu.dma_semaphore, #tpu.memory_space<semaphore_mem>>
    %dma_start3A_3857 = arith.constant 0 : i32
    %dma_start3A_3858 = arith.constant 0 : i32
    %dma_start3A_3859 = tpu.memref_slice %arg4[%mul3A_3844, %dma_start3A_3857, %dma_start3A_3858] : memref<7840x32x256xf32, #tpu.memory_space<hbm>> -> memref<5x32x256xf32, #tpu.memory_space<hbm>>
    %dma_start3A_3860 = arith.constant 0 : i32
    %dma_start3A_3861 = arith.constant 0 : i32
    %dma_start3A_3862 = arith.constant 0 : i32
    %dma_start3A_3863 = tpu.memref_slice %arg6[%dma_start3A_3845, %dma_start3A_3860, %dma_start3A_3861, %dma_start3A_3862] : memref<3x5x32x256xf32, #tpu.memory_space<vmem>> -> memref<1x5x32x256xf32, #tpu.memory_space<vmem>>
    %dma_start3A_3864 = tpu.memref_squeeze %dma_start3A_3863 : memref<1x5x32x256xf32, #tpu.memory_space<vmem>> -> memref<5x32x256xf32, #tpu.memory_space<vmem>>
    tpu.enqueue_dma source(%dma_start3A_3864 : memref<5x32x256xf32, #tpu.memory_space<vmem>>) target(%dma_start3A_3859 : memref<5x32x256xf32, #tpu.memory_space<hbm>>) target_semaphore(%dma_start3A_3856 : memref<!tpu.dma_semaphore, #tpu.memory_space<semaphore_mem>>)
    %dma_wait3A_3865 = arith.constant 47 : i32
    %dma_wait3A_3866 = arith.constant 2 : i32
    %dma_wait3A_3867 = arith.constant 2 : i32
    %dma_wait3A_3868 = arith.constant 0 : i32
    %dma_wait3A_3869 = arith.constant 0 : i32
    %dma_wait3A_3870 = arith.constant 0 : i32
    %dma_wait3A_3871 = tpu.memref_slice %arg6[%dma_wait3A_3866, %dma_wait3A_3868, %dma_wait3A_3869, %dma_wait3A_3870] : memref<3x5x32x256xf32, #tpu.memory_space<vmem>> -> memref<1x5x32x256xf32, #tpu.memory_space<vmem>>
    %dma_wait3A_3872 = tpu.memref_squeeze %dma_wait3A_3871 : memref<1x5x32x256xf32, #tpu.memory_space<vmem>> -> memref<5x32x256xf32, #tpu.memory_space<vmem>>
    %dma_wait3A_3873 = arith.constant 0 : i32
    %dma_wait3A_3874 = tpu.memref_slice %arg5[%dma_wait3A_3865, %dma_wait3A_3873] : memref<49x5xi32, #tpu.memory_space<vmem>> -> memref<1x5xi32, #tpu.memory_space<vmem>>
    %dma_wait3A_3875 = tpu.memref_squeeze %dma_wait3A_3874 : memref<1x5xi32, #tpu.memory_space<vmem>> -> memref<5xi32, #tpu.memory_space<vmem>>
    %dma_wait3A_3876 = arith.constant 0 : i32
    %dma_wait3A_3877 = arith.constant 0 : i32
    %dma_wait3A_3878 = arith.constant 0 : i32
    %dma_wait3A_3879 = tpu.memref_slice %arg3[%dma_wait3A_3876, %dma_wait3A_3877, %dma_wait3A_3878] : memref<7840x32x256xf32, #tpu.memory_space<hbm>> -> memref<7840x32x256xf32, #tpu.memory_space<hbm>>
    %dma_wait3A_3880 = tpu.memref_slice %arg7[%dma_wait3A_3867] : memref<3x!tpu.dma_semaphore, #tpu.memory_space<semaphore_mem>> -> memref<1x!tpu.dma_semaphore, #tpu.memory_space<semaphore_mem>>
    %dma_wait3A_3881 = tpu.memref_squeeze %dma_wait3A_3880 : memref<1x!tpu.dma_semaphore, #tpu.memory_space<semaphore_mem>> -> memref<!tpu.dma_semaphore, #tpu.memory_space<semaphore_mem>>
    tpu.wait_indirect_dma semaphore(%dma_wait3A_3881 : memref<!tpu.dma_semaphore, #tpu.memory_space<semaphore_mem>>) src(%dma_wait3A_3879 : memref<7840x32x256xf32, #tpu.memory_space<hbm>>) dst(%dma_wait3A_3872 : memref<5x32x256xf32, #tpu.memory_space<vmem>>)
    %add3A_3882 = arith.constant 47 : i32
    %add3A_3883 = arith.addi %mul3A_2, %add3A_3882 : i32
    %mul3A_3884 = arith.constant 5 : i32
    %mul3A_3885 = arith.muli %add3A_3883, %mul3A_3884 : i32
    %dma_start3A_3886 = arith.constant 2 : i32
    %dma_start3A_3887 = arith.constant 2 : i32
    %dma_start3A_3888 = arith.constant 0 : i32
    %dma_start3A_3889 = arith.constant 0 : i32
    %dma_start3A_3890 = arith.constant 0 : i32
    %dma_start3A_3891 = tpu.memref_slice %arg6[%dma_start3A_3886, %dma_start3A_3888, %dma_start3A_3889, %dma_start3A_3890] : memref<3x5x32x256xf32, #tpu.memory_space<vmem>> -> memref<1x5x32x256xf32, #tpu.memory_space<vmem>>
    %dma_start3A_3892 = tpu.memref_squeeze %dma_start3A_3891 : memref<1x5x32x256xf32, #tpu.memory_space<vmem>> -> memref<5x32x256xf32, #tpu.memory_space<vmem>>
    %dma_start3A_3893 = arith.constant 0 : i32
    %dma_start3A_3894 = arith.constant 0 : i32
    %dma_start3A_3895 = tpu.memref_slice %arg4[%mul3A_3885, %dma_start3A_3893, %dma_start3A_3894] : memref<7840x32x256xf32, #tpu.memory_space<hbm>> -> memref<5x32x256xf32, #tpu.memory_space<hbm>>
    %dma_start3A_3896 = tpu.memref_slice %arg8[%dma_start3A_3887] : memref<3x!tpu.dma_semaphore, #tpu.memory_space<semaphore_mem>> -> memref<1x!tpu.dma_semaphore, #tpu.memory_space<semaphore_mem>>
    %dma_start3A_3897 = tpu.memref_squeeze %dma_start3A_3896 : memref<1x!tpu.dma_semaphore, #tpu.memory_space<semaphore_mem>> -> memref<!tpu.dma_semaphore, #tpu.memory_space<semaphore_mem>>
    %dma_start3A_3898 = arith.constant 0 : i32
    %dma_start3A_3899 = arith.constant 0 : i32
    %dma_start3A_3900 = tpu.memref_slice %arg4[%mul3A_3885, %dma_start3A_3898, %dma_start3A_3899] : memref<7840x32x256xf32, #tpu.memory_space<hbm>> -> memref<5x32x256xf32, #tpu.memory_space<hbm>>
    %dma_start3A_3901 = arith.constant 0 : i32
    %dma_start3A_3902 = arith.constant 0 : i32
    %dma_start3A_3903 = arith.constant 0 : i32
    %dma_start3A_3904 = tpu.memref_slice %arg6[%dma_start3A_3886, %dma_start3A_3901, %dma_start3A_3902, %dma_start3A_3903] : memref<3x5x32x256xf32, #tpu.memory_space<vmem>> -> memref<1x5x32x256xf32, #tpu.memory_space<vmem>>
    %dma_start3A_3905 = tpu.memref_squeeze %dma_start3A_3904 : memref<1x5x32x256xf32, #tpu.memory_space<vmem>> -> memref<5x32x256xf32, #tpu.memory_space<vmem>>
    tpu.enqueue_dma source(%dma_start3A_3905 : memref<5x32x256xf32, #tpu.memory_space<vmem>>) target(%dma_start3A_3900 : memref<5x32x256xf32, #tpu.memory_space<hbm>>) target_semaphore(%dma_start3A_3897 : memref<!tpu.dma_semaphore, #tpu.memory_space<semaphore_mem>>)
    %dma_wait3A_3906 = arith.constant 48 : i32
    %dma_wait3A_3907 = arith.constant 0 : i32
    %dma_wait3A_3908 = arith.constant 0 : i32
    %dma_wait3A_3909 = arith.constant 0 : i32
    %dma_wait3A_3910 = arith.constant 0 : i32
    %dma_wait3A_3911 = arith.constant 0 : i32
    %dma_wait3A_3912 = tpu.memref_slice %arg6[%dma_wait3A_3907, %dma_wait3A_3909, %dma_wait3A_3910, %dma_wait3A_3911] : memref<3x5x32x256xf32, #tpu.memory_space<vmem>> -> memref<1x5x32x256xf32, #tpu.memory_space<vmem>>
    %dma_wait3A_3913 = tpu.memref_squeeze %dma_wait3A_3912 : memref<1x5x32x256xf32, #tpu.memory_space<vmem>> -> memref<5x32x256xf32, #tpu.memory_space<vmem>>
    %dma_wait3A_3914 = arith.constant 0 : i32
    %dma_wait3A_3915 = tpu.memref_slice %arg5[%dma_wait3A_3906, %dma_wait3A_3914] : memref<49x5xi32, #tpu.memory_space<vmem>> -> memref<1x5xi32, #tpu.memory_space<vmem>>
    %dma_wait3A_3916 = tpu.memref_squeeze %dma_wait3A_3915 : memref<1x5xi32, #tpu.memory_space<vmem>> -> memref<5xi32, #tpu.memory_space<vmem>>
    %dma_wait3A_3917 = arith.constant 0 : i32
    %dma_wait3A_3918 = arith.constant 0 : i32
    %dma_wait3A_3919 = arith.constant 0 : i32
    %dma_wait3A_3920 = tpu.memref_slice %arg3[%dma_wait3A_3917, %dma_wait3A_3918, %dma_wait3A_3919] : memref<7840x32x256xf32, #tpu.memory_space<hbm>> -> memref<7840x32x256xf32, #tpu.memory_space<hbm>>
    %dma_wait3A_3921 = tpu.memref_slice %arg7[%dma_wait3A_3908] : memref<3x!tpu.dma_semaphore, #tpu.memory_space<semaphore_mem>> -> memref<1x!tpu.dma_semaphore, #tpu.memory_space<semaphore_mem>>
    %dma_wait3A_3922 = tpu.memref_squeeze %dma_wait3A_3921 : memref<1x!tpu.dma_semaphore, #tpu.memory_space<semaphore_mem>> -> memref<!tpu.dma_semaphore, #tpu.memory_space<semaphore_mem>>
    tpu.wait_indirect_dma semaphore(%dma_wait3A_3922 : memref<!tpu.dma_semaphore, #tpu.memory_space<semaphore_mem>>) src(%dma_wait3A_3920 : memref<7840x32x256xf32, #tpu.memory_space<hbm>>) dst(%dma_wait3A_3913 : memref<5x32x256xf32, #tpu.memory_space<vmem>>)
    %add3A_3923 = arith.constant 48 : i32
    %add3A_3924 = arith.addi %mul3A_2, %add3A_3923 : i32
    %mul3A_3925 = arith.constant 5 : i32
    %mul3A_3926 = arith.muli %add3A_3924, %mul3A_3925 : i32
    %dma_start3A_3927 = arith.constant 0 : i32
    %dma_start3A_3928 = arith.constant 0 : i32
    %dma_start3A_3929 = arith.constant 0 : i32
    %dma_start3A_3930 = arith.constant 0 : i32
    %dma_start3A_3931 = arith.constant 0 : i32
    %dma_start3A_3932 = tpu.memref_slice %arg6[%dma_start3A_3927, %dma_start3A_3929, %dma_start3A_3930, %dma_start3A_3931] : memref<3x5x32x256xf32, #tpu.memory_space<vmem>> -> memref<1x5x32x256xf32, #tpu.memory_space<vmem>>
    %dma_start3A_3933 = tpu.memref_squeeze %dma_start3A_3932 : memref<1x5x32x256xf32, #tpu.memory_space<vmem>> -> memref<5x32x256xf32, #tpu.memory_space<vmem>>
    %dma_start3A_3934 = arith.constant 0 : i32
    %dma_start3A_3935 = arith.constant 0 : i32
    %dma_start3A_3936 = tpu.memref_slice %arg4[%mul3A_3926, %dma_start3A_3934, %dma_start3A_3935] : memref<7840x32x256xf32, #tpu.memory_space<hbm>> -> memref<5x32x256xf32, #tpu.memory_space<hbm>>
    %dma_start3A_3937 = tpu.memref_slice %arg8[%dma_start3A_3928] : memref<3x!tpu.dma_semaphore, #tpu.memory_space<semaphore_mem>> -> memref<1x!tpu.dma_semaphore, #tpu.memory_space<semaphore_mem>>
    %dma_start3A_3938 = tpu.memref_squeeze %dma_start3A_3937 : memref<1x!tpu.dma_semaphore, #tpu.memory_space<semaphore_mem>> -> memref<!tpu.dma_semaphore, #tpu.memory_space<semaphore_mem>>
    %dma_start3A_3939 = arith.constant 0 : i32
    %dma_start3A_3940 = arith.constant 0 : i32
    %dma_start3A_3941 = tpu.memref_slice %arg4[%mul3A_3926, %dma_start3A_3939, %dma_start3A_3940] : memref<7840x32x256xf32, #tpu.memory_space<hbm>> -> memref<5x32x256xf32, #tpu.memory_space<hbm>>
    %dma_start3A_3942 = arith.constant 0 : i32
    %dma_start3A_3943 = arith.constant 0 : i32
    %dma_start3A_3944 = arith.constant 0 : i32
    %dma_start3A_3945 = tpu.memref_slice %arg6[%dma_start3A_3927, %dma_start3A_3942, %dma_start3A_3943, %dma_start3A_3944] : memref<3x5x32x256xf32, #tpu.memory_space<vmem>> -> memref<1x5x32x256xf32, #tpu.memory_space<vmem>>
    %dma_start3A_3946 = tpu.memref_squeeze %dma_start3A_3945 : memref<1x5x32x256xf32, #tpu.memory_space<vmem>> -> memref<5x32x256xf32, #tpu.memory_space<vmem>>
    tpu.enqueue_dma source(%dma_start3A_3946 : memref<5x32x256xf32, #tpu.memory_space<vmem>>) target(%dma_start3A_3941 : memref<5x32x256xf32, #tpu.memory_space<hbm>>) target_semaphore(%dma_start3A_3938 : memref<!tpu.dma_semaphore, #tpu.memory_space<semaphore_mem>>)
    %add3A_3947 = arith.constant 46 : i32
    %add3A_3948 = arith.addi %mul3A_2, %add3A_3947 : i32
    %mul3A_3949 = arith.constant 5 : i32
    %mul3A_3950 = arith.muli %add3A_3948, %mul3A_3949 : i32
    %dma_wait3A_3951 = arith.constant 1 : i32
    %dma_wait3A_3952 = arith.constant 1 : i32
    %dma_wait3A_3953 = arith.constant 0 : i32
    %dma_wait3A_3954 = arith.constant 0 : i32
    %dma_wait3A_3955 = arith.constant 0 : i32
    %dma_wait3A_3956 = tpu.memref_slice %arg6[%dma_wait3A_3951, %dma_wait3A_3953, %dma_wait3A_3954, %dma_wait3A_3955] : memref<3x5x32x256xf32, #tpu.memory_space<vmem>> -> memref<1x5x32x256xf32, #tpu.memory_space<vmem>>
    %dma_wait3A_3957 = tpu.memref_squeeze %dma_wait3A_3956 : memref<1x5x32x256xf32, #tpu.memory_space<vmem>> -> memref<5x32x256xf32, #tpu.memory_space<vmem>>
    %dma_wait3A_3958 = arith.constant 0 : i32
    %dma_wait3A_3959 = arith.constant 0 : i32
    %dma_wait3A_3960 = tpu.memref_slice %arg4[%mul3A_3950, %dma_wait3A_3958, %dma_wait3A_3959] : memref<7840x32x256xf32, #tpu.memory_space<hbm>> -> memref<5x32x256xf32, #tpu.memory_space<hbm>>
    %dma_wait3A_3961 = tpu.memref_slice %arg8[%dma_wait3A_3952] : memref<3x!tpu.dma_semaphore, #tpu.memory_space<semaphore_mem>> -> memref<1x!tpu.dma_semaphore, #tpu.memory_space<semaphore_mem>>
    %dma_wait3A_3962 = tpu.memref_squeeze %dma_wait3A_3961 : memref<1x!tpu.dma_semaphore, #tpu.memory_space<semaphore_mem>> -> memref<!tpu.dma_semaphore, #tpu.memory_space<semaphore_mem>>
    %dma_wait3A_3963 = arith.constant 0 : i32
    %dma_wait3A_3964 = arith.constant 0 : i32
    %dma_wait3A_3965 = tpu.memref_slice %arg4[%mul3A_3950, %dma_wait3A_3963, %dma_wait3A_3964] : memref<7840x32x256xf32, #tpu.memory_space<hbm>> -> memref<5x32x256xf32, #tpu.memory_space<hbm>>
    %dma_wait3A_3966 = arith.constant 0 : i32
    %dma_wait3A_3967 = arith.constant 0 : i32
    %dma_wait3A_3968 = arith.constant 0 : i32
    %dma_wait3A_3969 = tpu.memref_slice %arg6[%dma_wait3A_3951, %dma_wait3A_3966, %dma_wait3A_3967, %dma_wait3A_3968] : memref<3x5x32x256xf32, #tpu.memory_space<vmem>> -> memref<1x5x32x256xf32, #tpu.memory_space<vmem>>
    %dma_wait3A_3970 = tpu.memref_squeeze %dma_wait3A_3969 : memref<1x5x32x256xf32, #tpu.memory_space<vmem>> -> memref<5x32x256xf32, #tpu.memory_space<vmem>>
    tpu.wait_dma2 semaphore(%dma_wait3A_3962 : memref<!tpu.dma_semaphore, #tpu.memory_space<semaphore_mem>>) src(%dma_wait3A_3970 : memref<5x32x256xf32, #tpu.memory_space<vmem>>) dst(%dma_wait3A_3965 : memref<5x32x256xf32, #tpu.memory_space<hbm>>)
    %add3A_3971 = arith.constant 47 : i32
    %add3A_3972 = arith.addi %mul3A_2, %add3A_3971 : i32
    %mul3A_3973 = arith.constant 5 : i32
    %mul3A_3974 = arith.muli %add3A_3972, %mul3A_3973 : i32
    %dma_wait3A_3975 = arith.constant 2 : i32
    %dma_wait3A_3976 = arith.constant 2 : i32
    %dma_wait3A_3977 = arith.constant 0 : i32
    %dma_wait3A_3978 = arith.constant 0 : i32
    %dma_wait3A_3979 = arith.constant 0 : i32
    %dma_wait3A_3980 = tpu.memref_slice %arg6[%dma_wait3A_3975, %dma_wait3A_3977, %dma_wait3A_3978, %dma_wait3A_3979] : memref<3x5x32x256xf32, #tpu.memory_space<vmem>> -> memref<1x5x32x256xf32, #tpu.memory_space<vmem>>
    %dma_wait3A_3981 = tpu.memref_squeeze %dma_wait3A_3980 : memref<1x5x32x256xf32, #tpu.memory_space<vmem>> -> memref<5x32x256xf32, #tpu.memory_space<vmem>>
    %dma_wait3A_3982 = arith.constant 0 : i32
    %dma_wait3A_3983 = arith.constant 0 : i32
    %dma_wait3A_3984 = tpu.memref_slice %arg4[%mul3A_3974, %dma_wait3A_3982, %dma_wait3A_3983] : memref<7840x32x256xf32, #tpu.memory_space<hbm>> -> memref<5x32x256xf32, #tpu.memory_space<hbm>>
    %dma_wait3A_3985 = tpu.memref_slice %arg8[%dma_wait3A_3976] : memref<3x!tpu.dma_semaphore, #tpu.memory_space<semaphore_mem>> -> memref<1x!tpu.dma_semaphore, #tpu.memory_space<semaphore_mem>>
    %dma_wait3A_3986 = tpu.memref_squeeze %dma_wait3A_3985 : memref<1x!tpu.dma_semaphore, #tpu.memory_space<semaphore_mem>> -> memref<!tpu.dma_semaphore, #tpu.memory_space<semaphore_mem>>
    %dma_wait3A_3987 = arith.constant 0 : i32
    %dma_wait3A_3988 = arith.constant 0 : i32
    %dma_wait3A_3989 = tpu.memref_slice %arg4[%mul3A_3974, %dma_wait3A_3987, %dma_wait3A_3988] : memref<7840x32x256xf32, #tpu.memory_space<hbm>> -> memref<5x32x256xf32, #tpu.memory_space<hbm>>
    %dma_wait3A_3990 = arith.constant 0 : i32
    %dma_wait3A_3991 = arith.constant 0 : i32
    %dma_wait3A_3992 = arith.constant 0 : i32
    %dma_wait3A_3993 = tpu.memref_slice %arg6[%dma_wait3A_3975, %dma_wait3A_3990, %dma_wait3A_3991, %dma_wait3A_3992] : memref<3x5x32x256xf32, #tpu.memory_space<vmem>> -> memref<1x5x32x256xf32, #tpu.memory_space<vmem>>
    %dma_wait3A_3994 = tpu.memref_squeeze %dma_wait3A_3993 : memref<1x5x32x256xf32, #tpu.memory_space<vmem>> -> memref<5x32x256xf32, #tpu.memory_space<vmem>>
    tpu.wait_dma2 semaphore(%dma_wait3A_3986 : memref<!tpu.dma_semaphore, #tpu.memory_space<semaphore_mem>>) src(%dma_wait3A_3994 : memref<5x32x256xf32, #tpu.memory_space<vmem>>) dst(%dma_wait3A_3989 : memref<5x32x256xf32, #tpu.memory_space<hbm>>)
    %add3A_3995 = arith.constant 48 : i32
    %add3A_3996 = arith.addi %mul3A_2, %add3A_3995 : i32
    %mul3A_3997 = arith.constant 5 : i32
    %mul3A_3998 = arith.muli %add3A_3996, %mul3A_3997 : i32
    %dma_wait3A_3999 = arith.constant 0 : i32
    %dma_wait3A_4000 = arith.constant 0 : i32
    %dma_wait3A_4001 = arith.constant 0 : i32
    %dma_wait3A_4002 = arith.constant 0 : i32
    %dma_wait3A_4003 = arith.constant 0 : i32
    %dma_wait3A_4004 = tpu.memref_slice %arg6[%dma_wait3A_3999, %dma_wait3A_4001, %dma_wait3A_4002, %dma_wait3A_4003] : memref<3x5x32x256xf32, #tpu.memory_space<vmem>> -> memref<1x5x32x256xf32, #tpu.memory_space<vmem>>
    %dma_wait3A_4005 = tpu.memref_squeeze %dma_wait3A_4004 : memref<1x5x32x256xf32, #tpu.memory_space<vmem>> -> memref<5x32x256xf32, #tpu.memory_space<vmem>>
    %dma_wait3A_4006 = arith.constant 0 : i32
    %dma_wait3A_4007 = arith.constant 0 : i32
    %dma_wait3A_4008 = tpu.memref_slice %arg4[%mul3A_3998, %dma_wait3A_4006, %dma_wait3A_4007] : memref<7840x32x256xf32, #tpu.memory_space<hbm>> -> memref<5x32x256xf32, #tpu.memory_space<hbm>>
    %dma_wait3A_4009 = tpu.memref_slice %arg8[%dma_wait3A_4000] : memref<3x!tpu.dma_semaphore, #tpu.memory_space<semaphore_mem>> -> memref<1x!tpu.dma_semaphore, #tpu.memory_space<semaphore_mem>>
    %dma_wait3A_4010 = tpu.memref_squeeze %dma_wait3A_4009 : memref<1x!tpu.dma_semaphore, #tpu.memory_space<semaphore_mem>> -> memref<!tpu.dma_semaphore, #tpu.memory_space<semaphore_mem>>
    %dma_wait3A_4011 = arith.constant 0 : i32
    %dma_wait3A_4012 = arith.constant 0 : i32
    %dma_wait3A_4013 = tpu.memref_slice %arg4[%mul3A_3998, %dma_wait3A_4011, %dma_wait3A_4012] : memref<7840x32x256xf32, #tpu.memory_space<hbm>> -> memref<5x32x256xf32, #tpu.memory_space<hbm>>
    %dma_wait3A_4014 = arith.constant 0 : i32
    %dma_wait3A_4015 = arith.constant 0 : i32
    %dma_wait3A_4016 = arith.constant 0 : i32
    %dma_wait3A_4017 = tpu.memref_slice %arg6[%dma_wait3A_3999, %dma_wait3A_4014, %dma_wait3A_4015, %dma_wait3A_4016] : memref<3x5x32x256xf32, #tpu.memory_space<vmem>> -> memref<1x5x32x256xf32, #tpu.memory_space<vmem>>
    %dma_wait3A_4018 = tpu.memref_squeeze %dma_wait3A_4017 : memref<1x5x32x256xf32, #tpu.memory_space<vmem>> -> memref<5x32x256xf32, #tpu.memory_space<vmem>>
    tpu.wait_dma2 semaphore(%dma_wait3A_4010 : memref<!tpu.dma_semaphore, #tpu.memory_space<semaphore_mem>>) src(%dma_wait3A_4018 : memref<5x32x256xf32, #tpu.memory_space<vmem>>) dst(%dma_wait3A_4013 : memref<5x32x256xf32, #tpu.memory_space<hbm>>)
    return
  }
}

</mosaic_0001>

<sc_bundles>
// kernel: kernel.3.cloned.1.call-start
scs
__scs_entry_jumppad:
0x0: {  	(pc) =	sbr.rel $0x88, $3  }
0x1: {  	(tag) =	ssettag $0x0;
	lr =	simm.s32 $0x1  }
0x2: {  	[smem:$0x3F9F] =	sst lr;
	_ =	strace $0xD0000000  }
0x3: {  	_ = 	snop  }
0x4: {  	_ = 	snop  }
0x5: {  	_ = 	snop  }
0x6: {  	_ = 	snop  }
0x7: {  	_ = 	snop  }
__scs_overlays_trampoline_lowered:
0x8: {  	[smem:$0x3FAE] =	sst s0  }
0x9: {  	[smem:$0x3FAF] =	sst s1  }
0xa: {  	[smem:$0x3FB0] =	sst s2  }
0xb: {  	[smem:$0x3FB1] =	sst s3  }
0xc: {  	[smem:$0x3FB2] =	sst s4  }
0xd: {  	[smem:$0x3FB3] =	sst s5  }
0xe: {  	[smem:$0x3FB4] =	sst s6  }
0xf: {  	[smem:$0x3FB5] =	sst s7  }
0x10: {  	[smem:$0x3FB6] =	sst s8  }
0x11: {  	[smem:$0x3FB7] =	sst s9;
	s0 =	simm.s32 @!p0 $0x0  }
0x12: {  	s1 =	sld [smem:$0x3F9D];
	s0 =	simm.s32 @p0 $0x1  }
0x13: {  	[smem:$0x3FB8] =	sst s0;
	s0 =	simm.s32 @!p1 $0x0  }
0x14: {  	s2 =	sld [smem:$0x3F9C];
	s0 =	simm.s32 @p1 $0x1  }
0x15: {  	[smem:$0x3FB9] =	sst s0;
	s0 =	simm.s32 @!p2 $0x0  }
0x16: {  	s3 =	sld [smem:$0x3FDB];
	s0 =	simm.s32 @p2 $0x1  }
0x17: {  	s4 =	simm.s32 $0x1BF5;
	[smem:$0x3FBB] =	sst s0  }
0x18: {  	s0 =	sld [smem:$0x3F9E];
	_ =	swait.ge [sflag:s4], $0x0  }
0x19: {  	s7 =	sld [smem:$0x3F9F]  }
0x1a: {  	s8 =	sadd.s32 $0xFFFFE003, lr  }
0x1b: {  	s9 =	sadd.s32 $0xFFFFFEF7, lr;
	s5 =	simm.s32 $0xFFFFFFFF;
	p2 =	slt.u32 s8, $0xFFFFF086  }
0x1c: {  	p1 =	slt.u32 s9, $0xF7A;
	s5 =	simm.s32 @!p2 $0x0  }
0x1d: {  	s5 =	simm.s32 @p1 $0x1;
	p0 =	seq.s32 s7, s2  }
0x1e: {  	s7 =	smul.u32 @!p0 $0xF7A, s2;
	p2 =	seq.s32 @!p0 s5, $0x0  }
0x1f: {  	s9 =	smul.u32 $0xF7A, s1;
	s8 =	simm.s32 @!p0 $0x1BF5;
	p2 =	por !p2, p0  }
0x20: {  	[sflag:s8] =	ssyncset.s32 @!p0 $0xFFFFF086;
	s6 =	sadd.s32 @!p0 s3, s7;
	s7 =	simm.s32 @!p0 $0x108  }
0x21: {  	s3 =	sadd.s32 s3, s9;
	s6 =	sadd.s32 @!p0 $0x88, s6;
	s7 =	simm.s32 @p2 $0x1082  }
0x22: {  	[simem:s7], [sflag:s8] =	dma.local @!p0 [hbm:s6], $0xF7A  }
0x23: {  	s9 =	sor.u32 $0xD0000000, s2;
	s6 =	simm.s32 $0x108;
	_ =	swait.ge @!p0 [sflag:s8], $0x0  }
0x24: {  	s3 =	sadd.s32 $0x88, s3;
	s6 =	simm.s32 @!p1 $0x1082;
	[sflag:s4] =	ssyncset.s32 $0xFFFFF086  }
0x25: {  	[simem:s6], [sflag:s4] =	dma.local [hbm:s3], $0xF7A  }
0x26: {  	[smem:$0x3F9F] =	sst s1;
	(tag) =	ssettag s2;
	_ =	strace s9  }
0x27: {  	s1 =	sld [smem:$0x3FAF]  }
0x28: {  	s2 =	sld [smem:$0x3FB0]  }
0x29: {  	s4 =	sld [smem:$0x3FB2]  }
0x2a: {  	p0 =	seq.s32 s5, $0x0;
	s5 =	sld [smem:$0x3FB3]  }
0x2b: {  	s6 =	sld [smem:$0x3FB4]  }
0x2c: {  	s7 =	sld [smem:$0x3FB5]  }
0x2d: {  	s3 =	simm.s32 $0x108;
	s8 =	sld [smem:$0x3FB6]  }
0x2e: {  	s3 =	simm.s32 @!p0 $0x1082;
	s9 =	sld [smem:$0x3FB7]  }
0x2f: {  	lr =	sadd.s32 s0, s3;
	s0 =	sld [smem:$0x3FAE]  }
0x30: {  	s3 =	sld [smem:$0x3FB1]  }
0x31: {  	[smem:$0x3FBA] =	sst s10  }
0x32: {  	s10 =	sld [smem:$0x3FB8];
	_ =	sdelay $0x3  }
0x33: {  	p0 =	seq.s32 s10, $0x1;
	s10 =	sld [smem:$0x3FBA];
	_ =	sdelay $0x3  }
0x34: {  	[smem:$0x3FBA] =	sst s10  }
0x35: {  	s10 =	sld [smem:$0x3FB9];
	_ =	sdelay $0x3  }
0x36: {  	p1 =	seq.s32 s10, $0x1;
	s10 =	sld [smem:$0x3FBA];
	_ =	sdelay $0x3  }
0x37: {  	[smem:$0x3FBA] =	sst s10  }
0x38: {  	s10 =	sld [smem:$0x3FBB]  }
0x39: {  	_ = 	snop;
	(pc) =	sbr.ind lr, $3  }
0x3a: {  	_ = 	snop  }
0x3b: {  	_ = 	snop  }
0x3c: {  	p2 =	seq.s32 s10, $0x1;
	s10 =	sld [smem:$0x3FBA]  }
0x3d: {  	_ =	shalt  }
0x3e: {  	_ =	shalt  }
0x3f: {  	_ =	shalt  }
0x40: {  	_ =	shalt  }
0x41: {  	_ =	shalt  }
0x42: {  	_ =	shalt  }
0x43: {  	_ =	shalt  }
0x44: {  	_ =	shalt  }
0x45: {  	_ =	shalt  }
0x46: {  	_ =	shalt  }
0x47: {  	_ =	shalt  }
0x48: {  	_ =	shalt  }
0x49: {  	_ =	shalt  }
0x4a: {  	_ =	shalt  }
0x4b: {  	_ =	shalt  }
0x4c: {  	_ =	shalt  }
0x4d: {  	_ =	shalt  }
0x4e: {  	_ =	shalt  }
0x4f: {  	_ =	shalt  }
0x50: {  	_ =	shalt  }
0x51: {  	_ =	shalt  }
0x52: {  	_ =	shalt  }
0x53: {  	_ =	shalt  }
0x54: {  	_ =	shalt  }
0x55: {  	_ =	shalt  }
0x56: {  	_ =	shalt  }
0x57: {  	_ =	shalt  }
0x58: {  	_ =	shalt  }
0x59: {  	_ =	shalt  }
0x5a: {  	_ =	shalt  }
0x5b: {  	_ =	shalt  }
0x5c: {  	_ =	shalt  }
0x5d: {  	_ =	shalt  }
0x5e: {  	_ =	shalt  }
0x5f: {  	_ =	shalt  }
0x60: {  	_ =	shalt  }
0x61: {  	_ =	shalt  }
0x62: {  	_ =	shalt  }
0x63: {  	_ =	shalt  }
0x64: {  	_ =	shalt  }
0x65: {  	_ =	shalt  }
0x66: {  	_ =	shalt  }
0x67: {  	_ =	shalt  }
0x68: {  	_ =	shalt  }
0x69: {  	_ =	shalt  }
0x6a: {  	_ =	shalt  }
0x6b: {  	_ =	shalt  }
0x6c: {  	_ =	shalt  }
0x6d: {  	_ =	shalt  }
0x6e: {  	_ =	shalt  }
0x6f: {  	_ =	shalt  }
0x70: {  	_ =	shalt  }
0x71: {  	_ =	shalt  }
0x72: {  	_ =	shalt  }
0x73: {  	_ =	shalt  }
0x74: {  	_ =	shalt  }
0x75: {  	_ =	shalt  }
0x76: {  	_ =	shalt  }
0x77: {  	_ =	shalt  }
0x78: {  	_ =	shalt  }
0x79: {  	_ =	shalt  }
0x7a: {  	_ =	shalt  }
0x7b: {  	_ =	shalt  }
0x7c: {  	_ =	shalt  }
0x7d: {  	_ =	shalt  }
0x7e: {  	_ =	shalt  }
0x7f: {  	_ =	shalt  }
0x80: {  	_ =	shalt  }
0x81: {  	_ =	shalt  }
0x82: {  	_ =	shalt  }
0x83: {  	_ =	shalt  }
0x84: {  	_ =	shalt  }
0x85: {  	_ =	shalt  }
0x86: {  	_ =	shalt  }
0x87: {  	_ =	shalt  }
.Lfunc_end0:
.L_simem_size_0:
called_computation_lowered:
.L_overlay_start_0:
0x88: {  	s2 =	sld [smem:$0x3FD9]  }
0x89: {  	s3 =	sld [smem:$0x3FFE];
	_ =	sdelay $0x1  }
0x8a: {  	s1 =	srdreg.scid  }
0x8b: {  	s0 =	sand.u32 $0x1, s1  }
0x8c: {  	s17 =	sshll.u32 s0, $0xA;
	s2 =	sadd.s32 s3, s2  }
0x8d: {  	s2 =	sadd.s32 s2, s17  }
0x8e: {  	[smem:$0x3FC6] =	sst s2  }
0x8f: {  	_ = 	snop  }
0x90: {  	s2 =	sld [smem:$0x3FC9]  }
0x91: {  	s18 =	sld [smem:$0x3FD0];
	(tm) =	ssettm $0x1  }
0x92: {  	s4 =	sld [smem:$0x3FFB];
	_ =	sdelay $0x3  }
0x93: {  	_ =	strace s4  }
0x94: {  	s4 =	sld [smem:$0x3FFC];
	_ =	sdelay $0x3  }
0x95: {  	_ =	strace s4  }
0x96: {  	s4 =	sld [smem:$0x3FFD];
	_ =	sdelay $0x3  }
0x97: {  	_ =	strace s4  }
0x98: {  	_ =	strace $0x8FFFFFFF  }
0x99: {  	s19 =	sld [smem:$0x3FDB];
	_ =	sdelay $0x1  }
0x9a: {  	s5 =	simm.s32 $_scs_section_size  }
0x9b: {  	s6 =	simm.s32 $_size__tile_overlayer_lowered;
	s7 =	simm.s32 $_tile_overlayer_lowered  }
0x9c: {  	s22 =	simm.s32 $0x1BFF;
	s21 =	sshll.u32 s7, $0x1;
	s4 =	sadd.s32 s5, s19  }
0x9d: {  	s8 =	simm.s32 $0x0;
	s20 =	sshll.u32 s6, $0x1;
	s6 =	sadd.s32 s21, s4  }
0x9e: {  	[timem:s8], [sflag:s22] =	dma.local [hbm:s6], s20  }
0x9f: {  	_ =	swait.ge [sflag:s22], s20  }
0xa0: {  	s5 =	ssub.s32 $0x0, s20;
	[sflag:s22] =	ssyncset.done $0x0  }
0xa1: {  	[sflag:s22] =	ssyncadd.s32 s5;
	_ =	sdelay $0x1  }
0xa2: {  	s23 =	simm.s32 $0x1B8B  }
0xa3: {  	_ =	swait.ge [sflag:s23], $0x1  }
0xa4: {  	[sflag:s23] =	ssyncset.done $0x0  }
0xa5: {  	s25 =	simm.s32 $0x1B8E;
	s24 =	sld [smem:$0x3FFE];
	[sflag:s23] =	ssyncadd.s32 $0xFFFFFFFF  }
0xa6: {  	s26 =	simm.s32 $execute0_lowered;
	[smem:$0x3FD2] =	sst s25  }
0xa7: {  	s6 =	sshll.u32 s26, $0x1;
	_ =	strace $0x80000046;
	[dreg:$0x1] =	wrdreg $0xFFFFFFFF  }
0xa8: {  	s28 =	simm.s32 $_size_execute0_lowered;
	s4 =	sadd.s32 s4, s6;
	[dreg:$0x0] =	wrdreg $0x0  }
0xa9: {  	s6 =	sshll.u32 s28, $0x1;
	[dreg:$0x2] =	wrdreg s4  }
0xaa: {  	[dreg:$0x3] =	wrdreg s6  }
0xab: {  	[dreg:$0x4] =	wrdreg $0xC0  }
0xac: {  	_ =	task [dreg:s8], $0x5FFFF  }
0xad: {  	[dreg:$0x1] =	wrdreg $0xFFFFFFFF  }
0xae: {  	[dreg:$0x0] =	wrdreg $0x60  }
0xaf: {  	[dreg:$0x2] =	wrdreg s24  }
0xb0: {  	[dreg:$0x3] =	wrdreg s2  }
0xb1: {  	[dreg:$0x4] =	wrdreg s18  }
0xb2: {  	[dreg:$0x5] =	wrdreg $0x9  }
0xb3: {  	_ =	task.clear_ibuf [dreg:s8], $0x6FFFF;
	_ =	strace $0x90000046  }
0xb4: {  	s29 =	simm.s32 $0x9;
	_ =	strace $0x80000048  }
0xb5: {  	_ =	swait.ge [sflag:s29], $0x1  }
0xb6: {  	[sflag:s29] =	ssyncadd.s32 $0xFFFFFFFF  }
0xb7: {  	_ =	strace $0x90000048  }
0xb8: {  	_ =	sfence  }
0xb9: {  	s30 =	sld [smem:$0x0];
	_ =	sdelay $0x2  }
0xba: {  	s31 =	sshll.u32 s1, $0xD;
	s1 =	sshrl.u32 s1, $0x2  }
0xbb: {  	s3 =	sand.u32 $0x4000, s31;
	s1 =	sadd.s32 s1, s30  }
0xbc: {  	s0 =	sor.u32 s3, s0;
	s1 =	sshll.u32 s1, $0x11  }
0xbd: {  	s0 =	sor.u32 s1, s0  }
0xbe: {  	s0 =	sadd.s32 $0x8F2B, s0  }
0xbf: {  	[sflag:s0] =	ssyncadd.remote.s32 $0x1  }
0xc0: {  	_ =	sfence.sel $0xFFFF  }
0xc1: {  	[dreg:$0x0] =	wrdreg $0xFFFFFFFF;
	(pc) =	sbr.abs _section_cstart, $3  }
0xc2: {  	[dreg:$0x1] =	wrdreg $0xFFFFFFFF  }
0xc3: {  	_ =	task.clear_ibuf [dreg:s8], $0x2FFFF;
	_ =	strace $0x9FFFFFFF  }
0xc4: {  	(tm) =	ssettm $0x7FFFFFFF  }
0xc5: {  	_ =	shalt  }
tec
execute0_lowered:
.L_overlay_start_1:
0x0: {  	(tag) =	ssettag $0x1  }
0x1: {  	s1 =	srdreg.scid;
	s0 =	stileid.u32  }
0x2: {  	s4 =	sand.u32 $0x1, s1;
	s14 =	sshll.u32 s0, $0x1  }
0x3: {  	s1 =	sor.u32 s4, s14  }
0x4: {  	s5 =	rddreg [dreg:$0x0];
	s7 =	smul.u32 $0x380, s1  }
0x5: {  	s2 =	rddreg [dreg:$0x1];
	s3 =	simm.s32 $0x0;
	s8 =	smul.u32 $0x1EA000, s1  }
0x6: {  	[smem:$0x7FF] =	sst s3;
	s1 =	smul.u32 $0x3D400, s1  }
0x7: {  	s6 =	rddreg [dreg:$0x2];
	_ =	strace $0x80000047  }
0x8: {  	s5 =	sadd.s32 s7, s5;
	s15 =	sshrl.u32 s8, $0x3;
	s16 =	sadd.s32 s6, s1  }
0x9: {  	s5 =	sadd.s32 $0x400, s5;
	s1 =	sadd.s32 s6, s15;
	[dreg:$0x5] =	wrdreg s16  }
0xa: {  	[dreg:$0x4] =	wrdreg s5;
	s17 =	sadd.s32 $0x1400, s1  }
0xb: {  	s18 =	sadd.s32 $0x2800, s1;
	[dreg:$0x6] =	wrdreg s17  }
0xc: {  	s19 =	sadd.s32 $0x3C00, s1;
	[dreg:$0x7] =	wrdreg s18  }
0xd: {  	s20 =	sadd.s32 $0x5000, s1;
	[dreg:$0x8] =	wrdreg s19  }
0xe: {  	s21 =	sadd.s32 $0x6400, s1;
	[dreg:$0x9] =	wrdreg s20  }
0xf: {  	s22 =	sadd.s32 $0x7800, s1;
	[dreg:$0xa] =	wrdreg s21  }
0x10: {  	s23 =	sadd.s32 $0x8C00, s1;
	[dreg:$0xb] =	wrdreg s22  }
0x11: {  	s24 =	sadd.s32 $0xA000, s1;
	[dreg:$0xc] =	wrdreg s23  }
0x12: {  	s25 =	sadd.s32 $0xB400, s1;
	[dreg:$0xd] =	wrdreg s24  }
0x13: {  	s26 =	sadd.s32 $0xC800, s1;
	[dreg:$0xe] =	wrdreg s25  }
0x14: {  	s0 =	sadd.s32 $0xDC00, s1;
	[dreg:$0xf] =	wrdreg s26  }
0x15: {  	s6 =	sadd.s32 $0xF000, s1;
	[dreg:$0x10] =	wrdreg s0  }
0x16: {  	s7 =	sadd.s32 $0x10400, s1;
	[dreg:$0x11] =	wrdreg s6  }
0x17: {  	s8 =	sadd.s32 $0x11800, s1;
	[dreg:$0x12] =	wrdreg s7  }
0x18: {  	s9 =	sadd.s32 $0x12C00, s1;
	[dreg:$0x13] =	wrdreg s8  }
0x19: {  	s10 =	sadd.s32 $0x14000, s1;
	[dreg:$0x14] =	wrdreg s9  }
0x1a: {  	s11 =	sadd.s32 $0x15400, s1;
	[dreg:$0x15] =	wrdreg s10  }
0x1b: {  	s28 =	simm.s32 $0x4;
	s12 =	sadd.s32 $0x16800, s1;
	[dreg:$0x16] =	wrdreg s11  }
0x1c: {  	s29 =	simm.s32 $0x2;
	s13 =	sadd.s32 $0x17C00, s1;
	[dreg:$0x17] =	wrdreg s12  }
0x1d: {  	s30 =	simm.s32 $0x5;
	s14 =	sadd.s32 $0x19000, s1;
	[dreg:$0x18] =	wrdreg s13  }
0x1e: {  	s31 =	simm.s32 $0x3;
	s15 =	sadd.s32 $0x1A400, s1;
	[dreg:$0x19] =	wrdreg s14  }
0x1f: {  	s4 =	ssub.s32 $0x2, s4;
	s16 =	sadd.s32 $0x1B800, s1;
	[dreg:$0x1a] =	wrdreg s15  }
0x20: {  	s5 =	sadd.s32 $0x29400, s1;
	[dreg:$0x1b] =	wrdreg s16;
	s17 =	sadd.s32 $0x1CC00, s1  }
0x21: {  	s18 =	sadd.s32 $0x1E000, s1;
	s19 =	sadd.s32 $0x1F400, s1;
	s20 =	sadd.s32 $0x20800, s1  }
0x22: {  	s21 =	sadd.s32 $0x21C00, s1;
	s22 =	sadd.s32 $0x23000, s1;
	[dreg:$0x1c] =	wrdreg s17  }
0x23: {  	s23 =	sadd.s32 $0x24400, s1;
	s24 =	sadd.s32 $0x25800, s1;
	[dreg:$0x1d] =	wrdreg s18  }
0x24: {  	s25 =	sshrl.u32 s4, $0x1;
	s26 =	sadd.s32 $0x26C00, s1;
	[dreg:$0x1e] =	wrdreg s19  }
0x25: {  	s6 =	sadd.s32 $0x2A800, s1;
	s7 =	sadd.s32 $0x2BC00, s1;
	[dreg:$0x1f] =	wrdreg s20  }
0x26: {  	s8 =	sadd.s32 $0x2D000, s1;
	s9 =	sadd.s32 $0x2E400, s1;
	[smem:$0x7F9] =	sst s21  }
0x27: {  	s10 =	sadd.s32 $0x2F800, s1;
	s11 =	sadd.s32 $0x30C00, s1;
	[smem:$0x7FA] =	sst s22  }
0x28: {  	s12 =	sadd.s32 $0x32000, s1;
	s13 =	sadd.s32 $0x33400, s1;
	[smem:$0x7FB] =	sst s23  }
0x29: {  	s14 =	sadd.s32 $0x34800, s1;
	s15 =	sadd.s32 $0x35C00, s1;
	[smem:$0x7FC] =	sst s24  }
0x2a: {  	s16 =	sadd.s32 $0x37000, s1;
	s21 =	ssub.s32 s4, s25;
	[smem:$0x7FD] =	sst s26  }
0x2b: {  	s4 =	sadd.s32 $0x28000, s1;
	s17 =	sadd.s32 $0x38400, s1;
	s18 =	sadd.s32 $0x39800, s1  }
0x2c: {  	s19 =	sadd.s32 $0x3AC00, s1;
	s20 =	sadd.s32 $0x3C000, s1;
	s22 =	simm.s32 $0x7  }
0x2d: {  	s23 =	simm.s32 $0x1C00;
	s24 =	simm.s32 $0xBC00;
	s25 =	simm.s32 $0x15C00  }
0x2e: {  	vm0 =	vmmov $0x1f;
	v0 =	vlaneseq.u32;
	s26 =	simm.s32 $0x1;
	s1 =	simm.s32 $0x6;
	s21 =	smax.u32 s21, $0x1  }
.LBB2_1:
0x2f: {  	s0 =	rddreg [dreg:$0x4]  }
0x30: {  	[tilespmem:s3], [sflag:$0x7] =	stream.linear.gather [hbm4b:s0+s3], $0x1880, $0x38;
	[tilespmem:$0x1FC00] =	vst v63  }
0x31: {  	_ =	swait.ge [sflag:s22], $0x1880  }
0x32: {  	[sflag:s22] =	ssyncset.done $0x0  }
0x33: {  	[sflag:s22] =	ssyncadd.s32 $0xFFFFE780  }
0x34: {  	v1 =	vld.msk [tilespmem:$0x0], $0x1f;
	_ =	sdelay $0x4  }
0x35: {  	v1 =	vshll.u32 v1, $0xD  }
0x36: {  	v1 =	vperm.xlane v1, v0;
	_ =	sdelay $0x5  }
0x37: {  	[tilespmem:s23], [sflag:$0x1] =	stream.indirect_vreg.gather [hbm4b:s2+s3], $0x2000, v1, vm0, $0x38;
	[tilespmem:$0x1FC00] =	vst v63  }
0x38: {  	v1 =	vld.msk [tilespmem:$0x80], $0x1f;
	_ =	sdelay $0x4  }
0x39: {  	v1 =	vshll.u32 v1, $0xD  }
0x3a: {  	v1 =	vperm.xlane v1, v0;
	_ =	sdelay $0x5  }
0x3b: {  	[tilespmem:s24], [sflag:$0x2] =	stream.indirect_vreg.gather [hbm4b:s2+s3], $0x2000, v1, vm0, $0x38;
	[tilespmem:$0x1FC00] =	vst v63  }
0x3c: {  	v1 =	vld.msk [tilespmem:$0x100], $0x1f;
	_ =	sdelay $0x4  }
0x3d: {  	v1 =	vshll.u32 v1, $0xD  }
0x3e: {  	v1 =	vperm.xlane v1, v0;
	_ =	sdelay $0x5  }
0x3f: {  	[tilespmem:s25], [sflag:$0x3] =	stream.indirect_vreg.gather [hbm4b:s2+s3], $0x2000, v1, vm0, $0x38;
	[tilespmem:$0x1FC00] =	vst v63  }
0x40: {  	_ =	swait.ge [sflag:s26], $0xA000  }
0x41: {  	[sflag:s26] =	ssyncset.done $0x0  }
0x42: {  	s0 =	rddreg [dreg:$0x5];
	[sflag:s26] =	ssyncadd.s32 $0xFFFF6000  }
0x43: {  	[hbm4b:s0+s3] =	stream.linear.scatter [tilespmem:s23], [sflag:$0x4], $0xA000, $0x38;
	[tilespmem:$0x1FC00] =	vst v63  }
0x44: {  	_ =	swait.ge [sflag:s28], $0xA000  }
0x45: {  	[sflag:s28] =	ssyncset.done $0x0  }
0x46: {  	[sflag:s28] =	ssyncadd.s32 $0xFFFF6000  }
0x47: {  	v1 =	vld.msk [tilespmem:$0x180], $0x1f;
	_ =	sdelay $0x4  }
0x48: {  	v1 =	vshll.u32 v1, $0xD  }
0x49: {  	v1 =	vperm.xlane v1, v0;
	_ =	sdelay $0x5  }
0x4a: {  	[tilespmem:s23], [sflag:$0x1] =	stream.indirect_vreg.gather [hbm4b:s2+s3], $0x2000, v1, vm0, $0x38;
	[tilespmem:$0x1FC00] =	vst v63  }
0x4b: {  	_ =	swait.ge [sflag:s29], $0xA000  }
0x4c: {  	[sflag:s29] =	ssyncset.done $0x0  }
0x4d: {  	s0 =	rddreg [dreg:$0x6];
	[sflag:s29] =	ssyncadd.s32 $0xFFFF6000  }
0x4e: {  	[hbm4b:s0+s3] =	stream.linear.scatter [tilespmem:s24], [sflag:$0x5], $0xA000, $0x38;
	[tilespmem:$0x1FC00] =	vst v63  }
0x4f: {  	_ =	swait.ge [sflag:s30], $0xA000  }
0x50: {  	[sflag:s30] =	ssyncset.done $0x0  }
0x51: {  	[sflag:s30] =	ssyncadd.s32 $0xFFFF6000  }
0x52: {  	v1 =	vld.msk [tilespmem:$0x200], $0x1f;
	_ =	sdelay $0x4  }
0x53: {  	v1 =	vshll.u32 v1, $0xD  }
0x54: {  	v1 =	vperm.xlane v1, v0;
	_ =	sdelay $0x5  }
0x55: {  	[tilespmem:s24], [sflag:$0x2] =	stream.indirect_vreg.gather [hbm4b:s2+s3], $0x2000, v1, vm0, $0x38;
	[tilespmem:$0x1FC00] =	vst v63  }
0x56: {  	_ =	swait.ge [sflag:s31], $0xA000  }
0x57: {  	[sflag:s31] =	ssyncset.done $0x0  }
0x58: {  	s0 =	rddreg [dreg:$0x7];
	[sflag:s31] =	ssyncadd.s32 $0xFFFF6000  }
0x59: {  	[hbm4b:s0+s3] =	stream.linear.scatter [tilespmem:s25], [sflag:$0x6], $0xA000, $0x38;
	[tilespmem:$0x1FC00] =	vst v63  }
0x5a: {  	_ =	swait.ge [sflag:s1], $0xA000  }
0x5b: {  	[sflag:s1] =	ssyncset.done $0x0  }
0x5c: {  	[sflag:s1] =	ssyncadd.s32 $0xFFFF6000  }
0x5d: {  	v1 =	vld.msk [tilespmem:$0x280], $0x1f;
	_ =	sdelay $0x4  }
0x5e: {  	v1 =	vshll.u32 v1, $0xD  }
0x5f: {  	v1 =	vperm.xlane v1, v0;
	_ =	sdelay $0x5  }
0x60: {  	[tilespmem:s25], [sflag:$0x3] =	stream.indirect_vreg.gather [hbm4b:s2+s3], $0x2000, v1, vm0, $0x38;
	[tilespmem:$0x1FC00] =	vst v63  }
0x61: {  	_ =	swait.ge [sflag:s26], $0xA000  }
0x62: {  	[sflag:s26] =	ssyncset.done $0x0  }
0x63: {  	s0 =	rddreg [dreg:$0x8];
	[sflag:s26] =	ssyncadd.s32 $0xFFFF6000  }
0x64: {  	[hbm4b:s0+s3] =	stream.linear.scatter [tilespmem:s23], [sflag:$0x4], $0xA000, $0x38;
	[tilespmem:$0x1FC00] =	vst v63  }
0x65: {  	_ =	swait.ge [sflag:s28], $0xA000  }
0x66: {  	[sflag:s28] =	ssyncset.done $0x0  }
0x67: {  	[sflag:s28] =	ssyncadd.s32 $0xFFFF6000  }
0x68: {  	v1 =	vld.msk [tilespmem:$0x300], $0x1f;
	_ =	sdelay $0x4  }
0x69: {  	v1 =	vshll.u32 v1, $0xD  }
0x6a: {  	v1 =	vperm.xlane v1, v0;
	_ =	sdelay $0x5  }
0x6b: {  	[tilespmem:s23], [sflag:$0x1] =	stream.indirect_vreg.gather [hbm4b:s2+s3], $0x2000, v1, vm0, $0x38;
	[tilespmem:$0x1FC00] =	vst v63  }
0x6c: {  	_ =	swait.ge [sflag:s29], $0xA000  }
0x6d: {  	[sflag:s29] =	ssyncset.done $0x0  }
0x6e: {  	s0 =	rddreg [dreg:$0x9];
	[sflag:s29] =	ssyncadd.s32 $0xFFFF6000  }
0x6f: {  	[hbm4b:s0+s3] =	stream.linear.scatter [tilespmem:s24], [sflag:$0x5], $0xA000, $0x38;
	[tilespmem:$0x1FC00] =	vst v63  }
0x70: {  	_ =	swait.ge [sflag:s30], $0xA000  }
0x71: {  	[sflag:s30] =	ssyncset.done $0x0  }
0x72: {  	[sflag:s30] =	ssyncadd.s32 $0xFFFF6000  }
0x73: {  	v1 =	vld.msk [tilespmem:$0x380], $0x1f;
	_ =	sdelay $0x4  }
0x74: {  	v1 =	vshll.u32 v1, $0xD  }
0x75: {  	v1 =	vperm.xlane v1, v0;
	_ =	sdelay $0x5  }
0x76: {  	[tilespmem:s24], [sflag:$0x2] =	stream.indirect_vreg.gather [hbm4b:s2+s3], $0x2000, v1, vm0, $0x38;
	[tilespmem:$0x1FC00] =	vst v63  }
0x77: {  	_ =	swait.ge [sflag:s31], $0xA000  }
0x78: {  	[sflag:s31] =	ssyncset.done $0x0  }
0x79: {  	s0 =	rddreg [dreg:$0xa];
	[sflag:s31] =	ssyncadd.s32 $0xFFFF6000  }
0x7a: {  	[hbm4b:s0+s3] =	stream.linear.scatter [tilespmem:s25], [sflag:$0x6], $0xA000, $0x38;
	[tilespmem:$0x1FC00] =	vst v63  }
0x7b: {  	_ =	swait.ge [sflag:s1], $0xA000  }
0x7c: {  	[sflag:s1] =	ssyncset.done $0x0  }
0x7d: {  	[sflag:s1] =	ssyncadd.s32 $0xFFFF6000  }
0x7e: {  	v1 =	vld.msk [tilespmem:$0x400], $0x1f;
	_ =	sdelay $0x4  }
0x7f: {  	v1 =	vshll.u32 v1, $0xD  }
0x80: {  	v1 =	vperm.xlane v1, v0;
	_ =	sdelay $0x5  }
0x81: {  	[tilespmem:s25], [sflag:$0x3] =	stream.indirect_vreg.gather [hbm4b:s2+s3], $0x2000, v1, vm0, $0x38;
	[tilespmem:$0x1FC00] =	vst v63  }
0x82: {  	_ =	swait.ge [sflag:s26], $0xA000  }
0x83: {  	[sflag:s26] =	ssyncset.done $0x0  }
0x84: {  	s0 =	rddreg [dreg:$0xb];
	[sflag:s26] =	ssyncadd.s32 $0xFFFF6000  }
0x85: {  	[hbm4b:s0+s3] =	stream.linear.scatter [tilespmem:s23], [sflag:$0x4], $0xA000, $0x38;
	[tilespmem:$0x1FC00] =	vst v63  }
0x86: {  	_ =	swait.ge [sflag:s28], $0xA000  }
0x87: {  	[sflag:s28] =	ssyncset.done $0x0  }
0x88: {  	[sflag:s28] =	ssyncadd.s32 $0xFFFF6000  }
0x89: {  	v1 =	vld.msk [tilespmem:$0x480], $0x1f;
	_ =	sdelay $0x4  }
0x8a: {  	v1 =	vshll.u32 v1, $0xD  }
0x8b: {  	v1 =	vperm.xlane v1, v0;
	_ =	sdelay $0x5  }
0x8c: {  	[tilespmem:s23], [sflag:$0x1] =	stream.indirect_vreg.gather [hbm4b:s2+s3], $0x2000, v1, vm0, $0x38;
	[tilespmem:$0x1FC00] =	vst v63  }
0x8d: {  	_ =	swait.ge [sflag:s29], $0xA000  }
0x8e: {  	[sflag:s29] =	ssyncset.done $0x0  }
0x8f: {  	s0 =	rddreg [dreg:$0xc];
	[sflag:s29] =	ssyncadd.s32 $0xFFFF6000  }
0x90: {  	[hbm4b:s0+s3] =	stream.linear.scatter [tilespmem:s24], [sflag:$0x5], $0xA000, $0x38;
	[tilespmem:$0x1FC00] =	vst v63  }
0x91: {  	_ =	swait.ge [sflag:s30], $0xA000  }
0x92: {  	[sflag:s30] =	ssyncset.done $0x0  }
0x93: {  	[sflag:s30] =	ssyncadd.s32 $0xFFFF6000  }
0x94: {  	v1 =	vld.msk [tilespmem:$0x500], $0x1f;
	_ =	sdelay $0x4  }
0x95: {  	v1 =	vshll.u32 v1, $0xD  }
0x96: {  	v1 =	vperm.xlane v1, v0;
	_ =	sdelay $0x5  }
0x97: {  	[tilespmem:s24], [sflag:$0x2] =	stream.indirect_vreg.gather [hbm4b:s2+s3], $0x2000, v1, vm0, $0x38;
	[tilespmem:$0x1FC00] =	vst v63  }
0x98: {  	_ =	swait.ge [sflag:s31], $0xA000  }
0x99: {  	[sflag:s31] =	ssyncset.done $0x0  }
0x9a: {  	s0 =	rddreg [dreg:$0xd];
	[sflag:s31] =	ssyncadd.s32 $0xFFFF6000  }
0x9b: {  	[hbm4b:s0+s3] =	stream.linear.scatter [tilespmem:s25], [sflag:$0x6], $0xA000, $0x38;
	[tilespmem:$0x1FC00] =	vst v63  }
0x9c: {  	_ =	swait.ge [sflag:s1], $0xA000  }
0x9d: {  	[sflag:s1] =	ssyncset.done $0x0  }
0x9e: {  	[sflag:s1] =	ssyncadd.s32 $0xFFFF6000  }
0x9f: {  	v1 =	vld.msk [tilespmem:$0x580], $0x1f;
	_ =	sdelay $0x4  }
0xa0: {  	v1 =	vshll.u32 v1, $0xD  }
0xa1: {  	v1 =	vperm.xlane v1, v0;
	_ =	sdelay $0x5  }
0xa2: {  	[tilespmem:s25], [sflag:$0x3] =	stream.indirect_vreg.gather [hbm4b:s2+s3], $0x2000, v1, vm0, $0x38;
	[tilespmem:$0x1FC00] =	vst v63  }
0xa3: {  	_ =	swait.ge [sflag:s26], $0xA000  }
0xa4: {  	[sflag:s26] =	ssyncset.done $0x0  }
0xa5: {  	s0 =	rddreg [dreg:$0xe];
	[sflag:s26] =	ssyncadd.s32 $0xFFFF6000  }
0xa6: {  	[hbm4b:s0+s3] =	stream.linear.scatter [tilespmem:s23], [sflag:$0x4], $0xA000, $0x38;
	[tilespmem:$0x1FC00] =	vst v63  }
0xa7: {  	_ =	swait.ge [sflag:s28], $0xA000  }
0xa8: {  	[sflag:s28] =	ssyncset.done $0x0  }
0xa9: {  	[sflag:s28] =	ssyncadd.s32 $0xFFFF6000  }
0xaa: {  	v1 =	vld.msk [tilespmem:$0x600], $0x1f;
	_ =	sdelay $0x4  }
0xab: {  	v1 =	vshll.u32 v1, $0xD  }
0xac: {  	v1 =	vperm.xlane v1, v0;
	_ =	sdelay $0x5  }
0xad: {  	[tilespmem:s23], [sflag:$0x1] =	stream.indirect_vreg.gather [hbm4b:s2+s3], $0x2000, v1, vm0, $0x38;
	[tilespmem:$0x1FC00] =	vst v63  }
0xae: {  	_ =	swait.ge [sflag:s29], $0xA000  }
0xaf: {  	[sflag:s29] =	ssyncset.done $0x0  }
0xb0: {  	s0 =	rddreg [dreg:$0xf];
	[sflag:s29] =	ssyncadd.s32 $0xFFFF6000  }
0xb1: {  	[hbm4b:s0+s3] =	stream.linear.scatter [tilespmem:s24], [sflag:$0x5], $0xA000, $0x38;
	[tilespmem:$0x1FC00] =	vst v63  }
0xb2: {  	_ =	swait.ge [sflag:s30], $0xA000  }
0xb3: {  	[sflag:s30] =	ssyncset.done $0x0  }
0xb4: {  	[sflag:s30] =	ssyncadd.s32 $0xFFFF6000  }
0xb5: {  	v1 =	vld.msk [tilespmem:$0x680], $0x1f;
	_ =	sdelay $0x4  }
0xb6: {  	v1 =	vshll.u32 v1, $0xD  }
0xb7: {  	v1 =	vperm.xlane v1, v0;
	_ =	sdelay $0x5  }
0xb8: {  	[tilespmem:s24], [sflag:$0x2] =	stream.indirect_vreg.gather [hbm4b:s2+s3], $0x2000, v1, vm0, $0x38;
	[tilespmem:$0x1FC00] =	vst v63  }
0xb9: {  	_ =	swait.ge [sflag:s31], $0xA000  }
0xba: {  	[sflag:s31] =	ssyncset.done $0x0  }
0xbb: {  	s0 =	rddreg [dreg:$0x10];
	[sflag:s31] =	ssyncadd.s32 $0xFFFF6000  }
0xbc: {  	[hbm4b:s0+s3] =	stream.linear.scatter [tilespmem:s25], [sflag:$0x6], $0xA000, $0x38;
	[tilespmem:$0x1FC00] =	vst v63  }
0xbd: {  	_ =	swait.ge [sflag:s1], $0xA000  }
0xbe: {  	[sflag:s1] =	ssyncset.done $0x0  }
0xbf: {  	[sflag:s1] =	ssyncadd.s32 $0xFFFF6000  }
0xc0: {  	v1 =	vld.msk [tilespmem:$0x700], $0x1f;
	_ =	sdelay $0x4  }
0xc1: {  	v1 =	vshll.u32 v1, $0xD  }
0xc2: {  	v1 =	vperm.xlane v1, v0;
	_ =	sdelay $0x5  }
0xc3: {  	[tilespmem:s25], [sflag:$0x3] =	stream.indirect_vreg.gather [hbm4b:s2+s3], $0x2000, v1, vm0, $0x38;
	[tilespmem:$0x1FC00] =	vst v63  }
0xc4: {  	_ =	swait.ge [sflag:s26], $0xA000  }
0xc5: {  	[sflag:s26] =	ssyncset.done $0x0  }
0xc6: {  	s0 =	rddreg [dreg:$0x11];
	[sflag:s26] =	ssyncadd.s32 $0xFFFF6000  }
0xc7: {  	[hbm4b:s0+s3] =	stream.linear.scatter [tilespmem:s23], [sflag:$0x4], $0xA000, $0x38;
	[tilespmem:$0x1FC00] =	vst v63  }
0xc8: {  	_ =	swait.ge [sflag:s28], $0xA000  }
0xc9: {  	[sflag:s28] =	ssyncset.done $0x0  }
0xca: {  	[sflag:s28] =	ssyncadd.s32 $0xFFFF6000  }
0xcb: {  	v1 =	vld.msk [tilespmem:$0x780], $0x1f;
	_ =	sdelay $0x4  }
0xcc: {  	v1 =	vshll.u32 v1, $0xD  }
0xcd: {  	v1 =	vperm.xlane v1, v0;
	_ =	sdelay $0x5  }
0xce: {  	[tilespmem:s23], [sflag:$0x1] =	stream.indirect_vreg.gather [hbm4b:s2+s3], $0x2000, v1, vm0, $0x38;
	[tilespmem:$0x1FC00] =	vst v63  }
0xcf: {  	_ =	swait.ge [sflag:s29], $0xA000  }
0xd0: {  	[sflag:s29] =	ssyncset.done $0x0  }
0xd1: {  	s0 =	rddreg [dreg:$0x12];
	[sflag:s29] =	ssyncadd.s32 $0xFFFF6000  }
0xd2: {  	[hbm4b:s0+s3] =	stream.linear.scatter [tilespmem:s24], [sflag:$0x5], $0xA000, $0x38;
	[tilespmem:$0x1FC00] =	vst v63  }
0xd3: {  	_ =	swait.ge [sflag:s30], $0xA000  }
0xd4: {  	[sflag:s30] =	ssyncset.done $0x0  }
0xd5: {  	[sflag:s30] =	ssyncadd.s32 $0xFFFF6000  }
0xd6: {  	v1 =	vld.msk [tilespmem:$0x800], $0x1f;
	_ =	sdelay $0x4  }
0xd7: {  	v1 =	vshll.u32 v1, $0xD  }
0xd8: {  	v1 =	vperm.xlane v1, v0;
	_ =	sdelay $0x5  }
0xd9: {  	[tilespmem:s24], [sflag:$0x2] =	stream.indirect_vreg.gather [hbm4b:s2+s3], $0x2000, v1, vm0, $0x38;
	[tilespmem:$0x1FC00] =	vst v63  }
0xda: {  	_ =	swait.ge [sflag:s31], $0xA000  }
0xdb: {  	[sflag:s31] =	ssyncset.done $0x0  }
0xdc: {  	s0 =	rddreg [dreg:$0x13];
	[sflag:s31] =	ssyncadd.s32 $0xFFFF6000  }
0xdd: {  	[hbm4b:s0+s3] =	stream.linear.scatter [tilespmem:s25], [sflag:$0x6], $0xA000, $0x38;
	[tilespmem:$0x1FC00] =	vst v63  }
0xde: {  	_ =	swait.ge [sflag:s1], $0xA000  }
0xdf: {  	[sflag:s1] =	ssyncset.done $0x0  }
0xe0: {  	[sflag:s1] =	ssyncadd.s32 $0xFFFF6000  }
0xe1: {  	v1 =	vld.msk [tilespmem:$0x880], $0x1f;
	_ =	sdelay $0x4  }
0xe2: {  	v1 =	vshll.u32 v1, $0xD  }
0xe3: {  	v1 =	vperm.xlane v1, v0;
	_ =	sdelay $0x5  }
0xe4: {  	[tilespmem:s25], [sflag:$0x3] =	stream.indirect_vreg.gather [hbm4b:s2+s3], $0x2000, v1, vm0, $0x38;
	[tilespmem:$0x1FC00] =	vst v63  }
0xe5: {  	_ =	swait.ge [sflag:s26], $0xA000  }
0xe6: {  	[sflag:s26] =	ssyncset.done $0x0  }
0xe7: {  	s0 =	rddreg [dreg:$0x14];
	[sflag:s26] =	ssyncadd.s32 $0xFFFF6000  }
0xe8: {  	[hbm4b:s0+s3] =	stream.linear.scatter [tilespmem:s23], [sflag:$0x4], $0xA000, $0x38;
	[tilespmem:$0x1FC00] =	vst v63  }
0xe9: {  	_ =	swait.ge [sflag:s28], $0xA000  }
0xea: {  	[sflag:s28] =	ssyncset.done $0x0  }
0xeb: {  	[sflag:s28] =	ssyncadd.s32 $0xFFFF6000  }
0xec: {  	v1 =	vld.msk [tilespmem:$0x900], $0x1f;
	_ =	sdelay $0x4  }
0xed: {  	v1 =	vshll.u32 v1, $0xD  }
0xee: {  	v1 =	vperm.xlane v1, v0;
	_ =	sdelay $0x5  }
0xef: {  	[tilespmem:s23], [sflag:$0x1] =	stream.indirect_vreg.gather [hbm4b:s2+s3], $0x2000, v1, vm0, $0x38;
	[tilespmem:$0x1FC00] =	vst v63  }
0xf0: {  	_ =	swait.ge [sflag:s29], $0xA000  }
0xf1: {  	[sflag:s29] =	ssyncset.done $0x0  }
0xf2: {  	s0 =	rddreg [dreg:$0x15];
	[sflag:s29] =	ssyncadd.s32 $0xFFFF6000  }
0xf3: {  	[hbm4b:s0+s3] =	stream.linear.scatter [tilespmem:s24], [sflag:$0x5], $0xA000, $0x38;
	[tilespmem:$0x1FC00] =	vst v63  }
0xf4: {  	_ =	swait.ge [sflag:s30], $0xA000  }
0xf5: {  	[sflag:s30] =	ssyncset.done $0x0  }
0xf6: {  	[sflag:s30] =	ssyncadd.s32 $0xFFFF6000  }
0xf7: {  	v1 =	vld.msk [tilespmem:$0x980], $0x1f;
	_ =	sdelay $0x4  }
0xf8: {  	v1 =	vshll.u32 v1, $0xD  }
0xf9: {  	v1 =	vperm.xlane v1, v0;
	_ =	sdelay $0x5  }
0xfa: {  	[tilespmem:s24], [sflag:$0x2] =	stream.indirect_vreg.gather [hbm4b:s2+s3], $0x2000, v1, vm0, $0x38;
	[tilespmem:$0x1FC00] =	vst v63  }
0xfb: {  	_ =	swait.ge [sflag:s31], $0xA000  }
0xfc: {  	[sflag:s31] =	ssyncset.done $0x0  }
0xfd: {  	s0 =	rddreg [dreg:$0x16];
	[sflag:s31] =	ssyncadd.s32 $0xFFFF6000  }
0xfe: {  	[hbm4b:s0+s3] =	stream.linear.scatter [tilespmem:s25], [sflag:$0x6], $0xA000, $0x38;
	[tilespmem:$0x1FC00] =	vst v63  }
0xff: {  	_ =	swait.ge [sflag:s1], $0xA000  }
0x100: {  	[sflag:s1] =	ssyncset.done $0x0  }
0x101: {  	[sflag:s1] =	ssyncadd.s32 $0xFFFF6000  }
0x102: {  	v1 =	vld.msk [tilespmem:$0xA00], $0x1f;
	_ =	sdelay $0x4  }
0x103: {  	v1 =	vshll.u32 v1, $0xD  }
0x104: {  	v1 =	vperm.xlane v1, v0;
	_ =	sdelay $0x5  }
0x105: {  	[tilespmem:s25], [sflag:$0x3] =	stream.indirect_vreg.gather [hbm4b:s2+s3], $0x2000, v1, vm0, $0x38;
	[tilespmem:$0x1FC00] =	vst v63  }
0x106: {  	_ =	swait.ge [sflag:s26], $0xA000  }
0x107: {  	[sflag:s26] =	ssyncset.done $0x0  }
0x108: {  	s0 =	rddreg [dreg:$0x17];
	[sflag:s26] =	ssyncadd.s32 $0xFFFF6000  }
0x109: {  	[hbm4b:s0+s3] =	stream.linear.scatter [tilespmem:s23], [sflag:$0x4], $0xA000, $0x38;
	[tilespmem:$0x1FC00] =	vst v63  }
0x10a: {  	_ =	swait.ge [sflag:s28], $0xA000  }
0x10b: {  	[sflag:s28] =	ssyncset.done $0x0  }
0x10c: {  	[sflag:s28] =	ssyncadd.s32 $0xFFFF6000  }
0x10d: {  	v1 =	vld.msk [tilespmem:$0xA80], $0x1f;
	_ =	sdelay $0x4  }
0x10e: {  	v1 =	vshll.u32 v1, $0xD  }
0x10f: {  	v1 =	vperm.xlane v1, v0;
	_ =	sdelay $0x5  }
0x110: {  	[tilespmem:s23], [sflag:$0x1] =	stream.indirect_vreg.gather [hbm4b:s2+s3], $0x2000, v1, vm0, $0x38;
	[tilespmem:$0x1FC00] =	vst v63  }
0x111: {  	_ =	swait.ge [sflag:s29], $0xA000  }
0x112: {  	[sflag:s29] =	ssyncset.done $0x0  }
0x113: {  	s0 =	rddreg [dreg:$0x18];
	[sflag:s29] =	ssyncadd.s32 $0xFFFF6000  }
0x114: {  	[hbm4b:s0+s3] =	stream.linear.scatter [tilespmem:s24], [sflag:$0x5], $0xA000, $0x38;
	[tilespmem:$0x1FC00] =	vst v63  }
0x115: {  	_ =	swait.ge [sflag:s30], $0xA000  }
0x116: {  	[sflag:s30] =	ssyncset.done $0x0  }
0x117: {  	[sflag:s30] =	ssyncadd.s32 $0xFFFF6000  }
0x118: {  	v1 =	vld.msk [tilespmem:$0xB00], $0x1f;
	_ =	sdelay $0x4  }
0x119: {  	v1 =	vshll.u32 v1, $0xD  }
0x11a: {  	v1 =	vperm.xlane v1, v0;
	_ =	sdelay $0x5  }
0x11b: {  	[tilespmem:s24], [sflag:$0x2] =	stream.indirect_vreg.gather [hbm4b:s2+s3], $0x2000, v1, vm0, $0x38;
	[tilespmem:$0x1FC00] =	vst v63  }
0x11c: {  	_ =	swait.ge [sflag:s31], $0xA000  }
0x11d: {  	[sflag:s31] =	ssyncset.done $0x0  }
0x11e: {  	s0 =	rddreg [dreg:$0x19];
	[sflag:s31] =	ssyncadd.s32 $0xFFFF6000  }
0x11f: {  	[hbm4b:s0+s3] =	stream.linear.scatter [tilespmem:s25], [sflag:$0x6], $0xA000, $0x38;
	[tilespmem:$0x1FC00] =	vst v63  }
0x120: {  	_ =	swait.ge [sflag:s1], $0xA000  }
0x121: {  	[sflag:s1] =	ssyncset.done $0x0  }
0x122: {  	[sflag:s1] =	ssyncadd.s32 $0xFFFF6000  }
0x123: {  	v1 =	vld.msk [tilespmem:$0xB80], $0x1f;
	_ =	sdelay $0x4  }
0x124: {  	v1 =	vshll.u32 v1, $0xD  }
0x125: {  	v1 =	vperm.xlane v1, v0;
	_ =	sdelay $0x5  }
0x126: {  	[tilespmem:s25], [sflag:$0x3] =	stream.indirect_vreg.gather [hbm4b:s2+s3], $0x2000, v1, vm0, $0x38;
	[tilespmem:$0x1FC00] =	vst v63  }
0x127: {  	_ =	swait.ge [sflag:s26], $0xA000  }
0x128: {  	[sflag:s26] =	ssyncset.done $0x0  }
0x129: {  	s0 =	rddreg [dreg:$0x1a];
	[sflag:s26] =	ssyncadd.s32 $0xFFFF6000  }
0x12a: {  	[hbm4b:s0+s3] =	stream.linear.scatter [tilespmem:s23], [sflag:$0x4], $0xA000, $0x38;
	[tilespmem:$0x1FC00] =	vst v63  }
0x12b: {  	_ =	swait.ge [sflag:s28], $0xA000  }
0x12c: {  	[sflag:s28] =	ssyncset.done $0x0  }
0x12d: {  	[sflag:s28] =	ssyncadd.s32 $0xFFFF6000  }
0x12e: {  	v1 =	vld.msk [tilespmem:$0xC00], $0x1f;
	_ =	sdelay $0x4  }
0x12f: {  	v1 =	vshll.u32 v1, $0xD  }
0x130: {  	v1 =	vperm.xlane v1, v0;
	_ =	sdelay $0x5  }
0x131: {  	[tilespmem:s23], [sflag:$0x1] =	stream.indirect_vreg.gather [hbm4b:s2+s3], $0x2000, v1, vm0, $0x38;
	[tilespmem:$0x1FC00] =	vst v63  }
0x132: {  	_ =	swait.ge [sflag:s29], $0xA000  }
0x133: {  	[sflag:s29] =	ssyncset.done $0x0  }
0x134: {  	s0 =	rddreg [dreg:$0x1b];
	[sflag:s29] =	ssyncadd.s32 $0xFFFF6000  }
0x135: {  	[hbm4b:s0+s3] =	stream.linear.scatter [tilespmem:s24], [sflag:$0x5], $0xA000, $0x38;
	[tilespmem:$0x1FC00] =	vst v63  }
0x136: {  	_ =	swait.ge [sflag:s30], $0xA000  }
0x137: {  	[sflag:s30] =	ssyncset.done $0x0  }
0x138: {  	[sflag:s30] =	ssyncadd.s32 $0xFFFF6000  }
0x139: {  	v1 =	vld.msk [tilespmem:$0xC80], $0x1f;
	_ =	sdelay $0x4  }
0x13a: {  	v1 =	vshll.u32 v1, $0xD  }
0x13b: {  	v1 =	vperm.xlane v1, v0;
	_ =	sdelay $0x5  }
0x13c: {  	[tilespmem:s24], [sflag:$0x2] =	stream.indirect_vreg.gather [hbm4b:s2+s3], $0x2000, v1, vm0, $0x38;
	[tilespmem:$0x1FC00] =	vst v63  }
0x13d: {  	_ =	swait.ge [sflag:s31], $0xA000  }
0x13e: {  	[sflag:s31] =	ssyncset.done $0x0  }
0x13f: {  	s0 =	rddreg [dreg:$0x1c];
	[sflag:s31] =	ssyncadd.s32 $0xFFFF6000  }
0x140: {  	[hbm4b:s0+s3] =	stream.linear.scatter [tilespmem:s25], [sflag:$0x6], $0xA000, $0x38;
	[tilespmem:$0x1FC00] =	vst v63  }
0x141: {  	_ =	swait.ge [sflag:s1], $0xA000  }
0x142: {  	[sflag:s1] =	ssyncset.done $0x0  }
0x143: {  	[sflag:s1] =	ssyncadd.s32 $0xFFFF6000  }
0x144: {  	v1 =	vld.msk [tilespmem:$0xD00], $0x1f;
	_ =	sdelay $0x4  }
0x145: {  	v1 =	vshll.u32 v1, $0xD  }
0x146: {  	v1 =	vperm.xlane v1, v0;
	_ =	sdelay $0x5  }
0x147: {  	[tilespmem:s25], [sflag:$0x3] =	stream.indirect_vreg.gather [hbm4b:s2+s3], $0x2000, v1, vm0, $0x38;
	[tilespmem:$0x1FC00] =	vst v63  }
0x148: {  	_ =	swait.ge [sflag:s26], $0xA000  }
0x149: {  	[sflag:s26] =	ssyncset.done $0x0  }
0x14a: {  	s0 =	rddreg [dreg:$0x1d];
	[sflag:s26] =	ssyncadd.s32 $0xFFFF6000  }
0x14b: {  	[hbm4b:s0+s3] =	stream.linear.scatter [tilespmem:s23], [sflag:$0x4], $0xA000, $0x38;
	[tilespmem:$0x1FC00] =	vst v63  }
0x14c: {  	_ =	swait.ge [sflag:s28], $0xA000  }
0x14d: {  	[sflag:s28] =	ssyncset.done $0x0  }
0x14e: {  	[sflag:s28] =	ssyncadd.s32 $0xFFFF6000  }
0x14f: {  	v1 =	vld.msk [tilespmem:$0xD80], $0x1f;
	_ =	sdelay $0x4  }
0x150: {  	v1 =	vshll.u32 v1, $0xD  }
0x151: {  	v1 =	vperm.xlane v1, v0;
	_ =	sdelay $0x5  }
0x152: {  	[tilespmem:s23], [sflag:$0x1] =	stream.indirect_vreg.gather [hbm4b:s2+s3], $0x2000, v1, vm0, $0x38;
	[tilespmem:$0x1FC00] =	vst v63  }
0x153: {  	_ =	swait.ge [sflag:s29], $0xA000  }
0x154: {  	[sflag:s29] =	ssyncset.done $0x0  }
0x155: {  	s0 =	rddreg [dreg:$0x1e];
	[sflag:s29] =	ssyncadd.s32 $0xFFFF6000  }
0x156: {  	[hbm4b:s0+s3] =	stream.linear.scatter [tilespmem:s24], [sflag:$0x5], $0xA000, $0x38;
	[tilespmem:$0x1FC00] =	vst v63  }
0x157: {  	_ =	swait.ge [sflag:s30], $0xA000  }
0x158: {  	[sflag:s30] =	ssyncset.done $0x0  }
0x159: {  	[sflag:s30] =	ssyncadd.s32 $0xFFFF6000  }
0x15a: {  	v1 =	vld.msk [tilespmem:$0xE00], $0x1f;
	_ =	sdelay $0x4  }
0x15b: {  	v1 =	vshll.u32 v1, $0xD  }
0x15c: {  	v1 =	vperm.xlane v1, v0;
	_ =	sdelay $0x5  }
0x15d: {  	[tilespmem:s24], [sflag:$0x2] =	stream.indirect_vreg.gather [hbm4b:s2+s3], $0x2000, v1, vm0, $0x38;
	[tilespmem:$0x1FC00] =	vst v63  }
0x15e: {  	_ =	swait.ge [sflag:s31], $0xA000  }
0x15f: {  	[sflag:s31] =	ssyncset.done $0x0  }
0x160: {  	s0 =	rddreg [dreg:$0x1f];
	[sflag:s31] =	ssyncadd.s32 $0xFFFF6000  }
0x161: {  	[hbm4b:s0+s3] =	stream.linear.scatter [tilespmem:s25], [sflag:$0x6], $0xA000, $0x38;
	[tilespmem:$0x1FC00] =	vst v63  }
0x162: {  	_ =	swait.ge [sflag:s1], $0xA000  }
0x163: {  	[sflag:s1] =	ssyncset.done $0x0  }
0x164: {  	[sflag:s1] =	ssyncadd.s32 $0xFFFF6000  }
0x165: {  	v1 =	vld.msk [tilespmem:$0xE80], $0x1f;
	_ =	sdelay $0x4  }
0x166: {  	v1 =	vshll.u32 v1, $0xD  }
0x167: {  	v1 =	vperm.xlane v1, v0;
	_ =	sdelay $0x5  }
0x168: {  	[tilespmem:s25], [sflag:$0x3] =	stream.indirect_vreg.gather [hbm4b:s2+s3], $0x2000, v1, vm0, $0x38;
	[tilespmem:$0x1FC00] =	vst v63  }
0x169: {  	_ =	swait.ge [sflag:s26], $0xA000  }
0x16a: {  	s0 =	sld [smem:$0x7F9]  }
0x16b: {  	[sflag:s26] =	ssyncset.done $0x0  }
0x16c: {  	[sflag:s26] =	ssyncadd.s32 $0xFFFF6000  }
0x16d: {  	[hbm4b:s0+s3] =	stream.linear.scatter [tilespmem:s23], [sflag:$0x4], $0xA000, $0x38;
	[tilespmem:$0x1FC00] =	vst v63  }
0x16e: {  	_ =	swait.ge [sflag:s28], $0xA000  }
0x16f: {  	[sflag:s28] =	ssyncset.done $0x0  }
0x170: {  	[sflag:s28] =	ssyncadd.s32 $0xFFFF6000  }
0x171: {  	v1 =	vld.msk [tilespmem:$0xF00], $0x1f;
	_ =	sdelay $0x4  }
0x172: {  	v1 =	vshll.u32 v1, $0xD  }
0x173: {  	v1 =	vperm.xlane v1, v0;
	_ =	sdelay $0x5  }
0x174: {  	[tilespmem:s23], [sflag:$0x1] =	stream.indirect_vreg.gather [hbm4b:s2+s3], $0x2000, v1, vm0, $0x38;
	[tilespmem:$0x1FC00] =	vst v63  }
0x175: {  	_ =	swait.ge [sflag:s29], $0xA000  }
0x176: {  	s0 =	sld [smem:$0x7FA]  }
0x177: {  	[sflag:s29] =	ssyncset.done $0x0  }
0x178: {  	[sflag:s29] =	ssyncadd.s32 $0xFFFF6000  }
0x179: {  	[hbm4b:s0+s3] =	stream.linear.scatter [tilespmem:s24], [sflag:$0x5], $0xA000, $0x38;
	[tilespmem:$0x1FC00] =	vst v63  }
0x17a: {  	_ =	swait.ge [sflag:s30], $0xA000  }
0x17b: {  	[sflag:s30] =	ssyncset.done $0x0  }
0x17c: {  	[sflag:s30] =	ssyncadd.s32 $0xFFFF6000  }
0x17d: {  	v1 =	vld.msk [tilespmem:$0xF80], $0x1f;
	_ =	sdelay $0x4  }
0x17e: {  	v1 =	vshll.u32 v1, $0xD  }
0x17f: {  	v1 =	vperm.xlane v1, v0;
	_ =	sdelay $0x5  }
0x180: {  	[tilespmem:s24], [sflag:$0x2] =	stream.indirect_vreg.gather [hbm4b:s2+s3], $0x2000, v1, vm0, $0x38;
	[tilespmem:$0x1FC00] =	vst v63  }
0x181: {  	_ =	swait.ge [sflag:s31], $0xA000  }
0x182: {  	s0 =	sld [smem:$0x7FB]  }
0x183: {  	[sflag:s31] =	ssyncset.done $0x0  }
0x184: {  	[sflag:s31] =	ssyncadd.s32 $0xFFFF6000  }
0x185: {  	[hbm4b:s0+s3] =	stream.linear.scatter [tilespmem:s25], [sflag:$0x6], $0xA000, $0x38;
	[tilespmem:$0x1FC00] =	vst v63  }
0x186: {  	_ =	swait.ge [sflag:s1], $0xA000  }
0x187: {  	[sflag:s1] =	ssyncset.done $0x0  }
0x188: {  	[sflag:s1] =	ssyncadd.s32 $0xFFFF6000  }
0x189: {  	v1 =	vld.msk [tilespmem:$0x1000], $0x1f;
	_ =	sdelay $0x4  }
0x18a: {  	v1 =	vshll.u32 v1, $0xD  }
0x18b: {  	v1 =	vperm.xlane v1, v0;
	_ =	sdelay $0x5  }
0x18c: {  	[tilespmem:s25], [sflag:$0x3] =	stream.indirect_vreg.gather [hbm4b:s2+s3], $0x2000, v1, vm0, $0x38;
	[tilespmem:$0x1FC00] =	vst v63  }
0x18d: {  	_ =	swait.ge [sflag:s26], $0xA000  }
0x18e: {  	s0 =	sld [smem:$0x7FC]  }
0x18f: {  	[sflag:s26] =	ssyncset.done $0x0  }
0x190: {  	[sflag:s26] =	ssyncadd.s32 $0xFFFF6000  }
0x191: {  	[hbm4b:s0+s3] =	stream.linear.scatter [tilespmem:s23], [sflag:$0x4], $0xA000, $0x38;
	[tilespmem:$0x1FC00] =	vst v63  }
0x192: {  	_ =	swait.ge [sflag:s28], $0xA000  }
0x193: {  	[sflag:s28] =	ssyncset.done $0x0  }
0x194: {  	[sflag:s28] =	ssyncadd.s32 $0xFFFF6000  }
0x195: {  	v1 =	vld.msk [tilespmem:$0x1080], $0x1f;
	_ =	sdelay $0x4  }
0x196: {  	v1 =	vshll.u32 v1, $0xD  }
0x197: {  	v1 =	vperm.xlane v1, v0;
	_ =	sdelay $0x5  }
0x198: {  	[tilespmem:s23], [sflag:$0x1] =	stream.indirect_vreg.gather [hbm4b:s2+s3], $0x2000, v1, vm0, $0x38;
	[tilespmem:$0x1FC00] =	vst v63  }
0x199: {  	_ =	swait.ge [sflag:s29], $0xA000  }
0x19a: {  	s0 =	sld [smem:$0x7FD]  }
0x19b: {  	[sflag:s29] =	ssyncset.done $0x0  }
0x19c: {  	[sflag:s29] =	ssyncadd.s32 $0xFFFF6000  }
0x19d: {  	[hbm4b:s0+s3] =	stream.linear.scatter [tilespmem:s24], [sflag:$0x5], $0xA000, $0x38;
	[tilespmem:$0x1FC00] =	vst v63  }
0x19e: {  	_ =	swait.ge [sflag:s30], $0xA000  }
0x19f: {  	[sflag:s30] =	ssyncset.done $0x0  }
0x1a0: {  	[sflag:s30] =	ssyncadd.s32 $0xFFFF6000  }
0x1a1: {  	v1 =	vld.msk [tilespmem:$0x1100], $0x1f;
	_ =	sdelay $0x4  }
0x1a2: {  	v1 =	vshll.u32 v1, $0xD  }
0x1a3: {  	v1 =	vperm.xlane v1, v0;
	_ =	sdelay $0x5  }
0x1a4: {  	[tilespmem:s24], [sflag:$0x2] =	stream.indirect_vreg.gather [hbm4b:s2+s3], $0x2000, v1, vm0, $0x38;
	[tilespmem:$0x1FC00] =	vst v63  }
0x1a5: {  	_ =	swait.ge [sflag:s31], $0xA000  }
0x1a6: {  	[sflag:s31] =	ssyncset.done $0x0  }
0x1a7: {  	[sflag:s31] =	ssyncadd.s32 $0xFFFF6000  }
0x1a8: {  	[hbm4b:s4+s3] =	stream.linear.scatter [tilespmem:s25], [sflag:$0x6], $0xA000, $0x38;
	[tilespmem:$0x1FC00] =	vst v63  }
0x1a9: {  	_ =	swait.ge [sflag:s1], $0xA000  }
0x1aa: {  	[sflag:s1] =	ssyncset.done $0x0  }
0x1ab: {  	[sflag:s1] =	ssyncadd.s32 $0xFFFF6000  }
0x1ac: {  	v1 =	vld.msk [tilespmem:$0x1180], $0x1f;
	_ =	sdelay $0x4  }
0x1ad: {  	v1 =	vshll.u32 v1, $0xD  }
0x1ae: {  	v1 =	vperm.xlane v1, v0;
	_ =	sdelay $0x5  }
0x1af: {  	[tilespmem:s25], [sflag:$0x3] =	stream.indirect_vreg.gather [hbm4b:s2+s3], $0x2000, v1, vm0, $0x38;
	[tilespmem:$0x1FC00] =	vst v63  }
0x1b0: {  	_ =	swait.ge [sflag:s26], $0xA000  }
0x1b1: {  	[sflag:s26] =	ssyncset.done $0x0  }
0x1b2: {  	[sflag:s26] =	ssyncadd.s32 $0xFFFF6000  }
0x1b3: {  	[hbm4b:s5+s3] =	stream.linear.scatter [tilespmem:s23], [sflag:$0x4], $0xA000, $0x38;
	[tilespmem:$0x1FC00] =	vst v63  }
0x1b4: {  	_ =	swait.ge [sflag:s28], $0xA000  }
0x1b5: {  	[sflag:s28] =	ssyncset.done $0x0  }
0x1b6: {  	[sflag:s28] =	ssyncadd.s32 $0xFFFF6000  }
0x1b7: {  	v1 =	vld.msk [tilespmem:$0x1200], $0x1f;
	_ =	sdelay $0x4  }
0x1b8: {  	v1 =	vshll.u32 v1, $0xD  }
0x1b9: {  	v1 =	vperm.xlane v1, v0;
	_ =	sdelay $0x5  }
0x1ba: {  	[tilespmem:s23], [sflag:$0x1] =	stream.indirect_vreg.gather [hbm4b:s2+s3], $0x2000, v1, vm0, $0x38;
	[tilespmem:$0x1FC00] =	vst v63  }
0x1bb: {  	_ =	swait.ge [sflag:s29], $0xA000  }
0x1bc: {  	[sflag:s29] =	ssyncset.done $0x0  }
0x1bd: {  	[sflag:s29] =	ssyncadd.s32 $0xFFFF6000  }
0x1be: {  	[hbm4b:s6+s3] =	stream.linear.scatter [tilespmem:s24], [sflag:$0x5], $0xA000, $0x38;
	[tilespmem:$0x1FC00] =	vst v63  }
0x1bf: {  	_ =	swait.ge [sflag:s30], $0xA000  }
0x1c0: {  	[sflag:s30] =	ssyncset.done $0x0  }
0x1c1: {  	[sflag:s30] =	ssyncadd.s32 $0xFFFF6000  }
0x1c2: {  	v1 =	vld.msk [tilespmem:$0x1280], $0x1f;
	_ =	sdelay $0x4  }
0x1c3: {  	v1 =	vshll.u32 v1, $0xD  }
0x1c4: {  	v1 =	vperm.xlane v1, v0;
	_ =	sdelay $0x5  }
0x1c5: {  	[tilespmem:s24], [sflag:$0x2] =	stream.indirect_vreg.gather [hbm4b:s2+s3], $0x2000, v1, vm0, $0x38;
	[tilespmem:$0x1FC00] =	vst v63  }
0x1c6: {  	_ =	swait.ge [sflag:s31], $0xA000  }
0x1c7: {  	[sflag:s31] =	ssyncset.done $0x0  }
0x1c8: {  	[sflag:s31] =	ssyncadd.s32 $0xFFFF6000  }
0x1c9: {  	[hbm4b:s7+s3] =	stream.linear.scatter [tilespmem:s25], [sflag:$0x6], $0xA000, $0x38;
	[tilespmem:$0x1FC00] =	vst v63  }
0x1ca: {  	_ =	swait.ge [sflag:s1], $0xA000  }
0x1cb: {  	[sflag:s1] =	ssyncset.done $0x0  }
0x1cc: {  	[sflag:s1] =	ssyncadd.s32 $0xFFFF6000  }
0x1cd: {  	v1 =	vld.msk [tilespmem:$0x1300], $0x1f;
	_ =	sdelay $0x4  }
0x1ce: {  	v1 =	vshll.u32 v1, $0xD  }
0x1cf: {  	v1 =	vperm.xlane v1, v0;
	_ =	sdelay $0x5  }
0x1d0: {  	[tilespmem:s25], [sflag:$0x3] =	stream.indirect_vreg.gather [hbm4b:s2+s3], $0x2000, v1, vm0, $0x38;
	[tilespmem:$0x1FC00] =	vst v63  }
0x1d1: {  	_ =	swait.ge [sflag:s26], $0xA000  }
0x1d2: {  	[sflag:s26] =	ssyncset.done $0x0  }
0x1d3: {  	[sflag:s26] =	ssyncadd.s32 $0xFFFF6000  }
0x1d4: {  	[hbm4b:s8+s3] =	stream.linear.scatter [tilespmem:s23], [sflag:$0x4], $0xA000, $0x38;
	[tilespmem:$0x1FC00] =	vst v63  }
0x1d5: {  	_ =	swait.ge [sflag:s28], $0xA000  }
0x1d6: {  	[sflag:s28] =	ssyncset.done $0x0  }
0x1d7: {  	[sflag:s28] =	ssyncadd.s32 $0xFFFF6000  }
0x1d8: {  	v1 =	vld.msk [tilespmem:$0x1380], $0x1f;
	_ =	sdelay $0x4  }
0x1d9: {  	v1 =	vshll.u32 v1, $0xD  }
0x1da: {  	v1 =	vperm.xlane v1, v0;
	_ =	sdelay $0x5  }
0x1db: {  	[tilespmem:s23], [sflag:$0x1] =	stream.indirect_vreg.gather [hbm4b:s2+s3], $0x2000, v1, vm0, $0x38;
	[tilespmem:$0x1FC00] =	vst v63  }
0x1dc: {  	_ =	swait.ge [sflag:s29], $0xA000  }
0x1dd: {  	[sflag:s29] =	ssyncset.done $0x0  }
0x1de: {  	[sflag:s29] =	ssyncadd.s32 $0xFFFF6000  }
0x1df: {  	[hbm4b:s9+s3] =	stream.linear.scatter [tilespmem:s24], [sflag:$0x5], $0xA000, $0x38;
	[tilespmem:$0x1FC00] =	vst v63  }
0x1e0: {  	_ =	swait.ge [sflag:s30], $0xA000  }
0x1e1: {  	[sflag:s30] =	ssyncset.done $0x0  }
0x1e2: {  	[sflag:s30] =	ssyncadd.s32 $0xFFFF6000  }
0x1e3: {  	v1 =	vld.msk [tilespmem:$0x1400], $0x1f;
	_ =	sdelay $0x4  }
0x1e4: {  	v1 =	vshll.u32 v1, $0xD  }
0x1e5: {  	v1 =	vperm.xlane v1, v0;
	_ =	sdelay $0x5  }
0x1e6: {  	[tilespmem:s24], [sflag:$0x2] =	stream.indirect_vreg.gather [hbm4b:s2+s3], $0x2000, v1, vm0, $0x38;
	[tilespmem:$0x1FC00] =	vst v63  }
0x1e7: {  	_ =	swait.ge [sflag:s31], $0xA000  }
0x1e8: {  	[sflag:s31] =	ssyncset.done $0x0  }
0x1e9: {  	[sflag:s31] =	ssyncadd.s32 $0xFFFF6000  }
0x1ea: {  	[hbm4b:s10+s3] =	stream.linear.scatter [tilespmem:s25], [sflag:$0x6], $0xA000, $0x38;
	[tilespmem:$0x1FC00] =	vst v63  }
0x1eb: {  	_ =	swait.ge [sflag:s1], $0xA000  }
0x1ec: {  	[sflag:s1] =	ssyncset.done $0x0  }
0x1ed: {  	[sflag:s1] =	ssyncadd.s32 $0xFFFF6000  }
0x1ee: {  	v1 =	vld.msk [tilespmem:$0x1480], $0x1f;
	_ =	sdelay $0x4  }
0x1ef: {  	v1 =	vshll.u32 v1, $0xD  }
0x1f0: {  	v1 =	vperm.xlane v1, v0;
	_ =	sdelay $0x5  }
0x1f1: {  	[tilespmem:s25], [sflag:$0x3] =	stream.indirect_vreg.gather [hbm4b:s2+s3], $0x2000, v1, vm0, $0x38;
	[tilespmem:$0x1FC00] =	vst v63  }
0x1f2: {  	_ =	swait.ge [sflag:s26], $0xA000  }
0x1f3: {  	[sflag:s26] =	ssyncset.done $0x0  }
0x1f4: {  	[sflag:s26] =	ssyncadd.s32 $0xFFFF6000  }
0x1f5: {  	[hbm4b:s11+s3] =	stream.linear.scatter [tilespmem:s23], [sflag:$0x4], $0xA000, $0x38;
	[tilespmem:$0x1FC00] =	vst v63  }
0x1f6: {  	_ =	swait.ge [sflag:s28], $0xA000  }
0x1f7: {  	[sflag:s28] =	ssyncset.done $0x0  }
0x1f8: {  	[sflag:s28] =	ssyncadd.s32 $0xFFFF6000  }
0x1f9: {  	v1 =	vld.msk [tilespmem:$0x1500], $0x1f;
	_ =	sdelay $0x4  }
0x1fa: {  	v1 =	vshll.u32 v1, $0xD  }
0x1fb: {  	v1 =	vperm.xlane v1, v0;
	_ =	sdelay $0x5  }
0x1fc: {  	[tilespmem:s23], [sflag:$0x1] =	stream.indirect_vreg.gather [hbm4b:s2+s3], $0x2000, v1, vm0, $0x38;
	[tilespmem:$0x1FC00] =	vst v63  }
0x1fd: {  	_ =	swait.ge [sflag:s29], $0xA000  }
0x1fe: {  	[sflag:s29] =	ssyncset.done $0x0  }
0x1ff: {  	[sflag:s29] =	ssyncadd.s32 $0xFFFF6000  }
0x200: {  	[hbm4b:s12+s3] =	stream.linear.scatter [tilespmem:s24], [sflag:$0x5], $0xA000, $0x38;
	[tilespmem:$0x1FC00] =	vst v63  }
0x201: {  	_ =	swait.ge [sflag:s30], $0xA000  }
0x202: {  	[sflag:s30] =	ssyncset.done $0x0  }
0x203: {  	[sflag:s30] =	ssyncadd.s32 $0xFFFF6000  }
0x204: {  	v1 =	vld.msk [tilespmem:$0x1580], $0x1f;
	_ =	sdelay $0x4  }
0x205: {  	v1 =	vshll.u32 v1, $0xD  }
0x206: {  	v1 =	vperm.xlane v1, v0;
	_ =	sdelay $0x5  }
0x207: {  	[tilespmem:s24], [sflag:$0x2] =	stream.indirect_vreg.gather [hbm4b:s2+s3], $0x2000, v1, vm0, $0x38;
	[tilespmem:$0x1FC00] =	vst v63  }
0x208: {  	_ =	swait.ge [sflag:s31], $0xA000  }
0x209: {  	[sflag:s31] =	ssyncset.done $0x0  }
0x20a: {  	[sflag:s31] =	ssyncadd.s32 $0xFFFF6000  }
0x20b: {  	[hbm4b:s13+s3] =	stream.linear.scatter [tilespmem:s25], [sflag:$0x6], $0xA000, $0x38;
	[tilespmem:$0x1FC00] =	vst v63  }
0x20c: {  	_ =	swait.ge [sflag:s1], $0xA000  }
0x20d: {  	[sflag:s1] =	ssyncset.done $0x0  }
0x20e: {  	[sflag:s1] =	ssyncadd.s32 $0xFFFF6000  }
0x20f: {  	v1 =	vld.msk [tilespmem:$0x1600], $0x1f;
	_ =	sdelay $0x4  }
0x210: {  	v1 =	vshll.u32 v1, $0xD  }
0x211: {  	v1 =	vperm.xlane v1, v0;
	_ =	sdelay $0x5  }
0x212: {  	[tilespmem:s25], [sflag:$0x3] =	stream.indirect_vreg.gather [hbm4b:s2+s3], $0x2000, v1, vm0, $0x38;
	[tilespmem:$0x1FC00] =	vst v63  }
0x213: {  	_ =	swait.ge [sflag:s26], $0xA000  }
0x214: {  	[sflag:s26] =	ssyncset.done $0x0  }
0x215: {  	[sflag:s26] =	ssyncadd.s32 $0xFFFF6000  }
0x216: {  	[hbm4b:s14+s3] =	stream.linear.scatter [tilespmem:s23], [sflag:$0x4], $0xA000, $0x38;
	[tilespmem:$0x1FC00] =	vst v63  }
0x217: {  	_ =	swait.ge [sflag:s28], $0xA000  }
0x218: {  	[sflag:s28] =	ssyncset.done $0x0  }
0x219: {  	[sflag:s28] =	ssyncadd.s32 $0xFFFF6000  }
0x21a: {  	v1 =	vld.msk [tilespmem:$0x1680], $0x1f;
	_ =	sdelay $0x4  }
0x21b: {  	v1 =	vshll.u32 v1, $0xD  }
0x21c: {  	v1 =	vperm.xlane v1, v0;
	_ =	sdelay $0x5  }
0x21d: {  	[tilespmem:s23], [sflag:$0x1] =	stream.indirect_vreg.gather [hbm4b:s2+s3], $0x2000, v1, vm0, $0x38;
	[tilespmem:$0x1FC00] =	vst v63  }
0x21e: {  	_ =	swait.ge [sflag:s29], $0xA000  }
0x21f: {  	[sflag:s29] =	ssyncset.done $0x0  }
0x220: {  	[sflag:s29] =	ssyncadd.s32 $0xFFFF6000  }
0x221: {  	[hbm4b:s15+s3] =	stream.linear.scatter [tilespmem:s24], [sflag:$0x5], $0xA000, $0x38;
	[tilespmem:$0x1FC00] =	vst v63  }
0x222: {  	_ =	swait.ge [sflag:s30], $0xA000  }
0x223: {  	[sflag:s30] =	ssyncset.done $0x0  }
0x224: {  	[sflag:s30] =	ssyncadd.s32 $0xFFFF6000  }
0x225: {  	v1 =	vld.msk [tilespmem:$0x1700], $0x1f;
	_ =	sdelay $0x4  }
0x226: {  	v1 =	vshll.u32 v1, $0xD  }
0x227: {  	v1 =	vperm.xlane v1, v0;
	_ =	sdelay $0x5  }
0x228: {  	[tilespmem:s24], [sflag:$0x2] =	stream.indirect_vreg.gather [hbm4b:s2+s3], $0x2000, v1, vm0, $0x38;
	[tilespmem:$0x1FC00] =	vst v63  }
0x229: {  	_ =	swait.ge [sflag:s31], $0xA000  }
0x22a: {  	[sflag:s31] =	ssyncset.done $0x0  }
0x22b: {  	[sflag:s31] =	ssyncadd.s32 $0xFFFF6000  }
0x22c: {  	[hbm4b:s16+s3] =	stream.linear.scatter [tilespmem:s25], [sflag:$0x6], $0xA000, $0x38;
	[tilespmem:$0x1FC00] =	vst v63  }
0x22d: {  	_ =	swait.ge [sflag:s1], $0xA000  }
0x22e: {  	[sflag:s1] =	ssyncset.done $0x0  }
0x22f: {  	[sflag:s1] =	ssyncadd.s32 $0xFFFF6000  }
0x230: {  	v1 =	vld.msk [tilespmem:$0x1780], $0x1f;
	_ =	sdelay $0x4  }
0x231: {  	v1 =	vshll.u32 v1, $0xD  }
0x232: {  	v1 =	vperm.xlane v1, v0;
	_ =	sdelay $0x5  }
0x233: {  	[tilespmem:s25], [sflag:$0x3] =	stream.indirect_vreg.gather [hbm4b:s2+s3], $0x2000, v1, vm0, $0x38;
	[tilespmem:$0x1FC00] =	vst v63  }
0x234: {  	_ =	swait.ge [sflag:s26], $0xA000  }
0x235: {  	[sflag:s26] =	ssyncset.done $0x0  }
0x236: {  	[sflag:s26] =	ssyncadd.s32 $0xFFFF6000  }
0x237: {  	[hbm4b:s17+s3] =	stream.linear.scatter [tilespmem:s23], [sflag:$0x4], $0xA000, $0x38;
	[tilespmem:$0x1FC00] =	vst v63  }
0x238: {  	_ =	swait.ge [sflag:s28], $0xA000  }
0x239: {  	[sflag:s28] =	ssyncset.done $0x0  }
0x23a: {  	[sflag:s28] =	ssyncadd.s32 $0xFFFF6000  }
0x23b: {  	v1 =	vld.msk [tilespmem:$0x1800], $0x1f;
	_ =	sdelay $0x4  }
0x23c: {  	v1 =	vshll.u32 v1, $0xD  }
0x23d: {  	v1 =	vperm.xlane v1, v0;
	_ =	sdelay $0x5  }
0x23e: {  	[tilespmem:s23], [sflag:$0x1] =	stream.indirect_vreg.gather [hbm4b:s2+s3], $0x2000, v1, vm0, $0x38;
	[tilespmem:$0x1FC00] =	vst v63  }
0x23f: {  	_ =	swait.ge [sflag:s29], $0xA000  }
0x240: {  	[sflag:s29] =	ssyncset.done $0x0  }
0x241: {  	[sflag:s29] =	ssyncadd.s32 $0xFFFF6000  }
0x242: {  	[hbm4b:s18+s3] =	stream.linear.scatter [tilespmem:s24], [sflag:$0x5], $0xA000, $0x38;
	[tilespmem:$0x1FC00] =	vst v63  }
0x243: {  	_ =	swait.ge [sflag:s31], $0xA000  }
0x244: {  	[sflag:s31] =	ssyncset.done $0x0  }
0x245: {  	[sflag:s31] =	ssyncadd.s32 $0xFFFF6000  }
0x246: {  	[hbm4b:s19+s3] =	stream.linear.scatter [tilespmem:s25], [sflag:$0x6], $0xA000, $0x38;
	[tilespmem:$0x1FC00] =	vst v63  }
0x247: {  	_ =	swait.ge [sflag:s26], $0xA000  }
0x248: {  	[sflag:s26] =	ssyncset.done $0x0  }
0x249: {  	[sflag:s26] =	ssyncadd.s32 $0xFFFF6000  }
0x24a: {  	[hbm4b:s20+s3] =	stream.linear.scatter [tilespmem:s23], [sflag:$0x4], $0xA000, $0x38;
	[tilespmem:$0x1FC00] =	vst v63  }
0x24b: {  	_ =	swait.ge [sflag:s30], $0xA000  }
0x24c: {  	[sflag:s30] =	ssyncset.done $0x0  }
0x24d: {  	[sflag:s30] =	ssyncadd.s32 $0xFFFF6000  }
0x24e: {  	p0 =	sne.s32 s21, $0x1;
	_ =	swait.ge [sflag:s1], $0xA000  }
.Ltmp0:
0x24f: {  	[sflag:s1] =	ssyncset.done $0x0;
	(pc) =	sbr.rel @p0 .LBB2_1-.Ltmp0, $4  }
0x250: {  	[sflag:s1] =	ssyncadd.s32 $0xFFFF6000  }
0x251: {  	_ =	swait.ge [sflag:s28], $0xA000  }
0x252: {  	[sflag:s28] =	ssyncset.done $0x0  }
0x253: {  	s21 =	sadd.s32 $0xFFFFFFFF, s21;
	[sflag:s28] =	ssyncadd.s32 $0xFFFF6000  }
0x254: {  	_ =	sfence.sel $0x180000  }
0x255: {  	[bflag:$0x0] =	sbarrier.arrive $0xFFFF  }
0x256: {  	_ =	strace $0x90000047  }
0x257: {  	s0 =	stileid.u32;
	[bflag:$0x2] =	sbarrier.arrive $0xFFFF  }
0x258: {  	p0 =	sne.s32 s0, $0x0;
	s0 =	rddreg [dreg:$0x3]  }
0x259: {  	s0 =	sadd.s32 @!p0 $0x100000, s0  }
0x25a: {  	[sflag:s0] =	ssyncadd.tile.s32 @!p0 $0x1;
	_ =	shalt  }
.Lfunc_end2:
_tile_overlayer_lowered:
.L_overlay_start_2:
0x25b: {  	(tag) =	ssettag $0x2  }
0x25c: {  	s0 =	rddreg [dreg:$0x0];
	s2 =	stileid.u32  }
0x25d: {  	s1 =	rddreg [dreg:$0x1];
	p0 =	sne.s32 s2, $0x0  }
0x25e: {  	s3 =	rddreg [dreg:$0x2];
	[bflag:$0x3] =	sbarrier.arrive $0xFFFF;
	s2 =	simm.s32 @!p0 $0x1C07  }
0x25f: {  	[timem:s3], [sflag:s2] =	dma.local @!p0 [hbm:s0], s1  }
0x260: {  	s0 =	simm.s32 @!p0 $0x7  }
0x261: {  	_ =	swait.ge @!p0 [sflag:s0], s1  }
0x262: {  	s1 =	ssub.s32 @!p0 $0x0, s1;
	[sflag:s0] =	ssyncset.done @!p0 $0x0  }
0x263: {  	[sflag:s0] =	ssyncadd.s32 @!p0 s1  }
0x264: {  	[bflag:$0x3] =	sbarrier.arrive $0xFFFF  }
0x265: {  	_ =	shalt  }

</sc_bundles>
